<compile_context>
chip_gen: v7x
topology: tpu7x:2x2x1
jax: 0.10.2.dev20260603
libtpu: 0.0.44.dev20260713+nightly
codegen_flags: <defaults>
</compile_context>

<pallas_src>
import functools

import jax
import jax.numpy as jnp
from jax import lax
from jax.experimental import pallas as pl
from jax.experimental.pallas import tpu as pltpu
from jax.experimental.pallas import tpu_sc as plsc

F32 = jnp.float32
I32 = jnp.int32

D = 1024
HID = 4096
SKD = 256
NSK = 256
VD = 1024
TK = 32

TOKB = 1024
HIDB = 1024
NHB = HID // HIDB
CW = 128 + 8 * TK

NC, NS = 2, 16
NW = NC * NS


def _rms(v, axis=-1):
    return v * lax.rsqrt(jnp.mean(v * v, axis=axis, keepdims=True) + 1e-6)


def _silu(v):
    return v * (1.0 / (1.0 + jnp.exp(-v)))


def _extract_topk(s_scr, vals_ref, idx_ref, width, k):
    iota_w = lax.broadcasted_iota(I32, s_scr.shape, 1)
    iota_k = lax.broadcasted_iota(I32, idx_ref.shape, 1)

    def body(m, _):
        s = s_scr[...]
        mx = jnp.max(s, axis=1, keepdims=True)
        am = jnp.min(jnp.where(s == mx, iota_w, width), axis=1, keepdims=True)
        vals_ref[...] = jnp.where(iota_k == m, mx, vals_ref[...])
        idx_ref[...] = jnp.where(iota_k == m, am, idx_ref[...])
        s_scr[...] = jnp.where(iota_w == am, -jnp.inf, s)
        return 0

    lax.fori_loop(0, k, body, 0)


def _mlp_topk_body(x_ref, wq1_ref, bq1_ref, wq2_ref, bq2_ref, sk1_ref, sk2_ref,
                   fidx_ref, w_ref,
                   qacc, s_scr, c_scr, v1_scr, i1_scr):
    hb = pl.program_id(1)

    @pl.when(hb == 0)
    def _init():
        qacc[...] = jnp.zeros_like(qacc)

    h = _silu(jnp.dot(x_ref[...], wq1_ref[...], preferred_element_type=F32)
              + bq1_ref[...])
    qacc[...] += jnp.dot(h, wq2_ref[...], preferred_element_type=F32)

    @pl.when(hb == NHB - 1)
    def _finish():
        q = _rms(qacc[...] + bq2_ref[...])
        k1 = _rms(sk1_ref[...])
        k2 = _rms(sk2_ref[...])
        dn = (((1,), (1,)), ((), ()))
        s_scr[0:TOKB, :] = lax.dot_general(q, k1, dn, preferred_element_type=F32)
        s_scr[TOKB:2 * TOKB, :] = lax.dot_general(q, k2, dn,
                                                  preferred_element_type=F32)
        _extract_topk(s_scr, v1_scr, i1_scr, NSK, TK)

        va = v1_scr[0:TOKB, :]
        vb = v1_scr[TOKB:2 * TOKB, :]
        iota_k = lax.broadcasted_iota(I32, (TOKB, TK), 1)
        va_masked = jnp.where(iota_k < 4, -jnp.inf, va)
        for i in range(4):
            c_scr[:, i * TK:(i + 1) * TK] = va[:, i:i + 1] + vb
        for j in range(8):
            c_scr[:, 128 + j * TK:128 + (j + 1) * TK] = va_masked + vb[:, j:j + 1]

        iota_cw = lax.broadcasted_iota(I32, (TOKB, CW), 1)
        i1 = i1_scr[0:TOKB, :]
        i2 = i1_scr[TOKB:2 * TOKB, :]

        def body(m, _):
            c = c_scr[...]
            mx = jnp.max(c, axis=1, keepdims=True)
            am = jnp.min(jnp.where(c == mx, iota_cw, CW), axis=1, keepdims=True)
            c_scr[...] = jnp.where(iota_cw == am, -jnp.inf, c)
            lb = am - 128
            in_a = am < 128
            row = jnp.where(in_a, am // TK, lb % TK)
            col = jnp.where(in_a, am % TK, lb // TK)
            idx1 = jnp.sum(jnp.where(iota_k == row, i1, 0), axis=1, keepdims=True)
            idx2 = jnp.sum(jnp.where(iota_k == col, i2, 0), axis=1, keepdims=True)
            fidx_ref[...] = jnp.where(iota_k == m, idx1 * NSK + idx2, fidx_ref[...])
            w_ref[...] = jnp.where(iota_k == m, mx, w_ref[...])
            return 0

        lax.fori_loop(0, TK, body, 0)

        cs = w_ref[...]
        e = jnp.exp(cs - jnp.max(cs, axis=1, keepdims=True))
        w_ref[...] = e / jnp.sum(e, axis=1, keepdims=True)


def _mlp_topk(x2, wq1, bq1, wq2, bq2, sk1, sk2, interpret=False):
    n = x2.shape[0]
    ntb = n // TOKB
    grid = (ntb, NHB)
    return pl.pallas_call(
        _mlp_topk_body,
        grid=grid,
        in_specs=[
            pl.BlockSpec((TOKB, D), lambda tb, hb: (tb, 0)),
            pl.BlockSpec((D, HIDB), lambda tb, hb: (0, hb)),
            pl.BlockSpec((1, HIDB), lambda tb, hb: (0, hb)),
            pl.BlockSpec((HIDB, SKD), lambda tb, hb: (hb, 0)),
            pl.BlockSpec((1, SKD), lambda tb, hb: (0, 0)),
            pl.BlockSpec((NSK, SKD), lambda tb, hb: (0, 0)),
            pl.BlockSpec((NSK, SKD), lambda tb, hb: (0, 0)),
        ],
        out_specs=[
            pl.BlockSpec((TOKB, TK), lambda tb, hb: (tb, 0)),
            pl.BlockSpec((TOKB, TK), lambda tb, hb: (tb, 0)),
        ],
        out_shape=[
            jax.ShapeDtypeStruct((n, TK), I32),
            jax.ShapeDtypeStruct((n, TK), F32),
        ],
        scratch_shapes=[
            pltpu.VMEM((TOKB, SKD), F32),
            pltpu.VMEM((2 * TOKB, NSK), F32),
            pltpu.VMEM((TOKB, CW), F32),
            pltpu.VMEM((2 * TOKB, TK), F32),
            pltpu.VMEM((2 * TOKB, TK), I32),
        ],
        compiler_params=pltpu.CompilerParams(
            dimension_semantics=("parallel", "arbitrary")),
        interpret=interpret,
    )(x2, wq1, bq1, wq2, bq2, sk1, sk2)


def _out_mlp_body(x_ref, y_ref, w1_ref, w2_ref, o_ref):
    m = _silu(jnp.dot(x_ref[...], w1_ref[...], preferred_element_type=F32))
    o_ref[...] = jnp.dot(y_ref[...] * m, w2_ref[...], preferred_element_type=F32)


def _out_mlp(x2, y, w1, w2, interpret=False):
    n = x2.shape[0]
    return pl.pallas_call(
        _out_mlp_body,
        grid=(n // TOKB,),
        in_specs=[
            pl.BlockSpec((TOKB, D), lambda tb: (tb, 0)),
            pl.BlockSpec((TOKB, VD), lambda tb: (tb, 0)),
            pl.BlockSpec((D, VD), lambda tb: (0, 0)),
            pl.BlockSpec((VD, D), lambda tb: (0, 0)),
        ],
        out_specs=pl.BlockSpec((TOKB, D), lambda tb: (tb, 0)),
        out_shape=jax.ShapeDtypeStruct((n, D), F32),
        compiler_params=pltpu.CompilerParams(
            dimension_semantics=("parallel",)),
        interpret=interpret,
    )(x2, y, w1, w2)


def _sc_weighted_gather(values, fidx, w16):
    n = fidx.shape[0]
    tpw = n // NW
    mesh = plsc.VectorSubcoreMesh(core_axis_name="c", subcore_axis_name="s")

    @functools.partial(
        pl.kernel, mesh=mesh,
        out_type=jax.ShapeDtypeStruct((n, VD), F32),
        scratch_types=[
            pltpu.VMEM((tpw, TK), I32),
            pltpu.VMEM((TK, VD), F32),
            pltpu.VMEM((TK, VD), F32),
            pltpu.VMEM((TK, 16), F32),
            pltpu.VMEM((TK, 16), F32),
            pltpu.VMEM((VD,), F32),
            pltpu.VMEM((VD,), F32),
            pltpu.SemaphoreType.DMA,
            pltpu.SemaphoreType.DMA,
            pltpu.SemaphoreType.DMA,
            pltpu.SemaphoreType.DMA,
            pltpu.SemaphoreType.DMA,
            pltpu.SemaphoreType.DMA,
        ],
    )
    def k(values_hbm, fidx_hbm, w_hbm, out_hbm, idx_v,
          rows_a, rows_b, w_a, w_b, y_a, y_b,
          sga, sgb, swa, swb, sya, syb):
        wid = lax.axis_index("s") * NC + lax.axis_index("c")
        base = wid * tpw
        pltpu.sync_copy(fidx_hbm.at[pl.ds(base, tpw)], idx_v)

        def start_fetch(t, rows_v, w_v, sg, sw):
            pltpu.make_async_copy(values_hbm.at[idx_v.at[t]], rows_v, sg).start()
            pltpu.make_async_copy(w_hbm.at[base + t], w_v, sw).start()

        def wait_fetch(t, rows_v, w_v, sg, sw):
            pltpu.make_async_copy(values_hbm.at[idx_v.at[t]], rows_v, sg).wait()
            pltpu.make_async_copy(w_hbm.at[base + t], w_v, sw).wait()

        def compute(rows_v, w_v, y_v):
            for dblk in range(4):
                def kbody(kk, accs):
                    wk = w_v[kk, :]
                    return tuple(
                        accs[d] + rows_v[kk, pl.ds(dblk * 256 + d * 16, 16)] * wk
                        for d in range(16))
                accs = lax.fori_loop(
                    0, TK, kbody,
                    tuple(jnp.zeros((16,), F32) for _ in range(16)))
                for d in range(16):
                    y_v[pl.ds(dblk * 256 + d * 16, 16)] = accs[d]

        start_fetch(0, rows_a, w_a, sga, swa)
        start_fetch(1, rows_b, w_b, sgb, swb)

        def pair(g, _):
            for (t, rows_v, w_v, y_v, sg, sw, sy) in (
                    (2 * g, rows_a, w_a, y_a, sga, swa, sya),
                    (2 * g + 1, rows_b, w_b, y_b, sgb, swb, syb)):
                wait_fetch(t, rows_v, w_v, sg, sw)

                @pl.when(g > 0)
                def _drain():
                    pltpu.make_async_copy(y_v, out_hbm.at[base + t], sy).wait()

                compute(rows_v, w_v, y_v)
                pltpu.make_async_copy(y_v, out_hbm.at[base + t], sy).start()

                @pl.when(t + 2 < tpw)
                def _next():
                    start_fetch(t + 2, rows_v, w_v, sg, sw)
            return 0

        lax.fori_loop(0, tpw // 2, pair, 0)
        pltpu.make_async_copy(y_a, out_hbm.at[base], sya).wait()
        pltpu.make_async_copy(y_b, out_hbm.at[base], syb).wait()

    return k(values, fidx, w16)


def kernel(x, Wq1, bq1, Wq2, bq2, subkey_one, subkey_two, values, W1, W2):
    b, s, d = x.shape
    n = b * s
    x2 = x.reshape(n, d)
    fidx, w = _mlp_topk(x2, Wq1, bq1.reshape(1, -1), Wq2, bq2.reshape(1, -1),
                        subkey_one, subkey_two)
    w16 = jnp.broadcast_to(w[:, :, None], (n, TK, 16))
    y = _sc_weighted_gather(values, fidx, w16)
    out2 = _out_mlp(x2, y, W1, W2)
    return out2.reshape(b, s, d)

# --- scband reference (transcript-rebuilt; emitter-appended) ---
"""Pipeline reference for scband-memory-plus-layer-63934883169083 (READ-ONLY COPY).

The authoritative reference and input builder live on the scoring server;
editing this copy changes nothing except your own understanding.
"""

import jax, jax.numpy as jnp
import numpy as np

B, S, D = 2, 2048, 1024
HID = D * 4
SUBKEY_DIM = (D // 2) // 2  # 256
NUM_SUBKEYS = 256           # sqrt(65536)
SLOTS = NUM_SUBKEYS * NUM_SUBKEYS
VALUE_DIM = D
TOP_K = 32


def rmsnorm(x, eps=1e-6):
    return x * jax.lax.rsqrt(jnp.mean(x * x, axis=-1, keepdims=True) + eps)


def setup_inputs(seed: int = 0):
    key = jax.random.key(seed)
    ks = jax.random.split(key, 12)
    x = jax.random.normal(ks[0], (B, S, D), dtype=jnp.float32)
    Wq1 = jax.random.normal(ks[1], (D, HID), dtype=jnp.float32) * 0.02
    bq1 = jnp.zeros((HID,), dtype=jnp.float32)
    Wq2 = jax.random.normal(ks[2], (HID, SUBKEY_DIM), dtype=jnp.float32) * 0.02
    bq2 = jnp.zeros((SUBKEY_DIM,), dtype=jnp.float32)
    subkey_one = jax.random.uniform(ks[3], (NUM_SUBKEYS, SUBKEY_DIM), dtype=jnp.float32, minval=-1.0, maxval=1.0)
    subkey_two = jax.random.uniform(ks[4], (NUM_SUBKEYS, SUBKEY_DIM), dtype=jnp.float32, minval=-1.0, maxval=1.0)
    values = jax.random.normal(ks[5], (SLOTS, VALUE_DIM), dtype=jnp.float32) * 0.02
    W1 = jax.random.normal(ks[6], (D, VALUE_DIM), dtype=jnp.float32) * 0.02
    W2 = jax.random.normal(ks[7], (VALUE_DIM, D), dtype=jnp.float32) * 0.02
    return {"x": x, "Wq1": Wq1, "bq1": bq1, "Wq2": Wq2, "bq2": bq2,
            "subkey_one": subkey_one, "subkey_two": subkey_two,
            "values": values, "W1": W1, "W2": W2}


def reference(x, Wq1, bq1, Wq2, bq2, subkey_one, subkey_two, values, W1, W2):
    # query projection: Linear -> SiLU -> Linear, then RMSNorm
    h = jax.nn.silu(x @ Wq1 + bq1)
    q = h @ Wq2 + bq2
    q = rmsnorm(q)
    # normalized subkeys
    k1 = rmsnorm(subkey_one)
    k2 = rmsnorm(subkey_two)
    # product-key memory lookup
    k1q = q @ k1.T  # [B, S, NUM_SUBKEYS]
    k2q = q @ k2.T  # [B, S, NUM_SUBKEYS]
    s1, i1 = jax.lax.top_k(k1q, TOP_K)
    s2, i2 = jax.lax.top_k(k2q, TOP_K)
    cand = s1[..., :, None] + s2[..., None, :]            # [B, S, TK, TK]
    cand = cand.reshape(B, S, TOP_K * TOP_K)
    cs, ci = jax.lax.top_k(cand, TOP_K)                   # [B, S, TK]
    row = ci // TOP_K
    col = ci % TOP_K
    idx1 = jnp.take_along_axis(i1, row, axis=-1)
    idx2 = jnp.take_along_axis(i2, col, axis=-1)
    full_idx = idx1 * NUM_SUBKEYS + idx2                  # [B, S, TK]
    w = jax.nn.softmax(cs, axis=-1)                       # [B, S, TK]
    v = jnp.take(values, full_idx, axis=0)                # [B, S, TK, VALUE_DIM]
    y = jnp.einsum('bsk,bskd->bsd', w, v)                 # [B, S, VALUE_DIM]
    # gated output path
    m_plus = jax.nn.silu(x @ W1)
    m_plus = y * m_plus
    out = m_plus @ W2
    return out

if __name__ == "__main__":
    import jax
    _d = setup_inputs()
    print(jax.jit(kernel)(*tuple(_d.values())))

</pallas_src>

<mosaic_0001>
#map = affine_map<(d0, d1) -> (0, 0)>
#map1 = affine_map<(d0, d1) -> (0, 0, 0)>
module attributes {stable_mosaic.version = 14 : i64} {
  func.func @k(%arg0: i32, %arg1: i32, %arg2: memref<65536x1024xf32, #tpu.memory_space<hbm>>, %arg3: memref<4096x32xi32, #tpu.memory_space<hbm>>, %arg4: memref<4096x32x16xf32, #tpu.memory_space<hbm>>, %arg5: memref<4096x1024xf32, #tpu.memory_space<hbm>>, %arg6: memref<128x32xi32, #tpu.memory_space<vmem>>, %arg7: memref<32x1024xf32, #tpu.memory_space<vmem>>, %arg8: memref<32x1024xf32, #tpu.memory_space<vmem>>, %arg9: memref<32x16xf32, #tpu.memory_space<vmem>>, %arg10: memref<32x16xf32, #tpu.memory_space<vmem>>, %arg11: memref<1024xf32, #tpu.memory_space<vmem>>, %arg12: memref<1024xf32, #tpu.memory_space<vmem>>, %arg13: memref<!tpu.dma_semaphore, #tpu.memory_space<semaphore_mem>>, %arg14: memref<!tpu.dma_semaphore, #tpu.memory_space<semaphore_mem>>, %arg15: memref<!tpu.dma_semaphore, #tpu.memory_space<semaphore_mem>>, %arg16: memref<!tpu.dma_semaphore, #tpu.memory_space<semaphore_mem>>, %arg17: memref<!tpu.dma_semaphore, #tpu.memory_space<semaphore_mem>>, %arg18: memref<!tpu.dma_semaphore, #tpu.memory_space<semaphore_mem>>) attributes {dimension_semantics = [#tpu.dimension_semantics<core_parallel>, #tpu.dimension_semantics<subcore_parallel>], iteration_bounds = array<i64: 2, 16>, scalar_prefetch = 0 : i64, scratch_operands = 13 : i64, tpu.core_type = #tpu.core_type<sc_vector_subcore>, window_params = [{transform_indices = #map}, {transform_indices = #map}, {transform_indices = #map1}, {transform_indices = #map}]} {
    %mul3A = arith.constant 2 : i32
    %mul3A_0 = arith.muli %arg1, %mul3A : i32
    %add3A = arith.addi %mul3A_0, %arg0 : i32
    %mul3A_1 = arith.constant 128 : i32
    %mul3A_2 = arith.muli %add3A, %mul3A_1 : i32
    "tpu.region"() ({
      %run_scoped3A = tpu.sem_alloc : memref<!tpu.dma_semaphore, #tpu.memory_space<semaphore_mem>>
      %dma_start3A_53 = arith.constant 0 : i32
      %dma_start3A_54 = tpu.memref_slice %arg3[%mul3A_2, %dma_start3A_53] : memref<4096x32xi32, #tpu.memory_space<hbm>> -> memref<128x32xi32, #tpu.memory_space<hbm>>
      %dma_start3A_55 = arith.constant 0 : i32
      %dma_start3A_56 = tpu.memref_slice %arg3[%mul3A_2, %dma_start3A_55] : memref<4096x32xi32, #tpu.memory_space<hbm>> -> memref<128x32xi32, #tpu.memory_space<hbm>>
      tpu.enqueue_dma source(%dma_start3A_56 : memref<128x32xi32, #tpu.memory_space<hbm>>) target(%arg6 : memref<128x32xi32, #tpu.memory_space<vmem>>) target_semaphore(%run_scoped3A : memref<!tpu.dma_semaphore, #tpu.memory_space<semaphore_mem>>)
      %dma_wait3A_57 = arith.constant 0 : i32
      %dma_wait3A_58 = tpu.memref_slice %arg3[%mul3A_2, %dma_wait3A_57] : memref<4096x32xi32, #tpu.memory_space<hbm>> -> memref<128x32xi32, #tpu.memory_space<hbm>>
      %dma_wait3A_59 = arith.constant 0 : i32
      %dma_wait3A_60 = tpu.memref_slice %arg3[%mul3A_2, %dma_wait3A_59] : memref<4096x32xi32, #tpu.memory_space<hbm>> -> memref<128x32xi32, #tpu.memory_space<hbm>>
      tpu.wait_dma2 semaphore(%run_scoped3A : memref<!tpu.dma_semaphore, #tpu.memory_space<semaphore_mem>>) src(%dma_wait3A_60 : memref<128x32xi32, #tpu.memory_space<hbm>>) dst(%arg6 : memref<128x32xi32, #tpu.memory_space<vmem>>)
      tpu.yield
    }) : () -> ()
    %dma_start3A = arith.constant 0 : i32
    %dma_start3A_3 = arith.constant 0 : i32
    %dma_start3A_4 = tpu.memref_slice %arg6[%dma_start3A, %dma_start3A_3] : memref<128x32xi32, #tpu.memory_space<vmem>> -> memref<1x32xi32, #tpu.memory_space<vmem>>
    %dma_start3A_5 = tpu.memref_squeeze %dma_start3A_4 : memref<1x32xi32, #tpu.memory_space<vmem>> -> memref<32xi32, #tpu.memory_space<vmem>>
    %dma_start3A_6 = arith.constant 0 : i32
    %dma_start3A_7 = arith.constant 0 : i32
    %dma_start3A_8 = tpu.memref_slice %arg2[%dma_start3A_6, %dma_start3A_7] : memref<65536x1024xf32, #tpu.memory_space<hbm>> -> memref<65536x1024xf32, #tpu.memory_space<hbm>>
    tpu.enqueue_indirect_dma source(%dma_start3A_8 : memref<65536x1024xf32, #tpu.memory_space<hbm>>) target(%arg7 : memref<32x1024xf32, #tpu.memory_space<vmem>>) offsets(%dma_start3A_5 : memref<32xi32, #tpu.memory_space<vmem>>) semaphore(%arg13 : memref<!tpu.dma_semaphore, #tpu.memory_space<semaphore_mem>>)
    %add3A_9 = arith.constant 0 : i32
    %add3A_10 = arith.addi %mul3A_2, %add3A_9 : i32
    %dma_start3A_11 = arith.constant 0 : i32
    %dma_start3A_12 = arith.constant 0 : i32
    %dma_start3A_13 = tpu.memref_slice %arg4[%add3A_10, %dma_start3A_11, %dma_start3A_12] : memref<4096x32x16xf32, #tpu.memory_space<hbm>> -> memref<1x32x16xf32, #tpu.memory_space<hbm>>
    %dma_start3A_14 = tpu.memref_squeeze %dma_start3A_13 : memref<1x32x16xf32, #tpu.memory_space<hbm>> -> memref<32x16xf32, #tpu.memory_space<hbm>>
    %dma_start3A_15 = arith.constant 0 : i32
    %dma_start3A_16 = arith.constant 0 : i32
    %dma_start3A_17 = tpu.memref_slice %arg4[%add3A_10, %dma_start3A_15, %dma_start3A_16] : memref<4096x32x16xf32, #tpu.memory_space<hbm>> -> memref<1x32x16xf32, #tpu.memory_space<hbm>>
    %dma_start3A_18 = tpu.memref_squeeze %dma_start3A_17 : memref<1x32x16xf32, #tpu.memory_space<hbm>> -> memref<32x16xf32, #tpu.memory_space<hbm>>
    tpu.enqueue_dma source(%dma_start3A_18 : memref<32x16xf32, #tpu.memory_space<hbm>>) target(%arg9 : memref<32x16xf32, #tpu.memory_space<vmem>>) target_semaphore(%arg15 : memref<!tpu.dma_semaphore, #tpu.memory_space<semaphore_mem>>)
    %dma_start3A_19 = arith.constant 1 : i32
    %dma_start3A_20 = arith.constant 0 : i32
    %dma_start3A_21 = tpu.memref_slice %arg6[%dma_start3A_19, %dma_start3A_20] : memref<128x32xi32, #tpu.memory_space<vmem>> -> memref<1x32xi32, #tpu.memory_space<vmem>>
    %dma_start3A_22 = tpu.memref_squeeze %dma_start3A_21 : memref<1x32xi32, #tpu.memory_space<vmem>> -> memref<32xi32, #tpu.memory_space<vmem>>
    %dma_start3A_23 = arith.constant 0 : i32
    %dma_start3A_24 = arith.constant 0 : i32
    %dma_start3A_25 = tpu.memref_slice %arg2[%dma_start3A_23, %dma_start3A_24] : memref<65536x1024xf32, #tpu.memory_space<hbm>> -> memref<65536x1024xf32, #tpu.memory_space<hbm>>
    tpu.enqueue_indirect_dma source(%dma_start3A_25 : memref<65536x1024xf32, #tpu.memory_space<hbm>>) target(%arg8 : memref<32x1024xf32, #tpu.memory_space<vmem>>) offsets(%dma_start3A_22 : memref<32xi32, #tpu.memory_space<vmem>>) semaphore(%arg14 : memref<!tpu.dma_semaphore, #tpu.memory_space<semaphore_mem>>)
    %add3A_26 = arith.constant 1 : i32
    %add3A_27 = arith.addi %mul3A_2, %add3A_26 : i32
    %dma_start3A_28 = arith.constant 0 : i32
    %dma_start3A_29 = arith.constant 0 : i32
    %dma_start3A_30 = tpu.memref_slice %arg4[%add3A_27, %dma_start3A_28, %dma_start3A_29] : memref<4096x32x16xf32, #tpu.memory_space<hbm>> -> memref<1x32x16xf32, #tpu.memory_space<hbm>>
    %dma_start3A_31 = tpu.memref_squeeze %dma_start3A_30 : memref<1x32x16xf32, #tpu.memory_space<hbm>> -> memref<32x16xf32, #tpu.memory_space<hbm>>
    %dma_start3A_32 = arith.constant 0 : i32
    %dma_start3A_33 = arith.constant 0 : i32
    %dma_start3A_34 = tpu.memref_slice %arg4[%add3A_27, %dma_start3A_32, %dma_start3A_33] : memref<4096x32x16xf32, #tpu.memory_space<hbm>> -> memref<1x32x16xf32, #tpu.memory_space<hbm>>
    %dma_start3A_35 = tpu.memref_squeeze %dma_start3A_34 : memref<1x32x16xf32, #tpu.memory_space<hbm>> -> memref<32x16xf32, #tpu.memory_space<hbm>>
    tpu.enqueue_dma source(%dma_start3A_35 : memref<32x16xf32, #tpu.memory_space<hbm>>) target(%arg10 : memref<32x16xf32, #tpu.memory_space<vmem>>) target_semaphore(%arg16 : memref<!tpu.dma_semaphore, #tpu.memory_space<semaphore_mem>>)
    %scan3A = arith.constant 0 : i32
    %scan3A_36 = arith.constant 0 : i32
    %scan3A_37 = arith.constant 64 : i32
    %scan3A_38 = arith.addi %scan3A_36, %scan3A_37 : i32
    %scan3A_39 = arith.constant 1 : i32
    %scan3A_40 = scf.for %scan3A_53 = %scan3A_36 to %scan3A_38 step %scan3A_39 iter_args(%scan3A_54 = %scan3A) -> (i32)  : i32 {
      %mul3A_55 = arith.constant 2 : i32
      %mul3A_56 = arith.muli %mul3A_55, %scan3A_53 : i32
      %mul3A_57 = arith.constant 2 : i32
      %mul3A_58 = arith.muli %mul3A_57, %scan3A_53 : i32
      %add3A_59 = arith.constant 1 : i32
      %add3A_60 = arith.addi %mul3A_58, %add3A_59 : i32
      %dma_wait3A_61 = arith.constant 0 : i32
      %dma_wait3A_62 = tpu.memref_slice %arg6[%mul3A_56, %dma_wait3A_61] : memref<128x32xi32, #tpu.memory_space<vmem>> -> memref<1x32xi32, #tpu.memory_space<vmem>>
      %dma_wait3A_63 = tpu.memref_squeeze %dma_wait3A_62 : memref<1x32xi32, #tpu.memory_space<vmem>> -> memref<32xi32, #tpu.memory_space<vmem>>
      %dma_wait3A_64 = arith.constant 0 : i32
      %dma_wait3A_65 = arith.constant 0 : i32
      %dma_wait3A_66 = tpu.memref_slice %arg2[%dma_wait3A_64, %dma_wait3A_65] : memref<65536x1024xf32, #tpu.memory_space<hbm>> -> memref<65536x1024xf32, #tpu.memory_space<hbm>>
      tpu.wait_indirect_dma semaphore(%arg13 : memref<!tpu.dma_semaphore, #tpu.memory_space<semaphore_mem>>) src(%dma_wait3A_66 : memref<65536x1024xf32, #tpu.memory_space<hbm>>) dst(%arg7 : memref<32x1024xf32, #tpu.memory_space<vmem>>)
      %add3A_67 = arith.addi %mul3A_2, %mul3A_56 : i32
      %dma_wait3A_68 = arith.constant 0 : i32
      %dma_wait3A_69 = arith.constant 0 : i32
      %dma_wait3A_70 = tpu.memref_slice %arg4[%add3A_67, %dma_wait3A_68, %dma_wait3A_69] : memref<4096x32x16xf32, #tpu.memory_space<hbm>> -> memref<1x32x16xf32, #tpu.memory_space<hbm>>
      %dma_wait3A_71 = tpu.memref_squeeze %dma_wait3A_70 : memref<1x32x16xf32, #tpu.memory_space<hbm>> -> memref<32x16xf32, #tpu.memory_space<hbm>>
      %dma_wait3A_72 = arith.constant 0 : i32
      %dma_wait3A_73 = arith.constant 0 : i32
      %dma_wait3A_74 = tpu.memref_slice %arg4[%add3A_67, %dma_wait3A_72, %dma_wait3A_73] : memref<4096x32x16xf32, #tpu.memory_space<hbm>> -> memref<1x32x16xf32, #tpu.memory_space<hbm>>
      %dma_wait3A_75 = tpu.memref_squeeze %dma_wait3A_74 : memref<1x32x16xf32, #tpu.memory_space<hbm>> -> memref<32x16xf32, #tpu.memory_space<hbm>>
      tpu.wait_dma2 semaphore(%arg15 : memref<!tpu.dma_semaphore, #tpu.memory_space<semaphore_mem>>) src(%dma_wait3A_75 : memref<32x16xf32, #tpu.memory_space<hbm>>) dst(%arg9 : memref<32x16xf32, #tpu.memory_space<vmem>>)
      %gt3A = arith.constant 0 : i32
      %gt3A_76 = arith.cmpi sgt, %scan3A_53, %gt3A : i32
      %convert_element_type3A = arith.extui %gt3A_76 : i1 to i32
      %cond3A = arith.constant 0 : i32
      %cond3A_77 = arith.cmpi ne, %convert_element_type3A, %cond3A : i32
      scf.if %cond3A_77 {
        %add3A_940 = arith.addi %mul3A_2, %mul3A_56 : i32
        %dma_wait3A_941 = arith.constant 0 : i32
        %dma_wait3A_942 = tpu.memref_slice %arg5[%add3A_940, %dma_wait3A_941] : memref<4096x1024xf32, #tpu.memory_space<hbm>> -> memref<1x1024xf32, #tpu.memory_space<hbm>>
        %dma_wait3A_943 = tpu.memref_squeeze %dma_wait3A_942 : memref<1x1024xf32, #tpu.memory_space<hbm>> -> memref<1024xf32, #tpu.memory_space<hbm>>
        %dma_wait3A_944 = arith.constant 0 : i32
        %dma_wait3A_945 = tpu.memref_slice %arg5[%add3A_940, %dma_wait3A_944] : memref<4096x1024xf32, #tpu.memory_space<hbm>> -> memref<1x1024xf32, #tpu.memory_space<hbm>>
        %dma_wait3A_946 = tpu.memref_squeeze %dma_wait3A_945 : memref<1x1024xf32, #tpu.memory_space<hbm>> -> memref<1024xf32, #tpu.memory_space<hbm>>
        tpu.wait_dma2 semaphore(%arg17 : memref<!tpu.dma_semaphore, #tpu.memory_space<semaphore_mem>>) src(%arg11 : memref<1024xf32, #tpu.memory_space<vmem>>) dst(%dma_wait3A_946 : memref<1024xf32, #tpu.memory_space<hbm>>)
      } else {
      }
      %broadcast_in_dim3A = arith.constant 0.000000e+00 : f32
      %broadcast_in_dim3A_78 = vector.broadcast %broadcast_in_dim3A : f32 to vector<16xf32>
      %broadcast_in_dim3A_79 = arith.constant 0.000000e+00 : f32
      %broadcast_in_dim3A_80 = vector.broadcast %broadcast_in_dim3A_79 : f32 to vector<16xf32>
      %broadcast_in_dim3A_81 = arith.constant 0.000000e+00 : f32
      %broadcast_in_dim3A_82 = vector.broadcast %broadcast_in_dim3A_81 : f32 to vector<16xf32>
      %broadcast_in_dim3A_83 = arith.constant 0.000000e+00 : f32
      %broadcast_in_dim3A_84 = vector.broadcast %broadcast_in_dim3A_83 : f32 to vector<16xf32>
      %broadcast_in_dim3A_85 = arith.constant 0.000000e+00 : f32
      %broadcast_in_dim3A_86 = vector.broadcast %broadcast_in_dim3A_85 : f32 to vector<16xf32>
      %broadcast_in_dim3A_87 = arith.constant 0.000000e+00 : f32
      %broadcast_in_dim3A_88 = vector.broadcast %broadcast_in_dim3A_87 : f32 to vector<16xf32>
      %broadcast_in_dim3A_89 = arith.constant 0.000000e+00 : f32
      %broadcast_in_dim3A_90 = vector.broadcast %broadcast_in_dim3A_89 : f32 to vector<16xf32>
      %broadcast_in_dim3A_91 = arith.constant 0.000000e+00 : f32
      %broadcast_in_dim3A_92 = vector.broadcast %broadcast_in_dim3A_91 : f32 to vector<16xf32>
      %broadcast_in_dim3A_93 = arith.constant 0.000000e+00 : f32
      %broadcast_in_dim3A_94 = vector.broadcast %broadcast_in_dim3A_93 : f32 to vector<16xf32>
      %broadcast_in_dim3A_95 = arith.constant 0.000000e+00 : f32
      %broadcast_in_dim3A_96 = vector.broadcast %broadcast_in_dim3A_95 : f32 to vector<16xf32>
      %broadcast_in_dim3A_97 = arith.constant 0.000000e+00 : f32
      %broadcast_in_dim3A_98 = vector.broadcast %broadcast_in_dim3A_97 : f32 to vector<16xf32>
      %broadcast_in_dim3A_99 = arith.constant 0.000000e+00 : f32
      %broadcast_in_dim3A_100 = vector.broadcast %broadcast_in_dim3A_99 : f32 to vector<16xf32>
      %broadcast_in_dim3A_101 = arith.constant 0.000000e+00 : f32
      %broadcast_in_dim3A_102 = vector.broadcast %broadcast_in_dim3A_101 : f32 to vector<16xf32>
      %broadcast_in_dim3A_103 = arith.constant 0.000000e+00 : f32
      %broadcast_in_dim3A_104 = vector.broadcast %broadcast_in_dim3A_103 : f32 to vector<16xf32>
      %broadcast_in_dim3A_105 = arith.constant 0.000000e+00 : f32
      %broadcast_in_dim3A_106 = vector.broadcast %broadcast_in_dim3A_105 : f32 to vector<16xf32>
      %broadcast_in_dim3A_107 = arith.constant 0.000000e+00 : f32
      %broadcast_in_dim3A_108 = vector.broadcast %broadcast_in_dim3A_107 : f32 to vector<16xf32>
      %scan3A_109 = arith.constant 0 : i32
      %scan3A_110 = arith.constant 32 : i32
      %scan3A_111 = arith.addi %scan3A_109, %scan3A_110 : i32
      %scan3A_112 = arith.constant 1 : i32
      %scan3A_113:16 = scf.for %scan3A_940 = %scan3A_109 to %scan3A_111 step %scan3A_112 iter_args(%scan3A_941 = %broadcast_in_dim3A_78, %scan3A_942 = %broadcast_in_dim3A_80, %scan3A_943 = %broadcast_in_dim3A_82, %scan3A_944 = %broadcast_in_dim3A_84, %scan3A_945 = %broadcast_in_dim3A_86, %scan3A_946 = %broadcast_in_dim3A_88, %scan3A_947 = %broadcast_in_dim3A_90, %scan3A_948 = %broadcast_in_dim3A_92, %scan3A_949 = %broadcast_in_dim3A_94, %scan3A_950 = %broadcast_in_dim3A_96, %scan3A_951 = %broadcast_in_dim3A_98, %scan3A_952 = %broadcast_in_dim3A_100, %scan3A_953 = %broadcast_in_dim3A_102, %scan3A_954 = %broadcast_in_dim3A_104, %scan3A_955 = %broadcast_in_dim3A_106, %scan3A_956 = %broadcast_in_dim3A_108) -> (vector<16xf32>, vector<16xf32>, vector<16xf32>, vector<16xf32>, vector<16xf32>, vector<16xf32>, vector<16xf32>, vector<16xf32>, vector<16xf32>, vector<16xf32>, vector<16xf32>, vector<16xf32>, vector<16xf32>, vector<16xf32>, vector<16xf32>, vector<16xf32>)  : i32 {
        %get3A = arith.index_cast %scan3A_940 : i32 to index
        %get3A_957 = arith.constant 0 : index
        %get3A_958 = tpu.vector_load %arg9[%get3A, %get3A_957] {strides = array<i32>} : memref<32x16xf32, #tpu.memory_space<vmem>>, vector<1x16xf32>,
        %get3A_959 = vector.shape_cast %get3A_958 : vector<1x16xf32> to vector<16xf32>
        %get3A_960 = arith.index_cast %scan3A_940 : i32 to index
        %get3A_961 = arith.constant 0 : index
        %get3A_962 = tpu.vector_load %arg7[%get3A_960, %get3A_961] {strides = array<i32>} : memref<32x1024xf32, #tpu.memory_space<vmem>>, vector<1x16xf32>,
        %get3A_963 = vector.shape_cast %get3A_962 : vector<1x16xf32> to vector<16xf32>
        %mul3A_964 = arith.mulf %get3A_963, %get3A_959 : vector<16xf32>
        %add3A_965 = arith.addf %scan3A_941, %mul3A_964 : vector<16xf32>
        %get3A_966 = arith.index_cast %scan3A_940 : i32 to index
        %get3A_967 = arith.constant 16 : index
        %get3A_968 = tpu.vector_load %arg7[%get3A_966, %get3A_967] {strides = array<i32>} : memref<32x1024xf32, #tpu.memory_space<vmem>>, vector<1x16xf32>,
        %get3A_969 = vector.shape_cast %get3A_968 : vector<1x16xf32> to vector<16xf32>
        %mul3A_970 = arith.mulf %get3A_969, %get3A_959 : vector<16xf32>
        %add3A_971 = arith.addf %scan3A_942, %mul3A_970 : vector<16xf32>
        %get3A_972 = arith.index_cast %scan3A_940 : i32 to index
        %get3A_973 = arith.constant 32 : index
        %get3A_974 = tpu.vector_load %arg7[%get3A_972, %get3A_973] {strides = array<i32>} : memref<32x1024xf32, #tpu.memory_space<vmem>>, vector<1x16xf32>,
        %get3A_975 = vector.shape_cast %get3A_974 : vector<1x16xf32> to vector<16xf32>
        %mul3A_976 = arith.mulf %get3A_975, %get3A_959 : vector<16xf32>
        %add3A_977 = arith.addf %scan3A_943, %mul3A_976 : vector<16xf32>
        %get3A_978 = arith.index_cast %scan3A_940 : i32 to index
        %get3A_979 = arith.constant 48 : index
        %get3A_980 = tpu.vector_load %arg7[%get3A_978, %get3A_979] {strides = array<i32>} : memref<32x1024xf32, #tpu.memory_space<vmem>>, vector<1x16xf32>,
        %get3A_981 = vector.shape_cast %get3A_980 : vector<1x16xf32> to vector<16xf32>
        %mul3A_982 = arith.mulf %get3A_981, %get3A_959 : vector<16xf32>
        %add3A_983 = arith.addf %scan3A_944, %mul3A_982 : vector<16xf32>
        %get3A_984 = arith.index_cast %scan3A_940 : i32 to index
        %get3A_985 = arith.constant 64 : index
        %get3A_986 = tpu.vector_load %arg7[%get3A_984, %get3A_985] {strides = array<i32>} : memref<32x1024xf32, #tpu.memory_space<vmem>>, vector<1x16xf32>,
        %get3A_987 = vector.shape_cast %get3A_986 : vector<1x16xf32> to vector<16xf32>
        %mul3A_988 = arith.mulf %get3A_987, %get3A_959 : vector<16xf32>
        %add3A_989 = arith.addf %scan3A_945, %mul3A_988 : vector<16xf32>
        %get3A_990 = arith.index_cast %scan3A_940 : i32 to index
        %get3A_991 = arith.constant 80 : index
        %get3A_992 = tpu.vector_load %arg7[%get3A_990, %get3A_991] {strides = array<i32>} : memref<32x1024xf32, #tpu.memory_space<vmem>>, vector<1x16xf32>,
        %get3A_993 = vector.shape_cast %get3A_992 : vector<1x16xf32> to vector<16xf32>
        %mul3A_994 = arith.mulf %get3A_993, %get3A_959 : vector<16xf32>
        %add3A_995 = arith.addf %scan3A_946, %mul3A_994 : vector<16xf32>
        %get3A_996 = arith.index_cast %scan3A_940 : i32 to index
        %get3A_997 = arith.constant 96 : index
        %get3A_998 = tpu.vector_load %arg7[%get3A_996, %get3A_997] {strides = array<i32>} : memref<32x1024xf32, #tpu.memory_space<vmem>>, vector<1x16xf32>,
        %get3A_999 = vector.shape_cast %get3A_998 : vector<1x16xf32> to vector<16xf32>
        %mul3A_1000 = arith.mulf %get3A_999, %get3A_959 : vector<16xf32>
        %add3A_1001 = arith.addf %scan3A_947, %mul3A_1000 : vector<16xf32>
        %get3A_1002 = arith.index_cast %scan3A_940 : i32 to index
        %get3A_1003 = arith.constant 112 : index
        %get3A_1004 = tpu.vector_load %arg7[%get3A_1002, %get3A_1003] {strides = array<i32>} : memref<32x1024xf32, #tpu.memory_space<vmem>>, vector<1x16xf32>,
        %get3A_1005 = vector.shape_cast %get3A_1004 : vector<1x16xf32> to vector<16xf32>
        %mul3A_1006 = arith.mulf %get3A_1005, %get3A_959 : vector<16xf32>
        %add3A_1007 = arith.addf %scan3A_948, %mul3A_1006 : vector<16xf32>
        %get3A_1008 = arith.index_cast %scan3A_940 : i32 to index
        %get3A_1009 = arith.constant 128 : index
        %get3A_1010 = tpu.vector_load %arg7[%get3A_1008, %get3A_1009] {strides = array<i32>} : memref<32x1024xf32, #tpu.memory_space<vmem>>, vector<1x16xf32>,
        %get3A_1011 = vector.shape_cast %get3A_1010 : vector<1x16xf32> to vector<16xf32>
        %mul3A_1012 = arith.mulf %get3A_1011, %get3A_959 : vector<16xf32>
        %add3A_1013 = arith.addf %scan3A_949, %mul3A_1012 : vector<16xf32>
        %get3A_1014 = arith.index_cast %scan3A_940 : i32 to index
        %get3A_1015 = arith.constant 144 : index
        %get3A_1016 = tpu.vector_load %arg7[%get3A_1014, %get3A_1015] {strides = array<i32>} : memref<32x1024xf32, #tpu.memory_space<vmem>>, vector<1x16xf32>,
        %get3A_1017 = vector.shape_cast %get3A_1016 : vector<1x16xf32> to vector<16xf32>
        %mul3A_1018 = arith.mulf %get3A_1017, %get3A_959 : vector<16xf32>
        %add3A_1019 = arith.addf %scan3A_950, %mul3A_1018 : vector<16xf32>
        %get3A_1020 = arith.index_cast %scan3A_940 : i32 to index
        %get3A_1021 = arith.constant 160 : index
        %get3A_1022 = tpu.vector_load %arg7[%get3A_1020, %get3A_1021] {strides = array<i32>} : memref<32x1024xf32, #tpu.memory_space<vmem>>, vector<1x16xf32>,
        %get3A_1023 = vector.shape_cast %get3A_1022 : vector<1x16xf32> to vector<16xf32>
        %mul3A_1024 = arith.mulf %get3A_1023, %get3A_959 : vector<16xf32>
        %add3A_1025 = arith.addf %scan3A_951, %mul3A_1024 : vector<16xf32>
        %get3A_1026 = arith.index_cast %scan3A_940 : i32 to index
        %get3A_1027 = arith.constant 176 : index
        %get3A_1028 = tpu.vector_load %arg7[%get3A_1026, %get3A_1027] {strides = array<i32>} : memref<32x1024xf32, #tpu.memory_space<vmem>>, vector<1x16xf32>,
        %get3A_1029 = vector.shape_cast %get3A_1028 : vector<1x16xf32> to vector<16xf32>
        %mul3A_1030 = arith.mulf %get3A_1029, %get3A_959 : vector<16xf32>
        %add3A_1031 = arith.addf %scan3A_952, %mul3A_1030 : vector<16xf32>
        %get3A_1032 = arith.index_cast %scan3A_940 : i32 to index
        %get3A_1033 = arith.constant 192 : index
        %get3A_1034 = tpu.vector_load %arg7[%get3A_1032, %get3A_1033] {strides = array<i32>} : memref<32x1024xf32, #tpu.memory_space<vmem>>, vector<1x16xf32>,
        %get3A_1035 = vector.shape_cast %get3A_1034 : vector<1x16xf32> to vector<16xf32>
        %mul3A_1036 = arith.mulf %get3A_1035, %get3A_959 : vector<16xf32>
        %add3A_1037 = arith.addf %scan3A_953, %mul3A_1036 : vector<16xf32>
        %get3A_1038 = arith.index_cast %scan3A_940 : i32 to index
        %get3A_1039 = arith.constant 208 : index
        %get3A_1040 = tpu.vector_load %arg7[%get3A_1038, %get3A_1039] {strides = array<i32>} : memref<32x1024xf32, #tpu.memory_space<vmem>>, vector<1x16xf32>,
        %get3A_1041 = vector.shape_cast %get3A_1040 : vector<1x16xf32> to vector<16xf32>
        %mul3A_1042 = arith.mulf %get3A_1041, %get3A_959 : vector<16xf32>
        %add3A_1043 = arith.addf %scan3A_954, %mul3A_1042 : vector<16xf32>
        %get3A_1044 = arith.index_cast %scan3A_940 : i32 to index
        %get3A_1045 = arith.constant 224 : index
        %get3A_1046 = tpu.vector_load %arg7[%get3A_1044, %get3A_1045] {strides = array<i32>} : memref<32x1024xf32, #tpu.memory_space<vmem>>, vector<1x16xf32>,
        %get3A_1047 = vector.shape_cast %get3A_1046 : vector<1x16xf32> to vector<16xf32>
        %mul3A_1048 = arith.mulf %get3A_1047, %get3A_959 : vector<16xf32>
        %add3A_1049 = arith.addf %scan3A_955, %mul3A_1048 : vector<16xf32>
        %get3A_1050 = arith.index_cast %scan3A_940 : i32 to index
        %get3A_1051 = arith.constant 240 : index
        %get3A_1052 = tpu.vector_load %arg7[%get3A_1050, %get3A_1051] {strides = array<i32>} : memref<32x1024xf32, #tpu.memory_space<vmem>>, vector<1x16xf32>,
        %get3A_1053 = vector.shape_cast %get3A_1052 : vector<1x16xf32> to vector<16xf32>
        %mul3A_1054 = arith.mulf %get3A_1053, %get3A_959 : vector<16xf32>
        %add3A_1055 = arith.addf %scan3A_956, %mul3A_1054 : vector<16xf32>
        scf.yield %add3A_965, %add3A_971, %add3A_977, %add3A_983, %add3A_989, %add3A_995, %add3A_1001, %add3A_1007, %add3A_1013, %add3A_1019, %add3A_1025, %add3A_1031, %add3A_1037, %add3A_1043, %add3A_1049, %add3A_1055 : vector<16xf32>, vector<16xf32>, vector<16xf32>, vector<16xf32>, vector<16xf32>, vector<16xf32>, vector<16xf32>, vector<16xf32>, vector<16xf32>, vector<16xf32>, vector<16xf32>, vector<16xf32>, vector<16xf32>, vector<16xf32>, vector<16xf32>, vector<16xf32>
      }
      %scan3A_114 = arith.constant 32 : i32
      %swap3A = arith.constant 0 : index
      %swap3A_115 = tpu.vector_load %arg11[%swap3A] {strides = array<i32>} : memref<1024xf32, #tpu.memory_space<vmem>>, vector<16xf32>,
      %swap3A_116 = vector.shape_cast %swap3A_115 : vector<16xf32> to vector<16xf32>
      %swap3A_117 = vector.shape_cast %scan3A_113#0 : vector<16xf32> to vector<16xf32>
      tpu.vector_store %arg11[%swap3A], %swap3A_117 {strides = array<i32>} : memref<1024xf32, #tpu.memory_space<vmem>>, vector<16xf32>,
      %swap3A_118 = arith.constant 16 : index
      %swap3A_119 = tpu.vector_load %arg11[%swap3A_118] {strides = array<i32>} : memref<1024xf32, #tpu.memory_space<vmem>>, vector<16xf32>,
      %swap3A_120 = vector.shape_cast %swap3A_119 : vector<16xf32> to vector<16xf32>
      %swap3A_121 = vector.shape_cast %scan3A_113#1 : vector<16xf32> to vector<16xf32>
      tpu.vector_store %arg11[%swap3A_118], %swap3A_121 {strides = array<i32>} : memref<1024xf32, #tpu.memory_space<vmem>>, vector<16xf32>,
      %swap3A_122 = arith.constant 32 : index
      %swap3A_123 = tpu.vector_load %arg11[%swap3A_122] {strides = array<i32>} : memref<1024xf32, #tpu.memory_space<vmem>>, vector<16xf32>,
      %swap3A_124 = vector.shape_cast %swap3A_123 : vector<16xf32> to vector<16xf32>
      %swap3A_125 = vector.shape_cast %scan3A_113#2 : vector<16xf32> to vector<16xf32>
      tpu.vector_store %arg11[%swap3A_122], %swap3A_125 {strides = array<i32>} : memref<1024xf32, #tpu.memory_space<vmem>>, vector<16xf32>,
      %swap3A_126 = arith.constant 48 : index
      %swap3A_127 = tpu.vector_load %arg11[%swap3A_126] {strides = array<i32>} : memref<1024xf32, #tpu.memory_space<vmem>>, vector<16xf32>,
      %swap3A_128 = vector.shape_cast %swap3A_127 : vector<16xf32> to vector<16xf32>
      %swap3A_129 = vector.shape_cast %scan3A_113#3 : vector<16xf32> to vector<16xf32>
      tpu.vector_store %arg11[%swap3A_126], %swap3A_129 {strides = array<i32>} : memref<1024xf32, #tpu.memory_space<vmem>>, vector<16xf32>,
      %swap3A_130 = arith.constant 64 : index
      %swap3A_131 = tpu.vector_load %arg11[%swap3A_130] {strides = array<i32>} : memref<1024xf32, #tpu.memory_space<vmem>>, vector<16xf32>,
      %swap3A_132 = vector.shape_cast %swap3A_131 : vector<16xf32> to vector<16xf32>
      %swap3A_133 = vector.shape_cast %scan3A_113#4 : vector<16xf32> to vector<16xf32>
      tpu.vector_store %arg11[%swap3A_130], %swap3A_133 {strides = array<i32>} : memref<1024xf32, #tpu.memory_space<vmem>>, vector<16xf32>,
      %swap3A_134 = arith.constant 80 : index
      %swap3A_135 = tpu.vector_load %arg11[%swap3A_134] {strides = array<i32>} : memref<1024xf32, #tpu.memory_space<vmem>>, vector<16xf32>,
      %swap3A_136 = vector.shape_cast %swap3A_135 : vector<16xf32> to vector<16xf32>
      %swap3A_137 = vector.shape_cast %scan3A_113#5 : vector<16xf32> to vector<16xf32>
      tpu.vector_store %arg11[%swap3A_134], %swap3A_137 {strides = array<i32>} : memref<1024xf32, #tpu.memory_space<vmem>>, vector<16xf32>,
      %swap3A_138 = arith.constant 96 : index
      %swap3A_139 = tpu.vector_load %arg11[%swap3A_138] {strides = array<i32>} : memref<1024xf32, #tpu.memory_space<vmem>>, vector<16xf32>,
      %swap3A_140 = vector.shape_cast %swap3A_139 : vector<16xf32> to vector<16xf32>
      %swap3A_141 = vector.shape_cast %scan3A_113#6 : vector<16xf32> to vector<16xf32>
      tpu.vector_store %arg11[%swap3A_138], %swap3A_141 {strides = array<i32>} : memref<1024xf32, #tpu.memory_space<vmem>>, vector<16xf32>,
      %swap3A_142 = arith.constant 112 : index
      %swap3A_143 = tpu.vector_load %arg11[%swap3A_142] {strides = array<i32>} : memref<1024xf32, #tpu.memory_space<vmem>>, vector<16xf32>,
      %swap3A_144 = vector.shape_cast %swap3A_143 : vector<16xf32> to vector<16xf32>
      %swap3A_145 = vector.shape_cast %scan3A_113#7 : vector<16xf32> to vector<16xf32>
      tpu.vector_store %arg11[%swap3A_142], %swap3A_145 {strides = array<i32>} : memref<1024xf32, #tpu.memory_space<vmem>>, vector<16xf32>,
      %swap3A_146 = arith.constant 128 : index
      %swap3A_147 = tpu.vector_load %arg11[%swap3A_146] {strides = array<i32>} : memref<1024xf32, #tpu.memory_space<vmem>>, vector<16xf32>,
      %swap3A_148 = vector.shape_cast %swap3A_147 : vector<16xf32> to vector<16xf32>
      %swap3A_149 = vector.shape_cast %scan3A_113#8 : vector<16xf32> to vector<16xf32>
      tpu.vector_store %arg11[%swap3A_146], %swap3A_149 {strides = array<i32>} : memref<1024xf32, #tpu.memory_space<vmem>>, vector<16xf32>,
      %swap3A_150 = arith.constant 144 : index
      %swap3A_151 = tpu.vector_load %arg11[%swap3A_150] {strides = array<i32>} : memref<1024xf32, #tpu.memory_space<vmem>>, vector<16xf32>,
      %swap3A_152 = vector.shape_cast %swap3A_151 : vector<16xf32> to vector<16xf32>
      %swap3A_153 = vector.shape_cast %scan3A_113#9 : vector<16xf32> to vector<16xf32>
      tpu.vector_store %arg11[%swap3A_150], %swap3A_153 {strides = array<i32>} : memref<1024xf32, #tpu.memory_space<vmem>>, vector<16xf32>,
      %swap3A_154 = arith.constant 160 : index
      %swap3A_155 = tpu.vector_load %arg11[%swap3A_154] {strides = array<i32>} : memref<1024xf32, #tpu.memory_space<vmem>>, vector<16xf32>,
      %swap3A_156 = vector.shape_cast %swap3A_155 : vector<16xf32> to vector<16xf32>
      %swap3A_157 = vector.shape_cast %scan3A_113#10 : vector<16xf32> to vector<16xf32>
      tpu.vector_store %arg11[%swap3A_154], %swap3A_157 {strides = array<i32>} : memref<1024xf32, #tpu.memory_space<vmem>>, vector<16xf32>,
      %swap3A_158 = arith.constant 176 : index
      %swap3A_159 = tpu.vector_load %arg11[%swap3A_158] {strides = array<i32>} : memref<1024xf32, #tpu.memory_space<vmem>>, vector<16xf32>,
      %swap3A_160 = vector.shape_cast %swap3A_159 : vector<16xf32> to vector<16xf32>
      %swap3A_161 = vector.shape_cast %scan3A_113#11 : vector<16xf32> to vector<16xf32>
      tpu.vector_store %arg11[%swap3A_158], %swap3A_161 {strides = array<i32>} : memref<1024xf32, #tpu.memory_space<vmem>>, vector<16xf32>,
      %swap3A_162 = arith.constant 192 : index
      %swap3A_163 = tpu.vector_load %arg11[%swap3A_162] {strides = array<i32>} : memref<1024xf32, #tpu.memory_space<vmem>>, vector<16xf32>,
      %swap3A_164 = vector.shape_cast %swap3A_163 : vector<16xf32> to vector<16xf32>
      %swap3A_165 = vector.shape_cast %scan3A_113#12 : vector<16xf32> to vector<16xf32>
      tpu.vector_store %arg11[%swap3A_162], %swap3A_165 {strides = array<i32>} : memref<1024xf32, #tpu.memory_space<vmem>>, vector<16xf32>,
      %swap3A_166 = arith.constant 208 : index
      %swap3A_167 = tpu.vector_load %arg11[%swap3A_166] {strides = array<i32>} : memref<1024xf32, #tpu.memory_space<vmem>>, vector<16xf32>,
      %swap3A_168 = vector.shape_cast %swap3A_167 : vector<16xf32> to vector<16xf32>
      %swap3A_169 = vector.shape_cast %scan3A_113#13 : vector<16xf32> to vector<16xf32>
      tpu.vector_store %arg11[%swap3A_166], %swap3A_169 {strides = array<i32>} : memref<1024xf32, #tpu.memory_space<vmem>>, vector<16xf32>,
      %swap3A_170 = arith.constant 224 : index
      %swap3A_171 = tpu.vector_load %arg11[%swap3A_170] {strides = array<i32>} : memref<1024xf32, #tpu.memory_space<vmem>>, vector<16xf32>,
      %swap3A_172 = vector.shape_cast %swap3A_171 : vector<16xf32> to vector<16xf32>
      %swap3A_173 = vector.shape_cast %scan3A_113#14 : vector<16xf32> to vector<16xf32>
      tpu.vector_store %arg11[%swap3A_170], %swap3A_173 {strides = array<i32>} : memref<1024xf32, #tpu.memory_space<vmem>>, vector<16xf32>,
      %swap3A_174 = arith.constant 240 : index
      %swap3A_175 = tpu.vector_load %arg11[%swap3A_174] {strides = array<i32>} : memref<1024xf32, #tpu.memory_space<vmem>>, vector<16xf32>,
      %swap3A_176 = vector.shape_cast %swap3A_175 : vector<16xf32> to vector<16xf32>
      %swap3A_177 = vector.shape_cast %scan3A_113#15 : vector<16xf32> to vector<16xf32>
      tpu.vector_store %arg11[%swap3A_174], %swap3A_177 {strides = array<i32>} : memref<1024xf32, #tpu.memory_space<vmem>>, vector<16xf32>,
      %broadcast_in_dim3A_178 = arith.constant 0.000000e+00 : f32
      %broadcast_in_dim3A_179 = vector.broadcast %broadcast_in_dim3A_178 : f32 to vector<16xf32>
      %broadcast_in_dim3A_180 = arith.constant 0.000000e+00 : f32
      %broadcast_in_dim3A_181 = vector.broadcast %broadcast_in_dim3A_180 : f32 to vector<16xf32>
      %broadcast_in_dim3A_182 = arith.constant 0.000000e+00 : f32
      %broadcast_in_dim3A_183 = vector.broadcast %broadcast_in_dim3A_182 : f32 to vector<16xf32>
      %broadcast_in_dim3A_184 = arith.constant 0.000000e+00 : f32
      %broadcast_in_dim3A_185 = vector.broadcast %broadcast_in_dim3A_184 : f32 to vector<16xf32>
      %broadcast_in_dim3A_186 = arith.constant 0.000000e+00 : f32
      %broadcast_in_dim3A_187 = vector.broadcast %broadcast_in_dim3A_186 : f32 to vector<16xf32>
      %broadcast_in_dim3A_188 = arith.constant 0.000000e+00 : f32
      %broadcast_in_dim3A_189 = vector.broadcast %broadcast_in_dim3A_188 : f32 to vector<16xf32>
      %broadcast_in_dim3A_190 = arith.constant 0.000000e+00 : f32
      %broadcast_in_dim3A_191 = vector.broadcast %broadcast_in_dim3A_190 : f32 to vector<16xf32>
      %broadcast_in_dim3A_192 = arith.constant 0.000000e+00 : f32
      %broadcast_in_dim3A_193 = vector.broadcast %broadcast_in_dim3A_192 : f32 to vector<16xf32>
      %broadcast_in_dim3A_194 = arith.constant 0.000000e+00 : f32
      %broadcast_in_dim3A_195 = vector.broadcast %broadcast_in_dim3A_194 : f32 to vector<16xf32>
      %broadcast_in_dim3A_196 = arith.constant 0.000000e+00 : f32
      %broadcast_in_dim3A_197 = vector.broadcast %broadcast_in_dim3A_196 : f32 to vector<16xf32>
      %broadcast_in_dim3A_198 = arith.constant 0.000000e+00 : f32
      %broadcast_in_dim3A_199 = vector.broadcast %broadcast_in_dim3A_198 : f32 to vector<16xf32>
      %broadcast_in_dim3A_200 = arith.constant 0.000000e+00 : f32
      %broadcast_in_dim3A_201 = vector.broadcast %broadcast_in_dim3A_200 : f32 to vector<16xf32>
      %broadcast_in_dim3A_202 = arith.constant 0.000000e+00 : f32
      %broadcast_in_dim3A_203 = vector.broadcast %broadcast_in_dim3A_202 : f32 to vector<16xf32>
      %broadcast_in_dim3A_204 = arith.constant 0.000000e+00 : f32
      %broadcast_in_dim3A_205 = vector.broadcast %broadcast_in_dim3A_204 : f32 to vector<16xf32>
      %broadcast_in_dim3A_206 = arith.constant 0.000000e+00 : f32
      %broadcast_in_dim3A_207 = vector.broadcast %broadcast_in_dim3A_206 : f32 to vector<16xf32>
      %broadcast_in_dim3A_208 = arith.constant 0.000000e+00 : f32
      %broadcast_in_dim3A_209 = vector.broadcast %broadcast_in_dim3A_208 : f32 to vector<16xf32>
      %scan3A_210 = arith.constant 0 : i32
      %scan3A_211 = arith.constant 32 : i32
      %scan3A_212 = arith.addi %scan3A_210, %scan3A_211 : i32
      %scan3A_213 = arith.constant 1 : i32
      %scan3A_214:16 = scf.for %scan3A_940 = %scan3A_210 to %scan3A_212 step %scan3A_213 iter_args(%scan3A_941 = %broadcast_in_dim3A_179, %scan3A_942 = %broadcast_in_dim3A_181, %scan3A_943 = %broadcast_in_dim3A_183, %scan3A_944 = %broadcast_in_dim3A_185, %scan3A_945 = %broadcast_in_dim3A_187, %scan3A_946 = %broadcast_in_dim3A_189, %scan3A_947 = %broadcast_in_dim3A_191, %scan3A_948 = %broadcast_in_dim3A_193, %scan3A_949 = %broadcast_in_dim3A_195, %scan3A_950 = %broadcast_in_dim3A_197, %scan3A_951 = %broadcast_in_dim3A_199, %scan3A_952 = %broadcast_in_dim3A_201, %scan3A_953 = %broadcast_in_dim3A_203, %scan3A_954 = %broadcast_in_dim3A_205, %scan3A_955 = %broadcast_in_dim3A_207, %scan3A_956 = %broadcast_in_dim3A_209) -> (vector<16xf32>, vector<16xf32>, vector<16xf32>, vector<16xf32>, vector<16xf32>, vector<16xf32>, vector<16xf32>, vector<16xf32>, vector<16xf32>, vector<16xf32>, vector<16xf32>, vector<16xf32>, vector<16xf32>, vector<16xf32>, vector<16xf32>, vector<16xf32>)  : i32 {
        %get3A = arith.index_cast %scan3A_940 : i32 to index
        %get3A_957 = arith.constant 0 : index
        %get3A_958 = tpu.vector_load %arg9[%get3A, %get3A_957] {strides = array<i32>} : memref<32x16xf32, #tpu.memory_space<vmem>>, vector<1x16xf32>,
        %get3A_959 = vector.shape_cast %get3A_958 : vector<1x16xf32> to vector<16xf32>
        %get3A_960 = arith.index_cast %scan3A_940 : i32 to index
        %get3A_961 = arith.constant 256 : index
        %get3A_962 = tpu.vector_load %arg7[%get3A_960, %get3A_961] {strides = array<i32>} : memref<32x1024xf32, #tpu.memory_space<vmem>>, vector<1x16xf32>,
        %get3A_963 = vector.shape_cast %get3A_962 : vector<1x16xf32> to vector<16xf32>
        %mul3A_964 = arith.mulf %get3A_963, %get3A_959 : vector<16xf32>
        %add3A_965 = arith.addf %scan3A_941, %mul3A_964 : vector<16xf32>
        %get3A_966 = arith.index_cast %scan3A_940 : i32 to index
        %get3A_967 = arith.constant 272 : index
        %get3A_968 = tpu.vector_load %arg7[%get3A_966, %get3A_967] {strides = array<i32>} : memref<32x1024xf32, #tpu.memory_space<vmem>>, vector<1x16xf32>,
        %get3A_969 = vector.shape_cast %get3A_968 : vector<1x16xf32> to vector<16xf32>
        %mul3A_970 = arith.mulf %get3A_969, %get3A_959 : vector<16xf32>
        %add3A_971 = arith.addf %scan3A_942, %mul3A_970 : vector<16xf32>
        %get3A_972 = arith.index_cast %scan3A_940 : i32 to index
        %get3A_973 = arith.constant 288 : index
        %get3A_974 = tpu.vector_load %arg7[%get3A_972, %get3A_973] {strides = array<i32>} : memref<32x1024xf32, #tpu.memory_space<vmem>>, vector<1x16xf32>,
        %get3A_975 = vector.shape_cast %get3A_974 : vector<1x16xf32> to vector<16xf32>
        %mul3A_976 = arith.mulf %get3A_975, %get3A_959 : vector<16xf32>
        %add3A_977 = arith.addf %scan3A_943, %mul3A_976 : vector<16xf32>
        %get3A_978 = arith.index_cast %scan3A_940 : i32 to index
        %get3A_979 = arith.constant 304 : index
        %get3A_980 = tpu.vector_load %arg7[%get3A_978, %get3A_979] {strides = array<i32>} : memref<32x1024xf32, #tpu.memory_space<vmem>>, vector<1x16xf32>,
        %get3A_981 = vector.shape_cast %get3A_980 : vector<1x16xf32> to vector<16xf32>
        %mul3A_982 = arith.mulf %get3A_981, %get3A_959 : vector<16xf32>
        %add3A_983 = arith.addf %scan3A_944, %mul3A_982 : vector<16xf32>
        %get3A_984 = arith.index_cast %scan3A_940 : i32 to index
        %get3A_985 = arith.constant 320 : index
        %get3A_986 = tpu.vector_load %arg7[%get3A_984, %get3A_985] {strides = array<i32>} : memref<32x1024xf32, #tpu.memory_space<vmem>>, vector<1x16xf32>,
        %get3A_987 = vector.shape_cast %get3A_986 : vector<1x16xf32> to vector<16xf32>
        %mul3A_988 = arith.mulf %get3A_987, %get3A_959 : vector<16xf32>
        %add3A_989 = arith.addf %scan3A_945, %mul3A_988 : vector<16xf32>
        %get3A_990 = arith.index_cast %scan3A_940 : i32 to index
        %get3A_991 = arith.constant 336 : index
        %get3A_992 = tpu.vector_load %arg7[%get3A_990, %get3A_991] {strides = array<i32>} : memref<32x1024xf32, #tpu.memory_space<vmem>>, vector<1x16xf32>,
        %get3A_993 = vector.shape_cast %get3A_992 : vector<1x16xf32> to vector<16xf32>
        %mul3A_994 = arith.mulf %get3A_993, %get3A_959 : vector<16xf32>
        %add3A_995 = arith.addf %scan3A_946, %mul3A_994 : vector<16xf32>
        %get3A_996 = arith.index_cast %scan3A_940 : i32 to index
        %get3A_997 = arith.constant 352 : index
        %get3A_998 = tpu.vector_load %arg7[%get3A_996, %get3A_997] {strides = array<i32>} : memref<32x1024xf32, #tpu.memory_space<vmem>>, vector<1x16xf32>,
        %get3A_999 = vector.shape_cast %get3A_998 : vector<1x16xf32> to vector<16xf32>
        %mul3A_1000 = arith.mulf %get3A_999, %get3A_959 : vector<16xf32>
        %add3A_1001 = arith.addf %scan3A_947, %mul3A_1000 : vector<16xf32>
        %get3A_1002 = arith.index_cast %scan3A_940 : i32 to index
        %get3A_1003 = arith.constant 368 : index
        %get3A_1004 = tpu.vector_load %arg7[%get3A_1002, %get3A_1003] {strides = array<i32>} : memref<32x1024xf32, #tpu.memory_space<vmem>>, vector<1x16xf32>,
        %get3A_1005 = vector.shape_cast %get3A_1004 : vector<1x16xf32> to vector<16xf32>
        %mul3A_1006 = arith.mulf %get3A_1005, %get3A_959 : vector<16xf32>
        %add3A_1007 = arith.addf %scan3A_948, %mul3A_1006 : vector<16xf32>
        %get3A_1008 = arith.index_cast %scan3A_940 : i32 to index
        %get3A_1009 = arith.constant 384 : index
        %get3A_1010 = tpu.vector_load %arg7[%get3A_1008, %get3A_1009] {strides = array<i32>} : memref<32x1024xf32, #tpu.memory_space<vmem>>, vector<1x16xf32>,
        %get3A_1011 = vector.shape_cast %get3A_1010 : vector<1x16xf32> to vector<16xf32>
        %mul3A_1012 = arith.mulf %get3A_1011, %get3A_959 : vector<16xf32>
        %add3A_1013 = arith.addf %scan3A_949, %mul3A_1012 : vector<16xf32>
        %get3A_1014 = arith.index_cast %scan3A_940 : i32 to index
        %get3A_1015 = arith.constant 400 : index
        %get3A_1016 = tpu.vector_load %arg7[%get3A_1014, %get3A_1015] {strides = array<i32>} : memref<32x1024xf32, #tpu.memory_space<vmem>>, vector<1x16xf32>,
        %get3A_1017 = vector.shape_cast %get3A_1016 : vector<1x16xf32> to vector<16xf32>
        %mul3A_1018 = arith.mulf %get3A_1017, %get3A_959 : vector<16xf32>
        %add3A_1019 = arith.addf %scan3A_950, %mul3A_1018 : vector<16xf32>
        %get3A_1020 = arith.index_cast %scan3A_940 : i32 to index
        %get3A_1021 = arith.constant 416 : index
        %get3A_1022 = tpu.vector_load %arg7[%get3A_1020, %get3A_1021] {strides = array<i32>} : memref<32x1024xf32, #tpu.memory_space<vmem>>, vector<1x16xf32>,
        %get3A_1023 = vector.shape_cast %get3A_1022 : vector<1x16xf32> to vector<16xf32>
        %mul3A_1024 = arith.mulf %get3A_1023, %get3A_959 : vector<16xf32>
        %add3A_1025 = arith.addf %scan3A_951, %mul3A_1024 : vector<16xf32>
        %get3A_1026 = arith.index_cast %scan3A_940 : i32 to index
        %get3A_1027 = arith.constant 432 : index
        %get3A_1028 = tpu.vector_load %arg7[%get3A_1026, %get3A_1027] {strides = array<i32>} : memref<32x1024xf32, #tpu.memory_space<vmem>>, vector<1x16xf32>,
        %get3A_1029 = vector.shape_cast %get3A_1028 : vector<1x16xf32> to vector<16xf32>
        %mul3A_1030 = arith.mulf %get3A_1029, %get3A_959 : vector<16xf32>
        %add3A_1031 = arith.addf %scan3A_952, %mul3A_1030 : vector<16xf32>
        %get3A_1032 = arith.index_cast %scan3A_940 : i32 to index
        %get3A_1033 = arith.constant 448 : index
        %get3A_1034 = tpu.vector_load %arg7[%get3A_1032, %get3A_1033] {strides = array<i32>} : memref<32x1024xf32, #tpu.memory_space<vmem>>, vector<1x16xf32>,
        %get3A_1035 = vector.shape_cast %get3A_1034 : vector<1x16xf32> to vector<16xf32>
        %mul3A_1036 = arith.mulf %get3A_1035, %get3A_959 : vector<16xf32>
        %add3A_1037 = arith.addf %scan3A_953, %mul3A_1036 : vector<16xf32>
        %get3A_1038 = arith.index_cast %scan3A_940 : i32 to index
        %get3A_1039 = arith.constant 464 : index
        %get3A_1040 = tpu.vector_load %arg7[%get3A_1038, %get3A_1039] {strides = array<i32>} : memref<32x1024xf32, #tpu.memory_space<vmem>>, vector<1x16xf32>,
        %get3A_1041 = vector.shape_cast %get3A_1040 : vector<1x16xf32> to vector<16xf32>
        %mul3A_1042 = arith.mulf %get3A_1041, %get3A_959 : vector<16xf32>
        %add3A_1043 = arith.addf %scan3A_954, %mul3A_1042 : vector<16xf32>
        %get3A_1044 = arith.index_cast %scan3A_940 : i32 to index
        %get3A_1045 = arith.constant 480 : index
        %get3A_1046 = tpu.vector_load %arg7[%get3A_1044, %get3A_1045] {strides = array<i32>} : memref<32x1024xf32, #tpu.memory_space<vmem>>, vector<1x16xf32>,
        %get3A_1047 = vector.shape_cast %get3A_1046 : vector<1x16xf32> to vector<16xf32>
        %mul3A_1048 = arith.mulf %get3A_1047, %get3A_959 : vector<16xf32>
        %add3A_1049 = arith.addf %scan3A_955, %mul3A_1048 : vector<16xf32>
        %get3A_1050 = arith.index_cast %scan3A_940 : i32 to index
        %get3A_1051 = arith.constant 496 : index
        %get3A_1052 = tpu.vector_load %arg7[%get3A_1050, %get3A_1051] {strides = array<i32>} : memref<32x1024xf32, #tpu.memory_space<vmem>>, vector<1x16xf32>,
        %get3A_1053 = vector.shape_cast %get3A_1052 : vector<1x16xf32> to vector<16xf32>
        %mul3A_1054 = arith.mulf %get3A_1053, %get3A_959 : vector<16xf32>
        %add3A_1055 = arith.addf %scan3A_956, %mul3A_1054 : vector<16xf32>
        scf.yield %add3A_965, %add3A_971, %add3A_977, %add3A_983, %add3A_989, %add3A_995, %add3A_1001, %add3A_1007, %add3A_1013, %add3A_1019, %add3A_1025, %add3A_1031, %add3A_1037, %add3A_1043, %add3A_1049, %add3A_1055 : vector<16xf32>, vector<16xf32>, vector<16xf32>, vector<16xf32>, vector<16xf32>, vector<16xf32>, vector<16xf32>, vector<16xf32>, vector<16xf32>, vector<16xf32>, vector<16xf32>, vector<16xf32>, vector<16xf32>, vector<16xf32>, vector<16xf32>, vector<16xf32>
      }
      %scan3A_215 = arith.constant 32 : i32
      %swap3A_216 = arith.constant 256 : index
      %swap3A_217 = tpu.vector_load %arg11[%swap3A_216] {strides = array<i32>} : memref<1024xf32, #tpu.memory_space<vmem>>, vector<16xf32>,
      %swap3A_218 = vector.shape_cast %swap3A_217 : vector<16xf32> to vector<16xf32>
      %swap3A_219 = vector.shape_cast %scan3A_214#0 : vector<16xf32> to vector<16xf32>
      tpu.vector_store %arg11[%swap3A_216], %swap3A_219 {strides = array<i32>} : memref<1024xf32, #tpu.memory_space<vmem>>, vector<16xf32>,
      %swap3A_220 = arith.constant 272 : index
      %swap3A_221 = tpu.vector_load %arg11[%swap3A_220] {strides = array<i32>} : memref<1024xf32, #tpu.memory_space<vmem>>, vector<16xf32>,
      %swap3A_222 = vector.shape_cast %swap3A_221 : vector<16xf32> to vector<16xf32>
      %swap3A_223 = vector.shape_cast %scan3A_214#1 : vector<16xf32> to vector<16xf32>
      tpu.vector_store %arg11[%swap3A_220], %swap3A_223 {strides = array<i32>} : memref<1024xf32, #tpu.memory_space<vmem>>, vector<16xf32>,
      %swap3A_224 = arith.constant 288 : index
      %swap3A_225 = tpu.vector_load %arg11[%swap3A_224] {strides = array<i32>} : memref<1024xf32, #tpu.memory_space<vmem>>, vector<16xf32>,
      %swap3A_226 = vector.shape_cast %swap3A_225 : vector<16xf32> to vector<16xf32>
      %swap3A_227 = vector.shape_cast %scan3A_214#2 : vector<16xf32> to vector<16xf32>
      tpu.vector_store %arg11[%swap3A_224], %swap3A_227 {strides = array<i32>} : memref<1024xf32, #tpu.memory_space<vmem>>, vector<16xf32>,
      %swap3A_228 = arith.constant 304 : index
      %swap3A_229 = tpu.vector_load %arg11[%swap3A_228] {strides = array<i32>} : memref<1024xf32, #tpu.memory_space<vmem>>, vector<16xf32>,
      %swap3A_230 = vector.shape_cast %swap3A_229 : vector<16xf32> to vector<16xf32>
      %swap3A_231 = vector.shape_cast %scan3A_214#3 : vector<16xf32> to vector<16xf32>
      tpu.vector_store %arg11[%swap3A_228], %swap3A_231 {strides = array<i32>} : memref<1024xf32, #tpu.memory_space<vmem>>, vector<16xf32>,
      %swap3A_232 = arith.constant 320 : index
      %swap3A_233 = tpu.vector_load %arg11[%swap3A_232] {strides = array<i32>} : memref<1024xf32, #tpu.memory_space<vmem>>, vector<16xf32>,
      %swap3A_234 = vector.shape_cast %swap3A_233 : vector<16xf32> to vector<16xf32>
      %swap3A_235 = vector.shape_cast %scan3A_214#4 : vector<16xf32> to vector<16xf32>
      tpu.vector_store %arg11[%swap3A_232], %swap3A_235 {strides = array<i32>} : memref<1024xf32, #tpu.memory_space<vmem>>, vector<16xf32>,
      %swap3A_236 = arith.constant 336 : index
      %swap3A_237 = tpu.vector_load %arg11[%swap3A_236] {strides = array<i32>} : memref<1024xf32, #tpu.memory_space<vmem>>, vector<16xf32>,
      %swap3A_238 = vector.shape_cast %swap3A_237 : vector<16xf32> to vector<16xf32>
      %swap3A_239 = vector.shape_cast %scan3A_214#5 : vector<16xf32> to vector<16xf32>
      tpu.vector_store %arg11[%swap3A_236], %swap3A_239 {strides = array<i32>} : memref<1024xf32, #tpu.memory_space<vmem>>, vector<16xf32>,
      %swap3A_240 = arith.constant 352 : index
      %swap3A_241 = tpu.vector_load %arg11[%swap3A_240] {strides = array<i32>} : memref<1024xf32, #tpu.memory_space<vmem>>, vector<16xf32>,
      %swap3A_242 = vector.shape_cast %swap3A_241 : vector<16xf32> to vector<16xf32>
      %swap3A_243 = vector.shape_cast %scan3A_214#6 : vector<16xf32> to vector<16xf32>
      tpu.vector_store %arg11[%swap3A_240], %swap3A_243 {strides = array<i32>} : memref<1024xf32, #tpu.memory_space<vmem>>, vector<16xf32>,
      %swap3A_244 = arith.constant 368 : index
      %swap3A_245 = tpu.vector_load %arg11[%swap3A_244] {strides = array<i32>} : memref<1024xf32, #tpu.memory_space<vmem>>, vector<16xf32>,
      %swap3A_246 = vector.shape_cast %swap3A_245 : vector<16xf32> to vector<16xf32>
      %swap3A_247 = vector.shape_cast %scan3A_214#7 : vector<16xf32> to vector<16xf32>
      tpu.vector_store %arg11[%swap3A_244], %swap3A_247 {strides = array<i32>} : memref<1024xf32, #tpu.memory_space<vmem>>, vector<16xf32>,
      %swap3A_248 = arith.constant 384 : index
      %swap3A_249 = tpu.vector_load %arg11[%swap3A_248] {strides = array<i32>} : memref<1024xf32, #tpu.memory_space<vmem>>, vector<16xf32>,
      %swap3A_250 = vector.shape_cast %swap3A_249 : vector<16xf32> to vector<16xf32>
      %swap3A_251 = vector.shape_cast %scan3A_214#8 : vector<16xf32> to vector<16xf32>
      tpu.vector_store %arg11[%swap3A_248], %swap3A_251 {strides = array<i32>} : memref<1024xf32, #tpu.memory_space<vmem>>, vector<16xf32>,
      %swap3A_252 = arith.constant 400 : index
      %swap3A_253 = tpu.vector_load %arg11[%swap3A_252] {strides = array<i32>} : memref<1024xf32, #tpu.memory_space<vmem>>, vector<16xf32>,
      %swap3A_254 = vector.shape_cast %swap3A_253 : vector<16xf32> to vector<16xf32>
      %swap3A_255 = vector.shape_cast %scan3A_214#9 : vector<16xf32> to vector<16xf32>
      tpu.vector_store %arg11[%swap3A_252], %swap3A_255 {strides = array<i32>} : memref<1024xf32, #tpu.memory_space<vmem>>, vector<16xf32>,
      %swap3A_256 = arith.constant 416 : index
      %swap3A_257 = tpu.vector_load %arg11[%swap3A_256] {strides = array<i32>} : memref<1024xf32, #tpu.memory_space<vmem>>, vector<16xf32>,
      %swap3A_258 = vector.shape_cast %swap3A_257 : vector<16xf32> to vector<16xf32>
      %swap3A_259 = vector.shape_cast %scan3A_214#10 : vector<16xf32> to vector<16xf32>
      tpu.vector_store %arg11[%swap3A_256], %swap3A_259 {strides = array<i32>} : memref<1024xf32, #tpu.memory_space<vmem>>, vector<16xf32>,
      %swap3A_260 = arith.constant 432 : index
      %swap3A_261 = tpu.vector_load %arg11[%swap3A_260] {strides = array<i32>} : memref<1024xf32, #tpu.memory_space<vmem>>, vector<16xf32>,
      %swap3A_262 = vector.shape_cast %swap3A_261 : vector<16xf32> to vector<16xf32>
      %swap3A_263 = vector.shape_cast %scan3A_214#11 : vector<16xf32> to vector<16xf32>
      tpu.vector_store %arg11[%swap3A_260], %swap3A_263 {strides = array<i32>} : memref<1024xf32, #tpu.memory_space<vmem>>, vector<16xf32>,
      %swap3A_264 = arith.constant 448 : index
      %swap3A_265 = tpu.vector_load %arg11[%swap3A_264] {strides = array<i32>} : memref<1024xf32, #tpu.memory_space<vmem>>, vector<16xf32>,
      %swap3A_266 = vector.shape_cast %swap3A_265 : vector<16xf32> to vector<16xf32>
      %swap3A_267 = vector.shape_cast %scan3A_214#12 : vector<16xf32> to vector<16xf32>
      tpu.vector_store %arg11[%swap3A_264], %swap3A_267 {strides = array<i32>} : memref<1024xf32, #tpu.memory_space<vmem>>, vector<16xf32>,
      %swap3A_268 = arith.constant 464 : index
      %swap3A_269 = tpu.vector_load %arg11[%swap3A_268] {strides = array<i32>} : memref<1024xf32, #tpu.memory_space<vmem>>, vector<16xf32>,
      %swap3A_270 = vector.shape_cast %swap3A_269 : vector<16xf32> to vector<16xf32>
      %swap3A_271 = vector.shape_cast %scan3A_214#13 : vector<16xf32> to vector<16xf32>
      tpu.vector_store %arg11[%swap3A_268], %swap3A_271 {strides = array<i32>} : memref<1024xf32, #tpu.memory_space<vmem>>, vector<16xf32>,
      %swap3A_272 = arith.constant 480 : index
      %swap3A_273 = tpu.vector_load %arg11[%swap3A_272] {strides = array<i32>} : memref<1024xf32, #tpu.memory_space<vmem>>, vector<16xf32>,
      %swap3A_274 = vector.shape_cast %swap3A_273 : vector<16xf32> to vector<16xf32>
      %swap3A_275 = vector.shape_cast %scan3A_214#14 : vector<16xf32> to vector<16xf32>
      tpu.vector_store %arg11[%swap3A_272], %swap3A_275 {strides = array<i32>} : memref<1024xf32, #tpu.memory_space<vmem>>, vector<16xf32>,
      %swap3A_276 = arith.constant 496 : index
      %swap3A_277 = tpu.vector_load %arg11[%swap3A_276] {strides = array<i32>} : memref<1024xf32, #tpu.memory_space<vmem>>, vector<16xf32>,
      %swap3A_278 = vector.shape_cast %swap3A_277 : vector<16xf32> to vector<16xf32>
      %swap3A_279 = vector.shape_cast %scan3A_214#15 : vector<16xf32> to vector<16xf32>
      tpu.vector_store %arg11[%swap3A_276], %swap3A_279 {strides = array<i32>} : memref<1024xf32, #tpu.memory_space<vmem>>, vector<16xf32>,
      %broadcast_in_dim3A_280 = arith.constant 0.000000e+00 : f32
      %broadcast_in_dim3A_281 = vector.broadcast %broadcast_in_dim3A_280 : f32 to vector<16xf32>
      %broadcast_in_dim3A_282 = arith.constant 0.000000e+00 : f32
      %broadcast_in_dim3A_283 = vector.broadcast %broadcast_in_dim3A_282 : f32 to vector<16xf32>
      %broadcast_in_dim3A_284 = arith.constant 0.000000e+00 : f32
      %broadcast_in_dim3A_285 = vector.broadcast %broadcast_in_dim3A_284 : f32 to vector<16xf32>
      %broadcast_in_dim3A_286 = arith.constant 0.000000e+00 : f32
      %broadcast_in_dim3A_287 = vector.broadcast %broadcast_in_dim3A_286 : f32 to vector<16xf32>
      %broadcast_in_dim3A_288 = arith.constant 0.000000e+00 : f32
      %broadcast_in_dim3A_289 = vector.broadcast %broadcast_in_dim3A_288 : f32 to vector<16xf32>
      %broadcast_in_dim3A_290 = arith.constant 0.000000e+00 : f32
      %broadcast_in_dim3A_291 = vector.broadcast %broadcast_in_dim3A_290 : f32 to vector<16xf32>
      %broadcast_in_dim3A_292 = arith.constant 0.000000e+00 : f32
      %broadcast_in_dim3A_293 = vector.broadcast %broadcast_in_dim3A_292 : f32 to vector<16xf32>
      %broadcast_in_dim3A_294 = arith.constant 0.000000e+00 : f32
      %broadcast_in_dim3A_295 = vector.broadcast %broadcast_in_dim3A_294 : f32 to vector<16xf32>
      %broadcast_in_dim3A_296 = arith.constant 0.000000e+00 : f32
      %broadcast_in_dim3A_297 = vector.broadcast %broadcast_in_dim3A_296 : f32 to vector<16xf32>
      %broadcast_in_dim3A_298 = arith.constant 0.000000e+00 : f32
      %broadcast_in_dim3A_299 = vector.broadcast %broadcast_in_dim3A_298 : f32 to vector<16xf32>
      %broadcast_in_dim3A_300 = arith.constant 0.000000e+00 : f32
      %broadcast_in_dim3A_301 = vector.broadcast %broadcast_in_dim3A_300 : f32 to vector<16xf32>
      %broadcast_in_dim3A_302 = arith.constant 0.000000e+00 : f32
      %broadcast_in_dim3A_303 = vector.broadcast %broadcast_in_dim3A_302 : f32 to vector<16xf32>
      %broadcast_in_dim3A_304 = arith.constant 0.000000e+00 : f32
      %broadcast_in_dim3A_305 = vector.broadcast %broadcast_in_dim3A_304 : f32 to vector<16xf32>
      %broadcast_in_dim3A_306 = arith.constant 0.000000e+00 : f32
      %broadcast_in_dim3A_307 = vector.broadcast %broadcast_in_dim3A_306 : f32 to vector<16xf32>
      %broadcast_in_dim3A_308 = arith.constant 0.000000e+00 : f32
      %broadcast_in_dim3A_309 = vector.broadcast %broadcast_in_dim3A_308 : f32 to vector<16xf32>
      %broadcast_in_dim3A_310 = arith.constant 0.000000e+00 : f32
      %broadcast_in_dim3A_311 = vector.broadcast %broadcast_in_dim3A_310 : f32 to vector<16xf32>
      %scan3A_312 = arith.constant 0 : i32
      %scan3A_313 = arith.constant 32 : i32
      %scan3A_314 = arith.addi %scan3A_312, %scan3A_313 : i32
      %scan3A_315 = arith.constant 1 : i32
      %scan3A_316:16 = scf.for %scan3A_940 = %scan3A_312 to %scan3A_314 step %scan3A_315 iter_args(%scan3A_941 = %broadcast_in_dim3A_281, %scan3A_942 = %broadcast_in_dim3A_283, %scan3A_943 = %broadcast_in_dim3A_285, %scan3A_944 = %broadcast_in_dim3A_287, %scan3A_945 = %broadcast_in_dim3A_289, %scan3A_946 = %broadcast_in_dim3A_291, %scan3A_947 = %broadcast_in_dim3A_293, %scan3A_948 = %broadcast_in_dim3A_295, %scan3A_949 = %broadcast_in_dim3A_297, %scan3A_950 = %broadcast_in_dim3A_299, %scan3A_951 = %broadcast_in_dim3A_301, %scan3A_952 = %broadcast_in_dim3A_303, %scan3A_953 = %broadcast_in_dim3A_305, %scan3A_954 = %broadcast_in_dim3A_307, %scan3A_955 = %broadcast_in_dim3A_309, %scan3A_956 = %broadcast_in_dim3A_311) -> (vector<16xf32>, vector<16xf32>, vector<16xf32>, vector<16xf32>, vector<16xf32>, vector<16xf32>, vector<16xf32>, vector<16xf32>, vector<16xf32>, vector<16xf32>, vector<16xf32>, vector<16xf32>, vector<16xf32>, vector<16xf32>, vector<16xf32>, vector<16xf32>)  : i32 {
        %get3A = arith.index_cast %scan3A_940 : i32 to index
        %get3A_957 = arith.constant 0 : index
        %get3A_958 = tpu.vector_load %arg9[%get3A, %get3A_957] {strides = array<i32>} : memref<32x16xf32, #tpu.memory_space<vmem>>, vector<1x16xf32>,
        %get3A_959 = vector.shape_cast %get3A_958 : vector<1x16xf32> to vector<16xf32>
        %get3A_960 = arith.index_cast %scan3A_940 : i32 to index
        %get3A_961 = arith.constant 512 : index
        %get3A_962 = tpu.vector_load %arg7[%get3A_960, %get3A_961] {strides = array<i32>} : memref<32x1024xf32, #tpu.memory_space<vmem>>, vector<1x16xf32>,
        %get3A_963 = vector.shape_cast %get3A_962 : vector<1x16xf32> to vector<16xf32>
        %mul3A_964 = arith.mulf %get3A_963, %get3A_959 : vector<16xf32>
        %add3A_965 = arith.addf %scan3A_941, %mul3A_964 : vector<16xf32>
        %get3A_966 = arith.index_cast %scan3A_940 : i32 to index
        %get3A_967 = arith.constant 528 : index
        %get3A_968 = tpu.vector_load %arg7[%get3A_966, %get3A_967] {strides = array<i32>} : memref<32x1024xf32, #tpu.memory_space<vmem>>, vector<1x16xf32>,
        %get3A_969 = vector.shape_cast %get3A_968 : vector<1x16xf32> to vector<16xf32>
        %mul3A_970 = arith.mulf %get3A_969, %get3A_959 : vector<16xf32>
        %add3A_971 = arith.addf %scan3A_942, %mul3A_970 : vector<16xf32>
        %get3A_972 = arith.index_cast %scan3A_940 : i32 to index
        %get3A_973 = arith.constant 544 : index
        %get3A_974 = tpu.vector_load %arg7[%get3A_972, %get3A_973] {strides = array<i32>} : memref<32x1024xf32, #tpu.memory_space<vmem>>, vector<1x16xf32>,
        %get3A_975 = vector.shape_cast %get3A_974 : vector<1x16xf32> to vector<16xf32>
        %mul3A_976 = arith.mulf %get3A_975, %get3A_959 : vector<16xf32>
        %add3A_977 = arith.addf %scan3A_943, %mul3A_976 : vector<16xf32>
        %get3A_978 = arith.index_cast %scan3A_940 : i32 to index
        %get3A_979 = arith.constant 560 : index
        %get3A_980 = tpu.vector_load %arg7[%get3A_978, %get3A_979] {strides = array<i32>} : memref<32x1024xf32, #tpu.memory_space<vmem>>, vector<1x16xf32>,
        %get3A_981 = vector.shape_cast %get3A_980 : vector<1x16xf32> to vector<16xf32>
        %mul3A_982 = arith.mulf %get3A_981, %get3A_959 : vector<16xf32>
        %add3A_983 = arith.addf %scan3A_944, %mul3A_982 : vector<16xf32>
        %get3A_984 = arith.index_cast %scan3A_940 : i32 to index
        %get3A_985 = arith.constant 576 : index
        %get3A_986 = tpu.vector_load %arg7[%get3A_984, %get3A_985] {strides = array<i32>} : memref<32x1024xf32, #tpu.memory_space<vmem>>, vector<1x16xf32>,
        %get3A_987 = vector.shape_cast %get3A_986 : vector<1x16xf32> to vector<16xf32>
        %mul3A_988 = arith.mulf %get3A_987, %get3A_959 : vector<16xf32>
        %add3A_989 = arith.addf %scan3A_945, %mul3A_988 : vector<16xf32>
        %get3A_990 = arith.index_cast %scan3A_940 : i32 to index
        %get3A_991 = arith.constant 592 : index
        %get3A_992 = tpu.vector_load %arg7[%get3A_990, %get3A_991] {strides = array<i32>} : memref<32x1024xf32, #tpu.memory_space<vmem>>, vector<1x16xf32>,
        %get3A_993 = vector.shape_cast %get3A_992 : vector<1x16xf32> to vector<16xf32>
        %mul3A_994 = arith.mulf %get3A_993, %get3A_959 : vector<16xf32>
        %add3A_995 = arith.addf %scan3A_946, %mul3A_994 : vector<16xf32>
        %get3A_996 = arith.index_cast %scan3A_940 : i32 to index
        %get3A_997 = arith.constant 608 : index
        %get3A_998 = tpu.vector_load %arg7[%get3A_996, %get3A_997] {strides = array<i32>} : memref<32x1024xf32, #tpu.memory_space<vmem>>, vector<1x16xf32>,
        %get3A_999 = vector.shape_cast %get3A_998 : vector<1x16xf32> to vector<16xf32>
        %mul3A_1000 = arith.mulf %get3A_999, %get3A_959 : vector<16xf32>
        %add3A_1001 = arith.addf %scan3A_947, %mul3A_1000 : vector<16xf32>
        %get3A_1002 = arith.index_cast %scan3A_940 : i32 to index
        %get3A_1003 = arith.constant 624 : index
        %get3A_1004 = tpu.vector_load %arg7[%get3A_1002, %get3A_1003] {strides = array<i32>} : memref<32x1024xf32, #tpu.memory_space<vmem>>, vector<1x16xf32>,
        %get3A_1005 = vector.shape_cast %get3A_1004 : vector<1x16xf32> to vector<16xf32>
        %mul3A_1006 = arith.mulf %get3A_1005, %get3A_959 : vector<16xf32>
        %add3A_1007 = arith.addf %scan3A_948, %mul3A_1006 : vector<16xf32>
        %get3A_1008 = arith.index_cast %scan3A_940 : i32 to index
        %get3A_1009 = arith.constant 640 : index
        %get3A_1010 = tpu.vector_load %arg7[%get3A_1008, %get3A_1009] {strides = array<i32>} : memref<32x1024xf32, #tpu.memory_space<vmem>>, vector<1x16xf32>,
        %get3A_1011 = vector.shape_cast %get3A_1010 : vector<1x16xf32> to vector<16xf32>
        %mul3A_1012 = arith.mulf %get3A_1011, %get3A_959 : vector<16xf32>
        %add3A_1013 = arith.addf %scan3A_949, %mul3A_1012 : vector<16xf32>
        %get3A_1014 = arith.index_cast %scan3A_940 : i32 to index
        %get3A_1015 = arith.constant 656 : index
        %get3A_1016 = tpu.vector_load %arg7[%get3A_1014, %get3A_1015] {strides = array<i32>} : memref<32x1024xf32, #tpu.memory_space<vmem>>, vector<1x16xf32>,
        %get3A_1017 = vector.shape_cast %get3A_1016 : vector<1x16xf32> to vector<16xf32>
        %mul3A_1018 = arith.mulf %get3A_1017, %get3A_959 : vector<16xf32>
        %add3A_1019 = arith.addf %scan3A_950, %mul3A_1018 : vector<16xf32>
        %get3A_1020 = arith.index_cast %scan3A_940 : i32 to index
        %get3A_1021 = arith.constant 672 : index
        %get3A_1022 = tpu.vector_load %arg7[%get3A_1020, %get3A_1021] {strides = array<i32>} : memref<32x1024xf32, #tpu.memory_space<vmem>>, vector<1x16xf32>,
        %get3A_1023 = vector.shape_cast %get3A_1022 : vector<1x16xf32> to vector<16xf32>
        %mul3A_1024 = arith.mulf %get3A_1023, %get3A_959 : vector<16xf32>
        %add3A_1025 = arith.addf %scan3A_951, %mul3A_1024 : vector<16xf32>
        %get3A_1026 = arith.index_cast %scan3A_940 : i32 to index
        %get3A_1027 = arith.constant 688 : index
        %get3A_1028 = tpu.vector_load %arg7[%get3A_1026, %get3A_1027] {strides = array<i32>} : memref<32x1024xf32, #tpu.memory_space<vmem>>, vector<1x16xf32>,
        %get3A_1029 = vector.shape_cast %get3A_1028 : vector<1x16xf32> to vector<16xf32>
        %mul3A_1030 = arith.mulf %get3A_1029, %get3A_959 : vector<16xf32>
        %add3A_1031 = arith.addf %scan3A_952, %mul3A_1030 : vector<16xf32>
        %get3A_1032 = arith.index_cast %scan3A_940 : i32 to index
        %get3A_1033 = arith.constant 704 : index
        %get3A_1034 = tpu.vector_load %arg7[%get3A_1032, %get3A_1033] {strides = array<i32>} : memref<32x1024xf32, #tpu.memory_space<vmem>>, vector<1x16xf32>,
        %get3A_1035 = vector.shape_cast %get3A_1034 : vector<1x16xf32> to vector<16xf32>
        %mul3A_1036 = arith.mulf %get3A_1035, %get3A_959 : vector<16xf32>
        %add3A_1037 = arith.addf %scan3A_953, %mul3A_1036 : vector<16xf32>
        %get3A_1038 = arith.index_cast %scan3A_940 : i32 to index
        %get3A_1039 = arith.constant 720 : index
        %get3A_1040 = tpu.vector_load %arg7[%get3A_1038, %get3A_1039] {strides = array<i32>} : memref<32x1024xf32, #tpu.memory_space<vmem>>, vector<1x16xf32>,
        %get3A_1041 = vector.shape_cast %get3A_1040 : vector<1x16xf32> to vector<16xf32>
        %mul3A_1042 = arith.mulf %get3A_1041, %get3A_959 : vector<16xf32>
        %add3A_1043 = arith.addf %scan3A_954, %mul3A_1042 : vector<16xf32>
        %get3A_1044 = arith.index_cast %scan3A_940 : i32 to index
        %get3A_1045 = arith.constant 736 : index
        %get3A_1046 = tpu.vector_load %arg7[%get3A_1044, %get3A_1045] {strides = array<i32>} : memref<32x1024xf32, #tpu.memory_space<vmem>>, vector<1x16xf32>,
        %get3A_1047 = vector.shape_cast %get3A_1046 : vector<1x16xf32> to vector<16xf32>
        %mul3A_1048 = arith.mulf %get3A_1047, %get3A_959 : vector<16xf32>
        %add3A_1049 = arith.addf %scan3A_955, %mul3A_1048 : vector<16xf32>
        %get3A_1050 = arith.index_cast %scan3A_940 : i32 to index
        %get3A_1051 = arith.constant 752 : index
        %get3A_1052 = tpu.vector_load %arg7[%get3A_1050, %get3A_1051] {strides = array<i32>} : memref<32x1024xf32, #tpu.memory_space<vmem>>, vector<1x16xf32>,
        %get3A_1053 = vector.shape_cast %get3A_1052 : vector<1x16xf32> to vector<16xf32>
        %mul3A_1054 = arith.mulf %get3A_1053, %get3A_959 : vector<16xf32>
        %add3A_1055 = arith.addf %scan3A_956, %mul3A_1054 : vector<16xf32>
        scf.yield %add3A_965, %add3A_971, %add3A_977, %add3A_983, %add3A_989, %add3A_995, %add3A_1001, %add3A_1007, %add3A_1013, %add3A_1019, %add3A_1025, %add3A_1031, %add3A_1037, %add3A_1043, %add3A_1049, %add3A_1055 : vector<16xf32>, vector<16xf32>, vector<16xf32>, vector<16xf32>, vector<16xf32>, vector<16xf32>, vector<16xf32>, vector<16xf32>, vector<16xf32>, vector<16xf32>, vector<16xf32>, vector<16xf32>, vector<16xf32>, vector<16xf32>, vector<16xf32>, vector<16xf32>
      }
      %scan3A_317 = arith.constant 32 : i32
      %swap3A_318 = arith.constant 512 : index
      %swap3A_319 = tpu.vector_load %arg11[%swap3A_318] {strides = array<i32>} : memref<1024xf32, #tpu.memory_space<vmem>>, vector<16xf32>,
      %swap3A_320 = vector.shape_cast %swap3A_319 : vector<16xf32> to vector<16xf32>
      %swap3A_321 = vector.shape_cast %scan3A_316#0 : vector<16xf32> to vector<16xf32>
      tpu.vector_store %arg11[%swap3A_318], %swap3A_321 {strides = array<i32>} : memref<1024xf32, #tpu.memory_space<vmem>>, vector<16xf32>,
      %swap3A_322 = arith.constant 528 : index
      %swap3A_323 = tpu.vector_load %arg11[%swap3A_322] {strides = array<i32>} : memref<1024xf32, #tpu.memory_space<vmem>>, vector<16xf32>,
      %swap3A_324 = vector.shape_cast %swap3A_323 : vector<16xf32> to vector<16xf32>
      %swap3A_325 = vector.shape_cast %scan3A_316#1 : vector<16xf32> to vector<16xf32>
      tpu.vector_store %arg11[%swap3A_322], %swap3A_325 {strides = array<i32>} : memref<1024xf32, #tpu.memory_space<vmem>>, vector<16xf32>,
      %swap3A_326 = arith.constant 544 : index
      %swap3A_327 = tpu.vector_load %arg11[%swap3A_326] {strides = array<i32>} : memref<1024xf32, #tpu.memory_space<vmem>>, vector<16xf32>,
      %swap3A_328 = vector.shape_cast %swap3A_327 : vector<16xf32> to vector<16xf32>
      %swap3A_329 = vector.shape_cast %scan3A_316#2 : vector<16xf32> to vector<16xf32>
      tpu.vector_store %arg11[%swap3A_326], %swap3A_329 {strides = array<i32>} : memref<1024xf32, #tpu.memory_space<vmem>>, vector<16xf32>,
      %swap3A_330 = arith.constant 560 : index
      %swap3A_331 = tpu.vector_load %arg11[%swap3A_330] {strides = array<i32>} : memref<1024xf32, #tpu.memory_space<vmem>>, vector<16xf32>,
      %swap3A_332 = vector.shape_cast %swap3A_331 : vector<16xf32> to vector<16xf32>
      %swap3A_333 = vector.shape_cast %scan3A_316#3 : vector<16xf32> to vector<16xf32>
      tpu.vector_store %arg11[%swap3A_330], %swap3A_333 {strides = array<i32>} : memref<1024xf32, #tpu.memory_space<vmem>>, vector<16xf32>,
      %swap3A_334 = arith.constant 576 : index
      %swap3A_335 = tpu.vector_load %arg11[%swap3A_334] {strides = array<i32>} : memref<1024xf32, #tpu.memory_space<vmem>>, vector<16xf32>,
      %swap3A_336 = vector.shape_cast %swap3A_335 : vector<16xf32> to vector<16xf32>
      %swap3A_337 = vector.shape_cast %scan3A_316#4 : vector<16xf32> to vector<16xf32>
      tpu.vector_store %arg11[%swap3A_334], %swap3A_337 {strides = array<i32>} : memref<1024xf32, #tpu.memory_space<vmem>>, vector<16xf32>,
      %swap3A_338 = arith.constant 592 : index
      %swap3A_339 = tpu.vector_load %arg11[%swap3A_338] {strides = array<i32>} : memref<1024xf32, #tpu.memory_space<vmem>>, vector<16xf32>,
      %swap3A_340 = vector.shape_cast %swap3A_339 : vector<16xf32> to vector<16xf32>
      %swap3A_341 = vector.shape_cast %scan3A_316#5 : vector<16xf32> to vector<16xf32>
      tpu.vector_store %arg11[%swap3A_338], %swap3A_341 {strides = array<i32>} : memref<1024xf32, #tpu.memory_space<vmem>>, vector<16xf32>,
      %swap3A_342 = arith.constant 608 : index
      %swap3A_343 = tpu.vector_load %arg11[%swap3A_342] {strides = array<i32>} : memref<1024xf32, #tpu.memory_space<vmem>>, vector<16xf32>,
      %swap3A_344 = vector.shape_cast %swap3A_343 : vector<16xf32> to vector<16xf32>
      %swap3A_345 = vector.shape_cast %scan3A_316#6 : vector<16xf32> to vector<16xf32>
      tpu.vector_store %arg11[%swap3A_342], %swap3A_345 {strides = array<i32>} : memref<1024xf32, #tpu.memory_space<vmem>>, vector<16xf32>,
      %swap3A_346 = arith.constant 624 : index
      %swap3A_347 = tpu.vector_load %arg11[%swap3A_346] {strides = array<i32>} : memref<1024xf32, #tpu.memory_space<vmem>>, vector<16xf32>,
      %swap3A_348 = vector.shape_cast %swap3A_347 : vector<16xf32> to vector<16xf32>
      %swap3A_349 = vector.shape_cast %scan3A_316#7 : vector<16xf32> to vector<16xf32>
      tpu.vector_store %arg11[%swap3A_346], %swap3A_349 {strides = array<i32>} : memref<1024xf32, #tpu.memory_space<vmem>>, vector<16xf32>,
      %swap3A_350 = arith.constant 640 : index
      %swap3A_351 = tpu.vector_load %arg11[%swap3A_350] {strides = array<i32>} : memref<1024xf32, #tpu.memory_space<vmem>>, vector<16xf32>,
      %swap3A_352 = vector.shape_cast %swap3A_351 : vector<16xf32> to vector<16xf32>
      %swap3A_353 = vector.shape_cast %scan3A_316#8 : vector<16xf32> to vector<16xf32>
      tpu.vector_store %arg11[%swap3A_350], %swap3A_353 {strides = array<i32>} : memref<1024xf32, #tpu.memory_space<vmem>>, vector<16xf32>,
      %swap3A_354 = arith.constant 656 : index
      %swap3A_355 = tpu.vector_load %arg11[%swap3A_354] {strides = array<i32>} : memref<1024xf32, #tpu.memory_space<vmem>>, vector<16xf32>,
      %swap3A_356 = vector.shape_cast %swap3A_355 : vector<16xf32> to vector<16xf32>
      %swap3A_357 = vector.shape_cast %scan3A_316#9 : vector<16xf32> to vector<16xf32>
      tpu.vector_store %arg11[%swap3A_354], %swap3A_357 {strides = array<i32>} : memref<1024xf32, #tpu.memory_space<vmem>>, vector<16xf32>,
      %swap3A_358 = arith.constant 672 : index
      %swap3A_359 = tpu.vector_load %arg11[%swap3A_358] {strides = array<i32>} : memref<1024xf32, #tpu.memory_space<vmem>>, vector<16xf32>,
      %swap3A_360 = vector.shape_cast %swap3A_359 : vector<16xf32> to vector<16xf32>
      %swap3A_361 = vector.shape_cast %scan3A_316#10 : vector<16xf32> to vector<16xf32>
      tpu.vector_store %arg11[%swap3A_358], %swap3A_361 {strides = array<i32>} : memref<1024xf32, #tpu.memory_space<vmem>>, vector<16xf32>,
      %swap3A_362 = arith.constant 688 : index
      %swap3A_363 = tpu.vector_load %arg11[%swap3A_362] {strides = array<i32>} : memref<1024xf32, #tpu.memory_space<vmem>>, vector<16xf32>,
      %swap3A_364 = vector.shape_cast %swap3A_363 : vector<16xf32> to vector<16xf32>
      %swap3A_365 = vector.shape_cast %scan3A_316#11 : vector<16xf32> to vector<16xf32>
      tpu.vector_store %arg11[%swap3A_362], %swap3A_365 {strides = array<i32>} : memref<1024xf32, #tpu.memory_space<vmem>>, vector<16xf32>,
      %swap3A_366 = arith.constant 704 : index
      %swap3A_367 = tpu.vector_load %arg11[%swap3A_366] {strides = array<i32>} : memref<1024xf32, #tpu.memory_space<vmem>>, vector<16xf32>,
      %swap3A_368 = vector.shape_cast %swap3A_367 : vector<16xf32> to vector<16xf32>
      %swap3A_369 = vector.shape_cast %scan3A_316#12 : vector<16xf32> to vector<16xf32>
      tpu.vector_store %arg11[%swap3A_366], %swap3A_369 {strides = array<i32>} : memref<1024xf32, #tpu.memory_space<vmem>>, vector<16xf32>,
      %swap3A_370 = arith.constant 720 : index
      %swap3A_371 = tpu.vector_load %arg11[%swap3A_370] {strides = array<i32>} : memref<1024xf32, #tpu.memory_space<vmem>>, vector<16xf32>,
      %swap3A_372 = vector.shape_cast %swap3A_371 : vector<16xf32> to vector<16xf32>
      %swap3A_373 = vector.shape_cast %scan3A_316#13 : vector<16xf32> to vector<16xf32>
      tpu.vector_store %arg11[%swap3A_370], %swap3A_373 {strides = array<i32>} : memref<1024xf32, #tpu.memory_space<vmem>>, vector<16xf32>,
      %swap3A_374 = arith.constant 736 : index
      %swap3A_375 = tpu.vector_load %arg11[%swap3A_374] {strides = array<i32>} : memref<1024xf32, #tpu.memory_space<vmem>>, vector<16xf32>,
      %swap3A_376 = vector.shape_cast %swap3A_375 : vector<16xf32> to vector<16xf32>
      %swap3A_377 = vector.shape_cast %scan3A_316#14 : vector<16xf32> to vector<16xf32>
      tpu.vector_store %arg11[%swap3A_374], %swap3A_377 {strides = array<i32>} : memref<1024xf32, #tpu.memory_space<vmem>>, vector<16xf32>,
      %swap3A_378 = arith.constant 752 : index
      %swap3A_379 = tpu.vector_load %arg11[%swap3A_378] {strides = array<i32>} : memref<1024xf32, #tpu.memory_space<vmem>>, vector<16xf32>,
      %swap3A_380 = vector.shape_cast %swap3A_379 : vector<16xf32> to vector<16xf32>
      %swap3A_381 = vector.shape_cast %scan3A_316#15 : vector<16xf32> to vector<16xf32>
      tpu.vector_store %arg11[%swap3A_378], %swap3A_381 {strides = array<i32>} : memref<1024xf32, #tpu.memory_space<vmem>>, vector<16xf32>,
      %broadcast_in_dim3A_382 = arith.constant 0.000000e+00 : f32
      %broadcast_in_dim3A_383 = vector.broadcast %broadcast_in_dim3A_382 : f32 to vector<16xf32>
      %broadcast_in_dim3A_384 = arith.constant 0.000000e+00 : f32
      %broadcast_in_dim3A_385 = vector.broadcast %broadcast_in_dim3A_384 : f32 to vector<16xf32>
      %broadcast_in_dim3A_386 = arith.constant 0.000000e+00 : f32
      %broadcast_in_dim3A_387 = vector.broadcast %broadcast_in_dim3A_386 : f32 to vector<16xf32>
      %broadcast_in_dim3A_388 = arith.constant 0.000000e+00 : f32
      %broadcast_in_dim3A_389 = vector.broadcast %broadcast_in_dim3A_388 : f32 to vector<16xf32>
      %broadcast_in_dim3A_390 = arith.constant 0.000000e+00 : f32
      %broadcast_in_dim3A_391 = vector.broadcast %broadcast_in_dim3A_390 : f32 to vector<16xf32>
      %broadcast_in_dim3A_392 = arith.constant 0.000000e+00 : f32
      %broadcast_in_dim3A_393 = vector.broadcast %broadcast_in_dim3A_392 : f32 to vector<16xf32>
      %broadcast_in_dim3A_394 = arith.constant 0.000000e+00 : f32
      %broadcast_in_dim3A_395 = vector.broadcast %broadcast_in_dim3A_394 : f32 to vector<16xf32>
      %broadcast_in_dim3A_396 = arith.constant 0.000000e+00 : f32
      %broadcast_in_dim3A_397 = vector.broadcast %broadcast_in_dim3A_396 : f32 to vector<16xf32>
      %broadcast_in_dim3A_398 = arith.constant 0.000000e+00 : f32
      %broadcast_in_dim3A_399 = vector.broadcast %broadcast_in_dim3A_398 : f32 to vector<16xf32>
      %broadcast_in_dim3A_400 = arith.constant 0.000000e+00 : f32
      %broadcast_in_dim3A_401 = vector.broadcast %broadcast_in_dim3A_400 : f32 to vector<16xf32>
      %broadcast_in_dim3A_402 = arith.constant 0.000000e+00 : f32
      %broadcast_in_dim3A_403 = vector.broadcast %broadcast_in_dim3A_402 : f32 to vector<16xf32>
      %broadcast_in_dim3A_404 = arith.constant 0.000000e+00 : f32
      %broadcast_in_dim3A_405 = vector.broadcast %broadcast_in_dim3A_404 : f32 to vector<16xf32>
      %broadcast_in_dim3A_406 = arith.constant 0.000000e+00 : f32
      %broadcast_in_dim3A_407 = vector.broadcast %broadcast_in_dim3A_406 : f32 to vector<16xf32>
      %broadcast_in_dim3A_408 = arith.constant 0.000000e+00 : f32
      %broadcast_in_dim3A_409 = vector.broadcast %broadcast_in_dim3A_408 : f32 to vector<16xf32>
      %broadcast_in_dim3A_410 = arith.constant 0.000000e+00 : f32
      %broadcast_in_dim3A_411 = vector.broadcast %broadcast_in_dim3A_410 : f32 to vector<16xf32>
      %broadcast_in_dim3A_412 = arith.constant 0.000000e+00 : f32
      %broadcast_in_dim3A_413 = vector.broadcast %broadcast_in_dim3A_412 : f32 to vector<16xf32>
      %scan3A_414 = arith.constant 0 : i32
      %scan3A_415 = arith.constant 32 : i32
      %scan3A_416 = arith.addi %scan3A_414, %scan3A_415 : i32
      %scan3A_417 = arith.constant 1 : i32
      %scan3A_418:16 = scf.for %scan3A_940 = %scan3A_414 to %scan3A_416 step %scan3A_417 iter_args(%scan3A_941 = %broadcast_in_dim3A_383, %scan3A_942 = %broadcast_in_dim3A_385, %scan3A_943 = %broadcast_in_dim3A_387, %scan3A_944 = %broadcast_in_dim3A_389, %scan3A_945 = %broadcast_in_dim3A_391, %scan3A_946 = %broadcast_in_dim3A_393, %scan3A_947 = %broadcast_in_dim3A_395, %scan3A_948 = %broadcast_in_dim3A_397, %scan3A_949 = %broadcast_in_dim3A_399, %scan3A_950 = %broadcast_in_dim3A_401, %scan3A_951 = %broadcast_in_dim3A_403, %scan3A_952 = %broadcast_in_dim3A_405, %scan3A_953 = %broadcast_in_dim3A_407, %scan3A_954 = %broadcast_in_dim3A_409, %scan3A_955 = %broadcast_in_dim3A_411, %scan3A_956 = %broadcast_in_dim3A_413) -> (vector<16xf32>, vector<16xf32>, vector<16xf32>, vector<16xf32>, vector<16xf32>, vector<16xf32>, vector<16xf32>, vector<16xf32>, vector<16xf32>, vector<16xf32>, vector<16xf32>, vector<16xf32>, vector<16xf32>, vector<16xf32>, vector<16xf32>, vector<16xf32>)  : i32 {
        %get3A = arith.index_cast %scan3A_940 : i32 to index
        %get3A_957 = arith.constant 0 : index
        %get3A_958 = tpu.vector_load %arg9[%get3A, %get3A_957] {strides = array<i32>} : memref<32x16xf32, #tpu.memory_space<vmem>>, vector<1x16xf32>,
        %get3A_959 = vector.shape_cast %get3A_958 : vector<1x16xf32> to vector<16xf32>
        %get3A_960 = arith.index_cast %scan3A_940 : i32 to index
        %get3A_961 = arith.constant 768 : index
        %get3A_962 = tpu.vector_load %arg7[%get3A_960, %get3A_961] {strides = array<i32>} : memref<32x1024xf32, #tpu.memory_space<vmem>>, vector<1x16xf32>,
        %get3A_963 = vector.shape_cast %get3A_962 : vector<1x16xf32> to vector<16xf32>
        %mul3A_964 = arith.mulf %get3A_963, %get3A_959 : vector<16xf32>
        %add3A_965 = arith.addf %scan3A_941, %mul3A_964 : vector<16xf32>
        %get3A_966 = arith.index_cast %scan3A_940 : i32 to index
        %get3A_967 = arith.constant 784 : index
        %get3A_968 = tpu.vector_load %arg7[%get3A_966, %get3A_967] {strides = array<i32>} : memref<32x1024xf32, #tpu.memory_space<vmem>>, vector<1x16xf32>,
        %get3A_969 = vector.shape_cast %get3A_968 : vector<1x16xf32> to vector<16xf32>
        %mul3A_970 = arith.mulf %get3A_969, %get3A_959 : vector<16xf32>
        %add3A_971 = arith.addf %scan3A_942, %mul3A_970 : vector<16xf32>
        %get3A_972 = arith.index_cast %scan3A_940 : i32 to index
        %get3A_973 = arith.constant 800 : index
        %get3A_974 = tpu.vector_load %arg7[%get3A_972, %get3A_973] {strides = array<i32>} : memref<32x1024xf32, #tpu.memory_space<vmem>>, vector<1x16xf32>,
        %get3A_975 = vector.shape_cast %get3A_974 : vector<1x16xf32> to vector<16xf32>
        %mul3A_976 = arith.mulf %get3A_975, %get3A_959 : vector<16xf32>
        %add3A_977 = arith.addf %scan3A_943, %mul3A_976 : vector<16xf32>
        %get3A_978 = arith.index_cast %scan3A_940 : i32 to index
        %get3A_979 = arith.constant 816 : index
        %get3A_980 = tpu.vector_load %arg7[%get3A_978, %get3A_979] {strides = array<i32>} : memref<32x1024xf32, #tpu.memory_space<vmem>>, vector<1x16xf32>,
        %get3A_981 = vector.shape_cast %get3A_980 : vector<1x16xf32> to vector<16xf32>
        %mul3A_982 = arith.mulf %get3A_981, %get3A_959 : vector<16xf32>
        %add3A_983 = arith.addf %scan3A_944, %mul3A_982 : vector<16xf32>
        %get3A_984 = arith.index_cast %scan3A_940 : i32 to index
        %get3A_985 = arith.constant 832 : index
        %get3A_986 = tpu.vector_load %arg7[%get3A_984, %get3A_985] {strides = array<i32>} : memref<32x1024xf32, #tpu.memory_space<vmem>>, vector<1x16xf32>,
        %get3A_987 = vector.shape_cast %get3A_986 : vector<1x16xf32> to vector<16xf32>
        %mul3A_988 = arith.mulf %get3A_987, %get3A_959 : vector<16xf32>
        %add3A_989 = arith.addf %scan3A_945, %mul3A_988 : vector<16xf32>
        %get3A_990 = arith.index_cast %scan3A_940 : i32 to index
        %get3A_991 = arith.constant 848 : index
        %get3A_992 = tpu.vector_load %arg7[%get3A_990, %get3A_991] {strides = array<i32>} : memref<32x1024xf32, #tpu.memory_space<vmem>>, vector<1x16xf32>,
        %get3A_993 = vector.shape_cast %get3A_992 : vector<1x16xf32> to vector<16xf32>
        %mul3A_994 = arith.mulf %get3A_993, %get3A_959 : vector<16xf32>
        %add3A_995 = arith.addf %scan3A_946, %mul3A_994 : vector<16xf32>
        %get3A_996 = arith.index_cast %scan3A_940 : i32 to index
        %get3A_997 = arith.constant 864 : index
        %get3A_998 = tpu.vector_load %arg7[%get3A_996, %get3A_997] {strides = array<i32>} : memref<32x1024xf32, #tpu.memory_space<vmem>>, vector<1x16xf32>,
        %get3A_999 = vector.shape_cast %get3A_998 : vector<1x16xf32> to vector<16xf32>
        %mul3A_1000 = arith.mulf %get3A_999, %get3A_959 : vector<16xf32>
        %add3A_1001 = arith.addf %scan3A_947, %mul3A_1000 : vector<16xf32>
        %get3A_1002 = arith.index_cast %scan3A_940 : i32 to index
        %get3A_1003 = arith.constant 880 : index
        %get3A_1004 = tpu.vector_load %arg7[%get3A_1002, %get3A_1003] {strides = array<i32>} : memref<32x1024xf32, #tpu.memory_space<vmem>>, vector<1x16xf32>,
        %get3A_1005 = vector.shape_cast %get3A_1004 : vector<1x16xf32> to vector<16xf32>
        %mul3A_1006 = arith.mulf %get3A_1005, %get3A_959 : vector<16xf32>
        %add3A_1007 = arith.addf %scan3A_948, %mul3A_1006 : vector<16xf32>
        %get3A_1008 = arith.index_cast %scan3A_940 : i32 to index
        %get3A_1009 = arith.constant 896 : index
        %get3A_1010 = tpu.vector_load %arg7[%get3A_1008, %get3A_1009] {strides = array<i32>} : memref<32x1024xf32, #tpu.memory_space<vmem>>, vector<1x16xf32>,
        %get3A_1011 = vector.shape_cast %get3A_1010 : vector<1x16xf32> to vector<16xf32>
        %mul3A_1012 = arith.mulf %get3A_1011, %get3A_959 : vector<16xf32>
        %add3A_1013 = arith.addf %scan3A_949, %mul3A_1012 : vector<16xf32>
        %get3A_1014 = arith.index_cast %scan3A_940 : i32 to index
        %get3A_1015 = arith.constant 912 : index
        %get3A_1016 = tpu.vector_load %arg7[%get3A_1014, %get3A_1015] {strides = array<i32>} : memref<32x1024xf32, #tpu.memory_space<vmem>>, vector<1x16xf32>,
        %get3A_1017 = vector.shape_cast %get3A_1016 : vector<1x16xf32> to vector<16xf32>
        %mul3A_1018 = arith.mulf %get3A_1017, %get3A_959 : vector<16xf32>
        %add3A_1019 = arith.addf %scan3A_950, %mul3A_1018 : vector<16xf32>
        %get3A_1020 = arith.index_cast %scan3A_940 : i32 to index
        %get3A_1021 = arith.constant 928 : index
        %get3A_1022 = tpu.vector_load %arg7[%get3A_1020, %get3A_1021] {strides = array<i32>} : memref<32x1024xf32, #tpu.memory_space<vmem>>, vector<1x16xf32>,
        %get3A_1023 = vector.shape_cast %get3A_1022 : vector<1x16xf32> to vector<16xf32>
        %mul3A_1024 = arith.mulf %get3A_1023, %get3A_959 : vector<16xf32>
        %add3A_1025 = arith.addf %scan3A_951, %mul3A_1024 : vector<16xf32>
        %get3A_1026 = arith.index_cast %scan3A_940 : i32 to index
        %get3A_1027 = arith.constant 944 : index
        %get3A_1028 = tpu.vector_load %arg7[%get3A_1026, %get3A_1027] {strides = array<i32>} : memref<32x1024xf32, #tpu.memory_space<vmem>>, vector<1x16xf32>,
        %get3A_1029 = vector.shape_cast %get3A_1028 : vector<1x16xf32> to vector<16xf32>
        %mul3A_1030 = arith.mulf %get3A_1029, %get3A_959 : vector<16xf32>
        %add3A_1031 = arith.addf %scan3A_952, %mul3A_1030 : vector<16xf32>
        %get3A_1032 = arith.index_cast %scan3A_940 : i32 to index
        %get3A_1033 = arith.constant 960 : index
        %get3A_1034 = tpu.vector_load %arg7[%get3A_1032, %get3A_1033] {strides = array<i32>} : memref<32x1024xf32, #tpu.memory_space<vmem>>, vector<1x16xf32>,
        %get3A_1035 = vector.shape_cast %get3A_1034 : vector<1x16xf32> to vector<16xf32>
        %mul3A_1036 = arith.mulf %get3A_1035, %get3A_959 : vector<16xf32>
        %add3A_1037 = arith.addf %scan3A_953, %mul3A_1036 : vector<16xf32>
        %get3A_1038 = arith.index_cast %scan3A_940 : i32 to index
        %get3A_1039 = arith.constant 976 : index
        %get3A_1040 = tpu.vector_load %arg7[%get3A_1038, %get3A_1039] {strides = array<i32>} : memref<32x1024xf32, #tpu.memory_space<vmem>>, vector<1x16xf32>,
        %get3A_1041 = vector.shape_cast %get3A_1040 : vector<1x16xf32> to vector<16xf32>
        %mul3A_1042 = arith.mulf %get3A_1041, %get3A_959 : vector<16xf32>
        %add3A_1043 = arith.addf %scan3A_954, %mul3A_1042 : vector<16xf32>
        %get3A_1044 = arith.index_cast %scan3A_940 : i32 to index
        %get3A_1045 = arith.constant 992 : index
        %get3A_1046 = tpu.vector_load %arg7[%get3A_1044, %get3A_1045] {strides = array<i32>} : memref<32x1024xf32, #tpu.memory_space<vmem>>, vector<1x16xf32>,
        %get3A_1047 = vector.shape_cast %get3A_1046 : vector<1x16xf32> to vector<16xf32>
        %mul3A_1048 = arith.mulf %get3A_1047, %get3A_959 : vector<16xf32>
        %add3A_1049 = arith.addf %scan3A_955, %mul3A_1048 : vector<16xf32>
        %get3A_1050 = arith.index_cast %scan3A_940 : i32 to index
        %get3A_1051 = arith.constant 1008 : index
        %get3A_1052 = tpu.vector_load %arg7[%get3A_1050, %get3A_1051] {strides = array<i32>} : memref<32x1024xf32, #tpu.memory_space<vmem>>, vector<1x16xf32>,
        %get3A_1053 = vector.shape_cast %get3A_1052 : vector<1x16xf32> to vector<16xf32>
        %mul3A_1054 = arith.mulf %get3A_1053, %get3A_959 : vector<16xf32>
        %add3A_1055 = arith.addf %scan3A_956, %mul3A_1054 : vector<16xf32>
        scf.yield %add3A_965, %add3A_971, %add3A_977, %add3A_983, %add3A_989, %add3A_995, %add3A_1001, %add3A_1007, %add3A_1013, %add3A_1019, %add3A_1025, %add3A_1031, %add3A_1037, %add3A_1043, %add3A_1049, %add3A_1055 : vector<16xf32>, vector<16xf32>, vector<16xf32>, vector<16xf32>, vector<16xf32>, vector<16xf32>, vector<16xf32>, vector<16xf32>, vector<16xf32>, vector<16xf32>, vector<16xf32>, vector<16xf32>, vector<16xf32>, vector<16xf32>, vector<16xf32>, vector<16xf32>
      }
      %scan3A_419 = arith.constant 32 : i32
      %swap3A_420 = arith.constant 768 : index
      %swap3A_421 = tpu.vector_load %arg11[%swap3A_420] {strides = array<i32>} : memref<1024xf32, #tpu.memory_space<vmem>>, vector<16xf32>,
      %swap3A_422 = vector.shape_cast %swap3A_421 : vector<16xf32> to vector<16xf32>
      %swap3A_423 = vector.shape_cast %scan3A_418#0 : vector<16xf32> to vector<16xf32>
      tpu.vector_store %arg11[%swap3A_420], %swap3A_423 {strides = array<i32>} : memref<1024xf32, #tpu.memory_space<vmem>>, vector<16xf32>,
      %swap3A_424 = arith.constant 784 : index
      %swap3A_425 = tpu.vector_load %arg11[%swap3A_424] {strides = array<i32>} : memref<1024xf32, #tpu.memory_space<vmem>>, vector<16xf32>,
      %swap3A_426 = vector.shape_cast %swap3A_425 : vector<16xf32> to vector<16xf32>
      %swap3A_427 = vector.shape_cast %scan3A_418#1 : vector<16xf32> to vector<16xf32>
      tpu.vector_store %arg11[%swap3A_424], %swap3A_427 {strides = array<i32>} : memref<1024xf32, #tpu.memory_space<vmem>>, vector<16xf32>,
      %swap3A_428 = arith.constant 800 : index
      %swap3A_429 = tpu.vector_load %arg11[%swap3A_428] {strides = array<i32>} : memref<1024xf32, #tpu.memory_space<vmem>>, vector<16xf32>,
      %swap3A_430 = vector.shape_cast %swap3A_429 : vector<16xf32> to vector<16xf32>
      %swap3A_431 = vector.shape_cast %scan3A_418#2 : vector<16xf32> to vector<16xf32>
      tpu.vector_store %arg11[%swap3A_428], %swap3A_431 {strides = array<i32>} : memref<1024xf32, #tpu.memory_space<vmem>>, vector<16xf32>,
      %swap3A_432 = arith.constant 816 : index
      %swap3A_433 = tpu.vector_load %arg11[%swap3A_432] {strides = array<i32>} : memref<1024xf32, #tpu.memory_space<vmem>>, vector<16xf32>,
      %swap3A_434 = vector.shape_cast %swap3A_433 : vector<16xf32> to vector<16xf32>
      %swap3A_435 = vector.shape_cast %scan3A_418#3 : vector<16xf32> to vector<16xf32>
      tpu.vector_store %arg11[%swap3A_432], %swap3A_435 {strides = array<i32>} : memref<1024xf32, #tpu.memory_space<vmem>>, vector<16xf32>,
      %swap3A_436 = arith.constant 832 : index
      %swap3A_437 = tpu.vector_load %arg11[%swap3A_436] {strides = array<i32>} : memref<1024xf32, #tpu.memory_space<vmem>>, vector<16xf32>,
      %swap3A_438 = vector.shape_cast %swap3A_437 : vector<16xf32> to vector<16xf32>
      %swap3A_439 = vector.shape_cast %scan3A_418#4 : vector<16xf32> to vector<16xf32>
      tpu.vector_store %arg11[%swap3A_436], %swap3A_439 {strides = array<i32>} : memref<1024xf32, #tpu.memory_space<vmem>>, vector<16xf32>,
      %swap3A_440 = arith.constant 848 : index
      %swap3A_441 = tpu.vector_load %arg11[%swap3A_440] {strides = array<i32>} : memref<1024xf32, #tpu.memory_space<vmem>>, vector<16xf32>,
      %swap3A_442 = vector.shape_cast %swap3A_441 : vector<16xf32> to vector<16xf32>
      %swap3A_443 = vector.shape_cast %scan3A_418#5 : vector<16xf32> to vector<16xf32>
      tpu.vector_store %arg11[%swap3A_440], %swap3A_443 {strides = array<i32>} : memref<1024xf32, #tpu.memory_space<vmem>>, vector<16xf32>,
      %swap3A_444 = arith.constant 864 : index
      %swap3A_445 = tpu.vector_load %arg11[%swap3A_444] {strides = array<i32>} : memref<1024xf32, #tpu.memory_space<vmem>>, vector<16xf32>,
      %swap3A_446 = vector.shape_cast %swap3A_445 : vector<16xf32> to vector<16xf32>
      %swap3A_447 = vector.shape_cast %scan3A_418#6 : vector<16xf32> to vector<16xf32>
      tpu.vector_store %arg11[%swap3A_444], %swap3A_447 {strides = array<i32>} : memref<1024xf32, #tpu.memory_space<vmem>>, vector<16xf32>,
      %swap3A_448 = arith.constant 880 : index
      %swap3A_449 = tpu.vector_load %arg11[%swap3A_448] {strides = array<i32>} : memref<1024xf32, #tpu.memory_space<vmem>>, vector<16xf32>,
      %swap3A_450 = vector.shape_cast %swap3A_449 : vector<16xf32> to vector<16xf32>
      %swap3A_451 = vector.shape_cast %scan3A_418#7 : vector<16xf32> to vector<16xf32>
      tpu.vector_store %arg11[%swap3A_448], %swap3A_451 {strides = array<i32>} : memref<1024xf32, #tpu.memory_space<vmem>>, vector<16xf32>,
      %swap3A_452 = arith.constant 896 : index
      %swap3A_453 = tpu.vector_load %arg11[%swap3A_452] {strides = array<i32>} : memref<1024xf32, #tpu.memory_space<vmem>>, vector<16xf32>,
      %swap3A_454 = vector.shape_cast %swap3A_453 : vector<16xf32> to vector<16xf32>
      %swap3A_455 = vector.shape_cast %scan3A_418#8 : vector<16xf32> to vector<16xf32>
      tpu.vector_store %arg11[%swap3A_452], %swap3A_455 {strides = array<i32>} : memref<1024xf32, #tpu.memory_space<vmem>>, vector<16xf32>,
      %swap3A_456 = arith.constant 912 : index
      %swap3A_457 = tpu.vector_load %arg11[%swap3A_456] {strides = array<i32>} : memref<1024xf32, #tpu.memory_space<vmem>>, vector<16xf32>,
      %swap3A_458 = vector.shape_cast %swap3A_457 : vector<16xf32> to vector<16xf32>
      %swap3A_459 = vector.shape_cast %scan3A_418#9 : vector<16xf32> to vector<16xf32>
      tpu.vector_store %arg11[%swap3A_456], %swap3A_459 {strides = array<i32>} : memref<1024xf32, #tpu.memory_space<vmem>>, vector<16xf32>,
      %swap3A_460 = arith.constant 928 : index
      %swap3A_461 = tpu.vector_load %arg11[%swap3A_460] {strides = array<i32>} : memref<1024xf32, #tpu.memory_space<vmem>>, vector<16xf32>,
      %swap3A_462 = vector.shape_cast %swap3A_461 : vector<16xf32> to vector<16xf32>
      %swap3A_463 = vector.shape_cast %scan3A_418#10 : vector<16xf32> to vector<16xf32>
      tpu.vector_store %arg11[%swap3A_460], %swap3A_463 {strides = array<i32>} : memref<1024xf32, #tpu.memory_space<vmem>>, vector<16xf32>,
      %swap3A_464 = arith.constant 944 : index
      %swap3A_465 = tpu.vector_load %arg11[%swap3A_464] {strides = array<i32>} : memref<1024xf32, #tpu.memory_space<vmem>>, vector<16xf32>,
      %swap3A_466 = vector.shape_cast %swap3A_465 : vector<16xf32> to vector<16xf32>
      %swap3A_467 = vector.shape_cast %scan3A_418#11 : vector<16xf32> to vector<16xf32>
      tpu.vector_store %arg11[%swap3A_464], %swap3A_467 {strides = array<i32>} : memref<1024xf32, #tpu.memory_space<vmem>>, vector<16xf32>,
      %swap3A_468 = arith.constant 960 : index
      %swap3A_469 = tpu.vector_load %arg11[%swap3A_468] {strides = array<i32>} : memref<1024xf32, #tpu.memory_space<vmem>>, vector<16xf32>,
      %swap3A_470 = vector.shape_cast %swap3A_469 : vector<16xf32> to vector<16xf32>
      %swap3A_471 = vector.shape_cast %scan3A_418#12 : vector<16xf32> to vector<16xf32>
      tpu.vector_store %arg11[%swap3A_468], %swap3A_471 {strides = array<i32>} : memref<1024xf32, #tpu.memory_space<vmem>>, vector<16xf32>,
      %swap3A_472 = arith.constant 976 : index
      %swap3A_473 = tpu.vector_load %arg11[%swap3A_472] {strides = array<i32>} : memref<1024xf32, #tpu.memory_space<vmem>>, vector<16xf32>,
      %swap3A_474 = vector.shape_cast %swap3A_473 : vector<16xf32> to vector<16xf32>
      %swap3A_475 = vector.shape_cast %scan3A_418#13 : vector<16xf32> to vector<16xf32>
      tpu.vector_store %arg11[%swap3A_472], %swap3A_475 {strides = array<i32>} : memref<1024xf32, #tpu.memory_space<vmem>>, vector<16xf32>,
      %swap3A_476 = arith.constant 992 : index
      %swap3A_477 = tpu.vector_load %arg11[%swap3A_476] {strides = array<i32>} : memref<1024xf32, #tpu.memory_space<vmem>>, vector<16xf32>,
      %swap3A_478 = vector.shape_cast %swap3A_477 : vector<16xf32> to vector<16xf32>
      %swap3A_479 = vector.shape_cast %scan3A_418#14 : vector<16xf32> to vector<16xf32>
      tpu.vector_store %arg11[%swap3A_476], %swap3A_479 {strides = array<i32>} : memref<1024xf32, #tpu.memory_space<vmem>>, vector<16xf32>,
      %swap3A_480 = arith.constant 1008 : index
      %swap3A_481 = tpu.vector_load %arg11[%swap3A_480] {strides = array<i32>} : memref<1024xf32, #tpu.memory_space<vmem>>, vector<16xf32>,
      %swap3A_482 = vector.shape_cast %swap3A_481 : vector<16xf32> to vector<16xf32>
      %swap3A_483 = vector.shape_cast %scan3A_418#15 : vector<16xf32> to vector<16xf32>
      tpu.vector_store %arg11[%swap3A_480], %swap3A_483 {strides = array<i32>} : memref<1024xf32, #tpu.memory_space<vmem>>, vector<16xf32>,
      %add3A_484 = arith.addi %mul3A_2, %mul3A_56 : i32
      %dma_start3A_485 = arith.constant 0 : i32
      %dma_start3A_486 = tpu.memref_slice %arg5[%add3A_484, %dma_start3A_485] : memref<4096x1024xf32, #tpu.memory_space<hbm>> -> memref<1x1024xf32, #tpu.memory_space<hbm>>
      %dma_start3A_487 = tpu.memref_squeeze %dma_start3A_486 : memref<1x1024xf32, #tpu.memory_space<hbm>> -> memref<1024xf32, #tpu.memory_space<hbm>>
      %dma_start3A_488 = arith.constant 0 : i32
      %dma_start3A_489 = tpu.memref_slice %arg5[%add3A_484, %dma_start3A_488] : memref<4096x1024xf32, #tpu.memory_space<hbm>> -> memref<1x1024xf32, #tpu.memory_space<hbm>>
      %dma_start3A_490 = tpu.memref_squeeze %dma_start3A_489 : memref<1x1024xf32, #tpu.memory_space<hbm>> -> memref<1024xf32, #tpu.memory_space<hbm>>
      tpu.enqueue_dma source(%arg11 : memref<1024xf32, #tpu.memory_space<vmem>>) target(%dma_start3A_490 : memref<1024xf32, #tpu.memory_space<hbm>>) target_semaphore(%arg17 : memref<!tpu.dma_semaphore, #tpu.memory_space<semaphore_mem>>)
      %add3A_491 = arith.constant 2 : i32
      %add3A_492 = arith.addi %mul3A_56, %add3A_491 : i32
      %lt3A = arith.constant 128 : i32
      %lt3A_493 = arith.cmpi slt, %add3A_492, %lt3A : i32
      %convert_element_type3A_494 = arith.extui %lt3A_493 : i1 to i32
      %cond3A_495 = arith.constant 0 : i32
      %cond3A_496 = arith.cmpi ne, %convert_element_type3A_494, %cond3A_495 : i32
      scf.if %cond3A_496 {
        %add3A_940 = arith.constant 2 : i32
        %add3A_941 = arith.addi %mul3A_56, %add3A_940 : i32
        %dma_start3A_942 = arith.constant 0 : i32
        %dma_start3A_943 = tpu.memref_slice %arg6[%add3A_941, %dma_start3A_942] : memref<128x32xi32, #tpu.memory_space<vmem>> -> memref<1x32xi32, #tpu.memory_space<vmem>>
        %dma_start3A_944 = tpu.memref_squeeze %dma_start3A_943 : memref<1x32xi32, #tpu.memory_space<vmem>> -> memref<32xi32, #tpu.memory_space<vmem>>
        %dma_start3A_945 = arith.constant 0 : i32
        %dma_start3A_946 = arith.constant 0 : i32
        %dma_start3A_947 = tpu.memref_slice %arg2[%dma_start3A_945, %dma_start3A_946] : memref<65536x1024xf32, #tpu.memory_space<hbm>> -> memref<65536x1024xf32, #tpu.memory_space<hbm>>
        tpu.enqueue_indirect_dma source(%dma_start3A_947 : memref<65536x1024xf32, #tpu.memory_space<hbm>>) target(%arg7 : memref<32x1024xf32, #tpu.memory_space<vmem>>) offsets(%dma_start3A_944 : memref<32xi32, #tpu.memory_space<vmem>>) semaphore(%arg13 : memref<!tpu.dma_semaphore, #tpu.memory_space<semaphore_mem>>)
        %add3A_948 = arith.addi %mul3A_2, %add3A_941 : i32
        %dma_start3A_949 = arith.constant 0 : i32
        %dma_start3A_950 = arith.constant 0 : i32
        %dma_start3A_951 = tpu.memref_slice %arg4[%add3A_948, %dma_start3A_949, %dma_start3A_950] : memref<4096x32x16xf32, #tpu.memory_space<hbm>> -> memref<1x32x16xf32, #tpu.memory_space<hbm>>
        %dma_start3A_952 = tpu.memref_squeeze %dma_start3A_951 : memref<1x32x16xf32, #tpu.memory_space<hbm>> -> memref<32x16xf32, #tpu.memory_space<hbm>>
        %dma_start3A_953 = arith.constant 0 : i32
        %dma_start3A_954 = arith.constant 0 : i32
        %dma_start3A_955 = tpu.memref_slice %arg4[%add3A_948, %dma_start3A_953, %dma_start3A_954] : memref<4096x32x16xf32, #tpu.memory_space<hbm>> -> memref<1x32x16xf32, #tpu.memory_space<hbm>>
        %dma_start3A_956 = tpu.memref_squeeze %dma_start3A_955 : memref<1x32x16xf32, #tpu.memory_space<hbm>> -> memref<32x16xf32, #tpu.memory_space<hbm>>
        tpu.enqueue_dma source(%dma_start3A_956 : memref<32x16xf32, #tpu.memory_space<hbm>>) target(%arg9 : memref<32x16xf32, #tpu.memory_space<vmem>>) target_semaphore(%arg15 : memref<!tpu.dma_semaphore, #tpu.memory_space<semaphore_mem>>)
      } else {
      }
      %dma_wait3A_497 = arith.constant 0 : i32
      %dma_wait3A_498 = tpu.memref_slice %arg6[%add3A_60, %dma_wait3A_497] : memref<128x32xi32, #tpu.memory_space<vmem>> -> memref<1x32xi32, #tpu.memory_space<vmem>>
      %dma_wait3A_499 = tpu.memref_squeeze %dma_wait3A_498 : memref<1x32xi32, #tpu.memory_space<vmem>> -> memref<32xi32, #tpu.memory_space<vmem>>
      %dma_wait3A_500 = arith.constant 0 : i32
      %dma_wait3A_501 = arith.constant 0 : i32
      %dma_wait3A_502 = tpu.memref_slice %arg2[%dma_wait3A_500, %dma_wait3A_501] : memref<65536x1024xf32, #tpu.memory_space<hbm>> -> memref<65536x1024xf32, #tpu.memory_space<hbm>>
      tpu.wait_indirect_dma semaphore(%arg14 : memref<!tpu.dma_semaphore, #tpu.memory_space<semaphore_mem>>) src(%dma_wait3A_502 : memref<65536x1024xf32, #tpu.memory_space<hbm>>) dst(%arg8 : memref<32x1024xf32, #tpu.memory_space<vmem>>)
      %add3A_503 = arith.addi %mul3A_2, %add3A_60 : i32
      %dma_wait3A_504 = arith.constant 0 : i32
      %dma_wait3A_505 = arith.constant 0 : i32
      %dma_wait3A_506 = tpu.memref_slice %arg4[%add3A_503, %dma_wait3A_504, %dma_wait3A_505] : memref<4096x32x16xf32, #tpu.memory_space<hbm>> -> memref<1x32x16xf32, #tpu.memory_space<hbm>>
      %dma_wait3A_507 = tpu.memref_squeeze %dma_wait3A_506 : memref<1x32x16xf32, #tpu.memory_space<hbm>> -> memref<32x16xf32, #tpu.memory_space<hbm>>
      %dma_wait3A_508 = arith.constant 0 : i32
      %dma_wait3A_509 = arith.constant 0 : i32
      %dma_wait3A_510 = tpu.memref_slice %arg4[%add3A_503, %dma_wait3A_508, %dma_wait3A_509] : memref<4096x32x16xf32, #tpu.memory_space<hbm>> -> memref<1x32x16xf32, #tpu.memory_space<hbm>>
      %dma_wait3A_511 = tpu.memref_squeeze %dma_wait3A_510 : memref<1x32x16xf32, #tpu.memory_space<hbm>> -> memref<32x16xf32, #tpu.memory_space<hbm>>
      tpu.wait_dma2 semaphore(%arg16 : memref<!tpu.dma_semaphore, #tpu.memory_space<semaphore_mem>>) src(%dma_wait3A_511 : memref<32x16xf32, #tpu.memory_space<hbm>>) dst(%arg10 : memref<32x16xf32, #tpu.memory_space<vmem>>)
      %gt3A_512 = arith.constant 0 : i32
      %gt3A_513 = arith.cmpi sgt, %scan3A_53, %gt3A_512 : i32
      %convert_element_type3A_514 = arith.extui %gt3A_513 : i1 to i32
      %cond3A_515 = arith.constant 0 : i32
      %cond3A_516 = arith.cmpi ne, %convert_element_type3A_514, %cond3A_515 : i32
      scf.if %cond3A_516 {
        %add3A_940 = arith.addi %mul3A_2, %add3A_60 : i32
        %dma_wait3A_941 = arith.constant 0 : i32
        %dma_wait3A_942 = tpu.memref_slice %arg5[%add3A_940, %dma_wait3A_941] : memref<4096x1024xf32, #tpu.memory_space<hbm>> -> memref<1x1024xf32, #tpu.memory_space<hbm>>
        %dma_wait3A_943 = tpu.memref_squeeze %dma_wait3A_942 : memref<1x1024xf32, #tpu.memory_space<hbm>> -> memref<1024xf32, #tpu.memory_space<hbm>>
        %dma_wait3A_944 = arith.constant 0 : i32
        %dma_wait3A_945 = tpu.memref_slice %arg5[%add3A_940, %dma_wait3A_944] : memref<4096x1024xf32, #tpu.memory_space<hbm>> -> memref<1x1024xf32, #tpu.memory_space<hbm>>
        %dma_wait3A_946 = tpu.memref_squeeze %dma_wait3A_945 : memref<1x1024xf32, #tpu.memory_space<hbm>> -> memref<1024xf32, #tpu.memory_space<hbm>>
        tpu.wait_dma2 semaphore(%arg18 : memref<!tpu.dma_semaphore, #tpu.memory_space<semaphore_mem>>) src(%arg12 : memref<1024xf32, #tpu.memory_space<vmem>>) dst(%dma_wait3A_946 : memref<1024xf32, #tpu.memory_space<hbm>>)
      } else {
      }
      %broadcast_in_dim3A_517 = arith.constant 0.000000e+00 : f32
      %broadcast_in_dim3A_518 = vector.broadcast %broadcast_in_dim3A_517 : f32 to vector<16xf32>
      %broadcast_in_dim3A_519 = arith.constant 0.000000e+00 : f32
      %broadcast_in_dim3A_520 = vector.broadcast %broadcast_in_dim3A_519 : f32 to vector<16xf32>
      %broadcast_in_dim3A_521 = arith.constant 0.000000e+00 : f32
      %broadcast_in_dim3A_522 = vector.broadcast %broadcast_in_dim3A_521 : f32 to vector<16xf32>
      %broadcast_in_dim3A_523 = arith.constant 0.000000e+00 : f32
      %broadcast_in_dim3A_524 = vector.broadcast %broadcast_in_dim3A_523 : f32 to vector<16xf32>
      %broadcast_in_dim3A_525 = arith.constant 0.000000e+00 : f32
      %broadcast_in_dim3A_526 = vector.broadcast %broadcast_in_dim3A_525 : f32 to vector<16xf32>
      %broadcast_in_dim3A_527 = arith.constant 0.000000e+00 : f32
      %broadcast_in_dim3A_528 = vector.broadcast %broadcast_in_dim3A_527 : f32 to vector<16xf32>
      %broadcast_in_dim3A_529 = arith.constant 0.000000e+00 : f32
      %broadcast_in_dim3A_530 = vector.broadcast %broadcast_in_dim3A_529 : f32 to vector<16xf32>
      %broadcast_in_dim3A_531 = arith.constant 0.000000e+00 : f32
      %broadcast_in_dim3A_532 = vector.broadcast %broadcast_in_dim3A_531 : f32 to vector<16xf32>
      %broadcast_in_dim3A_533 = arith.constant 0.000000e+00 : f32
      %broadcast_in_dim3A_534 = vector.broadcast %broadcast_in_dim3A_533 : f32 to vector<16xf32>
      %broadcast_in_dim3A_535 = arith.constant 0.000000e+00 : f32
      %broadcast_in_dim3A_536 = vector.broadcast %broadcast_in_dim3A_535 : f32 to vector<16xf32>
      %broadcast_in_dim3A_537 = arith.constant 0.000000e+00 : f32
      %broadcast_in_dim3A_538 = vector.broadcast %broadcast_in_dim3A_537 : f32 to vector<16xf32>
      %broadcast_in_dim3A_539 = arith.constant 0.000000e+00 : f32
      %broadcast_in_dim3A_540 = vector.broadcast %broadcast_in_dim3A_539 : f32 to vector<16xf32>
      %broadcast_in_dim3A_541 = arith.constant 0.000000e+00 : f32
      %broadcast_in_dim3A_542 = vector.broadcast %broadcast_in_dim3A_541 : f32 to vector<16xf32>
      %broadcast_in_dim3A_543 = arith.constant 0.000000e+00 : f32
      %broadcast_in_dim3A_544 = vector.broadcast %broadcast_in_dim3A_543 : f32 to vector<16xf32>
      %broadcast_in_dim3A_545 = arith.constant 0.000000e+00 : f32
      %broadcast_in_dim3A_546 = vector.broadcast %broadcast_in_dim3A_545 : f32 to vector<16xf32>
      %broadcast_in_dim3A_547 = arith.constant 0.000000e+00 : f32
      %broadcast_in_dim3A_548 = vector.broadcast %broadcast_in_dim3A_547 : f32 to vector<16xf32>
      %scan3A_549 = arith.constant 0 : i32
      %scan3A_550 = arith.constant 32 : i32
      %scan3A_551 = arith.addi %scan3A_549, %scan3A_550 : i32
      %scan3A_552 = arith.constant 1 : i32
      %scan3A_553:16 = scf.for %scan3A_940 = %scan3A_549 to %scan3A_551 step %scan3A_552 iter_args(%scan3A_941 = %broadcast_in_dim3A_518, %scan3A_942 = %broadcast_in_dim3A_520, %scan3A_943 = %broadcast_in_dim3A_522, %scan3A_944 = %broadcast_in_dim3A_524, %scan3A_945 = %broadcast_in_dim3A_526, %scan3A_946 = %broadcast_in_dim3A_528, %scan3A_947 = %broadcast_in_dim3A_530, %scan3A_948 = %broadcast_in_dim3A_532, %scan3A_949 = %broadcast_in_dim3A_534, %scan3A_950 = %broadcast_in_dim3A_536, %scan3A_951 = %broadcast_in_dim3A_538, %scan3A_952 = %broadcast_in_dim3A_540, %scan3A_953 = %broadcast_in_dim3A_542, %scan3A_954 = %broadcast_in_dim3A_544, %scan3A_955 = %broadcast_in_dim3A_546, %scan3A_956 = %broadcast_in_dim3A_548) -> (vector<16xf32>, vector<16xf32>, vector<16xf32>, vector<16xf32>, vector<16xf32>, vector<16xf32>, vector<16xf32>, vector<16xf32>, vector<16xf32>, vector<16xf32>, vector<16xf32>, vector<16xf32>, vector<16xf32>, vector<16xf32>, vector<16xf32>, vector<16xf32>)  : i32 {
        %get3A = arith.index_cast %scan3A_940 : i32 to index
        %get3A_957 = arith.constant 0 : index
        %get3A_958 = tpu.vector_load %arg10[%get3A, %get3A_957] {strides = array<i32>} : memref<32x16xf32, #tpu.memory_space<vmem>>, vector<1x16xf32>,
        %get3A_959 = vector.shape_cast %get3A_958 : vector<1x16xf32> to vector<16xf32>
        %get3A_960 = arith.index_cast %scan3A_940 : i32 to index
        %get3A_961 = arith.constant 0 : index
        %get3A_962 = tpu.vector_load %arg8[%get3A_960, %get3A_961] {strides = array<i32>} : memref<32x1024xf32, #tpu.memory_space<vmem>>, vector<1x16xf32>,
        %get3A_963 = vector.shape_cast %get3A_962 : vector<1x16xf32> to vector<16xf32>
        %mul3A_964 = arith.mulf %get3A_963, %get3A_959 : vector<16xf32>
        %add3A_965 = arith.addf %scan3A_941, %mul3A_964 : vector<16xf32>
        %get3A_966 = arith.index_cast %scan3A_940 : i32 to index
        %get3A_967 = arith.constant 16 : index
        %get3A_968 = tpu.vector_load %arg8[%get3A_966, %get3A_967] {strides = array<i32>} : memref<32x1024xf32, #tpu.memory_space<vmem>>, vector<1x16xf32>,
        %get3A_969 = vector.shape_cast %get3A_968 : vector<1x16xf32> to vector<16xf32>
        %mul3A_970 = arith.mulf %get3A_969, %get3A_959 : vector<16xf32>
        %add3A_971 = arith.addf %scan3A_942, %mul3A_970 : vector<16xf32>
        %get3A_972 = arith.index_cast %scan3A_940 : i32 to index
        %get3A_973 = arith.constant 32 : index
        %get3A_974 = tpu.vector_load %arg8[%get3A_972, %get3A_973] {strides = array<i32>} : memref<32x1024xf32, #tpu.memory_space<vmem>>, vector<1x16xf32>,
        %get3A_975 = vector.shape_cast %get3A_974 : vector<1x16xf32> to vector<16xf32>
        %mul3A_976 = arith.mulf %get3A_975, %get3A_959 : vector<16xf32>
        %add3A_977 = arith.addf %scan3A_943, %mul3A_976 : vector<16xf32>
        %get3A_978 = arith.index_cast %scan3A_940 : i32 to index
        %get3A_979 = arith.constant 48 : index
        %get3A_980 = tpu.vector_load %arg8[%get3A_978, %get3A_979] {strides = array<i32>} : memref<32x1024xf32, #tpu.memory_space<vmem>>, vector<1x16xf32>,
        %get3A_981 = vector.shape_cast %get3A_980 : vector<1x16xf32> to vector<16xf32>
        %mul3A_982 = arith.mulf %get3A_981, %get3A_959 : vector<16xf32>
        %add3A_983 = arith.addf %scan3A_944, %mul3A_982 : vector<16xf32>
        %get3A_984 = arith.index_cast %scan3A_940 : i32 to index
        %get3A_985 = arith.constant 64 : index
        %get3A_986 = tpu.vector_load %arg8[%get3A_984, %get3A_985] {strides = array<i32>} : memref<32x1024xf32, #tpu.memory_space<vmem>>, vector<1x16xf32>,
        %get3A_987 = vector.shape_cast %get3A_986 : vector<1x16xf32> to vector<16xf32>
        %mul3A_988 = arith.mulf %get3A_987, %get3A_959 : vector<16xf32>
        %add3A_989 = arith.addf %scan3A_945, %mul3A_988 : vector<16xf32>
        %get3A_990 = arith.index_cast %scan3A_940 : i32 to index
        %get3A_991 = arith.constant 80 : index
        %get3A_992 = tpu.vector_load %arg8[%get3A_990, %get3A_991] {strides = array<i32>} : memref<32x1024xf32, #tpu.memory_space<vmem>>, vector<1x16xf32>,
        %get3A_993 = vector.shape_cast %get3A_992 : vector<1x16xf32> to vector<16xf32>
        %mul3A_994 = arith.mulf %get3A_993, %get3A_959 : vector<16xf32>
        %add3A_995 = arith.addf %scan3A_946, %mul3A_994 : vector<16xf32>
        %get3A_996 = arith.index_cast %scan3A_940 : i32 to index
        %get3A_997 = arith.constant 96 : index
        %get3A_998 = tpu.vector_load %arg8[%get3A_996, %get3A_997] {strides = array<i32>} : memref<32x1024xf32, #tpu.memory_space<vmem>>, vector<1x16xf32>,
        %get3A_999 = vector.shape_cast %get3A_998 : vector<1x16xf32> to vector<16xf32>
        %mul3A_1000 = arith.mulf %get3A_999, %get3A_959 : vector<16xf32>
        %add3A_1001 = arith.addf %scan3A_947, %mul3A_1000 : vector<16xf32>
        %get3A_1002 = arith.index_cast %scan3A_940 : i32 to index
        %get3A_1003 = arith.constant 112 : index
        %get3A_1004 = tpu.vector_load %arg8[%get3A_1002, %get3A_1003] {strides = array<i32>} : memref<32x1024xf32, #tpu.memory_space<vmem>>, vector<1x16xf32>,
        %get3A_1005 = vector.shape_cast %get3A_1004 : vector<1x16xf32> to vector<16xf32>
        %mul3A_1006 = arith.mulf %get3A_1005, %get3A_959 : vector<16xf32>
        %add3A_1007 = arith.addf %scan3A_948, %mul3A_1006 : vector<16xf32>
        %get3A_1008 = arith.index_cast %scan3A_940 : i32 to index
        %get3A_1009 = arith.constant 128 : index
        %get3A_1010 = tpu.vector_load %arg8[%get3A_1008, %get3A_1009] {strides = array<i32>} : memref<32x1024xf32, #tpu.memory_space<vmem>>, vector<1x16xf32>,
        %get3A_1011 = vector.shape_cast %get3A_1010 : vector<1x16xf32> to vector<16xf32>
        %mul3A_1012 = arith.mulf %get3A_1011, %get3A_959 : vector<16xf32>
        %add3A_1013 = arith.addf %scan3A_949, %mul3A_1012 : vector<16xf32>
        %get3A_1014 = arith.index_cast %scan3A_940 : i32 to index
        %get3A_1015 = arith.constant 144 : index
        %get3A_1016 = tpu.vector_load %arg8[%get3A_1014, %get3A_1015] {strides = array<i32>} : memref<32x1024xf32, #tpu.memory_space<vmem>>, vector<1x16xf32>,
        %get3A_1017 = vector.shape_cast %get3A_1016 : vector<1x16xf32> to vector<16xf32>
        %mul3A_1018 = arith.mulf %get3A_1017, %get3A_959 : vector<16xf32>
        %add3A_1019 = arith.addf %scan3A_950, %mul3A_1018 : vector<16xf32>
        %get3A_1020 = arith.index_cast %scan3A_940 : i32 to index
        %get3A_1021 = arith.constant 160 : index
        %get3A_1022 = tpu.vector_load %arg8[%get3A_1020, %get3A_1021] {strides = array<i32>} : memref<32x1024xf32, #tpu.memory_space<vmem>>, vector<1x16xf32>,
        %get3A_1023 = vector.shape_cast %get3A_1022 : vector<1x16xf32> to vector<16xf32>
        %mul3A_1024 = arith.mulf %get3A_1023, %get3A_959 : vector<16xf32>
        %add3A_1025 = arith.addf %scan3A_951, %mul3A_1024 : vector<16xf32>
        %get3A_1026 = arith.index_cast %scan3A_940 : i32 to index
        %get3A_1027 = arith.constant 176 : index
        %get3A_1028 = tpu.vector_load %arg8[%get3A_1026, %get3A_1027] {strides = array<i32>} : memref<32x1024xf32, #tpu.memory_space<vmem>>, vector<1x16xf32>,
        %get3A_1029 = vector.shape_cast %get3A_1028 : vector<1x16xf32> to vector<16xf32>
        %mul3A_1030 = arith.mulf %get3A_1029, %get3A_959 : vector<16xf32>
        %add3A_1031 = arith.addf %scan3A_952, %mul3A_1030 : vector<16xf32>
        %get3A_1032 = arith.index_cast %scan3A_940 : i32 to index
        %get3A_1033 = arith.constant 192 : index
        %get3A_1034 = tpu.vector_load %arg8[%get3A_1032, %get3A_1033] {strides = array<i32>} : memref<32x1024xf32, #tpu.memory_space<vmem>>, vector<1x16xf32>,
        %get3A_1035 = vector.shape_cast %get3A_1034 : vector<1x16xf32> to vector<16xf32>
        %mul3A_1036 = arith.mulf %get3A_1035, %get3A_959 : vector<16xf32>
        %add3A_1037 = arith.addf %scan3A_953, %mul3A_1036 : vector<16xf32>
        %get3A_1038 = arith.index_cast %scan3A_940 : i32 to index
        %get3A_1039 = arith.constant 208 : index
        %get3A_1040 = tpu.vector_load %arg8[%get3A_1038, %get3A_1039] {strides = array<i32>} : memref<32x1024xf32, #tpu.memory_space<vmem>>, vector<1x16xf32>,
        %get3A_1041 = vector.shape_cast %get3A_1040 : vector<1x16xf32> to vector<16xf32>
        %mul3A_1042 = arith.mulf %get3A_1041, %get3A_959 : vector<16xf32>
        %add3A_1043 = arith.addf %scan3A_954, %mul3A_1042 : vector<16xf32>
        %get3A_1044 = arith.index_cast %scan3A_940 : i32 to index
        %get3A_1045 = arith.constant 224 : index
        %get3A_1046 = tpu.vector_load %arg8[%get3A_1044, %get3A_1045] {strides = array<i32>} : memref<32x1024xf32, #tpu.memory_space<vmem>>, vector<1x16xf32>,
        %get3A_1047 = vector.shape_cast %get3A_1046 : vector<1x16xf32> to vector<16xf32>
        %mul3A_1048 = arith.mulf %get3A_1047, %get3A_959 : vector<16xf32>
        %add3A_1049 = arith.addf %scan3A_955, %mul3A_1048 : vector<16xf32>
        %get3A_1050 = arith.index_cast %scan3A_940 : i32 to index
        %get3A_1051 = arith.constant 240 : index
        %get3A_1052 = tpu.vector_load %arg8[%get3A_1050, %get3A_1051] {strides = array<i32>} : memref<32x1024xf32, #tpu.memory_space<vmem>>, vector<1x16xf32>,
        %get3A_1053 = vector.shape_cast %get3A_1052 : vector<1x16xf32> to vector<16xf32>
        %mul3A_1054 = arith.mulf %get3A_1053, %get3A_959 : vector<16xf32>
        %add3A_1055 = arith.addf %scan3A_956, %mul3A_1054 : vector<16xf32>
        scf.yield %add3A_965, %add3A_971, %add3A_977, %add3A_983, %add3A_989, %add3A_995, %add3A_1001, %add3A_1007, %add3A_1013, %add3A_1019, %add3A_1025, %add3A_1031, %add3A_1037, %add3A_1043, %add3A_1049, %add3A_1055 : vector<16xf32>, vector<16xf32>, vector<16xf32>, vector<16xf32>, vector<16xf32>, vector<16xf32>, vector<16xf32>, vector<16xf32>, vector<16xf32>, vector<16xf32>, vector<16xf32>, vector<16xf32>, vector<16xf32>, vector<16xf32>, vector<16xf32>, vector<16xf32>
      }
      %scan3A_554 = arith.constant 32 : i32
      %swap3A_555 = arith.constant 0 : index
      %swap3A_556 = tpu.vector_load %arg12[%swap3A_555] {strides = array<i32>} : memref<1024xf32, #tpu.memory_space<vmem>>, vector<16xf32>,
      %swap3A_557 = vector.shape_cast %swap3A_556 : vector<16xf32> to vector<16xf32>
      %swap3A_558 = vector.shape_cast %scan3A_553#0 : vector<16xf32> to vector<16xf32>
      tpu.vector_store %arg12[%swap3A_555], %swap3A_558 {strides = array<i32>} : memref<1024xf32, #tpu.memory_space<vmem>>, vector<16xf32>,
      %swap3A_559 = arith.constant 16 : index
      %swap3A_560 = tpu.vector_load %arg12[%swap3A_559] {strides = array<i32>} : memref<1024xf32, #tpu.memory_space<vmem>>, vector<16xf32>,
      %swap3A_561 = vector.shape_cast %swap3A_560 : vector<16xf32> to vector<16xf32>
      %swap3A_562 = vector.shape_cast %scan3A_553#1 : vector<16xf32> to vector<16xf32>
      tpu.vector_store %arg12[%swap3A_559], %swap3A_562 {strides = array<i32>} : memref<1024xf32, #tpu.memory_space<vmem>>, vector<16xf32>,
      %swap3A_563 = arith.constant 32 : index
      %swap3A_564 = tpu.vector_load %arg12[%swap3A_563] {strides = array<i32>} : memref<1024xf32, #tpu.memory_space<vmem>>, vector<16xf32>,
      %swap3A_565 = vector.shape_cast %swap3A_564 : vector<16xf32> to vector<16xf32>
      %swap3A_566 = vector.shape_cast %scan3A_553#2 : vector<16xf32> to vector<16xf32>
      tpu.vector_store %arg12[%swap3A_563], %swap3A_566 {strides = array<i32>} : memref<1024xf32, #tpu.memory_space<vmem>>, vector<16xf32>,
      %swap3A_567 = arith.constant 48 : index
      %swap3A_568 = tpu.vector_load %arg12[%swap3A_567] {strides = array<i32>} : memref<1024xf32, #tpu.memory_space<vmem>>, vector<16xf32>,
      %swap3A_569 = vector.shape_cast %swap3A_568 : vector<16xf32> to vector<16xf32>
      %swap3A_570 = vector.shape_cast %scan3A_553#3 : vector<16xf32> to vector<16xf32>
      tpu.vector_store %arg12[%swap3A_567], %swap3A_570 {strides = array<i32>} : memref<1024xf32, #tpu.memory_space<vmem>>, vector<16xf32>,
      %swap3A_571 = arith.constant 64 : index
      %swap3A_572 = tpu.vector_load %arg12[%swap3A_571] {strides = array<i32>} : memref<1024xf32, #tpu.memory_space<vmem>>, vector<16xf32>,
      %swap3A_573 = vector.shape_cast %swap3A_572 : vector<16xf32> to vector<16xf32>
      %swap3A_574 = vector.shape_cast %scan3A_553#4 : vector<16xf32> to vector<16xf32>
      tpu.vector_store %arg12[%swap3A_571], %swap3A_574 {strides = array<i32>} : memref<1024xf32, #tpu.memory_space<vmem>>, vector<16xf32>,
      %swap3A_575 = arith.constant 80 : index
      %swap3A_576 = tpu.vector_load %arg12[%swap3A_575] {strides = array<i32>} : memref<1024xf32, #tpu.memory_space<vmem>>, vector<16xf32>,
      %swap3A_577 = vector.shape_cast %swap3A_576 : vector<16xf32> to vector<16xf32>
      %swap3A_578 = vector.shape_cast %scan3A_553#5 : vector<16xf32> to vector<16xf32>
      tpu.vector_store %arg12[%swap3A_575], %swap3A_578 {strides = array<i32>} : memref<1024xf32, #tpu.memory_space<vmem>>, vector<16xf32>,
      %swap3A_579 = arith.constant 96 : index
      %swap3A_580 = tpu.vector_load %arg12[%swap3A_579] {strides = array<i32>} : memref<1024xf32, #tpu.memory_space<vmem>>, vector<16xf32>,
      %swap3A_581 = vector.shape_cast %swap3A_580 : vector<16xf32> to vector<16xf32>
      %swap3A_582 = vector.shape_cast %scan3A_553#6 : vector<16xf32> to vector<16xf32>
      tpu.vector_store %arg12[%swap3A_579], %swap3A_582 {strides = array<i32>} : memref<1024xf32, #tpu.memory_space<vmem>>, vector<16xf32>,
      %swap3A_583 = arith.constant 112 : index
      %swap3A_584 = tpu.vector_load %arg12[%swap3A_583] {strides = array<i32>} : memref<1024xf32, #tpu.memory_space<vmem>>, vector<16xf32>,
      %swap3A_585 = vector.shape_cast %swap3A_584 : vector<16xf32> to vector<16xf32>
      %swap3A_586 = vector.shape_cast %scan3A_553#7 : vector<16xf32> to vector<16xf32>
      tpu.vector_store %arg12[%swap3A_583], %swap3A_586 {strides = array<i32>} : memref<1024xf32, #tpu.memory_space<vmem>>, vector<16xf32>,
      %swap3A_587 = arith.constant 128 : index
      %swap3A_588 = tpu.vector_load %arg12[%swap3A_587] {strides = array<i32>} : memref<1024xf32, #tpu.memory_space<vmem>>, vector<16xf32>,
      %swap3A_589 = vector.shape_cast %swap3A_588 : vector<16xf32> to vector<16xf32>
      %swap3A_590 = vector.shape_cast %scan3A_553#8 : vector<16xf32> to vector<16xf32>
      tpu.vector_store %arg12[%swap3A_587], %swap3A_590 {strides = array<i32>} : memref<1024xf32, #tpu.memory_space<vmem>>, vector<16xf32>,
      %swap3A_591 = arith.constant 144 : index
      %swap3A_592 = tpu.vector_load %arg12[%swap3A_591] {strides = array<i32>} : memref<1024xf32, #tpu.memory_space<vmem>>, vector<16xf32>,
      %swap3A_593 = vector.shape_cast %swap3A_592 : vector<16xf32> to vector<16xf32>
      %swap3A_594 = vector.shape_cast %scan3A_553#9 : vector<16xf32> to vector<16xf32>
      tpu.vector_store %arg12[%swap3A_591], %swap3A_594 {strides = array<i32>} : memref<1024xf32, #tpu.memory_space<vmem>>, vector<16xf32>,
      %swap3A_595 = arith.constant 160 : index
      %swap3A_596 = tpu.vector_load %arg12[%swap3A_595] {strides = array<i32>} : memref<1024xf32, #tpu.memory_space<vmem>>, vector<16xf32>,
      %swap3A_597 = vector.shape_cast %swap3A_596 : vector<16xf32> to vector<16xf32>
      %swap3A_598 = vector.shape_cast %scan3A_553#10 : vector<16xf32> to vector<16xf32>
      tpu.vector_store %arg12[%swap3A_595], %swap3A_598 {strides = array<i32>} : memref<1024xf32, #tpu.memory_space<vmem>>, vector<16xf32>,
      %swap3A_599 = arith.constant 176 : index
      %swap3A_600 = tpu.vector_load %arg12[%swap3A_599] {strides = array<i32>} : memref<1024xf32, #tpu.memory_space<vmem>>, vector<16xf32>,
      %swap3A_601 = vector.shape_cast %swap3A_600 : vector<16xf32> to vector<16xf32>
      %swap3A_602 = vector.shape_cast %scan3A_553#11 : vector<16xf32> to vector<16xf32>
      tpu.vector_store %arg12[%swap3A_599], %swap3A_602 {strides = array<i32>} : memref<1024xf32, #tpu.memory_space<vmem>>, vector<16xf32>,
      %swap3A_603 = arith.constant 192 : index
      %swap3A_604 = tpu.vector_load %arg12[%swap3A_603] {strides = array<i32>} : memref<1024xf32, #tpu.memory_space<vmem>>, vector<16xf32>,
      %swap3A_605 = vector.shape_cast %swap3A_604 : vector<16xf32> to vector<16xf32>
      %swap3A_606 = vector.shape_cast %scan3A_553#12 : vector<16xf32> to vector<16xf32>
      tpu.vector_store %arg12[%swap3A_603], %swap3A_606 {strides = array<i32>} : memref<1024xf32, #tpu.memory_space<vmem>>, vector<16xf32>,
      %swap3A_607 = arith.constant 208 : index
      %swap3A_608 = tpu.vector_load %arg12[%swap3A_607] {strides = array<i32>} : memref<1024xf32, #tpu.memory_space<vmem>>, vector<16xf32>,
      %swap3A_609 = vector.shape_cast %swap3A_608 : vector<16xf32> to vector<16xf32>
      %swap3A_610 = vector.shape_cast %scan3A_553#13 : vector<16xf32> to vector<16xf32>
      tpu.vector_store %arg12[%swap3A_607], %swap3A_610 {strides = array<i32>} : memref<1024xf32, #tpu.memory_space<vmem>>, vector<16xf32>,
      %swap3A_611 = arith.constant 224 : index
      %swap3A_612 = tpu.vector_load %arg12[%swap3A_611] {strides = array<i32>} : memref<1024xf32, #tpu.memory_space<vmem>>, vector<16xf32>,
      %swap3A_613 = vector.shape_cast %swap3A_612 : vector<16xf32> to vector<16xf32>
      %swap3A_614 = vector.shape_cast %scan3A_553#14 : vector<16xf32> to vector<16xf32>
      tpu.vector_store %arg12[%swap3A_611], %swap3A_614 {strides = array<i32>} : memref<1024xf32, #tpu.memory_space<vmem>>, vector<16xf32>,
      %swap3A_615 = arith.constant 240 : index
      %swap3A_616 = tpu.vector_load %arg12[%swap3A_615] {strides = array<i32>} : memref<1024xf32, #tpu.memory_space<vmem>>, vector<16xf32>,
      %swap3A_617 = vector.shape_cast %swap3A_616 : vector<16xf32> to vector<16xf32>
      %swap3A_618 = vector.shape_cast %scan3A_553#15 : vector<16xf32> to vector<16xf32>
      tpu.vector_store %arg12[%swap3A_615], %swap3A_618 {strides = array<i32>} : memref<1024xf32, #tpu.memory_space<vmem>>, vector<16xf32>,
      %broadcast_in_dim3A_619 = arith.constant 0.000000e+00 : f32
      %broadcast_in_dim3A_620 = vector.broadcast %broadcast_in_dim3A_619 : f32 to vector<16xf32>
      %broadcast_in_dim3A_621 = arith.constant 0.000000e+00 : f32
      %broadcast_in_dim3A_622 = vector.broadcast %broadcast_in_dim3A_621 : f32 to vector<16xf32>
      %broadcast_in_dim3A_623 = arith.constant 0.000000e+00 : f32
      %broadcast_in_dim3A_624 = vector.broadcast %broadcast_in_dim3A_623 : f32 to vector<16xf32>
      %broadcast_in_dim3A_625 = arith.constant 0.000000e+00 : f32
      %broadcast_in_dim3A_626 = vector.broadcast %broadcast_in_dim3A_625 : f32 to vector<16xf32>
      %broadcast_in_dim3A_627 = arith.constant 0.000000e+00 : f32
      %broadcast_in_dim3A_628 = vector.broadcast %broadcast_in_dim3A_627 : f32 to vector<16xf32>
      %broadcast_in_dim3A_629 = arith.constant 0.000000e+00 : f32
      %broadcast_in_dim3A_630 = vector.broadcast %broadcast_in_dim3A_629 : f32 to vector<16xf32>
      %broadcast_in_dim3A_631 = arith.constant 0.000000e+00 : f32
      %broadcast_in_dim3A_632 = vector.broadcast %broadcast_in_dim3A_631 : f32 to vector<16xf32>
      %broadcast_in_dim3A_633 = arith.constant 0.000000e+00 : f32
      %broadcast_in_dim3A_634 = vector.broadcast %broadcast_in_dim3A_633 : f32 to vector<16xf32>
      %broadcast_in_dim3A_635 = arith.constant 0.000000e+00 : f32
      %broadcast_in_dim3A_636 = vector.broadcast %broadcast_in_dim3A_635 : f32 to vector<16xf32>
      %broadcast_in_dim3A_637 = arith.constant 0.000000e+00 : f32
      %broadcast_in_dim3A_638 = vector.broadcast %broadcast_in_dim3A_637 : f32 to vector<16xf32>
      %broadcast_in_dim3A_639 = arith.constant 0.000000e+00 : f32
      %broadcast_in_dim3A_640 = vector.broadcast %broadcast_in_dim3A_639 : f32 to vector<16xf32>
      %broadcast_in_dim3A_641 = arith.constant 0.000000e+00 : f32
      %broadcast_in_dim3A_642 = vector.broadcast %broadcast_in_dim3A_641 : f32 to vector<16xf32>
      %broadcast_in_dim3A_643 = arith.constant 0.000000e+00 : f32
      %broadcast_in_dim3A_644 = vector.broadcast %broadcast_in_dim3A_643 : f32 to vector<16xf32>
      %broadcast_in_dim3A_645 = arith.constant 0.000000e+00 : f32
      %broadcast_in_dim3A_646 = vector.broadcast %broadcast_in_dim3A_645 : f32 to vector<16xf32>
      %broadcast_in_dim3A_647 = arith.constant 0.000000e+00 : f32
      %broadcast_in_dim3A_648 = vector.broadcast %broadcast_in_dim3A_647 : f32 to vector<16xf32>
      %broadcast_in_dim3A_649 = arith.constant 0.000000e+00 : f32
      %broadcast_in_dim3A_650 = vector.broadcast %broadcast_in_dim3A_649 : f32 to vector<16xf32>
      %scan3A_651 = arith.constant 0 : i32
      %scan3A_652 = arith.constant 32 : i32
      %scan3A_653 = arith.addi %scan3A_651, %scan3A_652 : i32
      %scan3A_654 = arith.constant 1 : i32
      %scan3A_655:16 = scf.for %scan3A_940 = %scan3A_651 to %scan3A_653 step %scan3A_654 iter_args(%scan3A_941 = %broadcast_in_dim3A_620, %scan3A_942 = %broadcast_in_dim3A_622, %scan3A_943 = %broadcast_in_dim3A_624, %scan3A_944 = %broadcast_in_dim3A_626, %scan3A_945 = %broadcast_in_dim3A_628, %scan3A_946 = %broadcast_in_dim3A_630, %scan3A_947 = %broadcast_in_dim3A_632, %scan3A_948 = %broadcast_in_dim3A_634, %scan3A_949 = %broadcast_in_dim3A_636, %scan3A_950 = %broadcast_in_dim3A_638, %scan3A_951 = %broadcast_in_dim3A_640, %scan3A_952 = %broadcast_in_dim3A_642, %scan3A_953 = %broadcast_in_dim3A_644, %scan3A_954 = %broadcast_in_dim3A_646, %scan3A_955 = %broadcast_in_dim3A_648, %scan3A_956 = %broadcast_in_dim3A_650) -> (vector<16xf32>, vector<16xf32>, vector<16xf32>, vector<16xf32>, vector<16xf32>, vector<16xf32>, vector<16xf32>, vector<16xf32>, vector<16xf32>, vector<16xf32>, vector<16xf32>, vector<16xf32>, vector<16xf32>, vector<16xf32>, vector<16xf32>, vector<16xf32>)  : i32 {
        %get3A = arith.index_cast %scan3A_940 : i32 to index
        %get3A_957 = arith.constant 0 : index
        %get3A_958 = tpu.vector_load %arg10[%get3A, %get3A_957] {strides = array<i32>} : memref<32x16xf32, #tpu.memory_space<vmem>>, vector<1x16xf32>,
        %get3A_959 = vector.shape_cast %get3A_958 : vector<1x16xf32> to vector<16xf32>
        %get3A_960 = arith.index_cast %scan3A_940 : i32 to index
        %get3A_961 = arith.constant 256 : index
        %get3A_962 = tpu.vector_load %arg8[%get3A_960, %get3A_961] {strides = array<i32>} : memref<32x1024xf32, #tpu.memory_space<vmem>>, vector<1x16xf32>,
        %get3A_963 = vector.shape_cast %get3A_962 : vector<1x16xf32> to vector<16xf32>
        %mul3A_964 = arith.mulf %get3A_963, %get3A_959 : vector<16xf32>
        %add3A_965 = arith.addf %scan3A_941, %mul3A_964 : vector<16xf32>
        %get3A_966 = arith.index_cast %scan3A_940 : i32 to index
        %get3A_967 = arith.constant 272 : index
        %get3A_968 = tpu.vector_load %arg8[%get3A_966, %get3A_967] {strides = array<i32>} : memref<32x1024xf32, #tpu.memory_space<vmem>>, vector<1x16xf32>,
        %get3A_969 = vector.shape_cast %get3A_968 : vector<1x16xf32> to vector<16xf32>
        %mul3A_970 = arith.mulf %get3A_969, %get3A_959 : vector<16xf32>
        %add3A_971 = arith.addf %scan3A_942, %mul3A_970 : vector<16xf32>
        %get3A_972 = arith.index_cast %scan3A_940 : i32 to index
        %get3A_973 = arith.constant 288 : index
        %get3A_974 = tpu.vector_load %arg8[%get3A_972, %get3A_973] {strides = array<i32>} : memref<32x1024xf32, #tpu.memory_space<vmem>>, vector<1x16xf32>,
        %get3A_975 = vector.shape_cast %get3A_974 : vector<1x16xf32> to vector<16xf32>
        %mul3A_976 = arith.mulf %get3A_975, %get3A_959 : vector<16xf32>
        %add3A_977 = arith.addf %scan3A_943, %mul3A_976 : vector<16xf32>
        %get3A_978 = arith.index_cast %scan3A_940 : i32 to index
        %get3A_979 = arith.constant 304 : index
        %get3A_980 = tpu.vector_load %arg8[%get3A_978, %get3A_979] {strides = array<i32>} : memref<32x1024xf32, #tpu.memory_space<vmem>>, vector<1x16xf32>,
        %get3A_981 = vector.shape_cast %get3A_980 : vector<1x16xf32> to vector<16xf32>
        %mul3A_982 = arith.mulf %get3A_981, %get3A_959 : vector<16xf32>
        %add3A_983 = arith.addf %scan3A_944, %mul3A_982 : vector<16xf32>
        %get3A_984 = arith.index_cast %scan3A_940 : i32 to index
        %get3A_985 = arith.constant 320 : index
        %get3A_986 = tpu.vector_load %arg8[%get3A_984, %get3A_985] {strides = array<i32>} : memref<32x1024xf32, #tpu.memory_space<vmem>>, vector<1x16xf32>,
        %get3A_987 = vector.shape_cast %get3A_986 : vector<1x16xf32> to vector<16xf32>
        %mul3A_988 = arith.mulf %get3A_987, %get3A_959 : vector<16xf32>
        %add3A_989 = arith.addf %scan3A_945, %mul3A_988 : vector<16xf32>
        %get3A_990 = arith.index_cast %scan3A_940 : i32 to index
        %get3A_991 = arith.constant 336 : index
        %get3A_992 = tpu.vector_load %arg8[%get3A_990, %get3A_991] {strides = array<i32>} : memref<32x1024xf32, #tpu.memory_space<vmem>>, vector<1x16xf32>,
        %get3A_993 = vector.shape_cast %get3A_992 : vector<1x16xf32> to vector<16xf32>
        %mul3A_994 = arith.mulf %get3A_993, %get3A_959 : vector<16xf32>
        %add3A_995 = arith.addf %scan3A_946, %mul3A_994 : vector<16xf32>
        %get3A_996 = arith.index_cast %scan3A_940 : i32 to index
        %get3A_997 = arith.constant 352 : index
        %get3A_998 = tpu.vector_load %arg8[%get3A_996, %get3A_997] {strides = array<i32>} : memref<32x1024xf32, #tpu.memory_space<vmem>>, vector<1x16xf32>,
        %get3A_999 = vector.shape_cast %get3A_998 : vector<1x16xf32> to vector<16xf32>
        %mul3A_1000 = arith.mulf %get3A_999, %get3A_959 : vector<16xf32>
        %add3A_1001 = arith.addf %scan3A_947, %mul3A_1000 : vector<16xf32>
        %get3A_1002 = arith.index_cast %scan3A_940 : i32 to index
        %get3A_1003 = arith.constant 368 : index
        %get3A_1004 = tpu.vector_load %arg8[%get3A_1002, %get3A_1003] {strides = array<i32>} : memref<32x1024xf32, #tpu.memory_space<vmem>>, vector<1x16xf32>,
        %get3A_1005 = vector.shape_cast %get3A_1004 : vector<1x16xf32> to vector<16xf32>
        %mul3A_1006 = arith.mulf %get3A_1005, %get3A_959 : vector<16xf32>
        %add3A_1007 = arith.addf %scan3A_948, %mul3A_1006 : vector<16xf32>
        %get3A_1008 = arith.index_cast %scan3A_940 : i32 to index
        %get3A_1009 = arith.constant 384 : index
        %get3A_1010 = tpu.vector_load %arg8[%get3A_1008, %get3A_1009] {strides = array<i32>} : memref<32x1024xf32, #tpu.memory_space<vmem>>, vector<1x16xf32>,
        %get3A_1011 = vector.shape_cast %get3A_1010 : vector<1x16xf32> to vector<16xf32>
        %mul3A_1012 = arith.mulf %get3A_1011, %get3A_959 : vector<16xf32>
        %add3A_1013 = arith.addf %scan3A_949, %mul3A_1012 : vector<16xf32>
        %get3A_1014 = arith.index_cast %scan3A_940 : i32 to index
        %get3A_1015 = arith.constant 400 : index
        %get3A_1016 = tpu.vector_load %arg8[%get3A_1014, %get3A_1015] {strides = array<i32>} : memref<32x1024xf32, #tpu.memory_space<vmem>>, vector<1x16xf32>,
        %get3A_1017 = vector.shape_cast %get3A_1016 : vector<1x16xf32> to vector<16xf32>
        %mul3A_1018 = arith.mulf %get3A_1017, %get3A_959 : vector<16xf32>
        %add3A_1019 = arith.addf %scan3A_950, %mul3A_1018 : vector<16xf32>
        %get3A_1020 = arith.index_cast %scan3A_940 : i32 to index
        %get3A_1021 = arith.constant 416 : index
        %get3A_1022 = tpu.vector_load %arg8[%get3A_1020, %get3A_1021] {strides = array<i32>} : memref<32x1024xf32, #tpu.memory_space<vmem>>, vector<1x16xf32>,
        %get3A_1023 = vector.shape_cast %get3A_1022 : vector<1x16xf32> to vector<16xf32>
        %mul3A_1024 = arith.mulf %get3A_1023, %get3A_959 : vector<16xf32>
        %add3A_1025 = arith.addf %scan3A_951, %mul3A_1024 : vector<16xf32>
        %get3A_1026 = arith.index_cast %scan3A_940 : i32 to index
        %get3A_1027 = arith.constant 432 : index
        %get3A_1028 = tpu.vector_load %arg8[%get3A_1026, %get3A_1027] {strides = array<i32>} : memref<32x1024xf32, #tpu.memory_space<vmem>>, vector<1x16xf32>,
        %get3A_1029 = vector.shape_cast %get3A_1028 : vector<1x16xf32> to vector<16xf32>
        %mul3A_1030 = arith.mulf %get3A_1029, %get3A_959 : vector<16xf32>
        %add3A_1031 = arith.addf %scan3A_952, %mul3A_1030 : vector<16xf32>
        %get3A_1032 = arith.index_cast %scan3A_940 : i32 to index
        %get3A_1033 = arith.constant 448 : index
        %get3A_1034 = tpu.vector_load %arg8[%get3A_1032, %get3A_1033] {strides = array<i32>} : memref<32x1024xf32, #tpu.memory_space<vmem>>, vector<1x16xf32>,
        %get3A_1035 = vector.shape_cast %get3A_1034 : vector<1x16xf32> to vector<16xf32>
        %mul3A_1036 = arith.mulf %get3A_1035, %get3A_959 : vector<16xf32>
        %add3A_1037 = arith.addf %scan3A_953, %mul3A_1036 : vector<16xf32>
        %get3A_1038 = arith.index_cast %scan3A_940 : i32 to index
        %get3A_1039 = arith.constant 464 : index
        %get3A_1040 = tpu.vector_load %arg8[%get3A_1038, %get3A_1039] {strides = array<i32>} : memref<32x1024xf32, #tpu.memory_space<vmem>>, vector<1x16xf32>,
        %get3A_1041 = vector.shape_cast %get3A_1040 : vector<1x16xf32> to vector<16xf32>
        %mul3A_1042 = arith.mulf %get3A_1041, %get3A_959 : vector<16xf32>
        %add3A_1043 = arith.addf %scan3A_954, %mul3A_1042 : vector<16xf32>
        %get3A_1044 = arith.index_cast %scan3A_940 : i32 to index
        %get3A_1045 = arith.constant 480 : index
        %get3A_1046 = tpu.vector_load %arg8[%get3A_1044, %get3A_1045] {strides = array<i32>} : memref<32x1024xf32, #tpu.memory_space<vmem>>, vector<1x16xf32>,
        %get3A_1047 = vector.shape_cast %get3A_1046 : vector<1x16xf32> to vector<16xf32>
        %mul3A_1048 = arith.mulf %get3A_1047, %get3A_959 : vector<16xf32>
        %add3A_1049 = arith.addf %scan3A_955, %mul3A_1048 : vector<16xf32>
        %get3A_1050 = arith.index_cast %scan3A_940 : i32 to index
        %get3A_1051 = arith.constant 496 : index
        %get3A_1052 = tpu.vector_load %arg8[%get3A_1050, %get3A_1051] {strides = array<i32>} : memref<32x1024xf32, #tpu.memory_space<vmem>>, vector<1x16xf32>,
        %get3A_1053 = vector.shape_cast %get3A_1052 : vector<1x16xf32> to vector<16xf32>
        %mul3A_1054 = arith.mulf %get3A_1053, %get3A_959 : vector<16xf32>
        %add3A_1055 = arith.addf %scan3A_956, %mul3A_1054 : vector<16xf32>
        scf.yield %add3A_965, %add3A_971, %add3A_977, %add3A_983, %add3A_989, %add3A_995, %add3A_1001, %add3A_1007, %add3A_1013, %add3A_1019, %add3A_1025, %add3A_1031, %add3A_1037, %add3A_1043, %add3A_1049, %add3A_1055 : vector<16xf32>, vector<16xf32>, vector<16xf32>, vector<16xf32>, vector<16xf32>, vector<16xf32>, vector<16xf32>, vector<16xf32>, vector<16xf32>, vector<16xf32>, vector<16xf32>, vector<16xf32>, vector<16xf32>, vector<16xf32>, vector<16xf32>, vector<16xf32>
      }
      %scan3A_656 = arith.constant 32 : i32
      %swap3A_657 = arith.constant 256 : index
      %swap3A_658 = tpu.vector_load %arg12[%swap3A_657] {strides = array<i32>} : memref<1024xf32, #tpu.memory_space<vmem>>, vector<16xf32>,
      %swap3A_659 = vector.shape_cast %swap3A_658 : vector<16xf32> to vector<16xf32>
      %swap3A_660 = vector.shape_cast %scan3A_655#0 : vector<16xf32> to vector<16xf32>
      tpu.vector_store %arg12[%swap3A_657], %swap3A_660 {strides = array<i32>} : memref<1024xf32, #tpu.memory_space<vmem>>, vector<16xf32>,
      %swap3A_661 = arith.constant 272 : index
      %swap3A_662 = tpu.vector_load %arg12[%swap3A_661] {strides = array<i32>} : memref<1024xf32, #tpu.memory_space<vmem>>, vector<16xf32>,
      %swap3A_663 = vector.shape_cast %swap3A_662 : vector<16xf32> to vector<16xf32>
      %swap3A_664 = vector.shape_cast %scan3A_655#1 : vector<16xf32> to vector<16xf32>
      tpu.vector_store %arg12[%swap3A_661], %swap3A_664 {strides = array<i32>} : memref<1024xf32, #tpu.memory_space<vmem>>, vector<16xf32>,
      %swap3A_665 = arith.constant 288 : index
      %swap3A_666 = tpu.vector_load %arg12[%swap3A_665] {strides = array<i32>} : memref<1024xf32, #tpu.memory_space<vmem>>, vector<16xf32>,
      %swap3A_667 = vector.shape_cast %swap3A_666 : vector<16xf32> to vector<16xf32>
      %swap3A_668 = vector.shape_cast %scan3A_655#2 : vector<16xf32> to vector<16xf32>
      tpu.vector_store %arg12[%swap3A_665], %swap3A_668 {strides = array<i32>} : memref<1024xf32, #tpu.memory_space<vmem>>, vector<16xf32>,
      %swap3A_669 = arith.constant 304 : index
      %swap3A_670 = tpu.vector_load %arg12[%swap3A_669] {strides = array<i32>} : memref<1024xf32, #tpu.memory_space<vmem>>, vector<16xf32>,
      %swap3A_671 = vector.shape_cast %swap3A_670 : vector<16xf32> to vector<16xf32>
      %swap3A_672 = vector.shape_cast %scan3A_655#3 : vector<16xf32> to vector<16xf32>
      tpu.vector_store %arg12[%swap3A_669], %swap3A_672 {strides = array<i32>} : memref<1024xf32, #tpu.memory_space<vmem>>, vector<16xf32>,
      %swap3A_673 = arith.constant 320 : index
      %swap3A_674 = tpu.vector_load %arg12[%swap3A_673] {strides = array<i32>} : memref<1024xf32, #tpu.memory_space<vmem>>, vector<16xf32>,
      %swap3A_675 = vector.shape_cast %swap3A_674 : vector<16xf32> to vector<16xf32>
      %swap3A_676 = vector.shape_cast %scan3A_655#4 : vector<16xf32> to vector<16xf32>
      tpu.vector_store %arg12[%swap3A_673], %swap3A_676 {strides = array<i32>} : memref<1024xf32, #tpu.memory_space<vmem>>, vector<16xf32>,
      %swap3A_677 = arith.constant 336 : index
      %swap3A_678 = tpu.vector_load %arg12[%swap3A_677] {strides = array<i32>} : memref<1024xf32, #tpu.memory_space<vmem>>, vector<16xf32>,
      %swap3A_679 = vector.shape_cast %swap3A_678 : vector<16xf32> to vector<16xf32>
      %swap3A_680 = vector.shape_cast %scan3A_655#5 : vector<16xf32> to vector<16xf32>
      tpu.vector_store %arg12[%swap3A_677], %swap3A_680 {strides = array<i32>} : memref<1024xf32, #tpu.memory_space<vmem>>, vector<16xf32>,
      %swap3A_681 = arith.constant 352 : index
      %swap3A_682 = tpu.vector_load %arg12[%swap3A_681] {strides = array<i32>} : memref<1024xf32, #tpu.memory_space<vmem>>, vector<16xf32>,
      %swap3A_683 = vector.shape_cast %swap3A_682 : vector<16xf32> to vector<16xf32>
      %swap3A_684 = vector.shape_cast %scan3A_655#6 : vector<16xf32> to vector<16xf32>
      tpu.vector_store %arg12[%swap3A_681], %swap3A_684 {strides = array<i32>} : memref<1024xf32, #tpu.memory_space<vmem>>, vector<16xf32>,
      %swap3A_685 = arith.constant 368 : index
      %swap3A_686 = tpu.vector_load %arg12[%swap3A_685] {strides = array<i32>} : memref<1024xf32, #tpu.memory_space<vmem>>, vector<16xf32>,
      %swap3A_687 = vector.shape_cast %swap3A_686 : vector<16xf32> to vector<16xf32>
      %swap3A_688 = vector.shape_cast %scan3A_655#7 : vector<16xf32> to vector<16xf32>
      tpu.vector_store %arg12[%swap3A_685], %swap3A_688 {strides = array<i32>} : memref<1024xf32, #tpu.memory_space<vmem>>, vector<16xf32>,
      %swap3A_689 = arith.constant 384 : index
      %swap3A_690 = tpu.vector_load %arg12[%swap3A_689] {strides = array<i32>} : memref<1024xf32, #tpu.memory_space<vmem>>, vector<16xf32>,
      %swap3A_691 = vector.shape_cast %swap3A_690 : vector<16xf32> to vector<16xf32>
      %swap3A_692 = vector.shape_cast %scan3A_655#8 : vector<16xf32> to vector<16xf32>
      tpu.vector_store %arg12[%swap3A_689], %swap3A_692 {strides = array<i32>} : memref<1024xf32, #tpu.memory_space<vmem>>, vector<16xf32>,
      %swap3A_693 = arith.constant 400 : index
      %swap3A_694 = tpu.vector_load %arg12[%swap3A_693] {strides = array<i32>} : memref<1024xf32, #tpu.memory_space<vmem>>, vector<16xf32>,
      %swap3A_695 = vector.shape_cast %swap3A_694 : vector<16xf32> to vector<16xf32>
      %swap3A_696 = vector.shape_cast %scan3A_655#9 : vector<16xf32> to vector<16xf32>
      tpu.vector_store %arg12[%swap3A_693], %swap3A_696 {strides = array<i32>} : memref<1024xf32, #tpu.memory_space<vmem>>, vector<16xf32>,
      %swap3A_697 = arith.constant 416 : index
      %swap3A_698 = tpu.vector_load %arg12[%swap3A_697] {strides = array<i32>} : memref<1024xf32, #tpu.memory_space<vmem>>, vector<16xf32>,
      %swap3A_699 = vector.shape_cast %swap3A_698 : vector<16xf32> to vector<16xf32>
      %swap3A_700 = vector.shape_cast %scan3A_655#10 : vector<16xf32> to vector<16xf32>
      tpu.vector_store %arg12[%swap3A_697], %swap3A_700 {strides = array<i32>} : memref<1024xf32, #tpu.memory_space<vmem>>, vector<16xf32>,
      %swap3A_701 = arith.constant 432 : index
      %swap3A_702 = tpu.vector_load %arg12[%swap3A_701] {strides = array<i32>} : memref<1024xf32, #tpu.memory_space<vmem>>, vector<16xf32>,
      %swap3A_703 = vector.shape_cast %swap3A_702 : vector<16xf32> to vector<16xf32>
      %swap3A_704 = vector.shape_cast %scan3A_655#11 : vector<16xf32> to vector<16xf32>
      tpu.vector_store %arg12[%swap3A_701], %swap3A_704 {strides = array<i32>} : memref<1024xf32, #tpu.memory_space<vmem>>, vector<16xf32>,
      %swap3A_705 = arith.constant 448 : index
      %swap3A_706 = tpu.vector_load %arg12[%swap3A_705] {strides = array<i32>} : memref<1024xf32, #tpu.memory_space<vmem>>, vector<16xf32>,
      %swap3A_707 = vector.shape_cast %swap3A_706 : vector<16xf32> to vector<16xf32>
      %swap3A_708 = vector.shape_cast %scan3A_655#12 : vector<16xf32> to vector<16xf32>
      tpu.vector_store %arg12[%swap3A_705], %swap3A_708 {strides = array<i32>} : memref<1024xf32, #tpu.memory_space<vmem>>, vector<16xf32>,
      %swap3A_709 = arith.constant 464 : index
      %swap3A_710 = tpu.vector_load %arg12[%swap3A_709] {strides = array<i32>} : memref<1024xf32, #tpu.memory_space<vmem>>, vector<16xf32>,
      %swap3A_711 = vector.shape_cast %swap3A_710 : vector<16xf32> to vector<16xf32>
      %swap3A_712 = vector.shape_cast %scan3A_655#13 : vector<16xf32> to vector<16xf32>
      tpu.vector_store %arg12[%swap3A_709], %swap3A_712 {strides = array<i32>} : memref<1024xf32, #tpu.memory_space<vmem>>, vector<16xf32>,
      %swap3A_713 = arith.constant 480 : index
      %swap3A_714 = tpu.vector_load %arg12[%swap3A_713] {strides = array<i32>} : memref<1024xf32, #tpu.memory_space<vmem>>, vector<16xf32>,
      %swap3A_715 = vector.shape_cast %swap3A_714 : vector<16xf32> to vector<16xf32>
      %swap3A_716 = vector.shape_cast %scan3A_655#14 : vector<16xf32> to vector<16xf32>
      tpu.vector_store %arg12[%swap3A_713], %swap3A_716 {strides = array<i32>} : memref<1024xf32, #tpu.memory_space<vmem>>, vector<16xf32>,
      %swap3A_717 = arith.constant 496 : index
      %swap3A_718 = tpu.vector_load %arg12[%swap3A_717] {strides = array<i32>} : memref<1024xf32, #tpu.memory_space<vmem>>, vector<16xf32>,
      %swap3A_719 = vector.shape_cast %swap3A_718 : vector<16xf32> to vector<16xf32>
      %swap3A_720 = vector.shape_cast %scan3A_655#15 : vector<16xf32> to vector<16xf32>
      tpu.vector_store %arg12[%swap3A_717], %swap3A_720 {strides = array<i32>} : memref<1024xf32, #tpu.memory_space<vmem>>, vector<16xf32>,
      %broadcast_in_dim3A_721 = arith.constant 0.000000e+00 : f32
      %broadcast_in_dim3A_722 = vector.broadcast %broadcast_in_dim3A_721 : f32 to vector<16xf32>
      %broadcast_in_dim3A_723 = arith.constant 0.000000e+00 : f32
      %broadcast_in_dim3A_724 = vector.broadcast %broadcast_in_dim3A_723 : f32 to vector<16xf32>
      %broadcast_in_dim3A_725 = arith.constant 0.000000e+00 : f32
      %broadcast_in_dim3A_726 = vector.broadcast %broadcast_in_dim3A_725 : f32 to vector<16xf32>
      %broadcast_in_dim3A_727 = arith.constant 0.000000e+00 : f32
      %broadcast_in_dim3A_728 = vector.broadcast %broadcast_in_dim3A_727 : f32 to vector<16xf32>
      %broadcast_in_dim3A_729 = arith.constant 0.000000e+00 : f32
      %broadcast_in_dim3A_730 = vector.broadcast %broadcast_in_dim3A_729 : f32 to vector<16xf32>
      %broadcast_in_dim3A_731 = arith.constant 0.000000e+00 : f32
      %broadcast_in_dim3A_732 = vector.broadcast %broadcast_in_dim3A_731 : f32 to vector<16xf32>
      %broadcast_in_dim3A_733 = arith.constant 0.000000e+00 : f32
      %broadcast_in_dim3A_734 = vector.broadcast %broadcast_in_dim3A_733 : f32 to vector<16xf32>
      %broadcast_in_dim3A_735 = arith.constant 0.000000e+00 : f32
      %broadcast_in_dim3A_736 = vector.broadcast %broadcast_in_dim3A_735 : f32 to vector<16xf32>
      %broadcast_in_dim3A_737 = arith.constant 0.000000e+00 : f32
      %broadcast_in_dim3A_738 = vector.broadcast %broadcast_in_dim3A_737 : f32 to vector<16xf32>
      %broadcast_in_dim3A_739 = arith.constant 0.000000e+00 : f32
      %broadcast_in_dim3A_740 = vector.broadcast %broadcast_in_dim3A_739 : f32 to vector<16xf32>
      %broadcast_in_dim3A_741 = arith.constant 0.000000e+00 : f32
      %broadcast_in_dim3A_742 = vector.broadcast %broadcast_in_dim3A_741 : f32 to vector<16xf32>
      %broadcast_in_dim3A_743 = arith.constant 0.000000e+00 : f32
      %broadcast_in_dim3A_744 = vector.broadcast %broadcast_in_dim3A_743 : f32 to vector<16xf32>
      %broadcast_in_dim3A_745 = arith.constant 0.000000e+00 : f32
      %broadcast_in_dim3A_746 = vector.broadcast %broadcast_in_dim3A_745 : f32 to vector<16xf32>
      %broadcast_in_dim3A_747 = arith.constant 0.000000e+00 : f32
      %broadcast_in_dim3A_748 = vector.broadcast %broadcast_in_dim3A_747 : f32 to vector<16xf32>
      %broadcast_in_dim3A_749 = arith.constant 0.000000e+00 : f32
      %broadcast_in_dim3A_750 = vector.broadcast %broadcast_in_dim3A_749 : f32 to vector<16xf32>
      %broadcast_in_dim3A_751 = arith.constant 0.000000e+00 : f32
      %broadcast_in_dim3A_752 = vector.broadcast %broadcast_in_dim3A_751 : f32 to vector<16xf32>
      %scan3A_753 = arith.constant 0 : i32
      %scan3A_754 = arith.constant 32 : i32
      %scan3A_755 = arith.addi %scan3A_753, %scan3A_754 : i32
      %scan3A_756 = arith.constant 1 : i32
      %scan3A_757:16 = scf.for %scan3A_940 = %scan3A_753 to %scan3A_755 step %scan3A_756 iter_args(%scan3A_941 = %broadcast_in_dim3A_722, %scan3A_942 = %broadcast_in_dim3A_724, %scan3A_943 = %broadcast_in_dim3A_726, %scan3A_944 = %broadcast_in_dim3A_728, %scan3A_945 = %broadcast_in_dim3A_730, %scan3A_946 = %broadcast_in_dim3A_732, %scan3A_947 = %broadcast_in_dim3A_734, %scan3A_948 = %broadcast_in_dim3A_736, %scan3A_949 = %broadcast_in_dim3A_738, %scan3A_950 = %broadcast_in_dim3A_740, %scan3A_951 = %broadcast_in_dim3A_742, %scan3A_952 = %broadcast_in_dim3A_744, %scan3A_953 = %broadcast_in_dim3A_746, %scan3A_954 = %broadcast_in_dim3A_748, %scan3A_955 = %broadcast_in_dim3A_750, %scan3A_956 = %broadcast_in_dim3A_752) -> (vector<16xf32>, vector<16xf32>, vector<16xf32>, vector<16xf32>, vector<16xf32>, vector<16xf32>, vector<16xf32>, vector<16xf32>, vector<16xf32>, vector<16xf32>, vector<16xf32>, vector<16xf32>, vector<16xf32>, vector<16xf32>, vector<16xf32>, vector<16xf32>)  : i32 {
        %get3A = arith.index_cast %scan3A_940 : i32 to index
        %get3A_957 = arith.constant 0 : index
        %get3A_958 = tpu.vector_load %arg10[%get3A, %get3A_957] {strides = array<i32>} : memref<32x16xf32, #tpu.memory_space<vmem>>, vector<1x16xf32>,
        %get3A_959 = vector.shape_cast %get3A_958 : vector<1x16xf32> to vector<16xf32>
        %get3A_960 = arith.index_cast %scan3A_940 : i32 to index
        %get3A_961 = arith.constant 512 : index
        %get3A_962 = tpu.vector_load %arg8[%get3A_960, %get3A_961] {strides = array<i32>} : memref<32x1024xf32, #tpu.memory_space<vmem>>, vector<1x16xf32>,
        %get3A_963 = vector.shape_cast %get3A_962 : vector<1x16xf32> to vector<16xf32>
        %mul3A_964 = arith.mulf %get3A_963, %get3A_959 : vector<16xf32>
        %add3A_965 = arith.addf %scan3A_941, %mul3A_964 : vector<16xf32>
        %get3A_966 = arith.index_cast %scan3A_940 : i32 to index
        %get3A_967 = arith.constant 528 : index
        %get3A_968 = tpu.vector_load %arg8[%get3A_966, %get3A_967] {strides = array<i32>} : memref<32x1024xf32, #tpu.memory_space<vmem>>, vector<1x16xf32>,
        %get3A_969 = vector.shape_cast %get3A_968 : vector<1x16xf32> to vector<16xf32>
        %mul3A_970 = arith.mulf %get3A_969, %get3A_959 : vector<16xf32>
        %add3A_971 = arith.addf %scan3A_942, %mul3A_970 : vector<16xf32>
        %get3A_972 = arith.index_cast %scan3A_940 : i32 to index
        %get3A_973 = arith.constant 544 : index
        %get3A_974 = tpu.vector_load %arg8[%get3A_972, %get3A_973] {strides = array<i32>} : memref<32x1024xf32, #tpu.memory_space<vmem>>, vector<1x16xf32>,
        %get3A_975 = vector.shape_cast %get3A_974 : vector<1x16xf32> to vector<16xf32>
        %mul3A_976 = arith.mulf %get3A_975, %get3A_959 : vector<16xf32>
        %add3A_977 = arith.addf %scan3A_943, %mul3A_976 : vector<16xf32>
        %get3A_978 = arith.index_cast %scan3A_940 : i32 to index
        %get3A_979 = arith.constant 560 : index
        %get3A_980 = tpu.vector_load %arg8[%get3A_978, %get3A_979] {strides = array<i32>} : memref<32x1024xf32, #tpu.memory_space<vmem>>, vector<1x16xf32>,
        %get3A_981 = vector.shape_cast %get3A_980 : vector<1x16xf32> to vector<16xf32>
        %mul3A_982 = arith.mulf %get3A_981, %get3A_959 : vector<16xf32>
        %add3A_983 = arith.addf %scan3A_944, %mul3A_982 : vector<16xf32>
        %get3A_984 = arith.index_cast %scan3A_940 : i32 to index
        %get3A_985 = arith.constant 576 : index
        %get3A_986 = tpu.vector_load %arg8[%get3A_984, %get3A_985] {strides = array<i32>} : memref<32x1024xf32, #tpu.memory_space<vmem>>, vector<1x16xf32>,
        %get3A_987 = vector.shape_cast %get3A_986 : vector<1x16xf32> to vector<16xf32>
        %mul3A_988 = arith.mulf %get3A_987, %get3A_959 : vector<16xf32>
        %add3A_989 = arith.addf %scan3A_945, %mul3A_988 : vector<16xf32>
        %get3A_990 = arith.index_cast %scan3A_940 : i32 to index
        %get3A_991 = arith.constant 592 : index
        %get3A_992 = tpu.vector_load %arg8[%get3A_990, %get3A_991] {strides = array<i32>} : memref<32x1024xf32, #tpu.memory_space<vmem>>, vector<1x16xf32>,
        %get3A_993 = vector.shape_cast %get3A_992 : vector<1x16xf32> to vector<16xf32>
        %mul3A_994 = arith.mulf %get3A_993, %get3A_959 : vector<16xf32>
        %add3A_995 = arith.addf %scan3A_946, %mul3A_994 : vector<16xf32>
        %get3A_996 = arith.index_cast %scan3A_940 : i32 to index
        %get3A_997 = arith.constant 608 : index
        %get3A_998 = tpu.vector_load %arg8[%get3A_996, %get3A_997] {strides = array<i32>} : memref<32x1024xf32, #tpu.memory_space<vmem>>, vector<1x16xf32>,
        %get3A_999 = vector.shape_cast %get3A_998 : vector<1x16xf32> to vector<16xf32>
        %mul3A_1000 = arith.mulf %get3A_999, %get3A_959 : vector<16xf32>
        %add3A_1001 = arith.addf %scan3A_947, %mul3A_1000 : vector<16xf32>
        %get3A_1002 = arith.index_cast %scan3A_940 : i32 to index
        %get3A_1003 = arith.constant 624 : index
        %get3A_1004 = tpu.vector_load %arg8[%get3A_1002, %get3A_1003] {strides = array<i32>} : memref<32x1024xf32, #tpu.memory_space<vmem>>, vector<1x16xf32>,
        %get3A_1005 = vector.shape_cast %get3A_1004 : vector<1x16xf32> to vector<16xf32>
        %mul3A_1006 = arith.mulf %get3A_1005, %get3A_959 : vector<16xf32>
        %add3A_1007 = arith.addf %scan3A_948, %mul3A_1006 : vector<16xf32>
        %get3A_1008 = arith.index_cast %scan3A_940 : i32 to index
        %get3A_1009 = arith.constant 640 : index
        %get3A_1010 = tpu.vector_load %arg8[%get3A_1008, %get3A_1009] {strides = array<i32>} : memref<32x1024xf32, #tpu.memory_space<vmem>>, vector<1x16xf32>,
        %get3A_1011 = vector.shape_cast %get3A_1010 : vector<1x16xf32> to vector<16xf32>
        %mul3A_1012 = arith.mulf %get3A_1011, %get3A_959 : vector<16xf32>
        %add3A_1013 = arith.addf %scan3A_949, %mul3A_1012 : vector<16xf32>
        %get3A_1014 = arith.index_cast %scan3A_940 : i32 to index
        %get3A_1015 = arith.constant 656 : index
        %get3A_1016 = tpu.vector_load %arg8[%get3A_1014, %get3A_1015] {strides = array<i32>} : memref<32x1024xf32, #tpu.memory_space<vmem>>, vector<1x16xf32>,
        %get3A_1017 = vector.shape_cast %get3A_1016 : vector<1x16xf32> to vector<16xf32>
        %mul3A_1018 = arith.mulf %get3A_1017, %get3A_959 : vector<16xf32>
        %add3A_1019 = arith.addf %scan3A_950, %mul3A_1018 : vector<16xf32>
        %get3A_1020 = arith.index_cast %scan3A_940 : i32 to index
        %get3A_1021 = arith.constant 672 : index
        %get3A_1022 = tpu.vector_load %arg8[%get3A_1020, %get3A_1021] {strides = array<i32>} : memref<32x1024xf32, #tpu.memory_space<vmem>>, vector<1x16xf32>,
        %get3A_1023 = vector.shape_cast %get3A_1022 : vector<1x16xf32> to vector<16xf32>
        %mul3A_1024 = arith.mulf %get3A_1023, %get3A_959 : vector<16xf32>
        %add3A_1025 = arith.addf %scan3A_951, %mul3A_1024 : vector<16xf32>
        %get3A_1026 = arith.index_cast %scan3A_940 : i32 to index
        %get3A_1027 = arith.constant 688 : index
        %get3A_1028 = tpu.vector_load %arg8[%get3A_1026, %get3A_1027] {strides = array<i32>} : memref<32x1024xf32, #tpu.memory_space<vmem>>, vector<1x16xf32>,
        %get3A_1029 = vector.shape_cast %get3A_1028 : vector<1x16xf32> to vector<16xf32>
        %mul3A_1030 = arith.mulf %get3A_1029, %get3A_959 : vector<16xf32>
        %add3A_1031 = arith.addf %scan3A_952, %mul3A_1030 : vector<16xf32>
        %get3A_1032 = arith.index_cast %scan3A_940 : i32 to index
        %get3A_1033 = arith.constant 704 : index
        %get3A_1034 = tpu.vector_load %arg8[%get3A_1032, %get3A_1033] {strides = array<i32>} : memref<32x1024xf32, #tpu.memory_space<vmem>>, vector<1x16xf32>,
        %get3A_1035 = vector.shape_cast %get3A_1034 : vector<1x16xf32> to vector<16xf32>
        %mul3A_1036 = arith.mulf %get3A_1035, %get3A_959 : vector<16xf32>
        %add3A_1037 = arith.addf %scan3A_953, %mul3A_1036 : vector<16xf32>
        %get3A_1038 = arith.index_cast %scan3A_940 : i32 to index
        %get3A_1039 = arith.constant 720 : index
        %get3A_1040 = tpu.vector_load %arg8[%get3A_1038, %get3A_1039] {strides = array<i32>} : memref<32x1024xf32, #tpu.memory_space<vmem>>, vector<1x16xf32>,
        %get3A_1041 = vector.shape_cast %get3A_1040 : vector<1x16xf32> to vector<16xf32>
        %mul3A_1042 = arith.mulf %get3A_1041, %get3A_959 : vector<16xf32>
        %add3A_1043 = arith.addf %scan3A_954, %mul3A_1042 : vector<16xf32>
        %get3A_1044 = arith.index_cast %scan3A_940 : i32 to index
        %get3A_1045 = arith.constant 736 : index
        %get3A_1046 = tpu.vector_load %arg8[%get3A_1044, %get3A_1045] {strides = array<i32>} : memref<32x1024xf32, #tpu.memory_space<vmem>>, vector<1x16xf32>,
        %get3A_1047 = vector.shape_cast %get3A_1046 : vector<1x16xf32> to vector<16xf32>
        %mul3A_1048 = arith.mulf %get3A_1047, %get3A_959 : vector<16xf32>
        %add3A_1049 = arith.addf %scan3A_955, %mul3A_1048 : vector<16xf32>
        %get3A_1050 = arith.index_cast %scan3A_940 : i32 to index
        %get3A_1051 = arith.constant 752 : index
        %get3A_1052 = tpu.vector_load %arg8[%get3A_1050, %get3A_1051] {strides = array<i32>} : memref<32x1024xf32, #tpu.memory_space<vmem>>, vector<1x16xf32>,
        %get3A_1053 = vector.shape_cast %get3A_1052 : vector<1x16xf32> to vector<16xf32>
        %mul3A_1054 = arith.mulf %get3A_1053, %get3A_959 : vector<16xf32>
        %add3A_1055 = arith.addf %scan3A_956, %mul3A_1054 : vector<16xf32>
        scf.yield %add3A_965, %add3A_971, %add3A_977, %add3A_983, %add3A_989, %add3A_995, %add3A_1001, %add3A_1007, %add3A_1013, %add3A_1019, %add3A_1025, %add3A_1031, %add3A_1037, %add3A_1043, %add3A_1049, %add3A_1055 : vector<16xf32>, vector<16xf32>, vector<16xf32>, vector<16xf32>, vector<16xf32>, vector<16xf32>, vector<16xf32>, vector<16xf32>, vector<16xf32>, vector<16xf32>, vector<16xf32>, vector<16xf32>, vector<16xf32>, vector<16xf32>, vector<16xf32>, vector<16xf32>
      }
      %scan3A_758 = arith.constant 32 : i32
      %swap3A_759 = arith.constant 512 : index
      %swap3A_760 = tpu.vector_load %arg12[%swap3A_759] {strides = array<i32>} : memref<1024xf32, #tpu.memory_space<vmem>>, vector<16xf32>,
      %swap3A_761 = vector.shape_cast %swap3A_760 : vector<16xf32> to vector<16xf32>
      %swap3A_762 = vector.shape_cast %scan3A_757#0 : vector<16xf32> to vector<16xf32>
      tpu.vector_store %arg12[%swap3A_759], %swap3A_762 {strides = array<i32>} : memref<1024xf32, #tpu.memory_space<vmem>>, vector<16xf32>,
      %swap3A_763 = arith.constant 528 : index
      %swap3A_764 = tpu.vector_load %arg12[%swap3A_763] {strides = array<i32>} : memref<1024xf32, #tpu.memory_space<vmem>>, vector<16xf32>,
      %swap3A_765 = vector.shape_cast %swap3A_764 : vector<16xf32> to vector<16xf32>
      %swap3A_766 = vector.shape_cast %scan3A_757#1 : vector<16xf32> to vector<16xf32>
      tpu.vector_store %arg12[%swap3A_763], %swap3A_766 {strides = array<i32>} : memref<1024xf32, #tpu.memory_space<vmem>>, vector<16xf32>,
      %swap3A_767 = arith.constant 544 : index
      %swap3A_768 = tpu.vector_load %arg12[%swap3A_767] {strides = array<i32>} : memref<1024xf32, #tpu.memory_space<vmem>>, vector<16xf32>,
      %swap3A_769 = vector.shape_cast %swap3A_768 : vector<16xf32> to vector<16xf32>
      %swap3A_770 = vector.shape_cast %scan3A_757#2 : vector<16xf32> to vector<16xf32>
      tpu.vector_store %arg12[%swap3A_767], %swap3A_770 {strides = array<i32>} : memref<1024xf32, #tpu.memory_space<vmem>>, vector<16xf32>,
      %swap3A_771 = arith.constant 560 : index
      %swap3A_772 = tpu.vector_load %arg12[%swap3A_771] {strides = array<i32>} : memref<1024xf32, #tpu.memory_space<vmem>>, vector<16xf32>,
      %swap3A_773 = vector.shape_cast %swap3A_772 : vector<16xf32> to vector<16xf32>
      %swap3A_774 = vector.shape_cast %scan3A_757#3 : vector<16xf32> to vector<16xf32>
      tpu.vector_store %arg12[%swap3A_771], %swap3A_774 {strides = array<i32>} : memref<1024xf32, #tpu.memory_space<vmem>>, vector<16xf32>,
      %swap3A_775 = arith.constant 576 : index
      %swap3A_776 = tpu.vector_load %arg12[%swap3A_775] {strides = array<i32>} : memref<1024xf32, #tpu.memory_space<vmem>>, vector<16xf32>,
      %swap3A_777 = vector.shape_cast %swap3A_776 : vector<16xf32> to vector<16xf32>
      %swap3A_778 = vector.shape_cast %scan3A_757#4 : vector<16xf32> to vector<16xf32>
      tpu.vector_store %arg12[%swap3A_775], %swap3A_778 {strides = array<i32>} : memref<1024xf32, #tpu.memory_space<vmem>>, vector<16xf32>,
      %swap3A_779 = arith.constant 592 : index
      %swap3A_780 = tpu.vector_load %arg12[%swap3A_779] {strides = array<i32>} : memref<1024xf32, #tpu.memory_space<vmem>>, vector<16xf32>,
      %swap3A_781 = vector.shape_cast %swap3A_780 : vector<16xf32> to vector<16xf32>
      %swap3A_782 = vector.shape_cast %scan3A_757#5 : vector<16xf32> to vector<16xf32>
      tpu.vector_store %arg12[%swap3A_779], %swap3A_782 {strides = array<i32>} : memref<1024xf32, #tpu.memory_space<vmem>>, vector<16xf32>,
      %swap3A_783 = arith.constant 608 : index
      %swap3A_784 = tpu.vector_load %arg12[%swap3A_783] {strides = array<i32>} : memref<1024xf32, #tpu.memory_space<vmem>>, vector<16xf32>,
      %swap3A_785 = vector.shape_cast %swap3A_784 : vector<16xf32> to vector<16xf32>
      %swap3A_786 = vector.shape_cast %scan3A_757#6 : vector<16xf32> to vector<16xf32>
      tpu.vector_store %arg12[%swap3A_783], %swap3A_786 {strides = array<i32>} : memref<1024xf32, #tpu.memory_space<vmem>>, vector<16xf32>,
      %swap3A_787 = arith.constant 624 : index
      %swap3A_788 = tpu.vector_load %arg12[%swap3A_787] {strides = array<i32>} : memref<1024xf32, #tpu.memory_space<vmem>>, vector<16xf32>,
      %swap3A_789 = vector.shape_cast %swap3A_788 : vector<16xf32> to vector<16xf32>
      %swap3A_790 = vector.shape_cast %scan3A_757#7 : vector<16xf32> to vector<16xf32>
      tpu.vector_store %arg12[%swap3A_787], %swap3A_790 {strides = array<i32>} : memref<1024xf32, #tpu.memory_space<vmem>>, vector<16xf32>,
      %swap3A_791 = arith.constant 640 : index
      %swap3A_792 = tpu.vector_load %arg12[%swap3A_791] {strides = array<i32>} : memref<1024xf32, #tpu.memory_space<vmem>>, vector<16xf32>,
      %swap3A_793 = vector.shape_cast %swap3A_792 : vector<16xf32> to vector<16xf32>
      %swap3A_794 = vector.shape_cast %scan3A_757#8 : vector<16xf32> to vector<16xf32>
      tpu.vector_store %arg12[%swap3A_791], %swap3A_794 {strides = array<i32>} : memref<1024xf32, #tpu.memory_space<vmem>>, vector<16xf32>,
      %swap3A_795 = arith.constant 656 : index
      %swap3A_796 = tpu.vector_load %arg12[%swap3A_795] {strides = array<i32>} : memref<1024xf32, #tpu.memory_space<vmem>>, vector<16xf32>,
      %swap3A_797 = vector.shape_cast %swap3A_796 : vector<16xf32> to vector<16xf32>
      %swap3A_798 = vector.shape_cast %scan3A_757#9 : vector<16xf32> to vector<16xf32>
      tpu.vector_store %arg12[%swap3A_795], %swap3A_798 {strides = array<i32>} : memref<1024xf32, #tpu.memory_space<vmem>>, vector<16xf32>,
      %swap3A_799 = arith.constant 672 : index
      %swap3A_800 = tpu.vector_load %arg12[%swap3A_799] {strides = array<i32>} : memref<1024xf32, #tpu.memory_space<vmem>>, vector<16xf32>,
      %swap3A_801 = vector.shape_cast %swap3A_800 : vector<16xf32> to vector<16xf32>
      %swap3A_802 = vector.shape_cast %scan3A_757#10 : vector<16xf32> to vector<16xf32>
      tpu.vector_store %arg12[%swap3A_799], %swap3A_802 {strides = array<i32>} : memref<1024xf32, #tpu.memory_space<vmem>>, vector<16xf32>,
      %swap3A_803 = arith.constant 688 : index
      %swap3A_804 = tpu.vector_load %arg12[%swap3A_803] {strides = array<i32>} : memref<1024xf32, #tpu.memory_space<vmem>>, vector<16xf32>,
      %swap3A_805 = vector.shape_cast %swap3A_804 : vector<16xf32> to vector<16xf32>
      %swap3A_806 = vector.shape_cast %scan3A_757#11 : vector<16xf32> to vector<16xf32>
      tpu.vector_store %arg12[%swap3A_803], %swap3A_806 {strides = array<i32>} : memref<1024xf32, #tpu.memory_space<vmem>>, vector<16xf32>,
      %swap3A_807 = arith.constant 704 : index
      %swap3A_808 = tpu.vector_load %arg12[%swap3A_807] {strides = array<i32>} : memref<1024xf32, #tpu.memory_space<vmem>>, vector<16xf32>,
      %swap3A_809 = vector.shape_cast %swap3A_808 : vector<16xf32> to vector<16xf32>
      %swap3A_810 = vector.shape_cast %scan3A_757#12 : vector<16xf32> to vector<16xf32>
      tpu.vector_store %arg12[%swap3A_807], %swap3A_810 {strides = array<i32>} : memref<1024xf32, #tpu.memory_space<vmem>>, vector<16xf32>,
      %swap3A_811 = arith.constant 720 : index
      %swap3A_812 = tpu.vector_load %arg12[%swap3A_811] {strides = array<i32>} : memref<1024xf32, #tpu.memory_space<vmem>>, vector<16xf32>,
      %swap3A_813 = vector.shape_cast %swap3A_812 : vector<16xf32> to vector<16xf32>
      %swap3A_814 = vector.shape_cast %scan3A_757#13 : vector<16xf32> to vector<16xf32>
      tpu.vector_store %arg12[%swap3A_811], %swap3A_814 {strides = array<i32>} : memref<1024xf32, #tpu.memory_space<vmem>>, vector<16xf32>,
      %swap3A_815 = arith.constant 736 : index
      %swap3A_816 = tpu.vector_load %arg12[%swap3A_815] {strides = array<i32>} : memref<1024xf32, #tpu.memory_space<vmem>>, vector<16xf32>,
      %swap3A_817 = vector.shape_cast %swap3A_816 : vector<16xf32> to vector<16xf32>
      %swap3A_818 = vector.shape_cast %scan3A_757#14 : vector<16xf32> to vector<16xf32>
      tpu.vector_store %arg12[%swap3A_815], %swap3A_818 {strides = array<i32>} : memref<1024xf32, #tpu.memory_space<vmem>>, vector<16xf32>,
      %swap3A_819 = arith.constant 752 : index
      %swap3A_820 = tpu.vector_load %arg12[%swap3A_819] {strides = array<i32>} : memref<1024xf32, #tpu.memory_space<vmem>>, vector<16xf32>,
      %swap3A_821 = vector.shape_cast %swap3A_820 : vector<16xf32> to vector<16xf32>
      %swap3A_822 = vector.shape_cast %scan3A_757#15 : vector<16xf32> to vector<16xf32>
      tpu.vector_store %arg12[%swap3A_819], %swap3A_822 {strides = array<i32>} : memref<1024xf32, #tpu.memory_space<vmem>>, vector<16xf32>,
      %broadcast_in_dim3A_823 = arith.constant 0.000000e+00 : f32
      %broadcast_in_dim3A_824 = vector.broadcast %broadcast_in_dim3A_823 : f32 to vector<16xf32>
      %broadcast_in_dim3A_825 = arith.constant 0.000000e+00 : f32
      %broadcast_in_dim3A_826 = vector.broadcast %broadcast_in_dim3A_825 : f32 to vector<16xf32>
      %broadcast_in_dim3A_827 = arith.constant 0.000000e+00 : f32
      %broadcast_in_dim3A_828 = vector.broadcast %broadcast_in_dim3A_827 : f32 to vector<16xf32>
      %broadcast_in_dim3A_829 = arith.constant 0.000000e+00 : f32
      %broadcast_in_dim3A_830 = vector.broadcast %broadcast_in_dim3A_829 : f32 to vector<16xf32>
      %broadcast_in_dim3A_831 = arith.constant 0.000000e+00 : f32
      %broadcast_in_dim3A_832 = vector.broadcast %broadcast_in_dim3A_831 : f32 to vector<16xf32>
      %broadcast_in_dim3A_833 = arith.constant 0.000000e+00 : f32
      %broadcast_in_dim3A_834 = vector.broadcast %broadcast_in_dim3A_833 : f32 to vector<16xf32>
      %broadcast_in_dim3A_835 = arith.constant 0.000000e+00 : f32
      %broadcast_in_dim3A_836 = vector.broadcast %broadcast_in_dim3A_835 : f32 to vector<16xf32>
      %broadcast_in_dim3A_837 = arith.constant 0.000000e+00 : f32
      %broadcast_in_dim3A_838 = vector.broadcast %broadcast_in_dim3A_837 : f32 to vector<16xf32>
      %broadcast_in_dim3A_839 = arith.constant 0.000000e+00 : f32
      %broadcast_in_dim3A_840 = vector.broadcast %broadcast_in_dim3A_839 : f32 to vector<16xf32>
      %broadcast_in_dim3A_841 = arith.constant 0.000000e+00 : f32
      %broadcast_in_dim3A_842 = vector.broadcast %broadcast_in_dim3A_841 : f32 to vector<16xf32>
      %broadcast_in_dim3A_843 = arith.constant 0.000000e+00 : f32
      %broadcast_in_dim3A_844 = vector.broadcast %broadcast_in_dim3A_843 : f32 to vector<16xf32>
      %broadcast_in_dim3A_845 = arith.constant 0.000000e+00 : f32
      %broadcast_in_dim3A_846 = vector.broadcast %broadcast_in_dim3A_845 : f32 to vector<16xf32>
      %broadcast_in_dim3A_847 = arith.constant 0.000000e+00 : f32
      %broadcast_in_dim3A_848 = vector.broadcast %broadcast_in_dim3A_847 : f32 to vector<16xf32>
      %broadcast_in_dim3A_849 = arith.constant 0.000000e+00 : f32
      %broadcast_in_dim3A_850 = vector.broadcast %broadcast_in_dim3A_849 : f32 to vector<16xf32>
      %broadcast_in_dim3A_851 = arith.constant 0.000000e+00 : f32
      %broadcast_in_dim3A_852 = vector.broadcast %broadcast_in_dim3A_851 : f32 to vector<16xf32>
      %broadcast_in_dim3A_853 = arith.constant 0.000000e+00 : f32
      %broadcast_in_dim3A_854 = vector.broadcast %broadcast_in_dim3A_853 : f32 to vector<16xf32>
      %scan3A_855 = arith.constant 0 : i32
      %scan3A_856 = arith.constant 32 : i32
      %scan3A_857 = arith.addi %scan3A_855, %scan3A_856 : i32
      %scan3A_858 = arith.constant 1 : i32
      %scan3A_859:16 = scf.for %scan3A_940 = %scan3A_855 to %scan3A_857 step %scan3A_858 iter_args(%scan3A_941 = %broadcast_in_dim3A_824, %scan3A_942 = %broadcast_in_dim3A_826, %scan3A_943 = %broadcast_in_dim3A_828, %scan3A_944 = %broadcast_in_dim3A_830, %scan3A_945 = %broadcast_in_dim3A_832, %scan3A_946 = %broadcast_in_dim3A_834, %scan3A_947 = %broadcast_in_dim3A_836, %scan3A_948 = %broadcast_in_dim3A_838, %scan3A_949 = %broadcast_in_dim3A_840, %scan3A_950 = %broadcast_in_dim3A_842, %scan3A_951 = %broadcast_in_dim3A_844, %scan3A_952 = %broadcast_in_dim3A_846, %scan3A_953 = %broadcast_in_dim3A_848, %scan3A_954 = %broadcast_in_dim3A_850, %scan3A_955 = %broadcast_in_dim3A_852, %scan3A_956 = %broadcast_in_dim3A_854) -> (vector<16xf32>, vector<16xf32>, vector<16xf32>, vector<16xf32>, vector<16xf32>, vector<16xf32>, vector<16xf32>, vector<16xf32>, vector<16xf32>, vector<16xf32>, vector<16xf32>, vector<16xf32>, vector<16xf32>, vector<16xf32>, vector<16xf32>, vector<16xf32>)  : i32 {
        %get3A = arith.index_cast %scan3A_940 : i32 to index
        %get3A_957 = arith.constant 0 : index
        %get3A_958 = tpu.vector_load %arg10[%get3A, %get3A_957] {strides = array<i32>} : memref<32x16xf32, #tpu.memory_space<vmem>>, vector<1x16xf32>,
        %get3A_959 = vector.shape_cast %get3A_958 : vector<1x16xf32> to vector<16xf32>
        %get3A_960 = arith.index_cast %scan3A_940 : i32 to index
        %get3A_961 = arith.constant 768 : index
        %get3A_962 = tpu.vector_load %arg8[%get3A_960, %get3A_961] {strides = array<i32>} : memref<32x1024xf32, #tpu.memory_space<vmem>>, vector<1x16xf32>,
        %get3A_963 = vector.shape_cast %get3A_962 : vector<1x16xf32> to vector<16xf32>
        %mul3A_964 = arith.mulf %get3A_963, %get3A_959 : vector<16xf32>
        %add3A_965 = arith.addf %scan3A_941, %mul3A_964 : vector<16xf32>
        %get3A_966 = arith.index_cast %scan3A_940 : i32 to index
        %get3A_967 = arith.constant 784 : index
        %get3A_968 = tpu.vector_load %arg8[%get3A_966, %get3A_967] {strides = array<i32>} : memref<32x1024xf32, #tpu.memory_space<vmem>>, vector<1x16xf32>,
        %get3A_969 = vector.shape_cast %get3A_968 : vector<1x16xf32> to vector<16xf32>
        %mul3A_970 = arith.mulf %get3A_969, %get3A_959 : vector<16xf32>
        %add3A_971 = arith.addf %scan3A_942, %mul3A_970 : vector<16xf32>
        %get3A_972 = arith.index_cast %scan3A_940 : i32 to index
        %get3A_973 = arith.constant 800 : index
        %get3A_974 = tpu.vector_load %arg8[%get3A_972, %get3A_973] {strides = array<i32>} : memref<32x1024xf32, #tpu.memory_space<vmem>>, vector<1x16xf32>,
        %get3A_975 = vector.shape_cast %get3A_974 : vector<1x16xf32> to vector<16xf32>
        %mul3A_976 = arith.mulf %get3A_975, %get3A_959 : vector<16xf32>
        %add3A_977 = arith.addf %scan3A_943, %mul3A_976 : vector<16xf32>
        %get3A_978 = arith.index_cast %scan3A_940 : i32 to index
        %get3A_979 = arith.constant 816 : index
        %get3A_980 = tpu.vector_load %arg8[%get3A_978, %get3A_979] {strides = array<i32>} : memref<32x1024xf32, #tpu.memory_space<vmem>>, vector<1x16xf32>,
        %get3A_981 = vector.shape_cast %get3A_980 : vector<1x16xf32> to vector<16xf32>
        %mul3A_982 = arith.mulf %get3A_981, %get3A_959 : vector<16xf32>
        %add3A_983 = arith.addf %scan3A_944, %mul3A_982 : vector<16xf32>
        %get3A_984 = arith.index_cast %scan3A_940 : i32 to index
        %get3A_985 = arith.constant 832 : index
        %get3A_986 = tpu.vector_load %arg8[%get3A_984, %get3A_985] {strides = array<i32>} : memref<32x1024xf32, #tpu.memory_space<vmem>>, vector<1x16xf32>,
        %get3A_987 = vector.shape_cast %get3A_986 : vector<1x16xf32> to vector<16xf32>
        %mul3A_988 = arith.mulf %get3A_987, %get3A_959 : vector<16xf32>
        %add3A_989 = arith.addf %scan3A_945, %mul3A_988 : vector<16xf32>
        %get3A_990 = arith.index_cast %scan3A_940 : i32 to index
        %get3A_991 = arith.constant 848 : index
        %get3A_992 = tpu.vector_load %arg8[%get3A_990, %get3A_991] {strides = array<i32>} : memref<32x1024xf32, #tpu.memory_space<vmem>>, vector<1x16xf32>,
        %get3A_993 = vector.shape_cast %get3A_992 : vector<1x16xf32> to vector<16xf32>
        %mul3A_994 = arith.mulf %get3A_993, %get3A_959 : vector<16xf32>
        %add3A_995 = arith.addf %scan3A_946, %mul3A_994 : vector<16xf32>
        %get3A_996 = arith.index_cast %scan3A_940 : i32 to index
        %get3A_997 = arith.constant 864 : index
        %get3A_998 = tpu.vector_load %arg8[%get3A_996, %get3A_997] {strides = array<i32>} : memref<32x1024xf32, #tpu.memory_space<vmem>>, vector<1x16xf32>,
        %get3A_999 = vector.shape_cast %get3A_998 : vector<1x16xf32> to vector<16xf32>
        %mul3A_1000 = arith.mulf %get3A_999, %get3A_959 : vector<16xf32>
        %add3A_1001 = arith.addf %scan3A_947, %mul3A_1000 : vector<16xf32>
        %get3A_1002 = arith.index_cast %scan3A_940 : i32 to index
        %get3A_1003 = arith.constant 880 : index
        %get3A_1004 = tpu.vector_load %arg8[%get3A_1002, %get3A_1003] {strides = array<i32>} : memref<32x1024xf32, #tpu.memory_space<vmem>>, vector<1x16xf32>,
        %get3A_1005 = vector.shape_cast %get3A_1004 : vector<1x16xf32> to vector<16xf32>
        %mul3A_1006 = arith.mulf %get3A_1005, %get3A_959 : vector<16xf32>
        %add3A_1007 = arith.addf %scan3A_948, %mul3A_1006 : vector<16xf32>
        %get3A_1008 = arith.index_cast %scan3A_940 : i32 to index
        %get3A_1009 = arith.constant 896 : index
        %get3A_1010 = tpu.vector_load %arg8[%get3A_1008, %get3A_1009] {strides = array<i32>} : memref<32x1024xf32, #tpu.memory_space<vmem>>, vector<1x16xf32>,
        %get3A_1011 = vector.shape_cast %get3A_1010 : vector<1x16xf32> to vector<16xf32>
        %mul3A_1012 = arith.mulf %get3A_1011, %get3A_959 : vector<16xf32>
        %add3A_1013 = arith.addf %scan3A_949, %mul3A_1012 : vector<16xf32>
        %get3A_1014 = arith.index_cast %scan3A_940 : i32 to index
        %get3A_1015 = arith.constant 912 : index
        %get3A_1016 = tpu.vector_load %arg8[%get3A_1014, %get3A_1015] {strides = array<i32>} : memref<32x1024xf32, #tpu.memory_space<vmem>>, vector<1x16xf32>,
        %get3A_1017 = vector.shape_cast %get3A_1016 : vector<1x16xf32> to vector<16xf32>
        %mul3A_1018 = arith.mulf %get3A_1017, %get3A_959 : vector<16xf32>
        %add3A_1019 = arith.addf %scan3A_950, %mul3A_1018 : vector<16xf32>
        %get3A_1020 = arith.index_cast %scan3A_940 : i32 to index
        %get3A_1021 = arith.constant 928 : index
        %get3A_1022 = tpu.vector_load %arg8[%get3A_1020, %get3A_1021] {strides = array<i32>} : memref<32x1024xf32, #tpu.memory_space<vmem>>, vector<1x16xf32>,
        %get3A_1023 = vector.shape_cast %get3A_1022 : vector<1x16xf32> to vector<16xf32>
        %mul3A_1024 = arith.mulf %get3A_1023, %get3A_959 : vector<16xf32>
        %add3A_1025 = arith.addf %scan3A_951, %mul3A_1024 : vector<16xf32>
        %get3A_1026 = arith.index_cast %scan3A_940 : i32 to index
        %get3A_1027 = arith.constant 944 : index
        %get3A_1028 = tpu.vector_load %arg8[%get3A_1026, %get3A_1027] {strides = array<i32>} : memref<32x1024xf32, #tpu.memory_space<vmem>>, vector<1x16xf32>,
        %get3A_1029 = vector.shape_cast %get3A_1028 : vector<1x16xf32> to vector<16xf32>
        %mul3A_1030 = arith.mulf %get3A_1029, %get3A_959 : vector<16xf32>
        %add3A_1031 = arith.addf %scan3A_952, %mul3A_1030 : vector<16xf32>
        %get3A_1032 = arith.index_cast %scan3A_940 : i32 to index
        %get3A_1033 = arith.constant 960 : index
        %get3A_1034 = tpu.vector_load %arg8[%get3A_1032, %get3A_1033] {strides = array<i32>} : memref<32x1024xf32, #tpu.memory_space<vmem>>, vector<1x16xf32>,
        %get3A_1035 = vector.shape_cast %get3A_1034 : vector<1x16xf32> to vector<16xf32>
        %mul3A_1036 = arith.mulf %get3A_1035, %get3A_959 : vector<16xf32>
        %add3A_1037 = arith.addf %scan3A_953, %mul3A_1036 : vector<16xf32>
        %get3A_1038 = arith.index_cast %scan3A_940 : i32 to index
        %get3A_1039 = arith.constant 976 : index
        %get3A_1040 = tpu.vector_load %arg8[%get3A_1038, %get3A_1039] {strides = array<i32>} : memref<32x1024xf32, #tpu.memory_space<vmem>>, vector<1x16xf32>,
        %get3A_1041 = vector.shape_cast %get3A_1040 : vector<1x16xf32> to vector<16xf32>
        %mul3A_1042 = arith.mulf %get3A_1041, %get3A_959 : vector<16xf32>
        %add3A_1043 = arith.addf %scan3A_954, %mul3A_1042 : vector<16xf32>
        %get3A_1044 = arith.index_cast %scan3A_940 : i32 to index
        %get3A_1045 = arith.constant 992 : index
        %get3A_1046 = tpu.vector_load %arg8[%get3A_1044, %get3A_1045] {strides = array<i32>} : memref<32x1024xf32, #tpu.memory_space<vmem>>, vector<1x16xf32>,
        %get3A_1047 = vector.shape_cast %get3A_1046 : vector<1x16xf32> to vector<16xf32>
        %mul3A_1048 = arith.mulf %get3A_1047, %get3A_959 : vector<16xf32>
        %add3A_1049 = arith.addf %scan3A_955, %mul3A_1048 : vector<16xf32>
        %get3A_1050 = arith.index_cast %scan3A_940 : i32 to index
        %get3A_1051 = arith.constant 1008 : index
        %get3A_1052 = tpu.vector_load %arg8[%get3A_1050, %get3A_1051] {strides = array<i32>} : memref<32x1024xf32, #tpu.memory_space<vmem>>, vector<1x16xf32>,
        %get3A_1053 = vector.shape_cast %get3A_1052 : vector<1x16xf32> to vector<16xf32>
        %mul3A_1054 = arith.mulf %get3A_1053, %get3A_959 : vector<16xf32>
        %add3A_1055 = arith.addf %scan3A_956, %mul3A_1054 : vector<16xf32>
        scf.yield %add3A_965, %add3A_971, %add3A_977, %add3A_983, %add3A_989, %add3A_995, %add3A_1001, %add3A_1007, %add3A_1013, %add3A_1019, %add3A_1025, %add3A_1031, %add3A_1037, %add3A_1043, %add3A_1049, %add3A_1055 : vector<16xf32>, vector<16xf32>, vector<16xf32>, vector<16xf32>, vector<16xf32>, vector<16xf32>, vector<16xf32>, vector<16xf32>, vector<16xf32>, vector<16xf32>, vector<16xf32>, vector<16xf32>, vector<16xf32>, vector<16xf32>, vector<16xf32>, vector<16xf32>
      }
      %scan3A_860 = arith.constant 32 : i32
      %swap3A_861 = arith.constant 768 : index
      %swap3A_862 = tpu.vector_load %arg12[%swap3A_861] {strides = array<i32>} : memref<1024xf32, #tpu.memory_space<vmem>>, vector<16xf32>,
      %swap3A_863 = vector.shape_cast %swap3A_862 : vector<16xf32> to vector<16xf32>
      %swap3A_864 = vector.shape_cast %scan3A_859#0 : vector<16xf32> to vector<16xf32>
      tpu.vector_store %arg12[%swap3A_861], %swap3A_864 {strides = array<i32>} : memref<1024xf32, #tpu.memory_space<vmem>>, vector<16xf32>,
      %swap3A_865 = arith.constant 784 : index
      %swap3A_866 = tpu.vector_load %arg12[%swap3A_865] {strides = array<i32>} : memref<1024xf32, #tpu.memory_space<vmem>>, vector<16xf32>,
      %swap3A_867 = vector.shape_cast %swap3A_866 : vector<16xf32> to vector<16xf32>
      %swap3A_868 = vector.shape_cast %scan3A_859#1 : vector<16xf32> to vector<16xf32>
      tpu.vector_store %arg12[%swap3A_865], %swap3A_868 {strides = array<i32>} : memref<1024xf32, #tpu.memory_space<vmem>>, vector<16xf32>,
      %swap3A_869 = arith.constant 800 : index
      %swap3A_870 = tpu.vector_load %arg12[%swap3A_869] {strides = array<i32>} : memref<1024xf32, #tpu.memory_space<vmem>>, vector<16xf32>,
      %swap3A_871 = vector.shape_cast %swap3A_870 : vector<16xf32> to vector<16xf32>
      %swap3A_872 = vector.shape_cast %scan3A_859#2 : vector<16xf32> to vector<16xf32>
      tpu.vector_store %arg12[%swap3A_869], %swap3A_872 {strides = array<i32>} : memref<1024xf32, #tpu.memory_space<vmem>>, vector<16xf32>,
      %swap3A_873 = arith.constant 816 : index
      %swap3A_874 = tpu.vector_load %arg12[%swap3A_873] {strides = array<i32>} : memref<1024xf32, #tpu.memory_space<vmem>>, vector<16xf32>,
      %swap3A_875 = vector.shape_cast %swap3A_874 : vector<16xf32> to vector<16xf32>
      %swap3A_876 = vector.shape_cast %scan3A_859#3 : vector<16xf32> to vector<16xf32>
      tpu.vector_store %arg12[%swap3A_873], %swap3A_876 {strides = array<i32>} : memref<1024xf32, #tpu.memory_space<vmem>>, vector<16xf32>,
      %swap3A_877 = arith.constant 832 : index
      %swap3A_878 = tpu.vector_load %arg12[%swap3A_877] {strides = array<i32>} : memref<1024xf32, #tpu.memory_space<vmem>>, vector<16xf32>,
      %swap3A_879 = vector.shape_cast %swap3A_878 : vector<16xf32> to vector<16xf32>
      %swap3A_880 = vector.shape_cast %scan3A_859#4 : vector<16xf32> to vector<16xf32>
      tpu.vector_store %arg12[%swap3A_877], %swap3A_880 {strides = array<i32>} : memref<1024xf32, #tpu.memory_space<vmem>>, vector<16xf32>,
      %swap3A_881 = arith.constant 848 : index
      %swap3A_882 = tpu.vector_load %arg12[%swap3A_881] {strides = array<i32>} : memref<1024xf32, #tpu.memory_space<vmem>>, vector<16xf32>,
      %swap3A_883 = vector.shape_cast %swap3A_882 : vector<16xf32> to vector<16xf32>
      %swap3A_884 = vector.shape_cast %scan3A_859#5 : vector<16xf32> to vector<16xf32>
      tpu.vector_store %arg12[%swap3A_881], %swap3A_884 {strides = array<i32>} : memref<1024xf32, #tpu.memory_space<vmem>>, vector<16xf32>,
      %swap3A_885 = arith.constant 864 : index
      %swap3A_886 = tpu.vector_load %arg12[%swap3A_885] {strides = array<i32>} : memref<1024xf32, #tpu.memory_space<vmem>>, vector<16xf32>,
      %swap3A_887 = vector.shape_cast %swap3A_886 : vector<16xf32> to vector<16xf32>
      %swap3A_888 = vector.shape_cast %scan3A_859#6 : vector<16xf32> to vector<16xf32>
      tpu.vector_store %arg12[%swap3A_885], %swap3A_888 {strides = array<i32>} : memref<1024xf32, #tpu.memory_space<vmem>>, vector<16xf32>,
      %swap3A_889 = arith.constant 880 : index
      %swap3A_890 = tpu.vector_load %arg12[%swap3A_889] {strides = array<i32>} : memref<1024xf32, #tpu.memory_space<vmem>>, vector<16xf32>,
      %swap3A_891 = vector.shape_cast %swap3A_890 : vector<16xf32> to vector<16xf32>
      %swap3A_892 = vector.shape_cast %scan3A_859#7 : vector<16xf32> to vector<16xf32>
      tpu.vector_store %arg12[%swap3A_889], %swap3A_892 {strides = array<i32>} : memref<1024xf32, #tpu.memory_space<vmem>>, vector<16xf32>,
      %swap3A_893 = arith.constant 896 : index
      %swap3A_894 = tpu.vector_load %arg12[%swap3A_893] {strides = array<i32>} : memref<1024xf32, #tpu.memory_space<vmem>>, vector<16xf32>,
      %swap3A_895 = vector.shape_cast %swap3A_894 : vector<16xf32> to vector<16xf32>
      %swap3A_896 = vector.shape_cast %scan3A_859#8 : vector<16xf32> to vector<16xf32>
      tpu.vector_store %arg12[%swap3A_893], %swap3A_896 {strides = array<i32>} : memref<1024xf32, #tpu.memory_space<vmem>>, vector<16xf32>,
      %swap3A_897 = arith.constant 912 : index
      %swap3A_898 = tpu.vector_load %arg12[%swap3A_897] {strides = array<i32>} : memref<1024xf32, #tpu.memory_space<vmem>>, vector<16xf32>,
      %swap3A_899 = vector.shape_cast %swap3A_898 : vector<16xf32> to vector<16xf32>
      %swap3A_900 = vector.shape_cast %scan3A_859#9 : vector<16xf32> to vector<16xf32>
      tpu.vector_store %arg12[%swap3A_897], %swap3A_900 {strides = array<i32>} : memref<1024xf32, #tpu.memory_space<vmem>>, vector<16xf32>,
      %swap3A_901 = arith.constant 928 : index
      %swap3A_902 = tpu.vector_load %arg12[%swap3A_901] {strides = array<i32>} : memref<1024xf32, #tpu.memory_space<vmem>>, vector<16xf32>,
      %swap3A_903 = vector.shape_cast %swap3A_902 : vector<16xf32> to vector<16xf32>
      %swap3A_904 = vector.shape_cast %scan3A_859#10 : vector<16xf32> to vector<16xf32>
      tpu.vector_store %arg12[%swap3A_901], %swap3A_904 {strides = array<i32>} : memref<1024xf32, #tpu.memory_space<vmem>>, vector<16xf32>,
      %swap3A_905 = arith.constant 944 : index
      %swap3A_906 = tpu.vector_load %arg12[%swap3A_905] {strides = array<i32>} : memref<1024xf32, #tpu.memory_space<vmem>>, vector<16xf32>,
      %swap3A_907 = vector.shape_cast %swap3A_906 : vector<16xf32> to vector<16xf32>
      %swap3A_908 = vector.shape_cast %scan3A_859#11 : vector<16xf32> to vector<16xf32>
      tpu.vector_store %arg12[%swap3A_905], %swap3A_908 {strides = array<i32>} : memref<1024xf32, #tpu.memory_space<vmem>>, vector<16xf32>,
      %swap3A_909 = arith.constant 960 : index
      %swap3A_910 = tpu.vector_load %arg12[%swap3A_909] {strides = array<i32>} : memref<1024xf32, #tpu.memory_space<vmem>>, vector<16xf32>,
      %swap3A_911 = vector.shape_cast %swap3A_910 : vector<16xf32> to vector<16xf32>
      %swap3A_912 = vector.shape_cast %scan3A_859#12 : vector<16xf32> to vector<16xf32>
      tpu.vector_store %arg12[%swap3A_909], %swap3A_912 {strides = array<i32>} : memref<1024xf32, #tpu.memory_space<vmem>>, vector<16xf32>,
      %swap3A_913 = arith.constant 976 : index
      %swap3A_914 = tpu.vector_load %arg12[%swap3A_913] {strides = array<i32>} : memref<1024xf32, #tpu.memory_space<vmem>>, vector<16xf32>,
      %swap3A_915 = vector.shape_cast %swap3A_914 : vector<16xf32> to vector<16xf32>
      %swap3A_916 = vector.shape_cast %scan3A_859#13 : vector<16xf32> to vector<16xf32>
      tpu.vector_store %arg12[%swap3A_913], %swap3A_916 {strides = array<i32>} : memref<1024xf32, #tpu.memory_space<vmem>>, vector<16xf32>,
      %swap3A_917 = arith.constant 992 : index
      %swap3A_918 = tpu.vector_load %arg12[%swap3A_917] {strides = array<i32>} : memref<1024xf32, #tpu.memory_space<vmem>>, vector<16xf32>,
      %swap3A_919 = vector.shape_cast %swap3A_918 : vector<16xf32> to vector<16xf32>
      %swap3A_920 = vector.shape_cast %scan3A_859#14 : vector<16xf32> to vector<16xf32>
      tpu.vector_store %arg12[%swap3A_917], %swap3A_920 {strides = array<i32>} : memref<1024xf32, #tpu.memory_space<vmem>>, vector<16xf32>,
      %swap3A_921 = arith.constant 1008 : index
      %swap3A_922 = tpu.vector_load %arg12[%swap3A_921] {strides = array<i32>} : memref<1024xf32, #tpu.memory_space<vmem>>, vector<16xf32>,
      %swap3A_923 = vector.shape_cast %swap3A_922 : vector<16xf32> to vector<16xf32>
      %swap3A_924 = vector.shape_cast %scan3A_859#15 : vector<16xf32> to vector<16xf32>
      tpu.vector_store %arg12[%swap3A_921], %swap3A_924 {strides = array<i32>} : memref<1024xf32, #tpu.memory_space<vmem>>, vector<16xf32>,
      %add3A_925 = arith.addi %mul3A_2, %add3A_60 : i32
      %dma_start3A_926 = arith.constant 0 : i32
      %dma_start3A_927 = tpu.memref_slice %arg5[%add3A_925, %dma_start3A_926] : memref<4096x1024xf32, #tpu.memory_space<hbm>> -> memref<1x1024xf32, #tpu.memory_space<hbm>>
      %dma_start3A_928 = tpu.memref_squeeze %dma_start3A_927 : memref<1x1024xf32, #tpu.memory_space<hbm>> -> memref<1024xf32, #tpu.memory_space<hbm>>
      %dma_start3A_929 = arith.constant 0 : i32
      %dma_start3A_930 = tpu.memref_slice %arg5[%add3A_925, %dma_start3A_929] : memref<4096x1024xf32, #tpu.memory_space<hbm>> -> memref<1x1024xf32, #tpu.memory_space<hbm>>
      %dma_start3A_931 = tpu.memref_squeeze %dma_start3A_930 : memref<1x1024xf32, #tpu.memory_space<hbm>> -> memref<1024xf32, #tpu.memory_space<hbm>>
      tpu.enqueue_dma source(%arg12 : memref<1024xf32, #tpu.memory_space<vmem>>) target(%dma_start3A_931 : memref<1024xf32, #tpu.memory_space<hbm>>) target_semaphore(%arg18 : memref<!tpu.dma_semaphore, #tpu.memory_space<semaphore_mem>>)
      %add3A_932 = arith.constant 2 : i32
      %add3A_933 = arith.addi %add3A_60, %add3A_932 : i32
      %lt3A_934 = arith.constant 128 : i32
      %lt3A_935 = arith.cmpi slt, %add3A_933, %lt3A_934 : i32
      %convert_element_type3A_936 = arith.extui %lt3A_935 : i1 to i32
      %cond3A_937 = arith.constant 0 : i32
      %cond3A_938 = arith.cmpi ne, %convert_element_type3A_936, %cond3A_937 : i32
      scf.if %cond3A_938 {
        %add3A_940 = arith.constant 2 : i32
        %add3A_941 = arith.addi %add3A_60, %add3A_940 : i32
        %dma_start3A_942 = arith.constant 0 : i32
        %dma_start3A_943 = tpu.memref_slice %arg6[%add3A_941, %dma_start3A_942] : memref<128x32xi32, #tpu.memory_space<vmem>> -> memref<1x32xi32, #tpu.memory_space<vmem>>
        %dma_start3A_944 = tpu.memref_squeeze %dma_start3A_943 : memref<1x32xi32, #tpu.memory_space<vmem>> -> memref<32xi32, #tpu.memory_space<vmem>>
        %dma_start3A_945 = arith.constant 0 : i32
        %dma_start3A_946 = arith.constant 0 : i32
        %dma_start3A_947 = tpu.memref_slice %arg2[%dma_start3A_945, %dma_start3A_946] : memref<65536x1024xf32, #tpu.memory_space<hbm>> -> memref<65536x1024xf32, #tpu.memory_space<hbm>>
        tpu.enqueue_indirect_dma source(%dma_start3A_947 : memref<65536x1024xf32, #tpu.memory_space<hbm>>) target(%arg8 : memref<32x1024xf32, #tpu.memory_space<vmem>>) offsets(%dma_start3A_944 : memref<32xi32, #tpu.memory_space<vmem>>) semaphore(%arg14 : memref<!tpu.dma_semaphore, #tpu.memory_space<semaphore_mem>>)
        %add3A_948 = arith.addi %mul3A_2, %add3A_941 : i32
        %dma_start3A_949 = arith.constant 0 : i32
        %dma_start3A_950 = arith.constant 0 : i32
        %dma_start3A_951 = tpu.memref_slice %arg4[%add3A_948, %dma_start3A_949, %dma_start3A_950] : memref<4096x32x16xf32, #tpu.memory_space<hbm>> -> memref<1x32x16xf32, #tpu.memory_space<hbm>>
        %dma_start3A_952 = tpu.memref_squeeze %dma_start3A_951 : memref<1x32x16xf32, #tpu.memory_space<hbm>> -> memref<32x16xf32, #tpu.memory_space<hbm>>
        %dma_start3A_953 = arith.constant 0 : i32
        %dma_start3A_954 = arith.constant 0 : i32
        %dma_start3A_955 = tpu.memref_slice %arg4[%add3A_948, %dma_start3A_953, %dma_start3A_954] : memref<4096x32x16xf32, #tpu.memory_space<hbm>> -> memref<1x32x16xf32, #tpu.memory_space<hbm>>
        %dma_start3A_956 = tpu.memref_squeeze %dma_start3A_955 : memref<1x32x16xf32, #tpu.memory_space<hbm>> -> memref<32x16xf32, #tpu.memory_space<hbm>>
        tpu.enqueue_dma source(%dma_start3A_956 : memref<32x16xf32, #tpu.memory_space<hbm>>) target(%arg10 : memref<32x16xf32, #tpu.memory_space<vmem>>) target_semaphore(%arg16 : memref<!tpu.dma_semaphore, #tpu.memory_space<semaphore_mem>>)
      } else {
      }
      %scan3A_939 = arith.constant 0 : i32
      scf.yield %scan3A_939 : i32
    }
    %scan3A_41 = arith.constant 64 : i32
    %dma_wait3A = arith.constant 0 : i32
    %dma_wait3A_42 = tpu.memref_slice %arg5[%mul3A_2, %dma_wait3A] : memref<4096x1024xf32, #tpu.memory_space<hbm>> -> memref<1x1024xf32, #tpu.memory_space<hbm>>
    %dma_wait3A_43 = tpu.memref_squeeze %dma_wait3A_42 : memref<1x1024xf32, #tpu.memory_space<hbm>> -> memref<1024xf32, #tpu.memory_space<hbm>>
    %dma_wait3A_44 = arith.constant 0 : i32
    %dma_wait3A_45 = tpu.memref_slice %arg5[%mul3A_2, %dma_wait3A_44] : memref<4096x1024xf32, #tpu.memory_space<hbm>> -> memref<1x1024xf32, #tpu.memory_space<hbm>>
    %dma_wait3A_46 = tpu.memref_squeeze %dma_wait3A_45 : memref<1x1024xf32, #tpu.memory_space<hbm>> -> memref<1024xf32, #tpu.memory_space<hbm>>
    tpu.wait_dma2 semaphore(%arg17 : memref<!tpu.dma_semaphore, #tpu.memory_space<semaphore_mem>>) src(%arg11 : memref<1024xf32, #tpu.memory_space<vmem>>) dst(%dma_wait3A_46 : memref<1024xf32, #tpu.memory_space<hbm>>)
    %dma_wait3A_47 = arith.constant 0 : i32
    %dma_wait3A_48 = tpu.memref_slice %arg5[%mul3A_2, %dma_wait3A_47] : memref<4096x1024xf32, #tpu.memory_space<hbm>> -> memref<1x1024xf32, #tpu.memory_space<hbm>>
    %dma_wait3A_49 = tpu.memref_squeeze %dma_wait3A_48 : memref<1x1024xf32, #tpu.memory_space<hbm>> -> memref<1024xf32, #tpu.memory_space<hbm>>
    %dma_wait3A_50 = arith.constant 0 : i32
    %dma_wait3A_51 = tpu.memref_slice %arg5[%mul3A_2, %dma_wait3A_50] : memref<4096x1024xf32, #tpu.memory_space<hbm>> -> memref<1x1024xf32, #tpu.memory_space<hbm>>
    %dma_wait3A_52 = tpu.memref_squeeze %dma_wait3A_51 : memref<1x1024xf32, #tpu.memory_space<hbm>> -> memref<1024xf32, #tpu.memory_space<hbm>>
    tpu.wait_dma2 semaphore(%arg18 : memref<!tpu.dma_semaphore, #tpu.memory_space<semaphore_mem>>) src(%arg12 : memref<1024xf32, #tpu.memory_space<vmem>>) dst(%dma_wait3A_52 : memref<1024xf32, #tpu.memory_space<hbm>>)
    return
  }
}

module attributes {stable_mosaic.version = 14 : i64} {
  func.func @_out_mlp_body(%arg0: i32, %arg1: memref<1024x1024xf32, #tpu.memory_space<vmem>>, %arg2: memref<1024x1024xf32, #tpu.memory_space<vmem>>, %arg3: memref<1024x1024xf32, #tpu.memory_space<vmem>>, %arg4: memref<1024x1024xf32, #tpu.memory_space<vmem>>, %arg5: memref<1024x1024xf32, #tpu.memory_space<vmem>>) attributes {dimension_semantics = [#tpu.dimension_semantics<parallel>], iteration_bounds = array<i64: 4>, scalar_prefetch = 0 : i64, scratch_operands = 0 : i64, tpu.core_type = #tpu.core_type<tc>, window_params = [{transform_indices = @transform_0, window_bounds = array<i64: 1024, 1024>}, {transform_indices = @transform_1, window_bounds = array<i64: 1024, 1024>}, {pipeline_mode = #tpu.pipeline_mode<synchronous>, transform_indices = @transform_2, window_bounds = array<i64: 1024, 1024>}, {pipeline_mode = #tpu.pipeline_mode<synchronous>, transform_indices = @transform_3, window_bounds = array<i64: 1024, 1024>}, {transform_indices = @transform_4, window_bounds = array<i64: 1024, 1024>}]} {
    %get3A = arith.constant 0 : index
    %get3A_0 = arith.constant 0 : index
    %get3A_1 = vector.load %arg1[%get3A, %get3A_0] : memref<1024x1024xf32, #tpu.memory_space<vmem>>, vector<1024x1024xf32>
    %get3A_2 = arith.constant 0 : index
    %get3A_3 = arith.constant 0 : index
    %get3A_4 = vector.load %arg3[%get3A_2, %get3A_3] : memref<1024x1024xf32, #tpu.memory_space<vmem>>, vector<1024x1024xf32>
    %dot_general3A = arith.constant dense<0.000000e+00> : vector<1024x1024xf32>
    %dot_general3A_5 = tpu.matmul %get3A_1, %get3A_4, %dot_general3A {dimension_numbers = #tpu.dot_dimension_numbers<[1], [0], [0], [1], [0, 0, 1, 1], [], []>, transpose_lhs_hint = false} : vector<1024x1024xf32>, vector<1024x1024xf32>, vector<1024x1024xf32> -> vector<1024x1024xf32>
    %neg3A = arith.constant 0.000000e+00 : f32
    %neg3A_6 = vector.broadcast %neg3A : f32 to vector<1024x1024xf32>
    %neg3A_7 = arith.subf %neg3A_6, %dot_general3A_5 : vector<1024x1024xf32>
    %exp3A = math.exp %neg3A_7 : vector<1024x1024xf32>
    %add3A = arith.constant 1.000000e+00 : f32
    %add3A_8 = vector.broadcast %add3A : f32 to vector<1024x1024xf32>
    %add3A_9 = arith.addf %add3A_8, %exp3A : vector<1024x1024xf32>
    %div3A = arith.constant 1.000000e+00 : f32
    %div3A_10 = vector.broadcast %div3A : f32 to vector<1024x1024xf32>
    %div3A_11 = arith.divf %div3A_10, %add3A_9 : vector<1024x1024xf32>
    %mul3A = arith.mulf %dot_general3A_5, %div3A_11 : vector<1024x1024xf32>
    %get3A_12 = arith.constant 0 : index
    %get3A_13 = arith.constant 0 : index
    %get3A_14 = vector.load %arg2[%get3A_12, %get3A_13] : memref<1024x1024xf32, #tpu.memory_space<vmem>>, vector<1024x1024xf32>
    %mul3A_15 = arith.mulf %get3A_14, %mul3A : vector<1024x1024xf32>
    %get3A_16 = arith.constant 0 : index
    %get3A_17 = arith.constant 0 : index
    %get3A_18 = vector.load %arg4[%get3A_16, %get3A_17] : memref<1024x1024xf32, #tpu.memory_space<vmem>>, vector<1024x1024xf32>
    %dot_general3A_19 = arith.constant dense<0.000000e+00> : vector<1024x1024xf32>
    %dot_general3A_20 = tpu.matmul %mul3A_15, %get3A_18, %dot_general3A_19 {dimension_numbers = #tpu.dot_dimension_numbers<[1], [0], [0], [1], [0, 0, 1, 1], [], []>, transpose_lhs_hint = false} : vector<1024x1024xf32>, vector<1024x1024xf32>, vector<1024x1024xf32> -> vector<1024x1024xf32>
    %swap3A = arith.constant 0 : index
    %swap3A_21 = arith.constant 0 : index
    %swap3A_22 = vector.load %arg5[%swap3A, %swap3A_21] : memref<1024x1024xf32, #tpu.memory_space<vmem>>, vector<1024x1024xf32>
    tpu.vector_store %arg5[%swap3A, %swap3A_21], %dot_general3A_20 {strides = array<i32>} : memref<1024x1024xf32, #tpu.memory_space<vmem>>, vector<1024x1024xf32>,
    return
  }
  func.func @transform_0(%arg0: i32) -> (i32, i32) {
    %c0_i32 = arith.constant 0 : i32
    %c0_i32_0 = arith.constant 0 : i32
    return %arg0, %c0_i32 : i32, i32
  }
  func.func @transform_1(%arg0: i32) -> (i32, i32) {
    %c0_i32 = arith.constant 0 : i32
    %c0_i32_0 = arith.constant 0 : i32
    return %arg0, %c0_i32 : i32, i32
  }
  func.func @transform_2(%arg0: i32) -> (i32, i32) {
    %c0_i32 = arith.constant 0 : i32
    %c0_i32_0 = arith.constant 0 : i32
    %c0_i32_1 = arith.constant 0 : i32
    return %c0_i32, %c0_i32_0 : i32, i32
  }
  func.func @transform_3(%arg0: i32) -> (i32, i32) {
    %c0_i32 = arith.constant 0 : i32
    %c0_i32_0 = arith.constant 0 : i32
    %c0_i32_1 = arith.constant 0 : i32
    return %c0_i32, %c0_i32_0 : i32, i32
  }
  func.func @transform_4(%arg0: i32) -> (i32, i32) {
    %c0_i32 = arith.constant 0 : i32
    %c0_i32_0 = arith.constant 0 : i32
    return %arg0, %c0_i32 : i32, i32
  }
}

module attributes {stable_mosaic.version = 14 : i64} {
  func.func @_mlp_topk_body(%arg0: i32, %arg1: i32, %arg2: memref<1024x1024xf32, #tpu.memory_space<vmem>>, %arg3: memref<1024x1024xf32, #tpu.memory_space<vmem>>, %arg4: memref<1x1024xf32, #tpu.memory_space<vmem>>, %arg5: memref<1024x256xf32, #tpu.memory_space<vmem>>, %arg6: memref<1x256xf32, #tpu.memory_space<vmem>>, %arg7: memref<256x256xf32, #tpu.memory_space<vmem>>, %arg8: memref<256x256xf32, #tpu.memory_space<vmem>>, %arg9: memref<1024x32xi32, #tpu.memory_space<vmem>>, %arg10: memref<1024x32xf32, #tpu.memory_space<vmem>>, %arg11: memref<1024x256xf32, #tpu.memory_space<vmem>>, %arg12: memref<2048x256xf32, #tpu.memory_space<vmem>>, %arg13: memref<1024x384xf32, #tpu.memory_space<vmem>>, %arg14: memref<2048x32xf32, #tpu.memory_space<vmem>>, %arg15: memref<2048x32xi32, #tpu.memory_space<vmem>>) attributes {dimension_semantics = [#tpu.dimension_semantics<parallel>, #tpu.dimension_semantics<arbitrary>], iteration_bounds = array<i64: 4, 4>, scalar_prefetch = 0 : i64, scratch_operands = 5 : i64, tpu.core_type = #tpu.core_type<tc>, window_params = [{transform_indices = @transform_0, window_bounds = array<i64: 1024, 1024>}, {transform_indices = @transform_1, window_bounds = array<i64: 1024, 1024>}, {transform_indices = @transform_2, window_bounds = array<i64: 1, 1024>}, {transform_indices = @transform_3, window_bounds = array<i64: 1024, 256>}, {pipeline_mode = #tpu.pipeline_mode<synchronous>, transform_indices = @transform_4, window_bounds = array<i64: 1, 256>}, {pipeline_mode = #tpu.pipeline_mode<synchronous>, transform_indices = @transform_5, window_bounds = array<i64: 256, 256>}, {pipeline_mode = #tpu.pipeline_mode<synchronous>, transform_indices = @transform_6, window_bounds = array<i64: 256, 256>}, {transform_indices = @transform_7, window_bounds = array<i64: 1024, 32>}, {transform_indices = @transform_8, window_bounds = array<i64: 1024, 32>}]} {
    %eq3A = arith.constant 0 : i32
    %eq3A_0 = arith.cmpi eq, %arg1, %eq3A : i32
    %convert_element_type3A = arith.extui %eq3A_0 : i1 to i32
    %cond3A = arith.constant 0 : i32
    %cond3A_1 = arith.cmpi ne, %convert_element_type3A, %cond3A : i32
    scf.if %cond3A_1 {
      %broadcast_in_dim3A = arith.constant 0.000000e+00 : f32
      %broadcast_in_dim3A_35 = vector.broadcast %broadcast_in_dim3A : f32 to vector<1024x256xf32>
      %swap3A_36 = arith.constant 0 : index
      %swap3A_37 = arith.constant 0 : index
      %swap3A_38 = vector.load %arg11[%swap3A_36, %swap3A_37] : memref<1024x256xf32, #tpu.memory_space<vmem>>, vector<1024x256xf32>
      tpu.vector_store %arg11[%swap3A_36, %swap3A_37], %broadcast_in_dim3A_35 {strides = array<i32>} : memref<1024x256xf32, #tpu.memory_space<vmem>>, vector<1024x256xf32>,
    } else {
    }
    %get3A = arith.constant 0 : index
    %get3A_2 = arith.constant 0 : index
    %get3A_3 = vector.load %arg2[%get3A, %get3A_2] : memref<1024x1024xf32, #tpu.memory_space<vmem>>, vector<1024x1024xf32>
    %get3A_4 = arith.constant 0 : index
    %get3A_5 = arith.constant 0 : index
    %get3A_6 = vector.load %arg3[%get3A_4, %get3A_5] : memref<1024x1024xf32, #tpu.memory_space<vmem>>, vector<1024x1024xf32>
    %dot_general3A = arith.constant dense<0.000000e+00> : vector<1024x1024xf32>
    %dot_general3A_7 = tpu.matmul %get3A_3, %get3A_6, %dot_general3A {dimension_numbers = #tpu.dot_dimension_numbers<[1], [0], [0], [1], [0, 0, 1, 1], [], []>, transpose_lhs_hint = false} : vector<1024x1024xf32>, vector<1024x1024xf32>, vector<1024x1024xf32> -> vector<1024x1024xf32>
    %get3A_8 = arith.constant 0 : index
    %get3A_9 = arith.constant 0 : index
    %get3A_10 = vector.load %arg4[%get3A_8, %get3A_9] : memref<1x1024xf32, #tpu.memory_space<vmem>>, vector<1x1024xf32>
    %add3A = vector.broadcast %get3A_10 : vector<1x1024xf32> to vector<1024x1024xf32>
    %add3A_11 = arith.addf %dot_general3A_7, %add3A : vector<1024x1024xf32>
    %neg3A = arith.constant 0.000000e+00 : f32
    %neg3A_12 = vector.broadcast %neg3A : f32 to vector<1024x1024xf32>
    %neg3A_13 = arith.subf %neg3A_12, %add3A_11 : vector<1024x1024xf32>
    %exp3A = math.exp %neg3A_13 : vector<1024x1024xf32>
    %add3A_14 = arith.constant 1.000000e+00 : f32
    %add3A_15 = vector.broadcast %add3A_14 : f32 to vector<1024x1024xf32>
    %add3A_16 = arith.addf %add3A_15, %exp3A : vector<1024x1024xf32>
    %div3A = arith.constant 1.000000e+00 : f32
    %div3A_17 = vector.broadcast %div3A : f32 to vector<1024x1024xf32>
    %div3A_18 = arith.divf %div3A_17, %add3A_16 : vector<1024x1024xf32>
    %mul3A = arith.mulf %add3A_11, %div3A_18 : vector<1024x1024xf32>
    %get3A_19 = arith.constant 0 : index
    %get3A_20 = arith.constant 0 : index
    %get3A_21 = vector.load %arg11[%get3A_19, %get3A_20] : memref<1024x256xf32, #tpu.memory_space<vmem>>, vector<1024x256xf32>
    %get3A_22 = arith.constant 0 : index
    %get3A_23 = arith.constant 0 : index
    %get3A_24 = vector.load %arg5[%get3A_22, %get3A_23] : memref<1024x256xf32, #tpu.memory_space<vmem>>, vector<1024x256xf32>
    %dot_general3A_25 = arith.constant dense<0.000000e+00> : vector<1024x256xf32>
    %dot_general3A_26 = tpu.matmul %mul3A, %get3A_24, %dot_general3A_25 {dimension_numbers = #tpu.dot_dimension_numbers<[1], [0], [0], [1], [0, 0, 1, 1], [], []>, transpose_lhs_hint = false} : vector<1024x1024xf32>, vector<1024x256xf32>, vector<1024x256xf32> -> vector<1024x256xf32>
    %add3A_27 = arith.addf %get3A_21, %dot_general3A_26 : vector<1024x256xf32>
    %swap3A = arith.constant 0 : index
    %swap3A_28 = arith.constant 0 : index
    %swap3A_29 = vector.load %arg11[%swap3A, %swap3A_28] : memref<1024x256xf32, #tpu.memory_space<vmem>>, vector<1024x256xf32>
    tpu.vector_store %arg11[%swap3A, %swap3A_28], %add3A_27 {strides = array<i32>} : memref<1024x256xf32, #tpu.memory_space<vmem>>, vector<1024x256xf32>,
    %eq3A_30 = arith.constant 3 : i32
    %eq3A_31 = arith.cmpi eq, %arg1, %eq3A_30 : i32
    %convert_element_type3A_32 = arith.extui %eq3A_31 : i1 to i32
    %cond3A_33 = arith.constant 0 : i32
    %cond3A_34 = arith.cmpi ne, %convert_element_type3A_32, %cond3A_33 : i32
    scf.if %cond3A_34 {
      %get3A_35 = arith.constant 0 : index
      %get3A_36 = arith.constant 0 : index
      %get3A_37 = vector.load %arg11[%get3A_35, %get3A_36] : memref<1024x256xf32, #tpu.memory_space<vmem>>, vector<1024x256xf32>
      %get3A_38 = arith.constant 0 : index
      %get3A_39 = arith.constant 0 : index
      %get3A_40 = vector.load %arg6[%get3A_38, %get3A_39] : memref<1x256xf32, #tpu.memory_space<vmem>>, vector<1x256xf32>
      %add3A_41 = vector.broadcast %get3A_40 : vector<1x256xf32> to vector<1024x256xf32>
      %add3A_42 = arith.addf %get3A_37, %add3A_41 : vector<1024x256xf32>
      %mul3A_43 = arith.mulf %add3A_42, %add3A_42 : vector<1024x256xf32>
      %reduce_sum3A = arith.constant dense<0.000000e+00> : vector<1024xf32>
      %reduce_sum3A_44 = vector.multi_reduction <add>, %mul3A_43, %reduce_sum3A [1] : vector<1024x256xf32> to vector<1024xf32>
      %broadcast_in_dim3A = vector.shape_cast %reduce_sum3A_44 : vector<1024xf32> to vector<1024x1xf32>
      %div3A_45 = arith.constant 2.560000e+02 : f32
      %div3A_46 = vector.broadcast %div3A_45 : f32 to vector<1024x1xf32>
      %div3A_47 = arith.divf %broadcast_in_dim3A, %div3A_46 : vector<1024x1xf32>
      %add3A_48 = arith.constant 9.99999997E-7 : f32
      %add3A_49 = vector.broadcast %add3A_48 : f32 to vector<1024x1xf32>
      %add3A_50 = arith.addf %div3A_47, %add3A_49 : vector<1024x1xf32>
      %rsqrt3A = math.rsqrt %add3A_50 : vector<1024x1xf32>
      %mul3A_51 = vector.broadcast %rsqrt3A : vector<1024x1xf32> to vector<1024x256xf32>
      %mul3A_52 = arith.mulf %add3A_42, %mul3A_51 : vector<1024x256xf32>
      %get3A_53 = arith.constant 0 : index
      %get3A_54 = arith.constant 0 : index
      %get3A_55 = vector.load %arg7[%get3A_53, %get3A_54] : memref<256x256xf32, #tpu.memory_space<vmem>>, vector<256x256xf32>
      %mul3A_56 = arith.mulf %get3A_55, %get3A_55 : vector<256x256xf32>
      %reduce_sum3A_57 = arith.constant dense<0.000000e+00> : vector<256xf32>
      %reduce_sum3A_58 = vector.multi_reduction <add>, %mul3A_56, %reduce_sum3A_57 [1] : vector<256x256xf32> to vector<256xf32>
      %broadcast_in_dim3A_59 = vector.shape_cast %reduce_sum3A_58 : vector<256xf32> to vector<256x1xf32>
      %div3A_60 = arith.constant 2.560000e+02 : f32
      %div3A_61 = vector.broadcast %div3A_60 : f32 to vector<256x1xf32>
      %div3A_62 = arith.divf %broadcast_in_dim3A_59, %div3A_61 : vector<256x1xf32>
      %add3A_63 = arith.constant 9.99999997E-7 : f32
      %add3A_64 = vector.broadcast %add3A_63 : f32 to vector<256x1xf32>
      %add3A_65 = arith.addf %div3A_62, %add3A_64 : vector<256x1xf32>
      %rsqrt3A_66 = math.rsqrt %add3A_65 : vector<256x1xf32>
      %mul3A_67 = vector.broadcast %rsqrt3A_66 : vector<256x1xf32> to vector<256x256xf32>
      %mul3A_68 = arith.mulf %get3A_55, %mul3A_67 : vector<256x256xf32>
      %get3A_69 = arith.constant 0 : index
      %get3A_70 = arith.constant 0 : index
      %get3A_71 = vector.load %arg8[%get3A_69, %get3A_70] : memref<256x256xf32, #tpu.memory_space<vmem>>, vector<256x256xf32>
      %mul3A_72 = arith.mulf %get3A_71, %get3A_71 : vector<256x256xf32>
      %reduce_sum3A_73 = arith.constant dense<0.000000e+00> : vector<256xf32>
      %reduce_sum3A_74 = vector.multi_reduction <add>, %mul3A_72, %reduce_sum3A_73 [1] : vector<256x256xf32> to vector<256xf32>
      %broadcast_in_dim3A_75 = vector.shape_cast %reduce_sum3A_74 : vector<256xf32> to vector<256x1xf32>
      %div3A_76 = arith.constant 2.560000e+02 : f32
      %div3A_77 = vector.broadcast %div3A_76 : f32 to vector<256x1xf32>
      %div3A_78 = arith.divf %broadcast_in_dim3A_75, %div3A_77 : vector<256x1xf32>
      %add3A_79 = arith.constant 9.99999997E-7 : f32
      %add3A_80 = vector.broadcast %add3A_79 : f32 to vector<256x1xf32>
      %add3A_81 = arith.addf %div3A_78, %add3A_80 : vector<256x1xf32>
      %rsqrt3A_82 = math.rsqrt %add3A_81 : vector<256x1xf32>
      %mul3A_83 = vector.broadcast %rsqrt3A_82 : vector<256x1xf32> to vector<256x256xf32>
      %mul3A_84 = arith.mulf %get3A_71, %mul3A_83 : vector<256x256xf32>
      %dot_general3A_85 = arith.constant dense<0.000000e+00> : vector<1024x256xf32>
      %dot_general3A_86 = tpu.matmul %mul3A_52, %mul3A_68, %dot_general3A_85 {dimension_numbers = #tpu.dot_dimension_numbers<[1], [1], [0], [0], [0, 0, 1, 0], [], []>, transpose_lhs_hint = false} : vector<1024x256xf32>, vector<256x256xf32>, vector<1024x256xf32> -> vector<1024x256xf32>
      %swap3A_87 = arith.constant 0 : index
      %swap3A_88 = arith.constant 0 : index
      %swap3A_89 = vector.load %arg12[%swap3A_87, %swap3A_88] : memref<2048x256xf32, #tpu.memory_space<vmem>>, vector<1024x256xf32>
      tpu.vector_store %arg12[%swap3A_87, %swap3A_88], %dot_general3A_86 {strides = array<i32>} : memref<2048x256xf32, #tpu.memory_space<vmem>>, vector<1024x256xf32>,
      %dot_general3A_90 = arith.constant dense<0.000000e+00> : vector<1024x256xf32>
      %dot_general3A_91 = tpu.matmul %mul3A_52, %mul3A_84, %dot_general3A_90 {dimension_numbers = #tpu.dot_dimension_numbers<[1], [1], [0], [0], [0, 0, 1, 0], [], []>, transpose_lhs_hint = false} : vector<1024x256xf32>, vector<256x256xf32>, vector<1024x256xf32> -> vector<1024x256xf32>
      %swap3A_92 = arith.constant 1024 : index
      %swap3A_93 = arith.constant 0 : index
      %swap3A_94 = vector.load %arg12[%swap3A_92, %swap3A_93] : memref<2048x256xf32, #tpu.memory_space<vmem>>, vector<1024x256xf32>
      tpu.vector_store %arg12[%swap3A_92, %swap3A_93], %dot_general3A_91 {strides = array<i32>} : memref<2048x256xf32, #tpu.memory_space<vmem>>, vector<1024x256xf32>,
      %iota3A = tpu.iota {dimensions = array<i32: 1>} : vector<2048x256xi32>
      %iota3A_95 = tpu.iota {dimensions = array<i32: 1>} : vector<2048x32xi32>
      %scan3A = arith.constant 0 : i32
      %scan3A_96 = arith.constant 32 : i32
      %scan3A_97 = arith.addi %scan3A, %scan3A_96 : i32
      %scan3A_98 = arith.constant 1 : i32
      scf.for %scan3A_208 = %scan3A to %scan3A_97 step %scan3A_98  : i32 {
        %get3A_209 = arith.constant 0 : index
        %get3A_210 = arith.constant 0 : index
        %get3A_211 = vector.load %arg12[%get3A_209, %get3A_210] : memref<2048x256xf32, #tpu.memory_space<vmem>>, vector<2048x256xf32>
        %reduce_max3A_212 = arith.constant dense<0xFF800000> : vector<2048xf32>
        %reduce_max3A_213 = vector.multi_reduction <maximumf>, %get3A_211, %reduce_max3A_212 [1] : vector<2048x256xf32> to vector<2048xf32>
        %broadcast_in_dim3A_214 = vector.shape_cast %reduce_max3A_213 : vector<2048xf32> to vector<2048x1xf32>
        %eq3A_215 = vector.broadcast %broadcast_in_dim3A_214 : vector<2048x1xf32> to vector<2048x256xf32>
        %eq3A_216 = arith.cmpf oeq, %get3A_211, %eq3A_215 : vector<2048x256xf32>
        %jit3A_217 = arith.constant 256 : i32
        %broadcast_in_dim3A_218 = vector.broadcast %jit3A_217 : i32 to vector<2048x256xi32>
        %select_n3A_219 = arith.select %eq3A_216, %iota3A, %broadcast_in_dim3A_218 : vector<2048x256xi1>, vector<2048x256xi32>
        %reduce_min3A = arith.constant dense<2147483647> : vector<2048xi32>
        %reduce_min3A_220 = vector.multi_reduction <minsi>, %select_n3A_219, %reduce_min3A [1] : vector<2048x256xi32> to vector<2048xi32>
        %broadcast_in_dim3A_221 = vector.shape_cast %reduce_min3A_220 : vector<2048xi32> to vector<2048x1xi32>
        %eq3A_222 = vector.broadcast %scan3A_208 : i32 to vector<2048x32xi32>
        %eq3A_223 = arith.cmpi eq, %iota3A_95, %eq3A_222 : vector<2048x32xi32>
        %get3A_224 = arith.constant 0 : index
        %get3A_225 = arith.constant 0 : index
        %get3A_226 = vector.load %arg14[%get3A_224, %get3A_225] : memref<2048x32xf32, #tpu.memory_space<vmem>>, vector<2048x32xf32>
        %broadcast_in_dim3A_227 = vector.shape_cast %broadcast_in_dim3A_214 : vector<2048x1xf32> to vector<2048x1xf32>
        %broadcast_in_dim3A_228 = vector.broadcast %broadcast_in_dim3A_227 : vector<2048x1xf32> to vector<2048x32xf32>
        %select_n3A_229 = arith.select %eq3A_223, %broadcast_in_dim3A_228, %get3A_226 : vector<2048x32xi1>, vector<2048x32xf32>
        %swap3A_230 = arith.constant 0 : index
        %swap3A_231 = arith.constant 0 : index
        %swap3A_232 = vector.load %arg14[%swap3A_230, %swap3A_231] : memref<2048x32xf32, #tpu.memory_space<vmem>>, vector<2048x32xf32>
        tpu.vector_store %arg14[%swap3A_230, %swap3A_231], %select_n3A_229 {strides = array<i32>} : memref<2048x32xf32, #tpu.memory_space<vmem>>, vector<2048x32xf32>,
        %eq3A_233 = vector.broadcast %scan3A_208 : i32 to vector<2048x32xi32>
        %eq3A_234 = arith.cmpi eq, %iota3A_95, %eq3A_233 : vector<2048x32xi32>
        %get3A_235 = arith.constant 0 : index
        %get3A_236 = arith.constant 0 : index
        %get3A_237 = vector.load %arg15[%get3A_235, %get3A_236] : memref<2048x32xi32, #tpu.memory_space<vmem>>, vector<2048x32xi32>
        %broadcast_in_dim3A_238 = vector.shape_cast %broadcast_in_dim3A_221 : vector<2048x1xi32> to vector<2048x1xi32>
        %broadcast_in_dim3A_239 = vector.broadcast %broadcast_in_dim3A_238 : vector<2048x1xi32> to vector<2048x32xi32>
        %select_n3A_240 = arith.select %eq3A_234, %broadcast_in_dim3A_239, %get3A_237 : vector<2048x32xi1>, vector<2048x32xi32>
        %swap3A_241 = arith.constant 0 : index
        %swap3A_242 = arith.constant 0 : index
        %swap3A_243 = vector.load %arg15[%swap3A_241, %swap3A_242] : memref<2048x32xi32, #tpu.memory_space<vmem>>, vector<2048x32xi32>
        tpu.vector_store %arg15[%swap3A_241, %swap3A_242], %select_n3A_240 {strides = array<i32>} : memref<2048x32xi32, #tpu.memory_space<vmem>>, vector<2048x32xi32>,
        %eq3A_244 = vector.broadcast %broadcast_in_dim3A_221 : vector<2048x1xi32> to vector<2048x256xi32>
        %eq3A_245 = arith.cmpi eq, %iota3A, %eq3A_244 : vector<2048x256xi32>
        %jit3A_246 = arith.constant 0xFF800000 : f32
        %broadcast_in_dim3A_247 = vector.broadcast %jit3A_246 : f32 to vector<2048x256xf32>
        %select_n3A_248 = arith.select %eq3A_245, %broadcast_in_dim3A_247, %get3A_211 : vector<2048x256xi1>, vector<2048x256xf32>
        %swap3A_249 = arith.constant 0 : index
        %swap3A_250 = arith.constant 0 : index
        %swap3A_251 = vector.load %arg12[%swap3A_249, %swap3A_250] : memref<2048x256xf32, #tpu.memory_space<vmem>>, vector<2048x256xf32>
        tpu.vector_store %arg12[%swap3A_249, %swap3A_250], %select_n3A_248 {strides = array<i32>} : memref<2048x256xf32, #tpu.memory_space<vmem>>, vector<2048x256xf32>,
      }
      %scan3A_99 = arith.constant 32 : i32
      %get3A_100 = arith.constant 0 : index
      %get3A_101 = arith.constant 0 : index
      %get3A_102 = vector.load %arg14[%get3A_100, %get3A_101] : memref<2048x32xf32, #tpu.memory_space<vmem>>, vector<1024x32xf32>
      %get3A_103 = arith.constant 1024 : index
      %get3A_104 = arith.constant 0 : index
      %get3A_105 = vector.load %arg14[%get3A_103, %get3A_104] : memref<2048x32xf32, #tpu.memory_space<vmem>>, vector<1024x32xf32>
      %iota3A_106 = tpu.iota {dimensions = array<i32: 1>} : vector<1024x32xi32>
      %lt3A = arith.constant 4 : i32
      %lt3A_107 = vector.broadcast %lt3A : i32 to vector<1024x32xi32>
      %lt3A_108 = arith.cmpi slt, %iota3A_106, %lt3A_107 : vector<1024x32xi32>
      %jit3A = arith.constant 0xFF800000 : f32
      %broadcast_in_dim3A_109 = vector.broadcast %jit3A : f32 to vector<1024x32xf32>
      %select_n3A = arith.select %lt3A_108, %broadcast_in_dim3A_109, %get3A_102 : vector<1024x32xi1>, vector<1024x32xf32>
      %slice3A = vector.extract_strided_slice %get3A_102 {offsets = [0, 0], sizes = [1024, 1], strides = [1, 1]} : vector<1024x32xf32> to vector<1024x1xf32>
      %add3A_110 = vector.broadcast %slice3A : vector<1024x1xf32> to vector<1024x32xf32>
      %add3A_111 = arith.addf %add3A_110, %get3A_105 : vector<1024x32xf32>
      %swap3A_112 = arith.constant 0 : index
      %swap3A_113 = arith.constant 0 : index
      %swap3A_114 = vector.load %arg13[%swap3A_112, %swap3A_113] : memref<1024x384xf32, #tpu.memory_space<vmem>>, vector<1024x32xf32>
      tpu.vector_store %arg13[%swap3A_112, %swap3A_113], %add3A_111 {strides = array<i32>} : memref<1024x384xf32, #tpu.memory_space<vmem>>, vector<1024x32xf32>,
      %slice3A_115 = vector.extract_strided_slice %get3A_102 {offsets = [0, 1], sizes = [1024, 1], strides = [1, 1]} : vector<1024x32xf32> to vector<1024x1xf32>
      %add3A_116 = vector.broadcast %slice3A_115 : vector<1024x1xf32> to vector<1024x32xf32>
      %add3A_117 = arith.addf %add3A_116, %get3A_105 : vector<1024x32xf32>
      %swap3A_118 = arith.constant 0 : index
      %swap3A_119 = arith.constant 32 : index
      %swap3A_120 = vector.load %arg13[%swap3A_118, %swap3A_119] : memref<1024x384xf32, #tpu.memory_space<vmem>>, vector<1024x32xf32>
      tpu.vector_store %arg13[%swap3A_118, %swap3A_119], %add3A_117 {strides = array<i32>} : memref<1024x384xf32, #tpu.memory_space<vmem>>, vector<1024x32xf32>,
      %slice3A_121 = vector.extract_strided_slice %get3A_102 {offsets = [0, 2], sizes = [1024, 1], strides = [1, 1]} : vector<1024x32xf32> to vector<1024x1xf32>
      %add3A_122 = vector.broadcast %slice3A_121 : vector<1024x1xf32> to vector<1024x32xf32>
      %add3A_123 = arith.addf %add3A_122, %get3A_105 : vector<1024x32xf32>
      %swap3A_124 = arith.constant 0 : index
      %swap3A_125 = arith.constant 64 : index
      %swap3A_126 = vector.load %arg13[%swap3A_124, %swap3A_125] : memref<1024x384xf32, #tpu.memory_space<vmem>>, vector<1024x32xf32>
      tpu.vector_store %arg13[%swap3A_124, %swap3A_125], %add3A_123 {strides = array<i32>} : memref<1024x384xf32, #tpu.memory_space<vmem>>, vector<1024x32xf32>,
      %slice3A_127 = vector.extract_strided_slice %get3A_102 {offsets = [0, 3], sizes = [1024, 1], strides = [1, 1]} : vector<1024x32xf32> to vector<1024x1xf32>
      %add3A_128 = vector.broadcast %slice3A_127 : vector<1024x1xf32> to vector<1024x32xf32>
      %add3A_129 = arith.addf %add3A_128, %get3A_105 : vector<1024x32xf32>
      %swap3A_130 = arith.constant 0 : index
      %swap3A_131 = arith.constant 96 : index
      %swap3A_132 = vector.load %arg13[%swap3A_130, %swap3A_131] : memref<1024x384xf32, #tpu.memory_space<vmem>>, vector<1024x32xf32>
      tpu.vector_store %arg13[%swap3A_130, %swap3A_131], %add3A_129 {strides = array<i32>} : memref<1024x384xf32, #tpu.memory_space<vmem>>, vector<1024x32xf32>,
      %slice3A_133 = vector.extract_strided_slice %get3A_105 {offsets = [0, 0], sizes = [1024, 1], strides = [1, 1]} : vector<1024x32xf32> to vector<1024x1xf32>
      %add3A_134 = vector.broadcast %slice3A_133 : vector<1024x1xf32> to vector<1024x32xf32>
      %add3A_135 = arith.addf %select_n3A, %add3A_134 : vector<1024x32xf32>
      %swap3A_136 = arith.constant 0 : index
      %swap3A_137 = arith.constant 128 : index
      %swap3A_138 = vector.load %arg13[%swap3A_136, %swap3A_137] : memref<1024x384xf32, #tpu.memory_space<vmem>>, vector<1024x32xf32>
      tpu.vector_store %arg13[%swap3A_136, %swap3A_137], %add3A_135 {strides = array<i32>} : memref<1024x384xf32, #tpu.memory_space<vmem>>, vector<1024x32xf32>,
      %slice3A_139 = vector.extract_strided_slice %get3A_105 {offsets = [0, 1], sizes = [1024, 1], strides = [1, 1]} : vector<1024x32xf32> to vector<1024x1xf32>
      %add3A_140 = vector.broadcast %slice3A_139 : vector<1024x1xf32> to vector<1024x32xf32>
      %add3A_141 = arith.addf %select_n3A, %add3A_140 : vector<1024x32xf32>
      %swap3A_142 = arith.constant 0 : index
      %swap3A_143 = arith.constant 160 : index
      %swap3A_144 = vector.load %arg13[%swap3A_142, %swap3A_143] : memref<1024x384xf32, #tpu.memory_space<vmem>>, vector<1024x32xf32>
      tpu.vector_store %arg13[%swap3A_142, %swap3A_143], %add3A_141 {strides = array<i32>} : memref<1024x384xf32, #tpu.memory_space<vmem>>, vector<1024x32xf32>,
      %slice3A_145 = vector.extract_strided_slice %get3A_105 {offsets = [0, 2], sizes = [1024, 1], strides = [1, 1]} : vector<1024x32xf32> to vector<1024x1xf32>
      %add3A_146 = vector.broadcast %slice3A_145 : vector<1024x1xf32> to vector<1024x32xf32>
      %add3A_147 = arith.addf %select_n3A, %add3A_146 : vector<1024x32xf32>
      %swap3A_148 = arith.constant 0 : index
      %swap3A_149 = arith.constant 192 : index
      %swap3A_150 = vector.load %arg13[%swap3A_148, %swap3A_149] : memref<1024x384xf32, #tpu.memory_space<vmem>>, vector<1024x32xf32>
      tpu.vector_store %arg13[%swap3A_148, %swap3A_149], %add3A_147 {strides = array<i32>} : memref<1024x384xf32, #tpu.memory_space<vmem>>, vector<1024x32xf32>,
      %slice3A_151 = vector.extract_strided_slice %get3A_105 {offsets = [0, 3], sizes = [1024, 1], strides = [1, 1]} : vector<1024x32xf32> to vector<1024x1xf32>
      %add3A_152 = vector.broadcast %slice3A_151 : vector<1024x1xf32> to vector<1024x32xf32>
      %add3A_153 = arith.addf %select_n3A, %add3A_152 : vector<1024x32xf32>
      %swap3A_154 = arith.constant 0 : index
      %swap3A_155 = arith.constant 224 : index
      %swap3A_156 = vector.load %arg13[%swap3A_154, %swap3A_155] : memref<1024x384xf32, #tpu.memory_space<vmem>>, vector<1024x32xf32>
      tpu.vector_store %arg13[%swap3A_154, %swap3A_155], %add3A_153 {strides = array<i32>} : memref<1024x384xf32, #tpu.memory_space<vmem>>, vector<1024x32xf32>,
      %slice3A_157 = vector.extract_strided_slice %get3A_105 {offsets = [0, 4], sizes = [1024, 1], strides = [1, 1]} : vector<1024x32xf32> to vector<1024x1xf32>
      %add3A_158 = vector.broadcast %slice3A_157 : vector<1024x1xf32> to vector<1024x32xf32>
      %add3A_159 = arith.addf %select_n3A, %add3A_158 : vector<1024x32xf32>
      %swap3A_160 = arith.constant 0 : index
      %swap3A_161 = arith.constant 256 : index
      %swap3A_162 = vector.load %arg13[%swap3A_160, %swap3A_161] : memref<1024x384xf32, #tpu.memory_space<vmem>>, vector<1024x32xf32>
      tpu.vector_store %arg13[%swap3A_160, %swap3A_161], %add3A_159 {strides = array<i32>} : memref<1024x384xf32, #tpu.memory_space<vmem>>, vector<1024x32xf32>,
      %slice3A_163 = vector.extract_strided_slice %get3A_105 {offsets = [0, 5], sizes = [1024, 1], strides = [1, 1]} : vector<1024x32xf32> to vector<1024x1xf32>
      %add3A_164 = vector.broadcast %slice3A_163 : vector<1024x1xf32> to vector<1024x32xf32>
      %add3A_165 = arith.addf %select_n3A, %add3A_164 : vector<1024x32xf32>
      %swap3A_166 = arith.constant 0 : index
      %swap3A_167 = arith.constant 288 : index
      %swap3A_168 = vector.load %arg13[%swap3A_166, %swap3A_167] : memref<1024x384xf32, #tpu.memory_space<vmem>>, vector<1024x32xf32>
      tpu.vector_store %arg13[%swap3A_166, %swap3A_167], %add3A_165 {strides = array<i32>} : memref<1024x384xf32, #tpu.memory_space<vmem>>, vector<1024x32xf32>,
      %slice3A_169 = vector.extract_strided_slice %get3A_105 {offsets = [0, 6], sizes = [1024, 1], strides = [1, 1]} : vector<1024x32xf32> to vector<1024x1xf32>
      %add3A_170 = vector.broadcast %slice3A_169 : vector<1024x1xf32> to vector<1024x32xf32>
      %add3A_171 = arith.addf %select_n3A, %add3A_170 : vector<1024x32xf32>
      %swap3A_172 = arith.constant 0 : index
      %swap3A_173 = arith.constant 320 : index
      %swap3A_174 = vector.load %arg13[%swap3A_172, %swap3A_173] : memref<1024x384xf32, #tpu.memory_space<vmem>>, vector<1024x32xf32>
      tpu.vector_store %arg13[%swap3A_172, %swap3A_173], %add3A_171 {strides = array<i32>} : memref<1024x384xf32, #tpu.memory_space<vmem>>, vector<1024x32xf32>,
      %slice3A_175 = vector.extract_strided_slice %get3A_105 {offsets = [0, 7], sizes = [1024, 1], strides = [1, 1]} : vector<1024x32xf32> to vector<1024x1xf32>
      %add3A_176 = vector.broadcast %slice3A_175 : vector<1024x1xf32> to vector<1024x32xf32>
      %add3A_177 = arith.addf %select_n3A, %add3A_176 : vector<1024x32xf32>
      %swap3A_178 = arith.constant 0 : index
      %swap3A_179 = arith.constant 352 : index
      %swap3A_180 = vector.load %arg13[%swap3A_178, %swap3A_179] : memref<1024x384xf32, #tpu.memory_space<vmem>>, vector<1024x32xf32>
      tpu.vector_store %arg13[%swap3A_178, %swap3A_179], %add3A_177 {strides = array<i32>} : memref<1024x384xf32, #tpu.memory_space<vmem>>, vector<1024x32xf32>,
      %iota3A_181 = tpu.iota {dimensions = array<i32: 1>} : vector<1024x384xi32>
      %get3A_182 = arith.constant 0 : index
      %get3A_183 = arith.constant 0 : index
      %get3A_184 = vector.load %arg15[%get3A_182, %get3A_183] : memref<2048x32xi32, #tpu.memory_space<vmem>>, vector<1024x32xi32>
      %get3A_185 = arith.constant 1024 : index
      %get3A_186 = arith.constant 0 : index
      %get3A_187 = vector.load %arg15[%get3A_185, %get3A_186] : memref<2048x32xi32, #tpu.memory_space<vmem>>, vector<1024x32xi32>
      %scan3A_188 = arith.constant 0 : i32
      %scan3A_189 = arith.constant 32 : i32
      %scan3A_190 = arith.addi %scan3A_188, %scan3A_189 : i32
      %scan3A_191 = arith.constant 1 : i32
      scf.for %scan3A_208 = %scan3A_188 to %scan3A_190 step %scan3A_191  : i32 {
        %get3A_209 = arith.constant 0 : index
        %get3A_210 = arith.constant 0 : index
        %get3A_211 = vector.load %arg13[%get3A_209, %get3A_210] : memref<1024x384xf32, #tpu.memory_space<vmem>>, vector<1024x384xf32>
        %reduce_max3A_212 = arith.constant dense<0xFF800000> : vector<1024xf32>
        %reduce_max3A_213 = vector.multi_reduction <maximumf>, %get3A_211, %reduce_max3A_212 [1] : vector<1024x384xf32> to vector<1024xf32>
        %broadcast_in_dim3A_214 = vector.shape_cast %reduce_max3A_213 : vector<1024xf32> to vector<1024x1xf32>
        %eq3A_215 = vector.broadcast %broadcast_in_dim3A_214 : vector<1024x1xf32> to vector<1024x384xf32>
        %eq3A_216 = arith.cmpf oeq, %get3A_211, %eq3A_215 : vector<1024x384xf32>
        %jit3A_217 = arith.constant 384 : i32
        %broadcast_in_dim3A_218 = vector.broadcast %jit3A_217 : i32 to vector<1024x384xi32>
        %select_n3A_219 = arith.select %eq3A_216, %iota3A_181, %broadcast_in_dim3A_218 : vector<1024x384xi1>, vector<1024x384xi32>
        %reduce_min3A = arith.constant dense<2147483647> : vector<1024xi32>
        %reduce_min3A_220 = vector.multi_reduction <minsi>, %select_n3A_219, %reduce_min3A [1] : vector<1024x384xi32> to vector<1024xi32>
        %broadcast_in_dim3A_221 = vector.shape_cast %reduce_min3A_220 : vector<1024xi32> to vector<1024x1xi32>
        %eq3A_222 = vector.broadcast %broadcast_in_dim3A_221 : vector<1024x1xi32> to vector<1024x384xi32>
        %eq3A_223 = arith.cmpi eq, %iota3A_181, %eq3A_222 : vector<1024x384xi32>
        %jit3A_224 = arith.constant 0xFF800000 : f32
        %broadcast_in_dim3A_225 = vector.broadcast %jit3A_224 : f32 to vector<1024x384xf32>
        %select_n3A_226 = arith.select %eq3A_223, %broadcast_in_dim3A_225, %get3A_211 : vector<1024x384xi1>, vector<1024x384xf32>
        %swap3A_227 = arith.constant 0 : index
        %swap3A_228 = arith.constant 0 : index
        %swap3A_229 = vector.load %arg13[%swap3A_227, %swap3A_228] : memref<1024x384xf32, #tpu.memory_space<vmem>>, vector<1024x384xf32>
        tpu.vector_store %arg13[%swap3A_227, %swap3A_228], %select_n3A_226 {strides = array<i32>} : memref<1024x384xf32, #tpu.memory_space<vmem>>, vector<1024x384xf32>,
        %sub3A_230 = arith.constant 128 : i32
        %sub3A_231 = vector.broadcast %sub3A_230 : i32 to vector<1024x1xi32>
        %sub3A_232 = arith.subi %broadcast_in_dim3A_221, %sub3A_231 : vector<1024x1xi32>
        %lt3A_233 = arith.constant 128 : i32
        %lt3A_234 = vector.broadcast %lt3A_233 : i32 to vector<1024x1xi32>
        %lt3A_235 = arith.cmpi slt, %broadcast_in_dim3A_221, %lt3A_234 : vector<1024x1xi32>
        %jit3A_236 = arith.constant 32 : i32
        %div3A_237 = vector.broadcast %jit3A_236 : i32 to vector<1024x1xi32>
        %div3A_238 = arith.divsi %broadcast_in_dim3A_221, %div3A_237 : vector<1024x1xi32>
        %sign3A = arith.constant 0 : i32
        %sign3A_239 = vector.broadcast %sign3A : i32 to vector<1024x1xi32>
        %sign3A_240 = arith.cmpi sgt, %broadcast_in_dim3A_221, %sign3A_239 : vector<1024x1xi32>
        %sign3A_241 = arith.extui %sign3A_240 : vector<1024x1xi1> to vector<1024x1xi32>
        %sign3A_242 = arith.constant 0 : i32
        %sign3A_243 = vector.broadcast %sign3A_242 : i32 to vector<1024x1xi32>
        %sign3A_244 = arith.cmpi slt, %broadcast_in_dim3A_221, %sign3A_243 : vector<1024x1xi32>
        %sign3A_245 = arith.extui %sign3A_244 : vector<1024x1xi1> to vector<1024x1xi32>
        %sign3A_246 = arith.subi %sign3A_241, %sign3A_245 : vector<1024x1xi32>
        %sign3A_247 = arith.constant 0 : i32
        %sign3A_248 = arith.cmpi sgt, %jit3A_236, %sign3A_247 : i32
        %sign3A_249 = arith.extui %sign3A_248 : i1 to i32
        %sign3A_250 = arith.constant 0 : i32
        %sign3A_251 = arith.cmpi slt, %jit3A_236, %sign3A_250 : i32
        %sign3A_252 = arith.extui %sign3A_251 : i1 to i32
        %sign3A_253 = arith.subi %sign3A_249, %sign3A_252 : i32
        %ne3A = vector.broadcast %sign3A_253 : i32 to vector<1024x1xi32>
        %ne3A_254 = arith.cmpi ne, %sign3A_246, %ne3A : vector<1024x1xi32>
        %rem3A = vector.broadcast %jit3A_236 : i32 to vector<1024x1xi32>
        %rem3A_255 = arith.remsi %broadcast_in_dim3A_221, %rem3A : vector<1024x1xi32>
        %ne3A_256 = arith.constant 0 : i32
        %ne3A_257 = vector.broadcast %ne3A_256 : i32 to vector<1024x1xi32>
        %ne3A_258 = arith.cmpi ne, %rem3A_255, %ne3A_257 : vector<1024x1xi32>
        %and3A = arith.andi %ne3A_254, %ne3A_258 : vector<1024x1xi1>
        %sub3A_259 = arith.constant 1 : i32
        %sub3A_260 = vector.broadcast %sub3A_259 : i32 to vector<1024x1xi32>
        %sub3A_261 = arith.subi %div3A_238, %sub3A_260 : vector<1024x1xi32>
        %select_n3A_262 = arith.select %and3A, %sub3A_261, %div3A_238 : vector<1024x1xi1>, vector<1024x1xi32>
        %jit3A_263 = arith.constant 32 : i32
        %eq3A_264 = arith.constant 0 : i32
        %eq3A_265 = arith.cmpi eq, %jit3A_263, %eq3A_264 : i32
        %jit3A_266 = arith.constant 1 : i32
        %select_n3A_267 = arith.select %eq3A_265, %jit3A_266, %jit3A_263 : i32
        %rem3A_268 = vector.broadcast %select_n3A_267 : i32 to vector<1024x1xi32>
        %rem3A_269 = arith.remsi %sub3A_232, %rem3A_268 : vector<1024x1xi32>
        %ne3A_270 = arith.constant 0 : i32
        %ne3A_271 = vector.broadcast %ne3A_270 : i32 to vector<1024x1xi32>
        %ne3A_272 = arith.cmpi ne, %rem3A_269, %ne3A_271 : vector<1024x1xi32>
        %lt3A_273 = arith.constant 0 : i32
        %lt3A_274 = vector.broadcast %lt3A_273 : i32 to vector<1024x1xi32>
        %lt3A_275 = arith.cmpi slt, %rem3A_269, %lt3A_274 : vector<1024x1xi32>
        %lt3A_276 = arith.constant 0 : i32
        %lt3A_277 = arith.cmpi slt, %select_n3A_267, %lt3A_276 : i32
        %ne3A_278 = vector.broadcast %lt3A_277 : i1 to vector<1024x1xi1>
        %ne3A_279 = vector.broadcast %ne3A_278 : vector<1024x1xi1> to vector<1024x1xi1>
        %ne3A_280 = arith.xori %lt3A_275, %ne3A_279 : vector<1024x1xi1>
        %and3A_281 = arith.andi %ne3A_280, %ne3A_272 : vector<1024x1xi1>
        %add3A_282 = vector.broadcast %select_n3A_267 : i32 to vector<1024x1xi32>
        %add3A_283 = arith.addi %rem3A_269, %add3A_282 : vector<1024x1xi32>
        %select_n3A_284 = arith.select %and3A_281, %add3A_283, %rem3A_269 : vector<1024x1xi1>, vector<1024x1xi32>
        %select_n3A_285 = arith.select %lt3A_235, %select_n3A_262, %select_n3A_284 : vector<1024x1xi1>, vector<1024x1xi32>
        %jit3A_286 = arith.constant 32 : i32
        %eq3A_287 = arith.constant 0 : i32
        %eq3A_288 = arith.cmpi eq, %jit3A_286, %eq3A_287 : i32
        %jit3A_289 = arith.constant 1 : i32
        %select_n3A_290 = arith.select %eq3A_288, %jit3A_289, %jit3A_286 : i32
        %rem3A_291 = vector.broadcast %select_n3A_290 : i32 to vector<1024x1xi32>
        %rem3A_292 = arith.remsi %broadcast_in_dim3A_221, %rem3A_291 : vector<1024x1xi32>
        %ne3A_293 = arith.constant 0 : i32
        %ne3A_294 = vector.broadcast %ne3A_293 : i32 to vector<1024x1xi32>
        %ne3A_295 = arith.cmpi ne, %rem3A_292, %ne3A_294 : vector<1024x1xi32>
        %lt3A_296 = arith.constant 0 : i32
        %lt3A_297 = vector.broadcast %lt3A_296 : i32 to vector<1024x1xi32>
        %lt3A_298 = arith.cmpi slt, %rem3A_292, %lt3A_297 : vector<1024x1xi32>
        %lt3A_299 = arith.constant 0 : i32
        %lt3A_300 = arith.cmpi slt, %select_n3A_290, %lt3A_299 : i32
        %ne3A_301 = vector.broadcast %lt3A_300 : i1 to vector<1024x1xi1>
        %ne3A_302 = vector.broadcast %ne3A_301 : vector<1024x1xi1> to vector<1024x1xi1>
        %ne3A_303 = arith.xori %lt3A_298, %ne3A_302 : vector<1024x1xi1>
        %and3A_304 = arith.andi %ne3A_303, %ne3A_295 : vector<1024x1xi1>
        %add3A_305 = vector.broadcast %select_n3A_290 : i32 to vector<1024x1xi32>
        %add3A_306 = arith.addi %rem3A_292, %add3A_305 : vector<1024x1xi32>
        %select_n3A_307 = arith.select %and3A_304, %add3A_306, %rem3A_292 : vector<1024x1xi1>, vector<1024x1xi32>
        %jit3A_308 = arith.constant 32 : i32
        %div3A_309 = vector.broadcast %jit3A_308 : i32 to vector<1024x1xi32>
        %div3A_310 = arith.divsi %sub3A_232, %div3A_309 : vector<1024x1xi32>
        %sign3A_311 = arith.constant 0 : i32
        %sign3A_312 = vector.broadcast %sign3A_311 : i32 to vector<1024x1xi32>
        %sign3A_313 = arith.cmpi sgt, %sub3A_232, %sign3A_312 : vector<1024x1xi32>
        %sign3A_314 = arith.extui %sign3A_313 : vector<1024x1xi1> to vector<1024x1xi32>
        %sign3A_315 = arith.constant 0 : i32
        %sign3A_316 = vector.broadcast %sign3A_315 : i32 to vector<1024x1xi32>
        %sign3A_317 = arith.cmpi slt, %sub3A_232, %sign3A_316 : vector<1024x1xi32>
        %sign3A_318 = arith.extui %sign3A_317 : vector<1024x1xi1> to vector<1024x1xi32>
        %sign3A_319 = arith.subi %sign3A_314, %sign3A_318 : vector<1024x1xi32>
        %sign3A_320 = arith.constant 0 : i32
        %sign3A_321 = arith.cmpi sgt, %jit3A_308, %sign3A_320 : i32
        %sign3A_322 = arith.extui %sign3A_321 : i1 to i32
        %sign3A_323 = arith.constant 0 : i32
        %sign3A_324 = arith.cmpi slt, %jit3A_308, %sign3A_323 : i32
        %sign3A_325 = arith.extui %sign3A_324 : i1 to i32
        %sign3A_326 = arith.subi %sign3A_322, %sign3A_325 : i32
        %ne3A_327 = vector.broadcast %sign3A_326 : i32 to vector<1024x1xi32>
        %ne3A_328 = arith.cmpi ne, %sign3A_319, %ne3A_327 : vector<1024x1xi32>
        %rem3A_329 = vector.broadcast %jit3A_308 : i32 to vector<1024x1xi32>
        %rem3A_330 = arith.remsi %sub3A_232, %rem3A_329 : vector<1024x1xi32>
        %ne3A_331 = arith.constant 0 : i32
        %ne3A_332 = vector.broadcast %ne3A_331 : i32 to vector<1024x1xi32>
        %ne3A_333 = arith.cmpi ne, %rem3A_330, %ne3A_332 : vector<1024x1xi32>
        %and3A_334 = arith.andi %ne3A_328, %ne3A_333 : vector<1024x1xi1>
        %sub3A_335 = arith.constant 1 : i32
        %sub3A_336 = vector.broadcast %sub3A_335 : i32 to vector<1024x1xi32>
        %sub3A_337 = arith.subi %div3A_310, %sub3A_336 : vector<1024x1xi32>
        %select_n3A_338 = arith.select %and3A_334, %sub3A_337, %div3A_310 : vector<1024x1xi1>, vector<1024x1xi32>
        %select_n3A_339 = arith.select %lt3A_235, %select_n3A_307, %select_n3A_338 : vector<1024x1xi1>, vector<1024x1xi32>
        %eq3A_340 = vector.broadcast %select_n3A_285 : vector<1024x1xi32> to vector<1024x32xi32>
        %eq3A_341 = arith.cmpi eq, %iota3A_106, %eq3A_340 : vector<1024x32xi32>
        %jit3A_342 = arith.constant 0 : i32
        %broadcast_in_dim3A_343 = vector.broadcast %jit3A_342 : i32 to vector<1024x32xi32>
        %select_n3A_344 = arith.select %eq3A_341, %get3A_184, %broadcast_in_dim3A_343 : vector<1024x32xi1>, vector<1024x32xi32>
        %reduce_sum3A_345 = arith.constant dense<0> : vector<1024xi32>
        %reduce_sum3A_346 = vector.multi_reduction <add>, %select_n3A_344, %reduce_sum3A_345 [1] : vector<1024x32xi32> to vector<1024xi32>
        %broadcast_in_dim3A_347 = vector.shape_cast %reduce_sum3A_346 : vector<1024xi32> to vector<1024x1xi32>
        %eq3A_348 = vector.broadcast %select_n3A_339 : vector<1024x1xi32> to vector<1024x32xi32>
        %eq3A_349 = arith.cmpi eq, %iota3A_106, %eq3A_348 : vector<1024x32xi32>
        %jit3A_350 = arith.constant 0 : i32
        %broadcast_in_dim3A_351 = vector.broadcast %jit3A_350 : i32 to vector<1024x32xi32>
        %select_n3A_352 = arith.select %eq3A_349, %get3A_187, %broadcast_in_dim3A_351 : vector<1024x32xi1>, vector<1024x32xi32>
        %reduce_sum3A_353 = arith.constant dense<0> : vector<1024xi32>
        %reduce_sum3A_354 = vector.multi_reduction <add>, %select_n3A_352, %reduce_sum3A_353 [1] : vector<1024x32xi32> to vector<1024xi32>
        %broadcast_in_dim3A_355 = vector.shape_cast %reduce_sum3A_354 : vector<1024xi32> to vector<1024x1xi32>
        %eq3A_356 = vector.broadcast %scan3A_208 : i32 to vector<1024x32xi32>
        %eq3A_357 = arith.cmpi eq, %iota3A_106, %eq3A_356 : vector<1024x32xi32>
        %mul3A_358 = arith.constant 256 : i32
        %mul3A_359 = vector.broadcast %mul3A_358 : i32 to vector<1024x1xi32>
        %mul3A_360 = arith.muli %broadcast_in_dim3A_347, %mul3A_359 : vector<1024x1xi32>
        %add3A_361 = arith.addi %mul3A_360, %broadcast_in_dim3A_355 : vector<1024x1xi32>
        %get3A_362 = arith.constant 0 : index
        %get3A_363 = arith.constant 0 : index
        %get3A_364 = vector.load %arg9[%get3A_362, %get3A_363] : memref<1024x32xi32, #tpu.memory_space<vmem>>, vector<1024x32xi32>
        %broadcast_in_dim3A_365 = vector.shape_cast %add3A_361 : vector<1024x1xi32> to vector<1024x1xi32>
        %broadcast_in_dim3A_366 = vector.broadcast %broadcast_in_dim3A_365 : vector<1024x1xi32> to vector<1024x32xi32>
        %select_n3A_367 = arith.select %eq3A_357, %broadcast_in_dim3A_366, %get3A_364 : vector<1024x32xi1>, vector<1024x32xi32>
        %swap3A_368 = arith.constant 0 : index
        %swap3A_369 = arith.constant 0 : index
        %swap3A_370 = vector.load %arg9[%swap3A_368, %swap3A_369] : memref<1024x32xi32, #tpu.memory_space<vmem>>, vector<1024x32xi32>
        tpu.vector_store %arg9[%swap3A_368, %swap3A_369], %select_n3A_367 {strides = array<i32>} : memref<1024x32xi32, #tpu.memory_space<vmem>>, vector<1024x32xi32>,
        %eq3A_371 = vector.broadcast %scan3A_208 : i32 to vector<1024x32xi32>
        %eq3A_372 = arith.cmpi eq, %iota3A_106, %eq3A_371 : vector<1024x32xi32>
        %get3A_373 = arith.constant 0 : index
        %get3A_374 = arith.constant 0 : index
        %get3A_375 = vector.load %arg10[%get3A_373, %get3A_374] : memref<1024x32xf32, #tpu.memory_space<vmem>>, vector<1024x32xf32>
        %broadcast_in_dim3A_376 = vector.shape_cast %broadcast_in_dim3A_214 : vector<1024x1xf32> to vector<1024x1xf32>
        %broadcast_in_dim3A_377 = vector.broadcast %broadcast_in_dim3A_376 : vector<1024x1xf32> to vector<1024x32xf32>
        %select_n3A_378 = arith.select %eq3A_372, %broadcast_in_dim3A_377, %get3A_375 : vector<1024x32xi1>, vector<1024x32xf32>
        %swap3A_379 = arith.constant 0 : index
        %swap3A_380 = arith.constant 0 : index
        %swap3A_381 = vector.load %arg10[%swap3A_379, %swap3A_380] : memref<1024x32xf32, #tpu.memory_space<vmem>>, vector<1024x32xf32>
        tpu.vector_store %arg10[%swap3A_379, %swap3A_380], %select_n3A_378 {strides = array<i32>} : memref<1024x32xf32, #tpu.memory_space<vmem>>, vector<1024x32xf32>,
      }
      %scan3A_192 = arith.constant 32 : i32
      %get3A_193 = arith.constant 0 : index
      %get3A_194 = arith.constant 0 : index
      %get3A_195 = vector.load %arg10[%get3A_193, %get3A_194] : memref<1024x32xf32, #tpu.memory_space<vmem>>, vector<1024x32xf32>
      %reduce_max3A = arith.constant dense<0xFF800000> : vector<1024xf32>
      %reduce_max3A_196 = vector.multi_reduction <maximumf>, %get3A_195, %reduce_max3A [1] : vector<1024x32xf32> to vector<1024xf32>
      %broadcast_in_dim3A_197 = vector.shape_cast %reduce_max3A_196 : vector<1024xf32> to vector<1024x1xf32>
      %sub3A = vector.broadcast %broadcast_in_dim3A_197 : vector<1024x1xf32> to vector<1024x32xf32>
      %sub3A_198 = arith.subf %get3A_195, %sub3A : vector<1024x32xf32>
      %exp3A_199 = math.exp %sub3A_198 : vector<1024x32xf32>
      %reduce_sum3A_200 = arith.constant dense<0.000000e+00> : vector<1024xf32>
      %reduce_sum3A_201 = vector.multi_reduction <add>, %exp3A_199, %reduce_sum3A_200 [1] : vector<1024x32xf32> to vector<1024xf32>
      %broadcast_in_dim3A_202 = vector.shape_cast %reduce_sum3A_201 : vector<1024xf32> to vector<1024x1xf32>
      %div3A_203 = vector.broadcast %broadcast_in_dim3A_202 : vector<1024x1xf32> to vector<1024x32xf32>
      %div3A_204 = arith.divf %exp3A_199, %div3A_203 : vector<1024x32xf32>
      %swap3A_205 = arith.constant 0 : index
      %swap3A_206 = arith.constant 0 : index
      %swap3A_207 = vector.load %arg10[%swap3A_205, %swap3A_206] : memref<1024x32xf32, #tpu.memory_space<vmem>>, vector<1024x32xf32>
      tpu.vector_store %arg10[%swap3A_205, %swap3A_206], %div3A_204 {strides = array<i32>} : memref<1024x32xf32, #tpu.memory_space<vmem>>, vector<1024x32xf32>,
    } else {
    }
    return
  }
  func.func @transform_0(%arg0: i32, %arg1: i32) -> (i32, i32) {
    %c0_i32 = arith.constant 0 : i32
    %c0_i32_0 = arith.constant 0 : i32
    return %arg0, %c0_i32 : i32, i32
  }
  func.func @transform_1(%arg0: i32, %arg1: i32) -> (i32, i32) {
    %c0_i32 = arith.constant 0 : i32
    %c0_i32_0 = arith.constant 0 : i32
    return %c0_i32, %arg1 : i32, i32
  }
  func.func @transform_2(%arg0: i32, %arg1: i32) -> (i32, i32) {
    %c0_i32 = arith.constant 0 : i32
    %c0_i32_0 = arith.constant 0 : i32
    return %c0_i32, %arg1 : i32, i32
  }
  func.func @transform_3(%arg0: i32, %arg1: i32) -> (i32, i32) {
    %c0_i32 = arith.constant 0 : i32
    %c0_i32_0 = arith.constant 0 : i32
    return %arg1, %c0_i32 : i32, i32
  }
  func.func @transform_4(%arg0: i32, %arg1: i32) -> (i32, i32) {
    %c0_i32 = arith.constant 0 : i32
    %c0_i32_0 = arith.constant 0 : i32
    %c0_i32_1 = arith.constant 0 : i32
    return %c0_i32, %c0_i32_0 : i32, i32
  }
  func.func @transform_5(%arg0: i32, %arg1: i32) -> (i32, i32) {
    %c0_i32 = arith.constant 0 : i32
    %c0_i32_0 = arith.constant 0 : i32
    %c0_i32_1 = arith.constant 0 : i32
    return %c0_i32, %c0_i32_0 : i32, i32
  }
  func.func @transform_6(%arg0: i32, %arg1: i32) -> (i32, i32) {
    %c0_i32 = arith.constant 0 : i32
    %c0_i32_0 = arith.constant 0 : i32
    %c0_i32_1 = arith.constant 0 : i32
    return %c0_i32, %c0_i32_0 : i32, i32
  }
  func.func @transform_7(%arg0: i32, %arg1: i32) -> (i32, i32) {
    %c0_i32 = arith.constant 0 : i32
    %c0_i32_0 = arith.constant 0 : i32
    return %arg0, %c0_i32 : i32, i32
  }
  func.func @transform_8(%arg0: i32, %arg1: i32) -> (i32, i32) {
    %c0_i32 = arith.constant 0 : i32
    %c0_i32_0 = arith.constant 0 : i32
    return %arg0, %c0_i32 : i32, i32
  }
}

</mosaic_0001>

<sc_bundles>
// kernel: kernel.5.cloned.1.call-start
scs
__scs_entry_jumppad:
0x0: {  	(pc) =	sbr.rel $0x88, $3  }
0x1: {  	(tag) =	ssettag $0x0;
	lr =	simm.s32 $0x1  }
0x2: {  	[smem:$0x3F97] =	sst lr;
	_ =	strace $0xD0000000  }
0x3: {  	_ = 	snop  }
0x4: {  	_ = 	snop  }
0x5: {  	_ = 	snop  }
0x6: {  	_ = 	snop  }
0x7: {  	_ = 	snop  }
__scs_overlays_trampoline_lowered:
0x8: {  	[smem:$0x3FA6] =	sst s0  }
0x9: {  	[smem:$0x3FA7] =	sst s1  }
0xa: {  	[smem:$0x3FA8] =	sst s2  }
0xb: {  	[smem:$0x3FA9] =	sst s3  }
0xc: {  	[smem:$0x3FAA] =	sst s4  }
0xd: {  	[smem:$0x3FAB] =	sst s5  }
0xe: {  	[smem:$0x3FAC] =	sst s6  }
0xf: {  	[smem:$0x3FAD] =	sst s7  }
0x10: {  	[smem:$0x3FAE] =	sst s8  }
0x11: {  	[smem:$0x3FAF] =	sst s9;
	s0 =	simm.s32 @!p0 $0x0  }
0x12: {  	s1 =	sld [smem:$0x3F95];
	s0 =	simm.s32 @p0 $0x1  }
0x13: {  	[smem:$0x3FB0] =	sst s0;
	s0 =	simm.s32 @!p1 $0x0  }
0x14: {  	s2 =	sld [smem:$0x3F94];
	s0 =	simm.s32 @p1 $0x1  }
0x15: {  	[smem:$0x3FB1] =	sst s0;
	s0 =	simm.s32 @!p2 $0x0  }
0x16: {  	s3 =	sld [smem:$0x3FDB];
	s0 =	simm.s32 @p2 $0x1  }
0x17: {  	s4 =	simm.s32 $0x1BF5;
	[smem:$0x3FB3] =	sst s0  }
0x18: {  	s0 =	sld [smem:$0x3F96];
	_ =	swait.ge [sflag:s4], $0x0  }
0x19: {  	s7 =	sld [smem:$0x3F97]  }
0x1a: {  	s8 =	sadd.s32 $0xFFFFE003, lr  }
0x1b: {  	s9 =	sadd.s32 $0xFFFFFEF7, lr;
	s5 =	simm.s32 $0xFFFFFFFF;
	p2 =	slt.u32 s8, $0xFFFFF086  }
0x1c: {  	p1 =	slt.u32 s9, $0xF7A;
	s5 =	simm.s32 @!p2 $0x0  }
0x1d: {  	s5 =	simm.s32 @p1 $0x1;
	p0 =	seq.s32 s7, s2  }
0x1e: {  	s7 =	smul.u32 @!p0 $0xF7A, s2;
	p2 =	seq.s32 @!p0 s5, $0x0  }
0x1f: {  	s9 =	smul.u32 $0xF7A, s1;
	s8 =	simm.s32 @!p0 $0x1BF5;
	p2 =	por !p2, p0  }
0x20: {  	[sflag:s8] =	ssyncset.s32 @!p0 $0xFFFFF086;
	s6 =	sadd.s32 @!p0 s3, s7;
	s7 =	simm.s32 @!p0 $0x108  }
0x21: {  	s3 =	sadd.s32 s3, s9;
	s6 =	sadd.s32 @!p0 $0x88, s6;
	s7 =	simm.s32 @p2 $0x1082  }
0x22: {  	[simem:s7], [sflag:s8] =	dma.local @!p0 [hbm:s6], $0xF7A  }
0x23: {  	s9 =	sor.u32 $0xD0000000, s2;
	s6 =	simm.s32 $0x108;
	_ =	swait.ge @!p0 [sflag:s8], $0x0  }
0x24: {  	s3 =	sadd.s32 $0x88, s3;
	s6 =	simm.s32 @!p1 $0x1082;
	[sflag:s4] =	ssyncset.s32 $0xFFFFF086  }
0x25: {  	[simem:s6], [sflag:s4] =	dma.local [hbm:s3], $0xF7A  }
0x26: {  	[smem:$0x3F97] =	sst s1;
	(tag) =	ssettag s2;
	_ =	strace s9  }
0x27: {  	s1 =	sld [smem:$0x3FA7]  }
0x28: {  	s2 =	sld [smem:$0x3FA8]  }
0x29: {  	s4 =	sld [smem:$0x3FAA]  }
0x2a: {  	p0 =	seq.s32 s5, $0x0;
	s5 =	sld [smem:$0x3FAB]  }
0x2b: {  	s6 =	sld [smem:$0x3FAC]  }
0x2c: {  	s7 =	sld [smem:$0x3FAD]  }
0x2d: {  	s3 =	simm.s32 $0x108;
	s8 =	sld [smem:$0x3FAE]  }
0x2e: {  	s3 =	simm.s32 @!p0 $0x1082;
	s9 =	sld [smem:$0x3FAF]  }
0x2f: {  	lr =	sadd.s32 s0, s3;
	s0 =	sld [smem:$0x3FA6]  }
0x30: {  	s3 =	sld [smem:$0x3FA9]  }
0x31: {  	[smem:$0x3FB2] =	sst s10  }
0x32: {  	s10 =	sld [smem:$0x3FB0];
	_ =	sdelay $0x3  }
0x33: {  	p0 =	seq.s32 s10, $0x1;
	s10 =	sld [smem:$0x3FB2];
	_ =	sdelay $0x3  }
0x34: {  	[smem:$0x3FB2] =	sst s10  }
0x35: {  	s10 =	sld [smem:$0x3FB1];
	_ =	sdelay $0x3  }
0x36: {  	p1 =	seq.s32 s10, $0x1;
	s10 =	sld [smem:$0x3FB2];
	_ =	sdelay $0x3  }
0x37: {  	[smem:$0x3FB2] =	sst s10  }
0x38: {  	s10 =	sld [smem:$0x3FB3]  }
0x39: {  	_ = 	snop;
	(pc) =	sbr.ind lr, $3  }
0x3a: {  	_ = 	snop  }
0x3b: {  	_ = 	snop  }
0x3c: {  	p2 =	seq.s32 s10, $0x1;
	s10 =	sld [smem:$0x3FB2]  }
0x3d: {  	_ =	shalt  }
0x3e: {  	_ =	shalt  }
0x3f: {  	_ =	shalt  }
0x40: {  	_ =	shalt  }
0x41: {  	_ =	shalt  }
0x42: {  	_ =	shalt  }
0x43: {  	_ =	shalt  }
0x44: {  	_ =	shalt  }
0x45: {  	_ =	shalt  }
0x46: {  	_ =	shalt  }
0x47: {  	_ =	shalt  }
0x48: {  	_ =	shalt  }
0x49: {  	_ =	shalt  }
0x4a: {  	_ =	shalt  }
0x4b: {  	_ =	shalt  }
0x4c: {  	_ =	shalt  }
0x4d: {  	_ =	shalt  }
0x4e: {  	_ =	shalt  }
0x4f: {  	_ =	shalt  }
0x50: {  	_ =	shalt  }
0x51: {  	_ =	shalt  }
0x52: {  	_ =	shalt  }
0x53: {  	_ =	shalt  }
0x54: {  	_ =	shalt  }
0x55: {  	_ =	shalt  }
0x56: {  	_ =	shalt  }
0x57: {  	_ =	shalt  }
0x58: {  	_ =	shalt  }
0x59: {  	_ =	shalt  }
0x5a: {  	_ =	shalt  }
0x5b: {  	_ =	shalt  }
0x5c: {  	_ =	shalt  }
0x5d: {  	_ =	shalt  }
0x5e: {  	_ =	shalt  }
0x5f: {  	_ =	shalt  }
0x60: {  	_ =	shalt  }
0x61: {  	_ =	shalt  }
0x62: {  	_ =	shalt  }
0x63: {  	_ =	shalt  }
0x64: {  	_ =	shalt  }
0x65: {  	_ =	shalt  }
0x66: {  	_ =	shalt  }
0x67: {  	_ =	shalt  }
0x68: {  	_ =	shalt  }
0x69: {  	_ =	shalt  }
0x6a: {  	_ =	shalt  }
0x6b: {  	_ =	shalt  }
0x6c: {  	_ =	shalt  }
0x6d: {  	_ =	shalt  }
0x6e: {  	_ =	shalt  }
0x6f: {  	_ =	shalt  }
0x70: {  	_ =	shalt  }
0x71: {  	_ =	shalt  }
0x72: {  	_ =	shalt  }
0x73: {  	_ =	shalt  }
0x74: {  	_ =	shalt  }
0x75: {  	_ =	shalt  }
0x76: {  	_ =	shalt  }
0x77: {  	_ =	shalt  }
0x78: {  	_ =	shalt  }
0x79: {  	_ =	shalt  }
0x7a: {  	_ =	shalt  }
0x7b: {  	_ =	shalt  }
0x7c: {  	_ =	shalt  }
0x7d: {  	_ =	shalt  }
0x7e: {  	_ =	shalt  }
0x7f: {  	_ =	shalt  }
0x80: {  	_ =	shalt  }
0x81: {  	_ =	shalt  }
0x82: {  	_ =	shalt  }
0x83: {  	_ =	shalt  }
0x84: {  	_ =	shalt  }
0x85: {  	_ =	shalt  }
0x86: {  	_ =	shalt  }
0x87: {  	_ =	shalt  }
.Lfunc_end0:
.L_simem_size_0:
called_computation_lowered:
.L_overlay_start_0:
0x88: {  	s2 =	sld [smem:$0x3FD9]  }
0x89: {  	s3 =	sld [smem:$0x3FFE];
	_ =	sdelay $0x1  }
0x8a: {  	s1 =	srdreg.scid  }
0x8b: {  	s0 =	sand.u32 $0x1, s1  }
0x8c: {  	s17 =	sshll.u32 s0, $0xA;
	s2 =	sadd.s32 s3, s2  }
0x8d: {  	s2 =	sadd.s32 s2, s17  }
0x8e: {  	[smem:$0x3FBE] =	sst s2  }
0x8f: {  	_ = 	snop  }
0x90: {  	s2 =	sld [smem:$0x3FC2]  }
0x91: {  	s18 =	sld [smem:$0x3FD0];
	(tm) =	ssettm $0x1  }
0x92: {  	s4 =	sld [smem:$0x3FFB];
	_ =	sdelay $0x3  }
0x93: {  	_ =	strace s4  }
0x94: {  	s4 =	sld [smem:$0x3FFC];
	_ =	sdelay $0x3  }
0x95: {  	_ =	strace s4  }
0x96: {  	s4 =	sld [smem:$0x3FFD];
	_ =	sdelay $0x3  }
0x97: {  	_ =	strace s4  }
0x98: {  	_ =	strace $0x8FFFFFFF  }
0x99: {  	s19 =	sld [smem:$0x3FDB];
	_ =	sdelay $0x1  }
0x9a: {  	s5 =	simm.s32 $_scs_section_size  }
0x9b: {  	s6 =	simm.s32 $_size__tile_overlayer_lowered;
	s7 =	simm.s32 $_tile_overlayer_lowered  }
0x9c: {  	s22 =	simm.s32 $0x1BFF;
	s21 =	sshll.u32 s7, $0x1;
	s4 =	sadd.s32 s5, s19  }
0x9d: {  	s8 =	simm.s32 $0x0;
	s20 =	sshll.u32 s6, $0x1;
	s6 =	sadd.s32 s21, s4  }
0x9e: {  	[timem:s8], [sflag:s22] =	dma.local [hbm:s6], s20  }
0x9f: {  	_ =	swait.ge [sflag:s22], s20  }
0xa0: {  	s5 =	ssub.s32 $0x0, s20;
	[sflag:s22] =	ssyncset.done $0x0  }
0xa1: {  	[sflag:s22] =	ssyncadd.s32 s5;
	_ =	sdelay $0x1  }
0xa2: {  	s23 =	simm.s32 $0x1B8B  }
0xa3: {  	_ =	swait.ge [sflag:s23], $0x1  }
0xa4: {  	[sflag:s23] =	ssyncset.done $0x0  }
0xa5: {  	s25 =	simm.s32 $0x1B8E;
	s24 =	sld [smem:$0x3FFE];
	[sflag:s23] =	ssyncadd.s32 $0xFFFFFFFF  }
0xa6: {  	s26 =	simm.s32 $execute0_lowered;
	[smem:$0x3FD2] =	sst s25  }
0xa7: {  	s6 =	sshll.u32 s26, $0x1;
	_ =	strace $0x80000046;
	[dreg:$0x1] =	wrdreg $0xFFFFFFFF  }
0xa8: {  	s28 =	simm.s32 $_size_execute0_lowered;
	s4 =	sadd.s32 s4, s6;
	[dreg:$0x0] =	wrdreg $0x0  }
0xa9: {  	s6 =	sshll.u32 s28, $0x1;
	[dreg:$0x2] =	wrdreg s4  }
0xaa: {  	[dreg:$0x3] =	wrdreg s6  }
0xab: {  	[dreg:$0x4] =	wrdreg $0xC0  }
0xac: {  	_ =	task [dreg:s8], $0x5FFFF  }
0xad: {  	[dreg:$0x1] =	wrdreg $0xFFFFFFFF  }
0xae: {  	[dreg:$0x0] =	wrdreg $0x60  }
0xaf: {  	[dreg:$0x2] =	wrdreg s2  }
0xb0: {  	[dreg:$0x3] =	wrdreg s18  }
0xb1: {  	[dreg:$0x4] =	wrdreg s24  }
0xb2: {  	[dreg:$0x5] =	wrdreg $0x9  }
0xb3: {  	_ =	task.clear_ibuf [dreg:s8], $0x6FFFF;
	_ =	strace $0x90000046  }
0xb4: {  	s29 =	simm.s32 $0x9;
	_ =	strace $0x80000048  }
0xb5: {  	_ =	swait.ge [sflag:s29], $0x1  }
0xb6: {  	[sflag:s29] =	ssyncadd.s32 $0xFFFFFFFF  }
0xb7: {  	_ =	strace $0x90000048  }
0xb8: {  	_ =	sfence  }
0xb9: {  	s30 =	sld [smem:$0x0];
	_ =	sdelay $0x2  }
0xba: {  	s31 =	sshll.u32 s1, $0xD;
	s1 =	sshrl.u32 s1, $0x2  }
0xbb: {  	s3 =	sand.u32 $0x4000, s31;
	s1 =	sadd.s32 s1, s30  }
0xbc: {  	s0 =	sor.u32 s3, s0;
	s1 =	sshll.u32 s1, $0x11  }
0xbd: {  	s0 =	sor.u32 s1, s0  }
0xbe: {  	s0 =	sadd.s32 $0x8F2B, s0  }
0xbf: {  	[sflag:s0] =	ssyncadd.remote.s32 $0x1  }
0xc0: {  	_ =	sfence.sel $0xFFFF  }
0xc1: {  	[dreg:$0x0] =	wrdreg $0xFFFFFFFF;
	(pc) =	sbr.abs _section_cstart, $3  }
0xc2: {  	[dreg:$0x1] =	wrdreg $0xFFFFFFFF  }
0xc3: {  	_ =	task.clear_ibuf [dreg:s8], $0x2FFFF;
	_ =	strace $0x9FFFFFFF  }
0xc4: {  	(tm) =	ssettm $0x7FFFFFFF  }
0xc5: {  	_ =	shalt  }
tec
execute0_lowered:
.L_overlay_start_1:
0x0: {  	(tag) =	ssettag $0x1  }
0x1: {  	s1 =	rddreg [dreg:$0x0]  }
0x2: {  	s0 =	rddreg [dreg:$0x1]  }
0x3: {  	s2 =	rddreg [dreg:$0x2]  }
0x4: {  	s3 =	simm.s32 $0x0;
	s4 =	srdreg.scid;
	s5 =	stileid.u32  }
0x5: {  	s28 =	simm.s32 $0x3;
	s29 =	simm.s32 $0x80;
	s30 =	simm.s32 $0x400  }
0x6: {  	s13 =	simm.s32 $0x0;
	[smem:$0x7FF] =	sst s3;
	s4 =	sand.u32 $0x1, s4  }
0x7: {  	s5 =	sshll.u32 s5, $0x8;
	s9 =	sadd.s32 $0x200, s1;
	s10 =	sadd.s32 $0x300, s1  }
0x8: {  	_ =	strace $0x80000047;
	s7 =	ssub.s32 $0x2, s4;
	s6 =	sshll.u32 s4, $0x7  }
0x9: {  	s4 =	sadd.s32 $0x1600, s2;
	s8 =	sshrl.u32 s7, $0x1;
	s5 =	sor.u32 s6, s5  }
0xa: {  	s6 =	sadd.s32 $0x201600, s2;
	s2 =	simm.s32 $0x4;
	s25 =	sshll.u32 s5, $0x4  }
.Ltmp0:
0xb: {  	s24 =	ssub.s32 s7, s8;
	s0 =	sadd.s32 s0, s25;
	(pc) =	sbr.rel .LBB2_1-.Ltmp0, $4  }
0xc: {  	s26 =	sshll.u32 s5, $0x9;
	s31 =	smax.u32 s24, $0x1;
	[dreg:$0x4] =	wrdreg s0  }
0xd: {  	v2 =	vlaneseq.u32;
	s8 =	sadd.s32 $0x100, s1;
	s0 =	sadd.s32 s4, s26;
	[dreg:$0x7] =	wrdreg s31  }
0xe: {  	vm0 =	vmmov $0xffff;
	v1 =	vshrl.u32 v2, $0x3;
	s7 =	simm.s32 $0x16400;
	[dreg:$0x5] =	wrdreg s0;
	s0 =	sadd.s32 $0x200, s0  }
0xf: {  	v0 =	vand.u32 $0x7, v2;
	v2 =	vor.u32 $0x8, v2;
	v1 =	vmul.u32 $0x8, v1;
	s26 =	simm.s32 $0x1;
	[dreg:$0x6] =	wrdreg s0;
	s0 =	simm.s32 $0x2  }
.LBB2_22:
0x10: {  	s11 =	simm.s32 $0x5  }
0x11: {  	_ =	swait.ge [sflag:s11], $0x400  }
0x12: {  	[sflag:s11] =	ssyncset.done $0x0  }
0x13: {  	s12 =	simm.s32 $0x6;
	[sflag:s11] =	ssyncadd.s32 $0xFFFFFC00  }
0x14: {  	_ =	swait.ge [sflag:s12], $0x400  }
0x15: {  	s13 =	rddreg [dreg:$0x8]  }
0x16: {  	s31 =	rddreg [dreg:$0x7];
	s13 =	sadd.s32 $0x1, s13  }
0x17: {  	p0 =	sne.s32 s13, s31  }
.Ltmp1:
0x18: {  	_ = 	snop;
	(pc) =	sbr.rel @!p0 .LBB2_23-.Ltmp1, $3  }
0x19: {  	_ =	sdelay $0x1  }
0x1a: {  	[sflag:s12] =	ssyncset.done $0x0  }
0x1b: {  	[sflag:s12] =	ssyncadd.s32 $0xFFFFFC00  }
.LBB2_1:
0x1c: {  	[dreg:$0x8] =	wrdreg s13  }
0x1d: {  	s11 =	rddreg [dreg:$0x4];
	s21 =	simm.s32 $0x7  }
0x1e: {  	[tilespmem:s3], [sflag:$0x7] =	stream.linear.gather [hbm4b:s11+s3], $0x4000, $0x38;
	[tilespmem:$0x16800] =	vst v63  }
0x1f: {  	_ =	swait.ge [sflag:s21], $0x4000  }
0x20: {  	[sflag:s21] =	ssyncset.done $0x0  }
0x21: {  	[sflag:s21] =	ssyncadd.s32 $0xFFFFC000  }
0x22: {  	v3 =	vld [tilespmem:$0x0];
	_ =	sdelay $0x4  }
0x23: {  	v4 =	vshll.u32 v3, $0x3  }
0x24: {  	v3 =	vand.u32 $0x7, v3;
	v4 =	vand.u32 $0xFFFFFFC0, v4  }
0x25: {  	v3 =	vor.u32 v3, v4  }
0x26: {  	v4 =	vperm.xlane v3, v0;
	_ =	sdelay $0x1  }
0x27: {  	v4 =	vadd.s32 v1, v4;
	_ =	sdelay $0x3  }
0x28: {  	s22 =	simm.s32 $0x4000  }
0x29: {  	[tilespmem:s22], [sflag:$0x1] =	stream.indirect_vreg.gather [hbm4b:s1+s3], $0x80, v4, vm0, $0xb8;
	[tilespmem:$0x16800] =	vst v63  }
0x2a: {  	s23 =	simm.s32 $0x4800;
	v3 =	vperm.xlane v3, v2  }
0x2b: {  	[tilespmem:s23], [sflag:$0x1] =	stream.indirect_vreg.gather [hbm4b:s8+s3], $0x80, v4, vm0, $0xb8;
	[tilespmem:$0x16800] =	vst v63  }
0x2c: {  	s24 =	simm.s32 $0x5000;
	v3 =	vadd.s32 v1, v3  }
0x2d: {  	[tilespmem:s24], [sflag:$0x1] =	stream.indirect_vreg.gather [hbm4b:s9+s3], $0x80, v4, vm0, $0xb8;
	[tilespmem:$0x16800] =	vst v63  }
0x2e: {  	s25 =	simm.s32 $0x5800  }
0x2f: {  	[tilespmem:s25], [sflag:$0x1] =	stream.indirect_vreg.gather [hbm4b:s10+s3], $0x80, v4, vm0, $0xb8;
	[tilespmem:$0x16800] =	vst v63  }
0x30: {  	s31 =	simm.s32 $0x6000  }
0x31: {  	[tilespmem:s31], [sflag:$0x1] =	stream.indirect_vreg.gather [hbm4b:s1+s3], $0x80, v3, vm0, $0xb8;
	[tilespmem:$0x16800] =	vst v63  }
0x32: {  	s12 =	simm.s32 $0x6800  }
0x33: {  	[tilespmem:s12], [sflag:$0x1] =	stream.indirect_vreg.gather [hbm4b:s8+s3], $0x80, v3, vm0, $0xb8;
	[tilespmem:$0x16800] =	vst v63  }
0x34: {  	s13 =	simm.s32 $0x7000  }
0x35: {  	[tilespmem:s13], [sflag:$0x1] =	stream.indirect_vreg.gather [hbm4b:s9+s3], $0x80, v3, vm0, $0xb8;
	[tilespmem:$0x16800] =	vst v63  }
0x36: {  	s14 =	simm.s32 $0x7800  }
0x37: {  	[tilespmem:s14], [sflag:$0x1] =	stream.indirect_vreg.gather [hbm4b:s10+s3], $0x80, v3, vm0, $0xb8;
	[tilespmem:$0x16800] =	vst v63  }
0x38: {  	v3 =	vld [tilespmem:$0x10];
	_ =	sdelay $0x4  }
0x39: {  	v61 =	vshll.u32 v3, $0x3  }
0x3a: {  	v3 =	vand.u32 $0x7, v3;
	v4 =	vand.u32 $0xFFFFFFC0, v61  }
0x3b: {  	v3 =	vor.u32 v3, v4  }
0x3c: {  	v4 =	vperm.xlane v3, v0;
	_ =	sdelay $0x1  }
0x3d: {  	v4 =	vadd.s32 v1, v4;
	_ =	sdelay $0x3  }
0x3e: {  	s15 =	simm.s32 $0x8000  }
0x3f: {  	[tilespmem:s15], [sflag:$0x1] =	stream.indirect_vreg.gather [hbm4b:s1+s3], $0x80, v4, vm0, $0xb8;
	[tilespmem:$0x16800] =	vst v63  }
0x40: {  	s16 =	simm.s32 $0x8800;
	v3 =	vperm.xlane v3, v2  }
0x41: {  	[tilespmem:s16], [sflag:$0x1] =	stream.indirect_vreg.gather [hbm4b:s8+s3], $0x80, v4, vm0, $0xb8;
	[tilespmem:$0x16800] =	vst v63  }
0x42: {  	s17 =	simm.s32 $0x9000;
	v3 =	vadd.s32 v1, v3  }
0x43: {  	[tilespmem:s17], [sflag:$0x1] =	stream.indirect_vreg.gather [hbm4b:s9+s3], $0x80, v4, vm0, $0xb8;
	[tilespmem:$0x16800] =	vst v63  }
0x44: {  	s18 =	simm.s32 $0x9800  }
0x45: {  	[tilespmem:s18], [sflag:$0x1] =	stream.indirect_vreg.gather [hbm4b:s10+s3], $0x80, v4, vm0, $0xb8;
	[tilespmem:$0x16800] =	vst v63  }
0x46: {  	s19 =	simm.s32 $0xA000  }
0x47: {  	[tilespmem:s19], [sflag:$0x1] =	stream.indirect_vreg.gather [hbm4b:s1+s3], $0x80, v3, vm0, $0xb8;
	[tilespmem:$0x16800] =	vst v63  }
0x48: {  	s20 =	simm.s32 $0xA800  }
0x49: {  	[tilespmem:s20], [sflag:$0x1] =	stream.indirect_vreg.gather [hbm4b:s8+s3], $0x80, v3, vm0, $0xb8;
	[tilespmem:$0x16800] =	vst v63  }
0x4a: {  	s21 =	simm.s32 $0xB000  }
0x4b: {  	[tilespmem:s21], [sflag:$0x1] =	stream.indirect_vreg.gather [hbm4b:s9+s3], $0x80, v3, vm0, $0xb8;
	[tilespmem:$0x16800] =	vst v63  }
0x4c: {  	s22 =	simm.s32 $0xB800  }
0x4d: {  	[tilespmem:s22], [sflag:$0x1] =	stream.indirect_vreg.gather [hbm4b:s10+s3], $0x80, v3, vm0, $0xb8;
	[tilespmem:$0x16800] =	vst v63  }
0x4e: {  	s23 =	rddreg [dreg:$0x5];
	s12 =	simm.s32 $0x14000  }
0x4f: {  	[tilespmem:s12], [sflag:$0x3] =	stream.linear.gather [hbm4b:s23+s3], $0x1000, $0x38;
	[tilespmem:$0x16800] =	vst v63  }
0x50: {  	v3 =	vld [tilespmem:$0x80];
	_ =	sdelay $0x4  }
0x51: {  	v62 =	vshll.u32 v3, $0x3  }
0x52: {  	v3 =	vand.u32 $0x7, v3;
	v4 =	vand.u32 $0xFFFFFFC0, v62  }
0x53: {  	v3 =	vor.u32 v3, v4  }
0x54: {  	v4 =	vperm.xlane v3, v0;
	_ =	sdelay $0x1  }
0x55: {  	v4 =	vadd.s32 v1, v4;
	_ =	sdelay $0x3  }
0x56: {  	s24 =	simm.s32 $0xC000  }
0x57: {  	[tilespmem:s24], [sflag:$0x2] =	stream.indirect_vreg.gather [hbm4b:s1+s3], $0x80, v4, vm0, $0xb8;
	[tilespmem:$0x16800] =	vst v63  }
0x58: {  	s25 =	simm.s32 $0xC800;
	v3 =	vperm.xlane v3, v2  }
0x59: {  	[tilespmem:s25], [sflag:$0x2] =	stream.indirect_vreg.gather [hbm4b:s8+s3], $0x80, v4, vm0, $0xb8;
	[tilespmem:$0x16800] =	vst v63  }
0x5a: {  	s31 =	simm.s32 $0xD000;
	v3 =	vadd.s32 v1, v3  }
0x5b: {  	[tilespmem:s31], [sflag:$0x2] =	stream.indirect_vreg.gather [hbm4b:s9+s3], $0x80, v4, vm0, $0xb8;
	[tilespmem:$0x16800] =	vst v63  }
0x5c: {  	s12 =	simm.s32 $0xD800  }
0x5d: {  	[tilespmem:s12], [sflag:$0x2] =	stream.indirect_vreg.gather [hbm4b:s10+s3], $0x80, v4, vm0, $0xb8;
	[tilespmem:$0x16800] =	vst v63  }
0x5e: {  	s13 =	simm.s32 $0xE000  }
0x5f: {  	[tilespmem:s13], [sflag:$0x2] =	stream.indirect_vreg.gather [hbm4b:s1+s3], $0x80, v3, vm0, $0xb8;
	[tilespmem:$0x16800] =	vst v63  }
0x60: {  	s14 =	simm.s32 $0xE800  }
0x61: {  	[tilespmem:s14], [sflag:$0x2] =	stream.indirect_vreg.gather [hbm4b:s8+s3], $0x80, v3, vm0, $0xb8;
	[tilespmem:$0x16800] =	vst v63  }
0x62: {  	s15 =	simm.s32 $0xF000  }
0x63: {  	[tilespmem:s15], [sflag:$0x2] =	stream.indirect_vreg.gather [hbm4b:s9+s3], $0x80, v3, vm0, $0xb8;
	[tilespmem:$0x16800] =	vst v63  }
0x64: {  	s16 =	simm.s32 $0xF800  }
0x65: {  	[tilespmem:s16], [sflag:$0x2] =	stream.indirect_vreg.gather [hbm4b:s10+s3], $0x80, v3, vm0, $0xb8;
	[tilespmem:$0x16800] =	vst v63  }
0x66: {  	v3 =	vld [tilespmem:$0x90];
	_ =	sdelay $0x4  }
0x67: {  	v63 =	vshll.u32 v3, $0x3  }
0x68: {  	v3 =	vand.u32 $0x7, v3;
	v4 =	vand.u32 $0xFFFFFFC0, v63  }
0x69: {  	v3 =	vor.u32 v3, v4  }
0x6a: {  	v4 =	vperm.xlane v3, v0;
	_ =	sdelay $0x1  }
0x6b: {  	v4 =	vadd.s32 v1, v4;
	_ =	sdelay $0x3  }
0x6c: {  	s17 =	simm.s32 $0x10000  }
0x6d: {  	[tilespmem:s17], [sflag:$0x2] =	stream.indirect_vreg.gather [hbm4b:s1+s3], $0x80, v4, vm0, $0xb8;
	[tilespmem:$0x16800] =	vst v63  }
0x6e: {  	s18 =	simm.s32 $0x10800;
	v3 =	vperm.xlane v3, v2  }
0x6f: {  	[tilespmem:s18], [sflag:$0x2] =	stream.indirect_vreg.gather [hbm4b:s8+s3], $0x80, v4, vm0, $0xb8;
	[tilespmem:$0x16800] =	vst v63  }
0x70: {  	s19 =	simm.s32 $0x11000;
	v3 =	vadd.s32 v1, v3  }
0x71: {  	[tilespmem:s19], [sflag:$0x2] =	stream.indirect_vreg.gather [hbm4b:s9+s3], $0x80, v4, vm0, $0xb8;
	[tilespmem:$0x16800] =	vst v63  }
0x72: {  	s20 =	simm.s32 $0x11800  }
0x73: {  	[tilespmem:s20], [sflag:$0x2] =	stream.indirect_vreg.gather [hbm4b:s10+s3], $0x80, v4, vm0, $0xb8;
	[tilespmem:$0x16800] =	vst v63  }
0x74: {  	s21 =	simm.s32 $0x12000  }
0x75: {  	[tilespmem:s21], [sflag:$0x2] =	stream.indirect_vreg.gather [hbm4b:s1+s3], $0x80, v3, vm0, $0xb8;
	[tilespmem:$0x16800] =	vst v63  }
0x76: {  	s22 =	simm.s32 $0x12800  }
0x77: {  	[tilespmem:s22], [sflag:$0x2] =	stream.indirect_vreg.gather [hbm4b:s8+s3], $0x80, v3, vm0, $0xb8;
	[tilespmem:$0x16800] =	vst v63  }
0x78: {  	s23 =	simm.s32 $0x13000  }
0x79: {  	[tilespmem:s23], [sflag:$0x2] =	stream.indirect_vreg.gather [hbm4b:s9+s3], $0x80, v3, vm0, $0xb8;
	[tilespmem:$0x16800] =	vst v63  }
0x7a: {  	s24 =	simm.s32 $0x13800  }
0x7b: {  	[tilespmem:s24], [sflag:$0x2] =	stream.indirect_vreg.gather [hbm4b:s10+s3], $0x80, v3, vm0, $0xb8;
	[tilespmem:$0x16800] =	vst v63  }
0x7c: {  	s25 =	rddreg [dreg:$0x6];
	s31 =	simm.s32 $0x15000;
	s12 =	simm.s32 $0x0  }
0x7d: {  	[tilespmem:s31], [sflag:$0x4] =	stream.linear.gather [hbm4b:s25+s3], $0x1000, $0x38;
	[tilespmem:$0x16800] =	vst v63  }
.LBB2_2:
0x7e: {  	_ =	swait.ge [sflag:s26], $0x8000  }
0x7f: {  	[sflag:s26] =	ssyncset.done $0x0  }
0x80: {  	[sflag:s26] =	ssyncadd.s32 $0xFFFF8000  }
0x81: {  	_ =	swait.ge [sflag:s28], $0x1000  }
0x82: {  	p0 =	seq.s32 s12, $0x0;
	[sflag:s28] =	ssyncset.done $0x0  }
0x83: {  	s11 =	simm.s32 @!p0 $0x5;
	[sflag:s28] =	ssyncadd.s32 $0xFFFFF000  }
0x84: {  	_ =	swait.ge @!p0 [sflag:s11], $0x400  }
0x85: {  	s31 =	simm.s32 $0x0;
	s13 =	simm.s32 $0x14000;
	[sflag:s11] =	ssyncset.done @!p0 $0x0  }
0x86: {  	s14 =	sand.u32 $0x6000, s31;
	[sflag:s11] =	ssyncadd.s32 @!p0 $0xFFFFFC00;
	s11 =	sand.u32 $0x380, s31  }
0x87: {  	v4 =	vld [tilespmem:s13+$0x0];
	s17 =	sor.u32 s11, s14  }
0x88: {  	v3 =	vld [tilespmem:s17+$0x4470]  }
0x89: {  	v5 =	vld [tilespmem:s17+$0x4000]  }
0x8a: {  	v6 =	vld [tilespmem:s17+$0x4010]  }
0x8b: {  	v7 =	vld [tilespmem:s17+$0x4020]  }
0x8c: {  	v18 =	vld [tilespmem:s17+$0x4400]  }
0x8d: {  	v19 =	vld [tilespmem:s17+$0x4410]  }
0x8e: {  	v8 =	vld [tilespmem:s17+$0x4030]  }
0x8f: {  	v10 =	vld [tilespmem:s17+$0x4040]  }
0x90: {  	v12 =	vld [tilespmem:s17+$0x4060];
	v3 =	vmul.f32 v3, v4  }
0x91: {  	v11 =	vld [tilespmem:s17+$0x4050];
	v5 =	vmul.f32 v5, v4;
	v6 =	vmul.f32 v6, v4  }
0x92: {  	v9 =	vimm.f32 $0.0e+00;
	v17 =	vld [tilespmem:s17+$0x4070];
	v25 =	vmul.f32 v18, v4;
	v26 =	vmul.f32 v19, v4  }
0x93: {  	v19 =	vimm.f32 $0.0e+00;
	v18 =	vimm.f32 $0.0e+00;
	v16 =	vadd.f32 v5, v9  }
0x94: {  	v5 =	vmul.f32 v7, v4;
	v15 =	vadd.f32 v6, v9;
	v6 =	vmul.f32 v8, v4  }
0x95: {  	v22 =	vld [tilespmem:s17+$0x4420];
	v3 =	vadd.f32 v3, v9;
	v7 =	vmul.f32 v10, v4;
	v8 =	vmul.f32 v12, v4  }
0x96: {  	v23 =	vld [tilespmem:s17+$0x4430];
	v12 =	vimm.f32 $0.0e+00;
	v13 =	vadd.f32 v5, v9;
	v5 =	vmul.f32 v11, v4  }
0x97: {  	s16 =	simm.s32 $0x400;
	s15 =	simm.s32 $0x80;
	v20 =	vld [tilespmem:s17+$0x4440];
	v14 =	vadd.f32 v6, v9;
	v11 =	vadd.f32 v7, v9;
	v6 =	vmul.f32 v17, v4  }
0x98: {  	s18 =	sand.u32 $0x6000, s16;
	s19 =	sand.u32 $0x380, s15;
	s13 =	sshll.u32 s12, $0x1;
	v21 =	vld [tilespmem:s17+$0x4450];
	v7 =	vadd.f32 v8, v9;
	v17 =	vimm.f32 $0.0e+00;
	v10 =	vadd.f32 v5, v9  }
0x99: {  	s16 =	simm.s32 $0x800;
	s14 =	simm.s32 $0x14080;
	s11 =	sadd.s32 s5, s13;
	v24 =	vld [tilespmem:s17+$0x4460];
	v8 =	vadd.f32 v6, v9;
	v6 =	vimm.f32 $0.0e+00;
	v5 =	vimm.f32 $0.0e+00  }
.LBB2_3:
0x9a: {  	p1 =	sne.s32 s16, $0x7C00;
	v27 =	vld [tilespmem:s14+$0x0];
	s17 =	sor.u32 s19, s18;
	v9 =	vadd.f32 v25, v9;
	v22 =	vmul.f32 v22, v4  }
0x9b: {  	v25 =	vld [tilespmem:s17+$0x4470];
	v19 =	vadd.f32 v26, v19;
	v23 =	vmul.f32 v23, v4  }
0x9c: {  	v26 =	vld [tilespmem:s17+$0x4000];
	v18 =	vadd.f32 v22, v18;
	v20 =	vmul.f32 v20, v4  }
0x9d: {  	v22 =	vld [tilespmem:s17+$0x4010];
	v17 =	vadd.f32 v23, v17;
	v21 =	vmul.f32 v21, v4  }
0x9e: {  	v23 =	vld [tilespmem:s17+$0x4020];
	v12 =	vadd.f32 v20, v12;
	v20 =	vmul.f32 v24, v4  }
0x9f: {  	v24 =	vld [tilespmem:s17+$0x4030];
	v6 =	vadd.f32 v21, v6;
	v4 =	vmov v27  }
0xa0: {  	v21 =	vld [tilespmem:s17+$0x4040];
	v25 =	vmul.f32 v25, v4;
	v5 =	vadd.f32 v20, v5  }
0xa1: {  	v20 =	vmul.f32 v26, v4;
	v26 =	vld [tilespmem:s17+$0x4050]  }
0xa2: {  	v22 =	vmul.f32 v22, v4;
	v27 =	vld [tilespmem:s17+$0x4060];
	v3 =	vadd.f32 v25, v3  }
0xa3: {  	v16 =	vadd.f32 v20, v16;
	v20 =	vmul.f32 v23, v4;
	v25 =	vld [tilespmem:s17+$0x4070]  }
0xa4: {  	v15 =	vadd.f32 v22, v15;
	v22 =	vmul.f32 v24, v4;
	v24 =	vld [tilespmem:s17+$0x4400]  }
0xa5: {  	v13 =	vadd.f32 v20, v13;
	v20 =	vmul.f32 v21, v4;
	v28 =	vld [tilespmem:s17+$0x4410]  }
.Ltmp2:
0xa6: {  	v14 =	vadd.f32 v22, v14;
	v21 =	vmul.f32 v26, v4;
	v22 =	vld [tilespmem:s17+$0x4420];
	(pc) =	sbr.rel @p1 .LBB2_3-.Ltmp2, $4  }
0xa7: {  	v11 =	vadd.f32 v20, v11;
	v26 =	vmul.f32 v27, v4;
	v23 =	vld [tilespmem:s17+$0x4430]  }
0xa8: {  	v10 =	vadd.f32 v21, v10;
	v27 =	vmul.f32 v25, v4;
	v20 =	vld [tilespmem:s17+$0x4440]  }
0xa9: {  	s15 =	sadd.s32 $0x80, s15;
	s14 =	sadd.s32 $0x80, s14;
	v7 =	vadd.f32 v26, v7;
	v25 =	vmul.f32 v24, v4;
	v21 =	vld [tilespmem:s17+$0x4450]  }
0xaa: {  	s18 =	sand.u32 $0x6000, s16;
	s16 =	sadd.s32 $0x400, s16;
	s19 =	sand.u32 $0x380, s15;
	v8 =	vadd.f32 v27, v8;
	v26 =	vmul.f32 v28, v4;
	v24 =	vld [tilespmem:s17+$0x4460]  }
0xab: {  	v27 =	vld [tilespmem:s14+$0x0];
	s24 =	sor.u32 s19, s18  }
0xac: {  	v28 =	vld [tilespmem:s24+$0x4470]  }
0xad: {  	v29 =	vld [tilespmem:s24+$0x4000]  }
0xae: {  	v30 =	vld [tilespmem:s24+$0x4010]  }
0xaf: {  	v31 =	vld [tilespmem:s24+$0x4020]  }
0xb0: {  	v32 =	vld [tilespmem:s24+$0x4030]  }
0xb1: {  	v33 =	vld [tilespmem:s24+$0x4040]  }
0xb2: {  	v34 =	vld [tilespmem:s24+$0x4050]  }
0xb3: {  	v35 =	vld [tilespmem:s24+$0x4060]  }
0xb4: {  	v36 =	vld [tilespmem:s24+$0x4070]  }
0xb5: {  	v37 =	vld [tilespmem:s24+$0x4400]  }
0xb6: {  	v38 =	vld [tilespmem:s24+$0x4410]  }
0xb7: {  	v39 =	vld [tilespmem:s24+$0x4420];
	v29 =	vmul.f32 v29, v27  }
0xb8: {  	v40 =	vld [tilespmem:s24+$0x4430];
	v30 =	vmul.f32 v30, v27  }
0xb9: {  	v41 =	vld [tilespmem:s24+$0x4440];
	v61 =	vmul.f32 v31, v27;
	v16 =	vadd.f32 v29, v16  }
0xba: {  	v9 =	vadd.f32 v25, v9;
	v62 =	vld [tilespmem:s24+$0x4450];
	v25 =	vmul.f32 v32, v27;
	v15 =	vadd.f32 v30, v15  }
0xbb: {  	v63 =	vld [tilespmem:s24+$0x4460];
	v13 =	vadd.f32 v61, v13;
	[tilespmem:$0x16000] =	vst v16  }
0xbc: {  	v14 =	vadd.f32 v25, v14;
	v16 =	vmul.f32 v33, v27;
	[tilespmem:$0x16010] =	vst v15  }
0xbd: {  	v15 =	vmul.f32 v22, v4;
	v22 =	vmul.f32 v34, v27;
	[tilespmem:$0x16020] =	vst v13  }
0xbe: {  	v19 =	vadd.f32 v26, v19;
	v13 =	vmul.f32 v23, v4;
	[tilespmem:$0x16030] =	vst v14;
	v14 =	vmul.f32 v36, v27  }
0xbf: {  	v11 =	vadd.f32 v16, v11;
	v16 =	vmul.f32 v35, v27;
	v15 =	vadd.f32 v15, v18  }
0xc0: {  	v10 =	vadd.f32 v22, v10;
	v8 =	vadd.f32 v14, v8;
	v14 =	vmul.f32 v38, v27  }
0xc1: {  	v7 =	vadd.f32 v16, v7;
	[tilespmem:$0x16040] =	vst v11;
	v11 =	vmul.f32 v37, v27;
	v16 =	vmul.f32 v20, v4  }
0xc2: {  	v13 =	vadd.f32 v13, v17;
	[tilespmem:$0x16050] =	vst v10;
	v10 =	vmul.f32 v21, v4;
	v4 =	vmul.f32 v24, v4  }
0xc3: {  	v9 =	vadd.f32 v11, v9;
	v11 =	vmul.f32 v39, v27;
	[tilespmem:$0x16060] =	vst v7;
	v7 =	vadd.f32 v16, v12  }
0xc4: {  	[tilespmem:$0x16070] =	vst v8;
	v12 =	vadd.f32 v14, v19;
	v14 =	vmul.f32 v40, v27;
	v6 =	vadd.f32 v10, v6  }
0xc5: {  	v10 =	vmul.f32 v62, v27;
	v8 =	vadd.f32 v11, v15;
	v11 =	vmul.f32 v41, v27;
	[tilespmem:$0x16080] =	vst v9  }
0xc6: {  	v4 =	vadd.f32 v4, v5;
	v9 =	vadd.f32 v14, v13;
	[tilespmem:$0x16090] =	vst v12  }
0xc7: {  	v6 =	vadd.f32 v10, v6;
	v5 =	vadd.f32 v11, v7;
	v7 =	vmul.f32 v63, v27;
	[tilespmem:$0x160A0] =	vst v8  }
0xc8: {  	v8 =	vmul.f32 v28, v27;
	[tilespmem:$0x160B0] =	vst v9  }
0xc9: {  	[tilespmem:$0x160D0] =	vst v6;
	v4 =	vadd.f32 v7, v4  }
0xca: {  	[tilespmem:$0x160C0] =	vst v5;
	v3 =	vadd.f32 v8, v3  }
0xcb: {  	s25 =	simm.s32 $0x0;
	[tilespmem:$0x160E0] =	vst v4  }
0xcc: {  	s15 =	simm.s32 $0x14000;
	s16 =	sand.u32 $0x6000, s25;
	s14 =	sand.u32 $0x380, s25;
	[tilespmem:$0x160F0] =	vst v3  }
0xcd: {  	s17 =	sor.u32 s14, s16;
	v4 =	vld [tilespmem:s15+$0x0]  }
0xce: {  	v3 =	vld [tilespmem:s17+$0x4C70]  }
0xcf: {  	v5 =	vld [tilespmem:s17+$0x4800]  }
0xd0: {  	v6 =	vld [tilespmem:s17+$0x4810]  }
0xd1: {  	v7 =	vld [tilespmem:s17+$0x4820]  }
0xd2: {  	v18 =	vld [tilespmem:s17+$0x4C00]  }
0xd3: {  	v19 =	vld [tilespmem:s17+$0x4C10]  }
0xd4: {  	v8 =	vld [tilespmem:s17+$0x4830]  }
0xd5: {  	v10 =	vld [tilespmem:s17+$0x4840]  }
0xd6: {  	v12 =	vld [tilespmem:s17+$0x4860];
	v3 =	vmul.f32 v3, v4  }
0xd7: {  	v11 =	vld [tilespmem:s17+$0x4850];
	v5 =	vmul.f32 v5, v4;
	v6 =	vmul.f32 v6, v4  }
0xd8: {  	v9 =	vimm.f32 $0.0e+00;
	v17 =	vld [tilespmem:s17+$0x4870];
	v25 =	vmul.f32 v18, v4;
	v26 =	vmul.f32 v19, v4  }
0xd9: {  	v19 =	vimm.f32 $0.0e+00;
	v18 =	vimm.f32 $0.0e+00;
	v16 =	vadd.f32 v5, v9  }
0xda: {  	v5 =	vmul.f32 v7, v4;
	v15 =	vadd.f32 v6, v9;
	v6 =	vmul.f32 v8, v4  }
0xdb: {  	v24 =	vld [tilespmem:s17+$0x4C20];
	v3 =	vadd.f32 v3, v9;
	v7 =	vmul.f32 v10, v4;
	v8 =	vmul.f32 v12, v4  }
0xdc: {  	v22 =	vld [tilespmem:s17+$0x4C30];
	v13 =	vadd.f32 v5, v9;
	v5 =	vmul.f32 v11, v4;
	v14 =	vadd.f32 v6, v9  }
0xdd: {  	s31 =	simm.s32 $0x400;
	v20 =	vld [tilespmem:s17+$0x4C40];
	v12 =	vadd.f32 v7, v9;
	v6 =	vmul.f32 v17, v4;
	v8 =	vadd.f32 v8, v9  }
0xde: {  	s18 =	sand.u32 $0x6000, s31;
	v21 =	vld [tilespmem:s17+$0x4C50];
	s15 =	simm.s32 $0x80;
	v17 =	vimm.f32 $0.0e+00;
	v11 =	vimm.f32 $0.0e+00;
	v10 =	vadd.f32 v5, v9  }
0xdf: {  	s14 =	simm.s32 $0x14080;
	s16 =	simm.s32 $0x800;
	v23 =	vld [tilespmem:s17+$0x4C60];
	s19 =	sand.u32 $0x380, s15;
	v7 =	vadd.f32 v6, v9;
	v6 =	vimm.f32 $0.0e+00;
	v5 =	vimm.f32 $0.0e+00  }
.LBB2_5:
0xe0: {  	p1 =	sne.s32 s16, $0x7C00;
	v27 =	vld [tilespmem:s14+$0x0];
	s17 =	sor.u32 s19, s18;
	v9 =	vadd.f32 v25, v9;
	v24 =	vmul.f32 v24, v4  }
0xe1: {  	v25 =	vld [tilespmem:s17+$0x4C70];
	v19 =	vadd.f32 v26, v19;
	v22 =	vmul.f32 v22, v4  }
0xe2: {  	v26 =	vld [tilespmem:s17+$0x4800];
	v18 =	vadd.f32 v24, v18;
	v20 =	vmul.f32 v20, v4  }
0xe3: {  	v24 =	vld [tilespmem:s17+$0x4810];
	v17 =	vadd.f32 v22, v17;
	v21 =	vmul.f32 v21, v4  }
0xe4: {  	v22 =	vld [tilespmem:s17+$0x4820];
	v11 =	vadd.f32 v20, v11;
	v20 =	vmul.f32 v23, v4  }
0xe5: {  	v23 =	vld [tilespmem:s17+$0x4830];
	v6 =	vadd.f32 v21, v6;
	v4 =	vmov v27  }
0xe6: {  	v21 =	vld [tilespmem:s17+$0x4840];
	v25 =	vmul.f32 v25, v4;
	v5 =	vadd.f32 v20, v5  }
0xe7: {  	v20 =	vmul.f32 v26, v4;
	v26 =	vld [tilespmem:s17+$0x4850]  }
0xe8: {  	v24 =	vmul.f32 v24, v4;
	v27 =	vld [tilespmem:s17+$0x4860];
	v3 =	vadd.f32 v25, v3  }
0xe9: {  	v16 =	vadd.f32 v20, v16;
	v20 =	vmul.f32 v22, v4;
	v25 =	vld [tilespmem:s17+$0x4870]  }
0xea: {  	v15 =	vadd.f32 v24, v15;
	v22 =	vmul.f32 v23, v4;
	v23 =	vld [tilespmem:s17+$0x4C00]  }
0xeb: {  	v13 =	vadd.f32 v20, v13;
	v20 =	vmul.f32 v21, v4;
	v28 =	vld [tilespmem:s17+$0x4C10]  }
.Ltmp3:
0xec: {  	v14 =	vadd.f32 v22, v14;
	v21 =	vmul.f32 v26, v4;
	v24 =	vld [tilespmem:s17+$0x4C20];
	(pc) =	sbr.rel @p1 .LBB2_5-.Ltmp3, $4  }
0xed: {  	v12 =	vadd.f32 v20, v12;
	v26 =	vmul.f32 v27, v4;
	v22 =	vld [tilespmem:s17+$0x4C30]  }
0xee: {  	v10 =	vadd.f32 v21, v10;
	v27 =	vmul.f32 v25, v4;
	v20 =	vld [tilespmem:s17+$0x4C40]  }
0xef: {  	s15 =	sadd.s32 $0x80, s15;
	s14 =	sadd.s32 $0x80, s14;
	v8 =	vadd.f32 v26, v8;
	v25 =	vmul.f32 v23, v4;
	v21 =	vld [tilespmem:s17+$0x4C50]  }
0xf0: {  	s18 =	sand.u32 $0x6000, s16;
	s16 =	sadd.s32 $0x400, s16;
	s19 =	sand.u32 $0x380, s15;
	v7 =	vadd.f32 v27, v7;
	v26 =	vmul.f32 v28, v4;
	v23 =	vld [tilespmem:s17+$0x4C60]  }
0xf1: {  	v27 =	vld [tilespmem:s14+$0x0];
	s24 =	sor.u32 s19, s18  }
0xf2: {  	v28 =	vld [tilespmem:s24+$0x4C70]  }
0xf3: {  	v29 =	vld [tilespmem:s24+$0x4800]  }
0xf4: {  	v30 =	vld [tilespmem:s24+$0x4810]  }
0xf5: {  	v31 =	vld [tilespmem:s24+$0x4820]  }
0xf6: {  	v32 =	vld [tilespmem:s24+$0x4830]  }
0xf7: {  	v33 =	vld [tilespmem:s24+$0x4840]  }
0xf8: {  	v34 =	vld [tilespmem:s24+$0x4850]  }
0xf9: {  	v35 =	vld [tilespmem:s24+$0x4860]  }
0xfa: {  	v36 =	vld [tilespmem:s24+$0x4870]  }
0xfb: {  	v37 =	vld [tilespmem:s24+$0x4C00]  }
0xfc: {  	v38 =	vld [tilespmem:s24+$0x4C10]  }
0xfd: {  	v39 =	vld [tilespmem:s24+$0x4C20];
	v29 =	vmul.f32 v29, v27  }
0xfe: {  	v40 =	vld [tilespmem:s24+$0x4C30];
	v30 =	vmul.f32 v30, v27  }
0xff: {  	v41 =	vld [tilespmem:s24+$0x4C40];
	v61 =	vmul.f32 v31, v27;
	v16 =	vadd.f32 v29, v16  }
0x100: {  	v9 =	vadd.f32 v25, v9;
	v62 =	vld [tilespmem:s24+$0x4C50];
	v25 =	vmul.f32 v32, v27;
	v15 =	vadd.f32 v30, v15  }
0x101: {  	v63 =	vld [tilespmem:s24+$0x4C60];
	v13 =	vadd.f32 v61, v13;
	[tilespmem:$0x16100] =	vst v16  }
0x102: {  	v14 =	vadd.f32 v25, v14;
	v16 =	vmul.f32 v33, v27;
	[tilespmem:$0x16110] =	vst v15  }
0x103: {  	v15 =	vmul.f32 v24, v4;
	v24 =	vmul.f32 v34, v27;
	[tilespmem:$0x16120] =	vst v13  }
0x104: {  	v19 =	vadd.f32 v26, v19;
	v13 =	vmul.f32 v22, v4;
	[tilespmem:$0x16130] =	vst v14;
	v14 =	vmul.f32 v36, v27  }
0x105: {  	v12 =	vadd.f32 v16, v12;
	v16 =	vmul.f32 v35, v27;
	v15 =	vadd.f32 v15, v18  }
0x106: {  	v10 =	vadd.f32 v24, v10;
	v7 =	vadd.f32 v14, v7;
	v14 =	vmul.f32 v38, v27  }
0x107: {  	v8 =	vadd.f32 v16, v8;
	[tilespmem:$0x16140] =	vst v12;
	v12 =	vmul.f32 v37, v27;
	v16 =	vmul.f32 v20, v4  }
0x108: {  	v13 =	vadd.f32 v13, v17;
	[tilespmem:$0x16150] =	vst v10;
	v10 =	vmul.f32 v21, v4;
	v4 =	vmul.f32 v23, v4  }
0x109: {  	v9 =	vadd.f32 v12, v9;
	v12 =	vmul.f32 v39, v27;
	[tilespmem:$0x16160] =	vst v8;
	v8 =	vadd.f32 v16, v11  }
0x10a: {  	[tilespmem:$0x16170] =	vst v7;
	v11 =	vadd.f32 v14, v19;
	v14 =	vmul.f32 v40, v27;
	v6 =	vadd.f32 v10, v6  }
0x10b: {  	v10 =	vmul.f32 v62, v27;
	v7 =	vadd.f32 v12, v15;
	v12 =	vmul.f32 v41, v27;
	[tilespmem:$0x16180] =	vst v9  }
0x10c: {  	v4 =	vadd.f32 v4, v5;
	v9 =	vadd.f32 v14, v13;
	[tilespmem:$0x16190] =	vst v11  }
0x10d: {  	v6 =	vadd.f32 v10, v6;
	v5 =	vadd.f32 v12, v8;
	v8 =	vmul.f32 v63, v27;
	[tilespmem:$0x161A0] =	vst v7  }
0x10e: {  	v7 =	vmul.f32 v28, v27;
	[tilespmem:$0x161B0] =	vst v9  }
0x10f: {  	[tilespmem:$0x161D0] =	vst v6;
	v4 =	vadd.f32 v8, v4  }
0x110: {  	[tilespmem:$0x161C0] =	vst v5;
	v3 =	vadd.f32 v7, v3  }
0x111: {  	s25 =	simm.s32 $0x0;
	[tilespmem:$0x161E0] =	vst v4  }
0x112: {  	s15 =	simm.s32 $0x14000;
	s16 =	sand.u32 $0x6000, s25;
	s14 =	sand.u32 $0x380, s25;
	[tilespmem:$0x161F0] =	vst v3  }
0x113: {  	s17 =	sor.u32 s14, s16;
	v4 =	vld [tilespmem:s15+$0x0]  }
0x114: {  	v3 =	vld [tilespmem:s17+$0x5470]  }
0x115: {  	v5 =	vld [tilespmem:s17+$0x5000]  }
0x116: {  	v6 =	vld [tilespmem:s17+$0x5010]  }
0x117: {  	v7 =	vld [tilespmem:s17+$0x5020]  }
0x118: {  	v18 =	vld [tilespmem:s17+$0x5400]  }
0x119: {  	v19 =	vld [tilespmem:s17+$0x5410]  }
0x11a: {  	v8 =	vld [tilespmem:s17+$0x5030]  }
0x11b: {  	v10 =	vld [tilespmem:s17+$0x5040]  }
0x11c: {  	v12 =	vld [tilespmem:s17+$0x5060];
	v3 =	vmul.f32 v3, v4  }
0x11d: {  	v11 =	vld [tilespmem:s17+$0x5050];
	v5 =	vmul.f32 v5, v4;
	v6 =	vmul.f32 v6, v4  }
0x11e: {  	v9 =	vimm.f32 $0.0e+00;
	v14 =	vld [tilespmem:s17+$0x5070];
	v26 =	vmul.f32 v18, v4;
	v25 =	vmul.f32 v19, v4  }
0x11f: {  	v19 =	vimm.f32 $0.0e+00;
	v18 =	vimm.f32 $0.0e+00;
	v17 =	vadd.f32 v5, v9  }
0x120: {  	v5 =	vmul.f32 v7, v4;
	v15 =	vadd.f32 v6, v9;
	v6 =	vmul.f32 v8, v4  }
0x121: {  	v24 =	vld [tilespmem:s17+$0x5420];
	v3 =	vadd.f32 v3, v9;
	v7 =	vmul.f32 v10, v4;
	v8 =	vmul.f32 v12, v4  }
0x122: {  	v21 =	vld [tilespmem:s17+$0x5430];
	v12 =	vimm.f32 $0.0e+00;
	v16 =	vadd.f32 v5, v9;
	v5 =	vmul.f32 v11, v4  }
0x123: {  	s31 =	simm.s32 $0x400;
	v22 =	vld [tilespmem:s17+$0x5440];
	v13 =	vadd.f32 v6, v9;
	v10 =	vadd.f32 v7, v9;
	v6 =	vmul.f32 v14, v4  }
0x124: {  	s18 =	sand.u32 $0x6000, s31;
	v20 =	vld [tilespmem:s17+$0x5450];
	s15 =	simm.s32 $0x80;
	v8 =	vadd.f32 v8, v9;
	v14 =	vimm.f32 $0.0e+00;
	v11 =	vadd.f32 v5, v9  }
0x125: {  	s14 =	simm.s32 $0x14080;
	s16 =	simm.s32 $0x800;
	v23 =	vld [tilespmem:s17+$0x5460];
	s19 =	sand.u32 $0x380, s15;
	v7 =	vadd.f32 v6, v9;
	v6 =	vimm.f32 $0.0e+00;
	v5 =	vimm.f32 $0.0e+00  }
.LBB2_7:
0x126: {  	p1 =	sne.s32 s16, $0x7C00;
	v27 =	vld [tilespmem:s14+$0x0];
	s17 =	sor.u32 s19, s18;
	v9 =	vadd.f32 v26, v9;
	v24 =	vmul.f32 v24, v4  }
0x127: {  	v26 =	vld [tilespmem:s17+$0x5470];
	v19 =	vadd.f32 v25, v19;
	v21 =	vmul.f32 v21, v4  }
0x128: {  	v25 =	vld [tilespmem:s17+$0x5000];
	v18 =	vadd.f32 v24, v18;
	v22 =	vmul.f32 v22, v4  }
0x129: {  	v24 =	vld [tilespmem:s17+$0x5010];
	v14 =	vadd.f32 v21, v14;
	v20 =	vmul.f32 v20, v4  }
0x12a: {  	v21 =	vld [tilespmem:s17+$0x5020];
	v12 =	vadd.f32 v22, v12;
	v22 =	vmul.f32 v23, v4  }
0x12b: {  	v23 =	vld [tilespmem:s17+$0x5030];
	v6 =	vadd.f32 v20, v6;
	v4 =	vmov v27  }
0x12c: {  	v20 =	vld [tilespmem:s17+$0x5040];
	v26 =	vmul.f32 v26, v4;
	v5 =	vadd.f32 v22, v5  }
0x12d: {  	v22 =	vmul.f32 v25, v4;
	v25 =	vld [tilespmem:s17+$0x5050]  }
0x12e: {  	v24 =	vmul.f32 v24, v4;
	v27 =	vld [tilespmem:s17+$0x5060];
	v3 =	vadd.f32 v26, v3  }
0x12f: {  	v17 =	vadd.f32 v22, v17;
	v21 =	vmul.f32 v21, v4;
	v22 =	vld [tilespmem:s17+$0x5070]  }
0x130: {  	v15 =	vadd.f32 v24, v15;
	v23 =	vmul.f32 v23, v4;
	v26 =	vld [tilespmem:s17+$0x5400]  }
0x131: {  	v16 =	vadd.f32 v21, v16;
	v20 =	vmul.f32 v20, v4;
	v28 =	vld [tilespmem:s17+$0x5410]  }
.Ltmp4:
0x132: {  	v13 =	vadd.f32 v23, v13;
	v23 =	vmul.f32 v25, v4;
	v24 =	vld [tilespmem:s17+$0x5420];
	(pc) =	sbr.rel @p1 .LBB2_7-.Ltmp4, $4  }
0x133: {  	v10 =	vadd.f32 v20, v10;
	v20 =	vmul.f32 v27, v4;
	v21 =	vld [tilespmem:s17+$0x5430]  }
0x134: {  	v11 =	vadd.f32 v23, v11;
	v23 =	vmul.f32 v22, v4;
	v22 =	vld [tilespmem:s17+$0x5440]  }
0x135: {  	s15 =	sadd.s32 $0x80, s15;
	s14 =	sadd.s32 $0x80, s14;
	v8 =	vadd.f32 v20, v8;
	v26 =	vmul.f32 v26, v4;
	v20 =	vld [tilespmem:s17+$0x5450]  }
0x136: {  	s18 =	sand.u32 $0x6000, s16;
	s16 =	sadd.s32 $0x400, s16;
	s19 =	sand.u32 $0x380, s15;
	v7 =	vadd.f32 v23, v7;
	v25 =	vmul.f32 v28, v4;
	v23 =	vld [tilespmem:s17+$0x5460]  }
0x137: {  	v27 =	vld [tilespmem:s14+$0x0];
	s23 =	sor.u32 s19, s18  }
0x138: {  	v28 =	vld [tilespmem:s23+$0x5470]  }
0x139: {  	v29 =	vld [tilespmem:s23+$0x5000]  }
0x13a: {  	v30 =	vld [tilespmem:s23+$0x5010]  }
0x13b: {  	v31 =	vld [tilespmem:s23+$0x5020]  }
0x13c: {  	v32 =	vld [tilespmem:s23+$0x5030]  }
0x13d: {  	v33 =	vld [tilespmem:s23+$0x5040]  }
0x13e: {  	v34 =	vld [tilespmem:s23+$0x5050]  }
0x13f: {  	v35 =	vld [tilespmem:s23+$0x5060]  }
0x140: {  	v36 =	vld [tilespmem:s23+$0x5070]  }
0x141: {  	v37 =	vld [tilespmem:s23+$0x5400]  }
0x142: {  	v38 =	vld [tilespmem:s23+$0x5410]  }
0x143: {  	v39 =	vld [tilespmem:s23+$0x5420];
	v29 =	vmul.f32 v29, v27  }
0x144: {  	v40 =	vld [tilespmem:s23+$0x5430];
	v30 =	vmul.f32 v30, v27  }
0x145: {  	v9 =	vadd.f32 v26, v9;
	v41 =	vld [tilespmem:s23+$0x5440];
	v26 =	vmul.f32 v32, v27;
	v17 =	vadd.f32 v29, v17  }
0x146: {  	v29 =	vmul.f32 v31, v27;
	v31 =	vld [tilespmem:s23+$0x5450];
	v15 =	vadd.f32 v30, v15  }
0x147: {  	v30 =	vld [tilespmem:s23+$0x5460];
	v13 =	vadd.f32 v26, v13;
	[tilespmem:$0x16200] =	vst v17  }
0x148: {  	v16 =	vadd.f32 v29, v16;
	v17 =	vmul.f32 v24, v4;
	v24 =	vmul.f32 v33, v27;
	[tilespmem:$0x16210] =	vst v15  }
0x149: {  	v19 =	vadd.f32 v25, v19;
	v15 =	vmul.f32 v34, v27;
	[tilespmem:$0x16230] =	vst v13  }
0x14a: {  	v13 =	vmul.f32 v21, v4;
	v10 =	vadd.f32 v24, v10;
	[tilespmem:$0x16220] =	vst v16;
	v16 =	vmul.f32 v35, v27  }
0x14b: {  	v17 =	vadd.f32 v17, v18;
	v11 =	vadd.f32 v15, v11;
	v15 =	vmul.f32 v36, v27  }
0x14c: {  	v18 =	vmul.f32 v37, v27;
	v8 =	vadd.f32 v16, v8;
	v16 =	vmul.f32 v22, v4;
	[tilespmem:$0x16240] =	vst v10  }
0x14d: {  	v10 =	vadd.f32 v13, v14;
	v7 =	vadd.f32 v15, v7;
	v13 =	vmul.f32 v38, v27;
	[tilespmem:$0x16250] =	vst v11  }
0x14e: {  	v11 =	vmul.f32 v20, v4;
	v9 =	vadd.f32 v18, v9;
	v14 =	vmul.f32 v39, v27;
	[tilespmem:$0x16260] =	vst v8  }
0x14f: {  	v8 =	vadd.f32 v16, v12;
	v12 =	vadd.f32 v13, v19;
	v13 =	vmul.f32 v40, v27;
	[tilespmem:$0x16270] =	vst v7  }
0x150: {  	v4 =	vmul.f32 v23, v4;
	v7 =	vadd.f32 v14, v17;
	v14 =	vmul.f32 v41, v27;
	[tilespmem:$0x16280] =	vst v9  }
0x151: {  	v6 =	vadd.f32 v11, v6;
	v9 =	vadd.f32 v13, v10;
	v10 =	vmul.f32 v31, v27;
	[tilespmem:$0x16290] =	vst v12  }
0x152: {  	v4 =	vadd.f32 v4, v5;
	v5 =	vadd.f32 v14, v8;
	v8 =	vmul.f32 v30, v27;
	[tilespmem:$0x162A0] =	vst v7  }
0x153: {  	v7 =	vmul.f32 v28, v27;
	v6 =	vadd.f32 v10, v6;
	[tilespmem:$0x162B0] =	vst v9  }
0x154: {  	v4 =	vadd.f32 v8, v4;
	[tilespmem:$0x162C0] =	vst v5  }
0x155: {  	s14 =	simm.s32 $0x0;
	s15 =	simm.s32 $0x0;
	v3 =	vadd.f32 v7, v3;
	[tilespmem:$0x162D0] =	vst v6  }
0x156: {  	s15 =	sand.u32 $0x6000, s15;
	s16 =	sand.u32 $0x380, s14;
	[tilespmem:$0x162E0] =	vst v4  }
0x157: {  	s16 =	sor.u32 s16, s15;
	[tilespmem:$0x162F0] =	vst v3  }
0x158: {  	v3 =	vld [tilespmem:s16+$0x5800]  }
0x159: {  	v4 =	vld [tilespmem:s16+$0x5810]  }
0x15a: {  	v5 =	vld [tilespmem:s16+$0x5820]  }
0x15b: {  	v7 =	vld [tilespmem:s16+$0x5830]  }
0x15c: {  	v8 =	vld [tilespmem:s16+$0x5840]  }
0x15d: {  	s24 =	sand.u32 $0x7, s14;
	v9 =	vld [tilespmem:s16+$0x5850]  }
0x15e: {  	s17 =	sshll.u32 s24, $0x7;
	s15 =	simm.s32 $0x14000;
	v10 =	vld [tilespmem:s16+$0x5860]  }
0x15f: {  	s17 =	sadd.s32 $0x0, s17;
	v15 =	vld [tilespmem:s15+$0x0]  }
0x160: {  	s25 =	sor.u32 $0x1C70, s17;
	v11 =	vld [tilespmem:s16+$0x5870]  }
0x161: {  	s31 =	sor.u32 $0x1C00, s17;
	v12 =	vld [tilespmem:s25+$0x4000]  }
0x162: {  	s19 =	sor.u32 $0x1C10, s17;
	v13 =	vld [tilespmem:s31+$0x4000]  }
0x163: {  	s20 =	sor.u32 $0x1C20, s17;
	v14 =	vld [tilespmem:s19+$0x4000]  }
0x164: {  	s21 =	sor.u32 $0x1C30, s17;
	v16 =	vld [tilespmem:s20+$0x4000];
	v3 =	vmul.f32 v3, v15  }
0x165: {  	s22 =	sor.u32 $0x1C40, s17;
	v18 =	vld [tilespmem:s21+$0x4000];
	v17 =	vmul.f32 v4, v15;
	v20 =	vmul.f32 v5, v15  }
0x166: {  	s23 =	sor.u32 $0x1C50, s17;
	v24 =	vld [tilespmem:s22+$0x4000];
	v4 =	vmul.f32 v12, v15;
	v28 =	vmul.f32 v7, v15  }
0x167: {  	s17 =	sor.u32 $0x1C60, s17;
	v29 =	vld [tilespmem:s23+$0x4000];
	v5 =	vmul.f32 v13, v15;
	v21 =	vmul.f32 v8, v15  }
0x168: {  	s24 =	simm.s32 $0x80;
	s25 =	simm.s32 $0x400;
	v30 =	vld [tilespmem:s17+$0x4000];
	v7 =	vmul.f32 v14, v15;
	v22 =	vmul.f32 v9, v15  }
0x169: {  	s18 =	sand.u32 $0x380, s24;
	s31 =	sand.u32 $0x6000, s25;
	v8 =	vmul.f32 v16, v15;
	v27 =	vmul.f32 v10, v15  }
0x16a: {  	v6 =	vimm.f32 $0.0e+00;
	s19 =	sor.u32 s18, s31;
	v9 =	vmul.f32 v18, v15;
	v26 =	vmul.f32 v11, v15  }
0x16b: {  	v19 =	vld [tilespmem:s19+$0x5800];
	v10 =	vmul.f32 v24, v15;
	v12 =	vadd.f32 v3, v6;
	v3 =	vadd.f32 v4, v6  }
0x16c: {  	v23 =	vld [tilespmem:s19+$0x5810];
	v11 =	vmul.f32 v29, v15;
	v4 =	vadd.f32 v5, v6;
	v5 =	vadd.f32 v7, v6  }
0x16d: {  	v25 =	vld [tilespmem:s19+$0x5820];
	v29 =	vmul.f32 v30, v15;
	v7 =	vadd.f32 v8, v6;
	v13 =	vadd.f32 v17, v6  }
0x16e: {  	v24 =	vld [tilespmem:s19+$0x5830];
	v18 =	vimm.f32 $0.0e+00;
	v8 =	vadd.f32 v9, v6;
	v14 =	vadd.f32 v20, v6  }
0x16f: {  	s16 =	simm.s32 $0x1;
	v16 =	vimm.f32 $0.0e+00;
	v9 =	vadd.f32 v10, v6;
	v20 =	vld [tilespmem:s19+$0x5840];
	v15 =	vadd.f32 v28, v6  }
0x170: {  	s17 =	simm.s32 $0xFFFF8400;
	s20 =	sand.u32 $0x7, s16;
	s18 =	simm.s32 $0x100;
	v10 =	vadd.f32 v11, v6;
	v11 =	vimm.f32 $0.0e+00;
	v28 =	vld [tilespmem:s19+$0x5850];
	v17 =	vimm.f32 $0.0e+00  }
.LBB2_9:
0x171: {  	p1 =	sne.s32 s18, $0xF80;
	s20 =	sshll.u32 s20, $0x7;
	v30 =	vld [tilespmem:s19+$0x5860];
	v6 =	vadd.f32 v21, v6;
	v11 =	vadd.f32 v29, v11;
	s14 =	sadd.s32 $0x400, s14  }
0x172: {  	v18 =	vadd.f32 v22, v18;
	v17 =	vadd.f32 v27, v17;
	s15 =	sadd.s32 $0x80, s15;
	s20 =	sadd.s32 s20, s14;
	v29 =	vld [tilespmem:s19+$0x5870]  }
0x173: {  	v16 =	vadd.f32 v26, v16;
	v31 =	vld [tilespmem:s15+$0x0];
	s19 =	sor.u32 $0x1C00, s20;
	s21 =	sor.u32 $0x1C10, s20;
	s22 =	sor.u32 $0x1C70, s20  }
0x174: {  	s23 =	sor.u32 $0x1C20, s20;
	s24 =	sor.u32 $0x1C30, s20;
	s25 =	sor.u32 $0x1C40, s20;
	v21 =	vld [tilespmem:s22+$0x4000]  }
0x175: {  	v22 =	vld [tilespmem:s19+$0x4000];
	s19 =	sor.u32 $0x1C50, s20;
	s20 =	sor.u32 $0x1C60, s20  }
0x176: {  	v26 =	vld [tilespmem:s21+$0x4000]  }
0x177: {  	v27 =	vld [tilespmem:s23+$0x4000]  }
0x178: {  	s17 =	sadd.s32 $0x400, s17;
	v19 =	vmul.f32 v19, v31;
	v32 =	vmul.f32 v23, v31;
	v33 =	vld [tilespmem:s24+$0x4000]  }
0x179: {  	s21 =	sadd.s32 $0x8000, s17;
	v34 =	vmul.f32 v25, v31;
	v35 =	vld [tilespmem:s25+$0x4000];
	v23 =	vmul.f32 v21, v31  }
0x17a: {  	s22 =	sand.u32 $0x380, s18;
	s21 =	sand.u32 $0x6000, s21;
	v36 =	vmul.f32 v24, v31;
	v12 =	vadd.f32 v19, v12;
	v24 =	vmul.f32 v22, v31;
	v37 =	vld [tilespmem:s19+$0x4000]  }
0x17b: {  	v21 =	vmul.f32 v20, v31;
	s19 =	sor.u32 s22, s21;
	v20 =	vmul.f32 v26, v31;
	v38 =	vld [tilespmem:s20+$0x4000];
	v3 =	vadd.f32 v23, v3  }
0x17c: {  	v22 =	vmul.f32 v28, v31;
	v19 =	vld [tilespmem:s19+$0x5800];
	v4 =	vadd.f32 v24, v4;
	v24 =	vmul.f32 v27, v31  }
.Ltmp5:
0x17d: {  	v27 =	vmul.f32 v30, v31;
	v23 =	vld [tilespmem:s19+$0x5810];
	v5 =	vadd.f32 v20, v5;
	v20 =	vmul.f32 v33, v31;
	(pc) =	sbr.rel @p1 .LBB2_9-.Ltmp5, $4  }
0x17e: {  	v26 =	vmul.f32 v29, v31;
	v25 =	vld [tilespmem:s19+$0x5820];
	v7 =	vadd.f32 v24, v7;
	v28 =	vmul.f32 v35, v31  }
0x17f: {  	v13 =	vadd.f32 v32, v13;
	v24 =	vld [tilespmem:s19+$0x5830];
	v8 =	vadd.f32 v20, v8;
	v30 =	vmul.f32 v37, v31  }
0x180: {  	s16 =	sadd.s32 $0x1, s16;
	v14 =	vadd.f32 v34, v14;
	v20 =	vld [tilespmem:s19+$0x5840];
	v9 =	vadd.f32 v28, v9;
	v29 =	vmul.f32 v38, v31  }
0x181: {  	s18 =	sadd.s32 $0x80, s18;
	v15 =	vadd.f32 v36, v15;
	s20 =	sand.u32 $0x7, s16;
	v28 =	vld [tilespmem:s19+$0x5850];
	v10 =	vadd.f32 v30, v10  }
0x182: {  	s16 =	sshll.u32 s20, $0x7;
	v30 =	vld [tilespmem:s19+$0x5860];
	s14 =	sadd.s32 $0x400, s14;
	s15 =	sadd.s32 $0x80, s15  }
0x183: {  	s14 =	sadd.s32 s16, s14;
	v32 =	vld [tilespmem:s15+$0x0]  }
0x184: {  	v31 =	vld [tilespmem:s19+$0x5870];
	s18 =	sor.u32 $0x1C70, s14  }
0x185: {  	s16 =	sor.u32 $0x1C00, s14;
	v33 =	vld [tilespmem:s18+$0x4000]  }
0x186: {  	s19 =	sor.u32 $0x1C10, s14;
	v34 =	vld [tilespmem:s16+$0x4000]  }
0x187: {  	s20 =	sor.u32 $0x1C20, s14;
	v35 =	vld [tilespmem:s19+$0x4000]  }
0x188: {  	s21 =	sor.u32 $0x1C30, s14;
	v36 =	vld [tilespmem:s20+$0x4000];
	v19 =	vmul.f32 v19, v32  }
0x189: {  	s22 =	sor.u32 $0x1C40, s14;
	v37 =	vld [tilespmem:s21+$0x4000];
	v23 =	vmul.f32 v23, v32  }
0x18a: {  	s23 =	sor.u32 $0x1C50, s14;
	v38 =	vld [tilespmem:s22+$0x4000];
	v25 =	vmul.f32 v25, v32;
	v12 =	vadd.f32 v19, v12  }
0x18b: {  	s14 =	sor.u32 $0x1C60, s14;
	v43 =	vld [tilespmem:s23+$0x4000];
	v24 =	vmul.f32 v24, v32;
	v13 =	vadd.f32 v23, v13  }
0x18c: {  	v6 =	vadd.f32 v21, v6;
	v44 =	vld [tilespmem:s14+$0x4000];
	v45 =	vmul.f32 v20, v32;
	v14 =	vadd.f32 v25, v14;
	[tilespmem:$0x16300] =	vst v12  }
0x18d: {  	v18 =	vadd.f32 v22, v18;
	v46 =	vmul.f32 v28, v32;
	v15 =	vadd.f32 v24, v15;
	[tilespmem:$0x16310] =	vst v13  }
0x18e: {  	v47 =	vadd.f32 v27, v17;
	v48 =	vmul.f32 v30, v32;
	v6 =	vadd.f32 v45, v6;
	[tilespmem:$0x16320] =	vst v14  }
0x18f: {  	v49 =	vadd.f32 v26, v16;
	v50 =	vmul.f32 v31, v32;
	v51 =	vadd.f32 v46, v18;
	[tilespmem:$0x16330] =	vst v15  }
0x190: {  	v52 =	vmul.f32 v34, v32;
	v13 =	vadd.f32 v48, v47;
	[tilespmem:$0x16340] =	vst v6  }
0x191: {  	v53 =	vmul.f32 v35, v32;
	v12 =	vadd.f32 v50, v49;
	[tilespmem:$0x16350] =	vst v51  }
0x192: {  	v54 =	vmul.f32 v36, v32;
	v4 =	vadd.f32 v52, v4;
	[tilespmem:$0x16360] =	vst v13  }
0x193: {  	v55 =	vmul.f32 v37, v32;
	v5 =	vadd.f32 v53, v5;
	[tilespmem:$0x16370] =	vst v12  }
0x194: {  	v56 =	vmul.f32 v38, v32;
	v7 =	vadd.f32 v54, v7;
	[tilespmem:$0x16380] =	vst v4  }
0x195: {  	v58 =	vmul.f32 v43, v32;
	v57 =	vadd.f32 v55, v8;
	[tilespmem:$0x16390] =	vst v5  }
0x196: {  	v59 =	vadd.f32 v29, v11;
	v61 =	vmul.f32 v44, v32;
	v60 =	vadd.f32 v56, v9;
	[tilespmem:$0x163A0] =	vst v7  }
0x197: {  	p1 =	seq.s32 s12, $0x3F;
	v62 =	vmul.f32 v33, v32;
	v6 =	vadd.f32 v58, v10;
	[tilespmem:$0x163B0] =	vst v57  }
.Ltmp6:
0x198: {  	s24 =	sshll.u32 s12, $0x5;
	v63 =	vadd.f32 v61, v59;
	[tilespmem:$0x163C0] =	vst v60;
	(pc) =	sbr.rel @p1 .LBB2_12-.Ltmp6, $4  }
0x199: {  	s11 =	sshll.u32 s11, $0x7;
	s14 =	sand.u32 $0x60, s24;
	v3 =	vadd.f32 v62, v3;
	[tilespmem:$0x163D0] =	vst v6  }
0x19a: {  	s11 =	sand.u32 $0x7FC00, s11;
	s25 =	sadd.s32 s6, s14;
	[tilespmem:$0x163E0] =	vst v63  }
0x19b: {  	s31 =	simm.s32 $0x16000;
	s15 =	sadd.s32 s11, s25;
	[tilespmem:$0x163F0] =	vst v3  }
0x19c: {  	[hbm4b:s15+s29] =	stream.strided.scatter [tilespmem:s31], [sflag:$0x5], $0x400, s30, s29, $0x38;
	[tilespmem:$0x16800] =	vst v63  }
0x19d: {  	s15 =	sadd.s32 $0x2, s13  }
0x19e: {  	s16 =	sshll.u32 s15, $0x7  }
0x19f: {  	s16 =	sand.u32 $0x3FFFFF80, s16  }
0x1a0: {  	v3 =	vld [tilespmem:s16+$0x0];
	_ =	sdelay $0x4  }
0x1a1: {  	v4 =	vshll.u32 v3, $0x3  }
0x1a2: {  	v3 =	vand.u32 $0x7, v3;
	v4 =	vand.u32 $0xFFFFFFC0, v4  }
0x1a3: {  	v3 =	vor.u32 v3, v4  }
0x1a4: {  	v4 =	vperm.xlane v3, v0;
	_ =	sdelay $0x1  }
0x1a5: {  	v4 =	vadd.s32 v1, v4;
	_ =	sdelay $0x3  }
0x1a6: {  	s17 =	simm.s32 $0x4000  }
0x1a7: {  	[tilespmem:s17], [sflag:$0x1] =	stream.indirect_vreg.gather [hbm4b:s1+s3], $0x80, v4, vm0, $0xb8;
	[tilespmem:$0x16800] =	vst v63  }
0x1a8: {  	s20 =	simm.s32 $0x4800;
	v3 =	vperm.xlane v3, v2  }
0x1a9: {  	[tilespmem:s20], [sflag:$0x1] =	stream.indirect_vreg.gather [hbm4b:s8+s3], $0x80, v4, vm0, $0xb8;
	[tilespmem:$0x16800] =	vst v63  }
0x1aa: {  	s21 =	simm.s32 $0x5000;
	v3 =	vadd.s32 v1, v3  }
0x1ab: {  	[tilespmem:s21], [sflag:$0x1] =	stream.indirect_vreg.gather [hbm4b:s9+s3], $0x80, v4, vm0, $0xb8;
	[tilespmem:$0x16800] =	vst v63  }
0x1ac: {  	s22 =	simm.s32 $0x5800  }
0x1ad: {  	[tilespmem:s22], [sflag:$0x1] =	stream.indirect_vreg.gather [hbm4b:s10+s3], $0x80, v4, vm0, $0xb8;
	[tilespmem:$0x16800] =	vst v63  }
0x1ae: {  	s23 =	simm.s32 $0x6000  }
0x1af: {  	[tilespmem:s23], [sflag:$0x1] =	stream.indirect_vreg.gather [hbm4b:s1+s3], $0x80, v3, vm0, $0xb8;
	[tilespmem:$0x16800] =	vst v63  }
0x1b0: {  	s24 =	simm.s32 $0x6800  }
0x1b1: {  	[tilespmem:s24], [sflag:$0x1] =	stream.indirect_vreg.gather [hbm4b:s8+s3], $0x80, v3, vm0, $0xb8;
	[tilespmem:$0x16800] =	vst v63  }
0x1b2: {  	s25 =	simm.s32 $0x7000  }
0x1b3: {  	[tilespmem:s25], [sflag:$0x1] =	stream.indirect_vreg.gather [hbm4b:s9+s3], $0x80, v3, vm0, $0xb8;
	[tilespmem:$0x16800] =	vst v63  }
0x1b4: {  	s31 =	simm.s32 $0x7800  }
0x1b5: {  	[tilespmem:s31], [sflag:$0x1] =	stream.indirect_vreg.gather [hbm4b:s10+s3], $0x80, v3, vm0, $0xb8;
	[tilespmem:$0x16800] =	vst v63  }
0x1b6: {  	v3 =	vld [tilespmem:s16+$0x10];
	_ =	sdelay $0x4  }
0x1b7: {  	v63 =	vshll.u32 v3, $0x3  }
0x1b8: {  	v3 =	vand.u32 $0x7, v3;
	v4 =	vand.u32 $0xFFFFFFC0, v63  }
0x1b9: {  	v3 =	vor.u32 v3, v4  }
0x1ba: {  	v4 =	vperm.xlane v3, v0;
	_ =	sdelay $0x1  }
0x1bb: {  	v4 =	vadd.s32 v1, v4;
	_ =	sdelay $0x3  }
0x1bc: {  	s18 =	simm.s32 $0x8000  }
0x1bd: {  	[tilespmem:s18], [sflag:$0x1] =	stream.indirect_vreg.gather [hbm4b:s1+s3], $0x80, v4, vm0, $0xb8;
	[tilespmem:$0x16800] =	vst v63  }
0x1be: {  	s19 =	simm.s32 $0x8800;
	v3 =	vperm.xlane v3, v2  }
0x1bf: {  	[tilespmem:s19], [sflag:$0x1] =	stream.indirect_vreg.gather [hbm4b:s8+s3], $0x80, v4, vm0, $0xb8;
	[tilespmem:$0x16800] =	vst v63  }
0x1c0: {  	s20 =	simm.s32 $0x9000;
	v3 =	vadd.s32 v1, v3  }
0x1c1: {  	[tilespmem:s20], [sflag:$0x1] =	stream.indirect_vreg.gather [hbm4b:s9+s3], $0x80, v4, vm0, $0xb8;
	[tilespmem:$0x16800] =	vst v63  }
0x1c2: {  	s21 =	simm.s32 $0x9800  }
0x1c3: {  	[tilespmem:s21], [sflag:$0x1] =	stream.indirect_vreg.gather [hbm4b:s10+s3], $0x80, v4, vm0, $0xb8;
	[tilespmem:$0x16800] =	vst v63  }
0x1c4: {  	s22 =	simm.s32 $0xA000  }
0x1c5: {  	[tilespmem:s22], [sflag:$0x1] =	stream.indirect_vreg.gather [hbm4b:s1+s3], $0x80, v3, vm0, $0xb8;
	[tilespmem:$0x16800] =	vst v63  }
0x1c6: {  	s23 =	simm.s32 $0xA800  }
0x1c7: {  	[tilespmem:s23], [sflag:$0x1] =	stream.indirect_vreg.gather [hbm4b:s8+s3], $0x80, v3, vm0, $0xb8;
	[tilespmem:$0x16800] =	vst v63  }
0x1c8: {  	s15 =	sadd.s32 s5, s15;
	s24 =	simm.s32 $0xB000  }
0x1c9: {  	[tilespmem:s24], [sflag:$0x1] =	stream.indirect_vreg.gather [hbm4b:s9+s3], $0x80, v3, vm0, $0xb8;
	[tilespmem:$0x16800] =	vst v63  }
0x1ca: {  	s15 =	sshll.u32 s15, $0x9;
	s25 =	simm.s32 $0xB800  }
0x1cb: {  	[tilespmem:s25], [sflag:$0x1] =	stream.indirect_vreg.gather [hbm4b:s10+s3], $0x80, v3, vm0, $0xb8;
	[tilespmem:$0x16800] =	vst v63  }
0x1cc: {  	s15 =	sadd.s32 s4, s15;
	s31 =	simm.s32 $0x14000  }
0x1cd: {  	[tilespmem:s31], [sflag:$0x3] =	stream.linear.gather [hbm4b:s15+s3], $0x1000, $0x38;
	[tilespmem:$0x16800] =	vst v63  }
.LBB2_12:
0x1ce: {  	_ =	swait.ge [sflag:s0], $0x8000  }
0x1cf: {  	[sflag:s0] =	ssyncset.done $0x0  }
0x1d0: {  	[sflag:s0] =	ssyncadd.s32 $0xFFFF8000  }
0x1d1: {  	_ =	swait.ge [sflag:s2], $0x1000  }
0x1d2: {  	[sflag:s2] =	ssyncset.done $0x0  }
0x1d3: {  	s15 =	simm.s32 @!p0 $0x6;
	[sflag:s2] =	ssyncadd.s32 $0xFFFFF000  }
0x1d4: {  	_ =	swait.ge @!p0 [sflag:s15], $0x400  }
0x1d5: {  	s25 =	simm.s32 $0x0;
	s16 =	simm.s32 $0x15000;
	[sflag:s15] =	ssyncset.done @!p0 $0x0  }
0x1d6: {  	s17 =	sand.u32 $0x6000, s25;
	[sflag:s15] =	ssyncadd.s32 @!p0 $0xFFFFFC00;
	s15 =	sand.u32 $0x380, s25  }
0x1d7: {  	v4 =	vld [tilespmem:s16+$0x0];
	s18 =	sor.u32 s15, s17  }
0x1d8: {  	v3 =	vld [tilespmem:s18+$0xC470]  }
0x1d9: {  	v5 =	vld [tilespmem:s18+$0xC000]  }
0x1da: {  	v6 =	vld [tilespmem:s18+$0xC010]  }
0x1db: {  	v7 =	vld [tilespmem:s18+$0xC020]  }
0x1dc: {  	v18 =	vld [tilespmem:s18+$0xC400]  }
0x1dd: {  	v19 =	vld [tilespmem:s18+$0xC410]  }
0x1de: {  	v8 =	vld [tilespmem:s18+$0xC030]  }
0x1df: {  	v10 =	vld [tilespmem:s18+$0xC040]  }
0x1e0: {  	v12 =	vld [tilespmem:s18+$0xC060];
	v3 =	vmul.f32 v3, v4  }
0x1e1: {  	v11 =	vld [tilespmem:s18+$0xC050];
	v5 =	vmul.f32 v5, v4;
	v6 =	vmul.f32 v6, v4  }
0x1e2: {  	v9 =	vimm.f32 $0.0e+00;
	v17 =	vld [tilespmem:s18+$0xC070];
	v25 =	vmul.f32 v18, v4;
	v26 =	vmul.f32 v19, v4  }
0x1e3: {  	v19 =	vimm.f32 $0.0e+00;
	v18 =	vimm.f32 $0.0e+00;
	v16 =	vadd.f32 v5, v9  }
0x1e4: {  	v5 =	vmul.f32 v7, v4;
	v15 =	vadd.f32 v6, v9;
	v6 =	vmul.f32 v8, v4  }
0x1e5: {  	v24 =	vld [tilespmem:s18+$0xC420];
	v3 =	vadd.f32 v3, v9;
	v7 =	vmul.f32 v10, v4;
	v8 =	vmul.f32 v12, v4  }
0x1e6: {  	v22 =	vld [tilespmem:s18+$0xC430];
	v13 =	vadd.f32 v5, v9;
	v5 =	vmul.f32 v11, v4;
	v14 =	vadd.f32 v6, v9  }
0x1e7: {  	s31 =	simm.s32 $0x400;
	v20 =	vld [tilespmem:s18+$0xC440];
	v12 =	vadd.f32 v7, v9;
	v6 =	vmul.f32 v17, v4;
	v8 =	vadd.f32 v8, v9  }
0x1e8: {  	s19 =	sand.u32 $0x6000, s31;
	s16 =	simm.s32 $0x80;
	v21 =	vld [tilespmem:s18+$0xC450];
	v17 =	vimm.f32 $0.0e+00;
	v11 =	vimm.f32 $0.0e+00;
	v10 =	vadd.f32 v5, v9  }
0x1e9: {  	s15 =	simm.s32 $0x15080;
	s17 =	simm.s32 $0x800;
	s20 =	sand.u32 $0x380, s16;
	v23 =	vld [tilespmem:s18+$0xC460];
	v7 =	vadd.f32 v6, v9;
	v6 =	vimm.f32 $0.0e+00;
	v5 =	vimm.f32 $0.0e+00  }
.LBB2_13:
0x1ea: {  	p0 =	sne.s32 s17, $0x7C00;
	v27 =	vld [tilespmem:s15+$0x0];
	s18 =	sor.u32 s20, s19;
	v9 =	vadd.f32 v25, v9;
	v24 =	vmul.f32 v24, v4  }
0x1eb: {  	v25 =	vld [tilespmem:s18+$0xC470];
	v19 =	vadd.f32 v26, v19;
	v22 =	vmul.f32 v22, v4  }
0x1ec: {  	v26 =	vld [tilespmem:s18+$0xC000];
	v18 =	vadd.f32 v24, v18;
	v20 =	vmul.f32 v20, v4  }
0x1ed: {  	v24 =	vld [tilespmem:s18+$0xC010];
	v17 =	vadd.f32 v22, v17;
	v21 =	vmul.f32 v21, v4  }
0x1ee: {  	v22 =	vld [tilespmem:s18+$0xC020];
	v11 =	vadd.f32 v20, v11;
	v20 =	vmul.f32 v23, v4  }
0x1ef: {  	v23 =	vld [tilespmem:s18+$0xC030];
	v6 =	vadd.f32 v21, v6;
	v4 =	vmov v27  }
0x1f0: {  	v21 =	vld [tilespmem:s18+$0xC040];
	v25 =	vmul.f32 v25, v4;
	v5 =	vadd.f32 v20, v5  }
0x1f1: {  	v20 =	vmul.f32 v26, v4;
	v26 =	vld [tilespmem:s18+$0xC050]  }
0x1f2: {  	v24 =	vmul.f32 v24, v4;
	v27 =	vld [tilespmem:s18+$0xC060];
	v3 =	vadd.f32 v25, v3  }
0x1f3: {  	v16 =	vadd.f32 v20, v16;
	v20 =	vmul.f32 v22, v4;
	v25 =	vld [tilespmem:s18+$0xC070]  }
0x1f4: {  	v15 =	vadd.f32 v24, v15;
	v22 =	vmul.f32 v23, v4;
	v23 =	vld [tilespmem:s18+$0xC400]  }
0x1f5: {  	v13 =	vadd.f32 v20, v13;
	v20 =	vmul.f32 v21, v4;
	v28 =	vld [tilespmem:s18+$0xC410]  }
.Ltmp7:
0x1f6: {  	v14 =	vadd.f32 v22, v14;
	v21 =	vmul.f32 v26, v4;
	v24 =	vld [tilespmem:s18+$0xC420];
	(pc) =	sbr.rel @p0 .LBB2_13-.Ltmp7, $4  }
0x1f7: {  	v12 =	vadd.f32 v20, v12;
	v26 =	vmul.f32 v27, v4;
	v22 =	vld [tilespmem:s18+$0xC430]  }
0x1f8: {  	v10 =	vadd.f32 v21, v10;
	v27 =	vmul.f32 v25, v4;
	v20 =	vld [tilespmem:s18+$0xC440]  }
0x1f9: {  	s16 =	sadd.s32 $0x80, s16;
	s15 =	sadd.s32 $0x80, s15;
	v8 =	vadd.f32 v26, v8;
	v25 =	vmul.f32 v23, v4;
	v21 =	vld [tilespmem:s18+$0xC450]  }
0x1fa: {  	s19 =	sand.u32 $0x6000, s17;
	s17 =	sadd.s32 $0x400, s17;
	s20 =	sand.u32 $0x380, s16;
	v7 =	vadd.f32 v27, v7;
	v26 =	vmul.f32 v28, v4;
	v23 =	vld [tilespmem:s18+$0xC460]  }
0x1fb: {  	v27 =	vld [tilespmem:s15+$0x0];
	s24 =	sor.u32 s20, s19  }
0x1fc: {  	v28 =	vld [tilespmem:s24+$0xC470]  }
0x1fd: {  	v29 =	vld [tilespmem:s24+$0xC000]  }
0x1fe: {  	v30 =	vld [tilespmem:s24+$0xC010]  }
0x1ff: {  	v31 =	vld [tilespmem:s24+$0xC020]  }
0x200: {  	v32 =	vld [tilespmem:s24+$0xC030]  }
0x201: {  	v33 =	vld [tilespmem:s24+$0xC040]  }
0x202: {  	v34 =	vld [tilespmem:s24+$0xC050]  }
0x203: {  	v35 =	vld [tilespmem:s24+$0xC060]  }
0x204: {  	v36 =	vld [tilespmem:s24+$0xC070]  }
0x205: {  	v37 =	vld [tilespmem:s24+$0xC400]  }
0x206: {  	v38 =	vld [tilespmem:s24+$0xC410]  }
0x207: {  	v39 =	vld [tilespmem:s24+$0xC420];
	v29 =	vmul.f32 v29, v27  }
0x208: {  	v40 =	vld [tilespmem:s24+$0xC430];
	v30 =	vmul.f32 v30, v27  }
0x209: {  	v41 =	vld [tilespmem:s24+$0xC440];
	v61 =	vmul.f32 v31, v27;
	v16 =	vadd.f32 v29, v16  }
0x20a: {  	v9 =	vadd.f32 v25, v9;
	v62 =	vld [tilespmem:s24+$0xC450];
	v25 =	vmul.f32 v32, v27;
	v15 =	vadd.f32 v30, v15  }
0x20b: {  	v63 =	vld [tilespmem:s24+$0xC460];
	v13 =	vadd.f32 v61, v13;
	[tilespmem:$0x16400] =	vst v16  }
0x20c: {  	v14 =	vadd.f32 v25, v14;
	v16 =	vmul.f32 v33, v27;
	[tilespmem:$0x16410] =	vst v15  }
0x20d: {  	v15 =	vmul.f32 v24, v4;
	v24 =	vmul.f32 v34, v27;
	[tilespmem:$0x16420] =	vst v13  }
0x20e: {  	v19 =	vadd.f32 v26, v19;
	v13 =	vmul.f32 v22, v4;
	[tilespmem:$0x16430] =	vst v14;
	v14 =	vmul.f32 v36, v27  }
0x20f: {  	v12 =	vadd.f32 v16, v12;
	v16 =	vmul.f32 v35, v27;
	v15 =	vadd.f32 v15, v18  }
0x210: {  	v10 =	vadd.f32 v24, v10;
	v7 =	vadd.f32 v14, v7;
	v14 =	vmul.f32 v38, v27  }
0x211: {  	v8 =	vadd.f32 v16, v8;
	[tilespmem:$0x16440] =	vst v12;
	v12 =	vmul.f32 v37, v27;
	v16 =	vmul.f32 v20, v4  }
0x212: {  	v13 =	vadd.f32 v13, v17;
	[tilespmem:$0x16450] =	vst v10;
	v10 =	vmul.f32 v21, v4;
	v4 =	vmul.f32 v23, v4  }
0x213: {  	v9 =	vadd.f32 v12, v9;
	v12 =	vmul.f32 v39, v27;
	[tilespmem:$0x16460] =	vst v8;
	v8 =	vadd.f32 v16, v11  }
0x214: {  	[tilespmem:$0x16470] =	vst v7;
	v11 =	vadd.f32 v14, v19;
	v14 =	vmul.f32 v40, v27;
	v6 =	vadd.f32 v10, v6  }
0x215: {  	v10 =	vmul.f32 v62, v27;
	v7 =	vadd.f32 v12, v15;
	v12 =	vmul.f32 v41, v27;
	[tilespmem:$0x16480] =	vst v9  }
0x216: {  	v4 =	vadd.f32 v4, v5;
	v9 =	vadd.f32 v14, v13;
	[tilespmem:$0x16490] =	vst v11  }
0x217: {  	v6 =	vadd.f32 v10, v6;
	v5 =	vadd.f32 v12, v8;
	v8 =	vmul.f32 v63, v27;
	[tilespmem:$0x164A0] =	vst v7  }
0x218: {  	v7 =	vmul.f32 v28, v27;
	[tilespmem:$0x164B0] =	vst v9  }
0x219: {  	[tilespmem:$0x164D0] =	vst v6;
	v4 =	vadd.f32 v8, v4  }
0x21a: {  	[tilespmem:$0x164C0] =	vst v5;
	v3 =	vadd.f32 v7, v3  }
0x21b: {  	s25 =	simm.s32 $0x0;
	[tilespmem:$0x164E0] =	vst v4  }
0x21c: {  	s16 =	simm.s32 $0x15000;
	s17 =	sand.u32 $0x6000, s25;
	s15 =	sand.u32 $0x380, s25;
	[tilespmem:$0x164F0] =	vst v3  }
0x21d: {  	s18 =	sor.u32 s15, s17;
	v4 =	vld [tilespmem:s16+$0x0]  }
0x21e: {  	v3 =	vld [tilespmem:s18+$0xCC70]  }
0x21f: {  	v5 =	vld [tilespmem:s18+$0xC800]  }
0x220: {  	v6 =	vld [tilespmem:s18+$0xC810]  }
0x221: {  	v7 =	vld [tilespmem:s18+$0xC820]  }
0x222: {  	v18 =	vld [tilespmem:s18+$0xCC00]  }
0x223: {  	v19 =	vld [tilespmem:s18+$0xCC10]  }
0x224: {  	v8 =	vld [tilespmem:s18+$0xC830]  }
0x225: {  	v10 =	vld [tilespmem:s18+$0xC840]  }
0x226: {  	v12 =	vld [tilespmem:s18+$0xC860];
	v3 =	vmul.f32 v3, v4  }
0x227: {  	v11 =	vld [tilespmem:s18+$0xC850];
	v5 =	vmul.f32 v5, v4;
	v6 =	vmul.f32 v6, v4  }
0x228: {  	v9 =	vimm.f32 $0.0e+00;
	v17 =	vld [tilespmem:s18+$0xC870];
	v25 =	vmul.f32 v18, v4;
	v26 =	vmul.f32 v19, v4  }
0x229: {  	v19 =	vimm.f32 $0.0e+00;
	v18 =	vimm.f32 $0.0e+00;
	v16 =	vadd.f32 v5, v9  }
0x22a: {  	v5 =	vmul.f32 v7, v4;
	v15 =	vadd.f32 v6, v9;
	v6 =	vmul.f32 v8, v4  }
0x22b: {  	v24 =	vld [tilespmem:s18+$0xCC20];
	v3 =	vadd.f32 v3, v9;
	v7 =	vmul.f32 v10, v4;
	v8 =	vmul.f32 v12, v4  }
0x22c: {  	v22 =	vld [tilespmem:s18+$0xCC30];
	v13 =	vadd.f32 v5, v9;
	v5 =	vmul.f32 v11, v4;
	v14 =	vadd.f32 v6, v9  }
0x22d: {  	s31 =	simm.s32 $0x400;
	v20 =	vld [tilespmem:s18+$0xCC40];
	v12 =	vadd.f32 v7, v9;
	v6 =	vmul.f32 v17, v4;
	v8 =	vadd.f32 v8, v9  }
0x22e: {  	s19 =	sand.u32 $0x6000, s31;
	v21 =	vld [tilespmem:s18+$0xCC50];
	s16 =	simm.s32 $0x80;
	v17 =	vimm.f32 $0.0e+00;
	v11 =	vimm.f32 $0.0e+00;
	v10 =	vadd.f32 v5, v9  }
0x22f: {  	s15 =	simm.s32 $0x15080;
	s17 =	simm.s32 $0x800;
	v23 =	vld [tilespmem:s18+$0xCC60];
	s20 =	sand.u32 $0x380, s16;
	v7 =	vadd.f32 v6, v9;
	v6 =	vimm.f32 $0.0e+00;
	v5 =	vimm.f32 $0.0e+00  }
.LBB2_15:
0x230: {  	p0 =	sne.s32 s17, $0x7C00;
	v27 =	vld [tilespmem:s15+$0x0];
	s18 =	sor.u32 s20, s19;
	v9 =	vadd.f32 v25, v9;
	v24 =	vmul.f32 v24, v4  }
0x231: {  	v25 =	vld [tilespmem:s18+$0xCC70];
	v19 =	vadd.f32 v26, v19;
	v22 =	vmul.f32 v22, v4  }
0x232: {  	v26 =	vld [tilespmem:s18+$0xC800];
	v18 =	vadd.f32 v24, v18;
	v20 =	vmul.f32 v20, v4  }
0x233: {  	v24 =	vld [tilespmem:s18+$0xC810];
	v17 =	vadd.f32 v22, v17;
	v21 =	vmul.f32 v21, v4  }
0x234: {  	v22 =	vld [tilespmem:s18+$0xC820];
	v11 =	vadd.f32 v20, v11;
	v20 =	vmul.f32 v23, v4  }
0x235: {  	v23 =	vld [tilespmem:s18+$0xC830];
	v6 =	vadd.f32 v21, v6;
	v4 =	vmov v27  }
0x236: {  	v21 =	vld [tilespmem:s18+$0xC840];
	v25 =	vmul.f32 v25, v4;
	v5 =	vadd.f32 v20, v5  }
0x237: {  	v20 =	vmul.f32 v26, v4;
	v26 =	vld [tilespmem:s18+$0xC850]  }
0x238: {  	v24 =	vmul.f32 v24, v4;
	v27 =	vld [tilespmem:s18+$0xC860];
	v3 =	vadd.f32 v25, v3  }
0x239: {  	v16 =	vadd.f32 v20, v16;
	v20 =	vmul.f32 v22, v4;
	v25 =	vld [tilespmem:s18+$0xC870]  }
0x23a: {  	v15 =	vadd.f32 v24, v15;
	v22 =	vmul.f32 v23, v4;
	v23 =	vld [tilespmem:s18+$0xCC00]  }
0x23b: {  	v13 =	vadd.f32 v20, v13;
	v20 =	vmul.f32 v21, v4;
	v28 =	vld [tilespmem:s18+$0xCC10]  }
.Ltmp8:
0x23c: {  	v14 =	vadd.f32 v22, v14;
	v21 =	vmul.f32 v26, v4;
	v24 =	vld [tilespmem:s18+$0xCC20];
	(pc) =	sbr.rel @p0 .LBB2_15-.Ltmp8, $4  }
0x23d: {  	v12 =	vadd.f32 v20, v12;
	v26 =	vmul.f32 v27, v4;
	v22 =	vld [tilespmem:s18+$0xCC30]  }
0x23e: {  	v10 =	vadd.f32 v21, v10;
	v27 =	vmul.f32 v25, v4;
	v20 =	vld [tilespmem:s18+$0xCC40]  }
0x23f: {  	s16 =	sadd.s32 $0x80, s16;
	s15 =	sadd.s32 $0x80, s15;
	v8 =	vadd.f32 v26, v8;
	v25 =	vmul.f32 v23, v4;
	v21 =	vld [tilespmem:s18+$0xCC50]  }
0x240: {  	s19 =	sand.u32 $0x6000, s17;
	s17 =	sadd.s32 $0x400, s17;
	s20 =	sand.u32 $0x380, s16;
	v7 =	vadd.f32 v27, v7;
	v26 =	vmul.f32 v28, v4;
	v23 =	vld [tilespmem:s18+$0xCC60]  }
0x241: {  	v27 =	vld [tilespmem:s15+$0x0];
	s24 =	sor.u32 s20, s19  }
0x242: {  	v28 =	vld [tilespmem:s24+$0xCC70]  }
0x243: {  	v29 =	vld [tilespmem:s24+$0xC800]  }
0x244: {  	v30 =	vld [tilespmem:s24+$0xC810]  }
0x245: {  	v31 =	vld [tilespmem:s24+$0xC820]  }
0x246: {  	v32 =	vld [tilespmem:s24+$0xC830]  }
0x247: {  	v33 =	vld [tilespmem:s24+$0xC840]  }
0x248: {  	v34 =	vld [tilespmem:s24+$0xC850]  }
0x249: {  	v35 =	vld [tilespmem:s24+$0xC860]  }
0x24a: {  	v36 =	vld [tilespmem:s24+$0xC870]  }
0x24b: {  	v37 =	vld [tilespmem:s24+$0xCC00]  }
0x24c: {  	v38 =	vld [tilespmem:s24+$0xCC10]  }
0x24d: {  	v39 =	vld [tilespmem:s24+$0xCC20];
	v29 =	vmul.f32 v29, v27  }
0x24e: {  	v40 =	vld [tilespmem:s24+$0xCC30];
	v30 =	vmul.f32 v30, v27  }
0x24f: {  	v41 =	vld [tilespmem:s24+$0xCC40];
	v61 =	vmul.f32 v31, v27;
	v16 =	vadd.f32 v29, v16  }
0x250: {  	v9 =	vadd.f32 v25, v9;
	v62 =	vld [tilespmem:s24+$0xCC50];
	v25 =	vmul.f32 v32, v27;
	v15 =	vadd.f32 v30, v15  }
0x251: {  	v63 =	vld [tilespmem:s24+$0xCC60];
	v13 =	vadd.f32 v61, v13;
	[tilespmem:$0x16500] =	vst v16  }
0x252: {  	v14 =	vadd.f32 v25, v14;
	v16 =	vmul.f32 v33, v27;
	[tilespmem:$0x16510] =	vst v15  }
0x253: {  	v15 =	vmul.f32 v24, v4;
	v24 =	vmul.f32 v34, v27;
	[tilespmem:$0x16520] =	vst v13  }
0x254: {  	v19 =	vadd.f32 v26, v19;
	v13 =	vmul.f32 v22, v4;
	[tilespmem:$0x16530] =	vst v14;
	v14 =	vmul.f32 v36, v27  }
0x255: {  	v12 =	vadd.f32 v16, v12;
	v16 =	vmul.f32 v35, v27;
	v15 =	vadd.f32 v15, v18  }
0x256: {  	v10 =	vadd.f32 v24, v10;
	v7 =	vadd.f32 v14, v7;
	v14 =	vmul.f32 v38, v27  }
0x257: {  	v8 =	vadd.f32 v16, v8;
	[tilespmem:$0x16540] =	vst v12;
	v12 =	vmul.f32 v37, v27;
	v16 =	vmul.f32 v20, v4  }
0x258: {  	v13 =	vadd.f32 v13, v17;
	[tilespmem:$0x16550] =	vst v10;
	v10 =	vmul.f32 v21, v4;
	v4 =	vmul.f32 v23, v4  }
0x259: {  	v9 =	vadd.f32 v12, v9;
	v12 =	vmul.f32 v39, v27;
	[tilespmem:$0x16560] =	vst v8;
	v8 =	vadd.f32 v16, v11  }
0x25a: {  	[tilespmem:$0x16570] =	vst v7;
	v11 =	vadd.f32 v14, v19;
	v14 =	vmul.f32 v40, v27;
	v6 =	vadd.f32 v10, v6  }
0x25b: {  	v10 =	vmul.f32 v62, v27;
	v7 =	vadd.f32 v12, v15;
	v12 =	vmul.f32 v41, v27;
	[tilespmem:$0x16580] =	vst v9  }
0x25c: {  	v4 =	vadd.f32 v4, v5;
	v9 =	vadd.f32 v14, v13;
	[tilespmem:$0x16590] =	vst v11  }
0x25d: {  	v6 =	vadd.f32 v10, v6;
	v5 =	vadd.f32 v12, v8;
	v8 =	vmul.f32 v63, v27;
	[tilespmem:$0x165A0] =	vst v7  }
0x25e: {  	v7 =	vmul.f32 v28, v27;
	[tilespmem:$0x165B0] =	vst v9  }
0x25f: {  	[tilespmem:$0x165D0] =	vst v6;
	v4 =	vadd.f32 v8, v4  }
0x260: {  	[tilespmem:$0x165C0] =	vst v5;
	v3 =	vadd.f32 v7, v3  }
0x261: {  	s25 =	simm.s32 $0x0;
	[tilespmem:$0x165E0] =	vst v4  }
0x262: {  	s16 =	simm.s32 $0x15000;
	s17 =	sand.u32 $0x6000, s25;
	s15 =	sand.u32 $0x380, s25;
	[tilespmem:$0x165F0] =	vst v3  }
0x263: {  	s18 =	sor.u32 s15, s17;
	v4 =	vld [tilespmem:s16+$0x0]  }
0x264: {  	v3 =	vld [tilespmem:s18+$0xD470]  }
0x265: {  	v5 =	vld [tilespmem:s18+$0xD000]  }
0x266: {  	v6 =	vld [tilespmem:s18+$0xD010]  }
0x267: {  	v7 =	vld [tilespmem:s18+$0xD020]  }
0x268: {  	v18 =	vld [tilespmem:s18+$0xD400]  }
0x269: {  	v19 =	vld [tilespmem:s18+$0xD410]  }
0x26a: {  	v8 =	vld [tilespmem:s18+$0xD030]  }
0x26b: {  	v10 =	vld [tilespmem:s18+$0xD040]  }
0x26c: {  	v12 =	vld [tilespmem:s18+$0xD060];
	v3 =	vmul.f32 v3, v4  }
0x26d: {  	v11 =	vld [tilespmem:s18+$0xD050];
	v5 =	vmul.f32 v5, v4;
	v6 =	vmul.f32 v6, v4  }
0x26e: {  	v9 =	vimm.f32 $0.0e+00;
	v14 =	vld [tilespmem:s18+$0xD070];
	v26 =	vmul.f32 v18, v4;
	v25 =	vmul.f32 v19, v4  }
0x26f: {  	v19 =	vimm.f32 $0.0e+00;
	v18 =	vimm.f32 $0.0e+00;
	v17 =	vadd.f32 v5, v9  }
0x270: {  	v5 =	vmul.f32 v7, v4;
	v15 =	vadd.f32 v6, v9;
	v6 =	vmul.f32 v8, v4  }
0x271: {  	v24 =	vld [tilespmem:s18+$0xD420];
	v3 =	vadd.f32 v3, v9;
	v7 =	vmul.f32 v10, v4;
	v8 =	vmul.f32 v12, v4  }
0x272: {  	v21 =	vld [tilespmem:s18+$0xD430];
	v12 =	vimm.f32 $0.0e+00;
	v16 =	vadd.f32 v5, v9;
	v5 =	vmul.f32 v11, v4  }
0x273: {  	s31 =	simm.s32 $0x400;
	v22 =	vld [tilespmem:s18+$0xD440];
	v13 =	vadd.f32 v6, v9;
	v10 =	vadd.f32 v7, v9;
	v6 =	vmul.f32 v14, v4  }
0x274: {  	s19 =	sand.u32 $0x6000, s31;
	v20 =	vld [tilespmem:s18+$0xD450];
	s16 =	simm.s32 $0x80;
	v8 =	vadd.f32 v8, v9;
	v14 =	vimm.f32 $0.0e+00;
	v11 =	vadd.f32 v5, v9  }
0x275: {  	s15 =	simm.s32 $0x15080;
	s17 =	simm.s32 $0x800;
	v23 =	vld [tilespmem:s18+$0xD460];
	s20 =	sand.u32 $0x380, s16;
	v7 =	vadd.f32 v6, v9;
	v6 =	vimm.f32 $0.0e+00;
	v5 =	vimm.f32 $0.0e+00  }
.LBB2_17:
0x276: {  	p0 =	sne.s32 s17, $0x7C00;
	v27 =	vld [tilespmem:s15+$0x0];
	s18 =	sor.u32 s20, s19;
	v9 =	vadd.f32 v26, v9;
	v24 =	vmul.f32 v24, v4  }
0x277: {  	v26 =	vld [tilespmem:s18+$0xD470];
	v19 =	vadd.f32 v25, v19;
	v21 =	vmul.f32 v21, v4  }
0x278: {  	v25 =	vld [tilespmem:s18+$0xD000];
	v18 =	vadd.f32 v24, v18;
	v22 =	vmul.f32 v22, v4  }
0x279: {  	v24 =	vld [tilespmem:s18+$0xD010];
	v14 =	vadd.f32 v21, v14;
	v20 =	vmul.f32 v20, v4  }
0x27a: {  	v21 =	vld [tilespmem:s18+$0xD020];
	v12 =	vadd.f32 v22, v12;
	v22 =	vmul.f32 v23, v4  }
0x27b: {  	v23 =	vld [tilespmem:s18+$0xD030];
	v6 =	vadd.f32 v20, v6;
	v4 =	vmov v27  }
0x27c: {  	v20 =	vld [tilespmem:s18+$0xD040];
	v26 =	vmul.f32 v26, v4;
	v5 =	vadd.f32 v22, v5  }
0x27d: {  	v22 =	vmul.f32 v25, v4;
	v25 =	vld [tilespmem:s18+$0xD050]  }
0x27e: {  	v24 =	vmul.f32 v24, v4;
	v27 =	vld [tilespmem:s18+$0xD060];
	v3 =	vadd.f32 v26, v3  }
0x27f: {  	v17 =	vadd.f32 v22, v17;
	v21 =	vmul.f32 v21, v4;
	v22 =	vld [tilespmem:s18+$0xD070]  }
0x280: {  	v15 =	vadd.f32 v24, v15;
	v23 =	vmul.f32 v23, v4;
	v26 =	vld [tilespmem:s18+$0xD400]  }
0x281: {  	v16 =	vadd.f32 v21, v16;
	v20 =	vmul.f32 v20, v4;
	v28 =	vld [tilespmem:s18+$0xD410]  }
.Ltmp9:
0x282: {  	v13 =	vadd.f32 v23, v13;
	v23 =	vmul.f32 v25, v4;
	v24 =	vld [tilespmem:s18+$0xD420];
	(pc) =	sbr.rel @p0 .LBB2_17-.Ltmp9, $4  }
0x283: {  	v10 =	vadd.f32 v20, v10;
	v20 =	vmul.f32 v27, v4;
	v21 =	vld [tilespmem:s18+$0xD430]  }
0x284: {  	v11 =	vadd.f32 v23, v11;
	v23 =	vmul.f32 v22, v4;
	v22 =	vld [tilespmem:s18+$0xD440]  }
0x285: {  	s16 =	sadd.s32 $0x80, s16;
	s15 =	sadd.s32 $0x80, s15;
	v8 =	vadd.f32 v20, v8;
	v26 =	vmul.f32 v26, v4;
	v20 =	vld [tilespmem:s18+$0xD450]  }
0x286: {  	s19 =	sand.u32 $0x6000, s17;
	s17 =	sadd.s32 $0x400, s17;
	s20 =	sand.u32 $0x380, s16;
	v7 =	vadd.f32 v23, v7;
	v25 =	vmul.f32 v28, v4;
	v23 =	vld [tilespmem:s18+$0xD460]  }
0x287: {  	v27 =	vld [tilespmem:s15+$0x0];
	s22 =	sor.u32 s20, s19  }
0x288: {  	v28 =	vld [tilespmem:s22+$0xD470]  }
0x289: {  	v29 =	vld [tilespmem:s22+$0xD000]  }
0x28a: {  	v30 =	vld [tilespmem:s22+$0xD010]  }
0x28b: {  	v31 =	vld [tilespmem:s22+$0xD020]  }
0x28c: {  	v32 =	vld [tilespmem:s22+$0xD030]  }
0x28d: {  	v33 =	vld [tilespmem:s22+$0xD040]  }
0x28e: {  	v34 =	vld [tilespmem:s22+$0xD050]  }
0x28f: {  	v35 =	vld [tilespmem:s22+$0xD060]  }
0x290: {  	v36 =	vld [tilespmem:s22+$0xD070]  }
0x291: {  	v37 =	vld [tilespmem:s22+$0xD400]  }
0x292: {  	v38 =	vld [tilespmem:s22+$0xD410]  }
0x293: {  	v39 =	vld [tilespmem:s22+$0xD420];
	v29 =	vmul.f32 v29, v27  }
0x294: {  	v40 =	vld [tilespmem:s22+$0xD430];
	v30 =	vmul.f32 v30, v27  }
0x295: {  	v9 =	vadd.f32 v26, v9;
	v41 =	vld [tilespmem:s22+$0xD440];
	v26 =	vmul.f32 v32, v27;
	v17 =	vadd.f32 v29, v17  }
0x296: {  	v29 =	vmul.f32 v31, v27;
	v31 =	vld [tilespmem:s22+$0xD450];
	v15 =	vadd.f32 v30, v15  }
0x297: {  	v30 =	vld [tilespmem:s22+$0xD460];
	v13 =	vadd.f32 v26, v13;
	[tilespmem:$0x16600] =	vst v17  }
0x298: {  	v16 =	vadd.f32 v29, v16;
	v17 =	vmul.f32 v24, v4;
	v24 =	vmul.f32 v33, v27;
	[tilespmem:$0x16610] =	vst v15  }
0x299: {  	v19 =	vadd.f32 v25, v19;
	v15 =	vmul.f32 v34, v27;
	[tilespmem:$0x16630] =	vst v13  }
0x29a: {  	v13 =	vmul.f32 v21, v4;
	v10 =	vadd.f32 v24, v10;
	[tilespmem:$0x16620] =	vst v16;
	v16 =	vmul.f32 v35, v27  }
0x29b: {  	v17 =	vadd.f32 v17, v18;
	v11 =	vadd.f32 v15, v11;
	v15 =	vmul.f32 v36, v27  }
0x29c: {  	v18 =	vmul.f32 v37, v27;
	v8 =	vadd.f32 v16, v8;
	v16 =	vmul.f32 v22, v4;
	[tilespmem:$0x16640] =	vst v10  }
0x29d: {  	v10 =	vadd.f32 v13, v14;
	v7 =	vadd.f32 v15, v7;
	v13 =	vmul.f32 v38, v27;
	[tilespmem:$0x16650] =	vst v11  }
0x29e: {  	v11 =	vmul.f32 v20, v4;
	v9 =	vadd.f32 v18, v9;
	v14 =	vmul.f32 v39, v27;
	[tilespmem:$0x16660] =	vst v8  }
0x29f: {  	v8 =	vadd.f32 v16, v12;
	v12 =	vadd.f32 v13, v19;
	v13 =	vmul.f32 v40, v27;
	[tilespmem:$0x16670] =	vst v7  }
0x2a0: {  	v4 =	vmul.f32 v23, v4;
	v7 =	vadd.f32 v14, v17;
	v14 =	vmul.f32 v41, v27;
	[tilespmem:$0x16680] =	vst v9  }
0x2a1: {  	v6 =	vadd.f32 v11, v6;
	v9 =	vadd.f32 v13, v10;
	v10 =	vmul.f32 v31, v27;
	[tilespmem:$0x16690] =	vst v12  }
0x2a2: {  	v4 =	vadd.f32 v4, v5;
	v5 =	vadd.f32 v14, v8;
	v8 =	vmul.f32 v30, v27;
	[tilespmem:$0x166A0] =	vst v7  }
0x2a3: {  	v7 =	vmul.f32 v28, v27;
	v6 =	vadd.f32 v10, v6;
	[tilespmem:$0x166B0] =	vst v9  }
0x2a4: {  	v4 =	vadd.f32 v8, v4;
	[tilespmem:$0x166C0] =	vst v5  }
0x2a5: {  	s15 =	simm.s32 $0x0;
	s16 =	simm.s32 $0x0;
	v3 =	vadd.f32 v7, v3;
	[tilespmem:$0x166D0] =	vst v6  }
0x2a6: {  	s16 =	sand.u32 $0x6000, s16;
	s17 =	sand.u32 $0x380, s15;
	[tilespmem:$0x166E0] =	vst v4  }
0x2a7: {  	s17 =	sor.u32 s17, s16;
	[tilespmem:$0x166F0] =	vst v3  }
0x2a8: {  	v3 =	vld [tilespmem:s17+$0xD800]  }
0x2a9: {  	v4 =	vld [tilespmem:s17+$0xD810]  }
0x2aa: {  	v5 =	vld [tilespmem:s17+$0xD820]  }
0x2ab: {  	v7 =	vld [tilespmem:s17+$0xD830]  }
0x2ac: {  	v8 =	vld [tilespmem:s17+$0xD840]  }
0x2ad: {  	s23 =	sand.u32 $0x7, s15;
	v9 =	vld [tilespmem:s17+$0xD850]  }
0x2ae: {  	s18 =	sshll.u32 s23, $0x7;
	s16 =	simm.s32 $0x15000;
	v10 =	vld [tilespmem:s17+$0xD860]  }
0x2af: {  	s18 =	sadd.s32 $0x0, s18;
	v15 =	vld [tilespmem:s16+$0x0]  }
0x2b0: {  	s24 =	sor.u32 $0x1C70, s18;
	v11 =	vld [tilespmem:s17+$0xD870]  }
0x2b1: {  	s25 =	sor.u32 $0x1C00, s18;
	v12 =	vld [tilespmem:s24+$0xC000]  }
0x2b2: {  	s31 =	sor.u32 $0x1C10, s18;
	v13 =	vld [tilespmem:s25+$0xC000]  }
0x2b3: {  	s20 =	sor.u32 $0x1C20, s18;
	v14 =	vld [tilespmem:s31+$0xC000]  }
0x2b4: {  	s21 =	sor.u32 $0x1C30, s18;
	v16 =	vld [tilespmem:s20+$0xC000];
	v3 =	vmul.f32 v3, v15  }
0x2b5: {  	s22 =	sor.u32 $0x1C40, s18;
	v18 =	vld [tilespmem:s21+$0xC000];
	v17 =	vmul.f32 v4, v15;
	v20 =	vmul.f32 v5, v15  }
0x2b6: {  	s23 =	sor.u32 $0x1C50, s18;
	v24 =	vld [tilespmem:s22+$0xC000];
	v4 =	vmul.f32 v12, v15;
	v28 =	vmul.f32 v7, v15  }
0x2b7: {  	s18 =	sor.u32 $0x1C60, s18;
	v29 =	vld [tilespmem:s23+$0xC000];
	v5 =	vmul.f32 v13, v15;
	v21 =	vmul.f32 v8, v15  }
0x2b8: {  	s24 =	simm.s32 $0x80;
	s25 =	simm.s32 $0x400;
	v30 =	vld [tilespmem:s18+$0xC000];
	v7 =	vmul.f32 v14, v15;
	v22 =	vmul.f32 v9, v15  }
0x2b9: {  	s31 =	sand.u32 $0x6000, s25;
	s19 =	sand.u32 $0x380, s24;
	v8 =	vmul.f32 v16, v15;
	v27 =	vmul.f32 v10, v15  }
0x2ba: {  	v6 =	vimm.f32 $0.0e+00;
	s20 =	sor.u32 s19, s31;
	v9 =	vmul.f32 v18, v15;
	v26 =	vmul.f32 v11, v15  }
0x2bb: {  	v19 =	vld [tilespmem:s20+$0xD800];
	v10 =	vmul.f32 v24, v15;
	v12 =	vadd.f32 v3, v6;
	v3 =	vadd.f32 v4, v6  }
0x2bc: {  	v23 =	vld [tilespmem:s20+$0xD810];
	v11 =	vmul.f32 v29, v15;
	v4 =	vadd.f32 v5, v6;
	v5 =	vadd.f32 v7, v6  }
0x2bd: {  	v25 =	vld [tilespmem:s20+$0xD820];
	v29 =	vmul.f32 v30, v15;
	v7 =	vadd.f32 v8, v6;
	v13 =	vadd.f32 v17, v6  }
0x2be: {  	v24 =	vld [tilespmem:s20+$0xD830];
	v18 =	vimm.f32 $0.0e+00;
	v8 =	vadd.f32 v9, v6;
	v14 =	vadd.f32 v20, v6  }
0x2bf: {  	s17 =	simm.s32 $0x1;
	v16 =	vimm.f32 $0.0e+00;
	v9 =	vadd.f32 v10, v6;
	v20 =	vld [tilespmem:s20+$0xD840];
	v15 =	vadd.f32 v28, v6  }
0x2c0: {  	s18 =	simm.s32 $0xFFFF8400;
	s21 =	sand.u32 $0x7, s17;
	s19 =	simm.s32 $0x100;
	v10 =	vadd.f32 v11, v6;
	v11 =	vimm.f32 $0.0e+00;
	v28 =	vld [tilespmem:s20+$0xD850];
	v17 =	vimm.f32 $0.0e+00  }
.LBB2_19:
0x2c1: {  	p0 =	sne.s32 s19, $0xF80;
	s21 =	sshll.u32 s21, $0x7;
	v30 =	vld [tilespmem:s20+$0xD860];
	v6 =	vadd.f32 v21, v6;
	v11 =	vadd.f32 v29, v11;
	s15 =	sadd.s32 $0x400, s15  }
0x2c2: {  	v18 =	vadd.f32 v22, v18;
	v17 =	vadd.f32 v27, v17;
	s16 =	sadd.s32 $0x80, s16;
	s21 =	sadd.s32 s21, s15;
	v29 =	vld [tilespmem:s20+$0xD870]  }
0x2c3: {  	v16 =	vadd.f32 v26, v16;
	v31 =	vld [tilespmem:s16+$0x0];
	s20 =	sor.u32 $0x1C00, s21;
	s22 =	sor.u32 $0x1C10, s21;
	s23 =	sor.u32 $0x1C70, s21  }
0x2c4: {  	s24 =	sor.u32 $0x1C20, s21;
	s25 =	sor.u32 $0x1C30, s21;
	s31 =	sor.u32 $0x1C40, s21;
	v21 =	vld [tilespmem:s23+$0xC000]  }
0x2c5: {  	v22 =	vld [tilespmem:s20+$0xC000];
	s20 =	sor.u32 $0x1C50, s21;
	s21 =	sor.u32 $0x1C60, s21  }
0x2c6: {  	v26 =	vld [tilespmem:s22+$0xC000]  }
0x2c7: {  	v27 =	vld [tilespmem:s24+$0xC000]  }
0x2c8: {  	s18 =	sadd.s32 $0x400, s18;
	v19 =	vmul.f32 v19, v31;
	v32 =	vmul.f32 v23, v31;
	v33 =	vld [tilespmem:s25+$0xC000]  }
0x2c9: {  	s22 =	sadd.s32 $0x8000, s18;
	v34 =	vmul.f32 v25, v31;
	v35 =	vld [tilespmem:s31+$0xC000];
	v23 =	vmul.f32 v21, v31  }
0x2ca: {  	s23 =	sand.u32 $0x380, s19;
	s22 =	sand.u32 $0x6000, s22;
	v36 =	vmul.f32 v24, v31;
	v12 =	vadd.f32 v19, v12;
	v24 =	vmul.f32 v22, v31;
	v37 =	vld [tilespmem:s20+$0xC000]  }
0x2cb: {  	v21 =	vmul.f32 v20, v31;
	s20 =	sor.u32 s23, s22;
	v20 =	vmul.f32 v26, v31;
	v38 =	vld [tilespmem:s21+$0xC000];
	v3 =	vadd.f32 v23, v3  }
0x2cc: {  	v22 =	vmul.f32 v28, v31;
	v19 =	vld [tilespmem:s20+$0xD800];
	v4 =	vadd.f32 v24, v4;
	v24 =	vmul.f32 v27, v31  }
.Ltmp10:
0x2cd: {  	v27 =	vmul.f32 v30, v31;
	v23 =	vld [tilespmem:s20+$0xD810];
	v5 =	vadd.f32 v20, v5;
	v20 =	vmul.f32 v33, v31;
	(pc) =	sbr.rel @p0 .LBB2_19-.Ltmp10, $4  }
0x2ce: {  	v26 =	vmul.f32 v29, v31;
	v25 =	vld [tilespmem:s20+$0xD820];
	v7 =	vadd.f32 v24, v7;
	v28 =	vmul.f32 v35, v31  }
0x2cf: {  	v13 =	vadd.f32 v32, v13;
	v24 =	vld [tilespmem:s20+$0xD830];
	v8 =	vadd.f32 v20, v8;
	v30 =	vmul.f32 v37, v31  }
0x2d0: {  	s17 =	sadd.s32 $0x1, s17;
	v14 =	vadd.f32 v34, v14;
	v20 =	vld [tilespmem:s20+$0xD840];
	v9 =	vadd.f32 v28, v9;
	v29 =	vmul.f32 v38, v31  }
0x2d1: {  	s19 =	sadd.s32 $0x80, s19;
	v15 =	vadd.f32 v36, v15;
	s21 =	sand.u32 $0x7, s17;
	v28 =	vld [tilespmem:s20+$0xD850];
	v10 =	vadd.f32 v30, v10  }
0x2d2: {  	s17 =	sshll.u32 s21, $0x7;
	v30 =	vld [tilespmem:s20+$0xD860];
	s15 =	sadd.s32 $0x400, s15;
	s16 =	sadd.s32 $0x80, s16  }
0x2d3: {  	s15 =	sadd.s32 s17, s15;
	v32 =	vld [tilespmem:s16+$0x0]  }
0x2d4: {  	v31 =	vld [tilespmem:s20+$0xD870];
	s21 =	sor.u32 $0x1C70, s15  }
0x2d5: {  	s17 =	sor.u32 $0x1C00, s15;
	v33 =	vld [tilespmem:s21+$0xC000]  }
0x2d6: {  	s22 =	sor.u32 $0x1C10, s15;
	v34 =	vld [tilespmem:s17+$0xC000]  }
0x2d7: {  	s23 =	sor.u32 $0x1C20, s15;
	v35 =	vld [tilespmem:s22+$0xC000]  }
0x2d8: {  	s24 =	sor.u32 $0x1C30, s15;
	v36 =	vld [tilespmem:s23+$0xC000];
	v19 =	vmul.f32 v19, v32  }
0x2d9: {  	s25 =	sor.u32 $0x1C40, s15;
	v37 =	vld [tilespmem:s24+$0xC000];
	v23 =	vmul.f32 v23, v32  }
0x2da: {  	s31 =	sor.u32 $0x1C50, s15;
	v38 =	vld [tilespmem:s25+$0xC000];
	v25 =	vmul.f32 v25, v32;
	v12 =	vadd.f32 v19, v12  }
0x2db: {  	s15 =	sor.u32 $0x1C60, s15;
	v43 =	vld [tilespmem:s31+$0xC000];
	v24 =	vmul.f32 v24, v32;
	v13 =	vadd.f32 v23, v13  }
0x2dc: {  	v6 =	vadd.f32 v21, v6;
	v44 =	vld [tilespmem:s15+$0xC000];
	v45 =	vmul.f32 v20, v32;
	v14 =	vadd.f32 v25, v14;
	[tilespmem:$0x16700] =	vst v12  }
0x2dd: {  	v18 =	vadd.f32 v22, v18;
	v46 =	vmul.f32 v28, v32;
	v15 =	vadd.f32 v24, v15;
	[tilespmem:$0x16710] =	vst v13  }
0x2de: {  	v47 =	vadd.f32 v27, v17;
	v48 =	vmul.f32 v30, v32;
	v6 =	vadd.f32 v45, v6;
	[tilespmem:$0x16720] =	vst v14  }
0x2df: {  	v49 =	vadd.f32 v26, v16;
	v50 =	vmul.f32 v31, v32;
	v51 =	vadd.f32 v46, v18;
	[tilespmem:$0x16730] =	vst v15  }
0x2e0: {  	v52 =	vmul.f32 v34, v32;
	v13 =	vadd.f32 v48, v47;
	[tilespmem:$0x16740] =	vst v6  }
0x2e1: {  	v53 =	vmul.f32 v35, v32;
	v12 =	vadd.f32 v50, v49;
	[tilespmem:$0x16750] =	vst v51  }
0x2e2: {  	v54 =	vmul.f32 v36, v32;
	v4 =	vadd.f32 v52, v4;
	[tilespmem:$0x16760] =	vst v13  }
0x2e3: {  	v55 =	vmul.f32 v37, v32;
	v5 =	vadd.f32 v53, v5;
	[tilespmem:$0x16770] =	vst v12  }
0x2e4: {  	v56 =	vmul.f32 v38, v32;
	v7 =	vadd.f32 v54, v7;
	[tilespmem:$0x16780] =	vst v4  }
0x2e5: {  	v58 =	vmul.f32 v43, v32;
	v57 =	vadd.f32 v55, v8;
	[tilespmem:$0x16790] =	vst v5  }
0x2e6: {  	v59 =	vadd.f32 v29, v11;
	v61 =	vmul.f32 v44, v32;
	v60 =	vadd.f32 v56, v9;
	[tilespmem:$0x167A0] =	vst v7  }
0x2e7: {  	v62 =	vmul.f32 v33, v32;
	v6 =	vadd.f32 v58, v10;
	[tilespmem:$0x167B0] =	vst v57  }
.Ltmp11:
0x2e8: {  	v63 =	vadd.f32 v61, v59;
	[tilespmem:$0x167C0] =	vst v60;
	(pc) =	sbr.rel @p1 .LBB2_22-.Ltmp11, $4  }
0x2e9: {  	s14 =	sadd.s32 s14, s6;
	v3 =	vadd.f32 v62, v3;
	[tilespmem:$0x167D0] =	vst v6  }
0x2ea: {  	s11 =	sadd.s32 s11, s14;
	[tilespmem:$0x167E0] =	vst v63  }
0x2eb: {  	s11 =	sadd.s32 $0x10, s11;
	[tilespmem:$0x167F0] =	vst v3  }
0x2ec: {  	[hbm4b:s11+s29] =	stream.strided.scatter [tilespmem:s7], [sflag:$0x6], $0x400, s30, s29, $0x38;
	[tilespmem:$0x16800] =	vst v63  }
0x2ed: {  	s11 =	sadd.s32 $0x3, s13  }
0x2ee: {  	s13 =	sshll.u32 s11, $0x7  }
0x2ef: {  	s13 =	sand.u32 $0x3FFFFF80, s13  }
0x2f0: {  	v3 =	vld [tilespmem:s13+$0x0];
	_ =	sdelay $0x4  }
0x2f1: {  	v4 =	vshll.u32 v3, $0x3  }
0x2f2: {  	v3 =	vand.u32 $0x7, v3;
	v4 =	vand.u32 $0xFFFFFFC0, v4  }
0x2f3: {  	v3 =	vor.u32 v3, v4  }
0x2f4: {  	v4 =	vperm.xlane v3, v0;
	_ =	sdelay $0x1  }
0x2f5: {  	v4 =	vadd.s32 v1, v4;
	_ =	sdelay $0x3  }
0x2f6: {  	s14 =	simm.s32 $0xC000  }
0x2f7: {  	[tilespmem:s14], [sflag:$0x2] =	stream.indirect_vreg.gather [hbm4b:s1+s3], $0x80, v4, vm0, $0xb8;
	[tilespmem:$0x16800] =	vst v63  }
0x2f8: {  	s23 =	simm.s32 $0xC800;
	v3 =	vperm.xlane v3, v2  }
0x2f9: {  	[tilespmem:s23], [sflag:$0x2] =	stream.indirect_vreg.gather [hbm4b:s8+s3], $0x80, v4, vm0, $0xb8;
	[tilespmem:$0x16800] =	vst v63  }
0x2fa: {  	s24 =	simm.s32 $0xD000;
	v3 =	vadd.s32 v1, v3  }
0x2fb: {  	[tilespmem:s24], [sflag:$0x2] =	stream.indirect_vreg.gather [hbm4b:s9+s3], $0x80, v4, vm0, $0xb8;
	[tilespmem:$0x16800] =	vst v63  }
0x2fc: {  	s25 =	simm.s32 $0xD800  }
0x2fd: {  	[tilespmem:s25], [sflag:$0x2] =	stream.indirect_vreg.gather [hbm4b:s10+s3], $0x80, v4, vm0, $0xb8;
	[tilespmem:$0x16800] =	vst v63  }
0x2fe: {  	s31 =	simm.s32 $0xE000  }
0x2ff: {  	[tilespmem:s31], [sflag:$0x2] =	stream.indirect_vreg.gather [hbm4b:s1+s3], $0x80, v3, vm0, $0xb8;
	[tilespmem:$0x16800] =	vst v63  }
0x300: {  	s15 =	simm.s32 $0xE800  }
0x301: {  	[tilespmem:s15], [sflag:$0x2] =	stream.indirect_vreg.gather [hbm4b:s8+s3], $0x80, v3, vm0, $0xb8;
	[tilespmem:$0x16800] =	vst v63  }
0x302: {  	s16 =	simm.s32 $0xF000  }
0x303: {  	[tilespmem:s16], [sflag:$0x2] =	stream.indirect_vreg.gather [hbm4b:s9+s3], $0x80, v3, vm0, $0xb8;
	[tilespmem:$0x16800] =	vst v63  }
0x304: {  	s17 =	simm.s32 $0xF800  }
0x305: {  	[tilespmem:s17], [sflag:$0x2] =	stream.indirect_vreg.gather [hbm4b:s10+s3], $0x80, v3, vm0, $0xb8;
	[tilespmem:$0x16800] =	vst v63  }
0x306: {  	v3 =	vld [tilespmem:s13+$0x10];
	_ =	sdelay $0x4  }
0x307: {  	v63 =	vshll.u32 v3, $0x3  }
0x308: {  	v3 =	vand.u32 $0x7, v3;
	v4 =	vand.u32 $0xFFFFFFC0, v63  }
0x309: {  	v3 =	vor.u32 v3, v4  }
0x30a: {  	v4 =	vperm.xlane v3, v0;
	_ =	sdelay $0x1  }
0x30b: {  	v4 =	vadd.s32 v1, v4;
	_ =	sdelay $0x3  }
0x30c: {  	s18 =	simm.s32 $0x10000  }
0x30d: {  	[tilespmem:s18], [sflag:$0x2] =	stream.indirect_vreg.gather [hbm4b:s1+s3], $0x80, v4, vm0, $0xb8;
	[tilespmem:$0x16800] =	vst v63  }
0x30e: {  	s19 =	simm.s32 $0x10800;
	v3 =	vperm.xlane v3, v2  }
0x30f: {  	[tilespmem:s19], [sflag:$0x2] =	stream.indirect_vreg.gather [hbm4b:s8+s3], $0x80, v4, vm0, $0xb8;
	[tilespmem:$0x16800] =	vst v63  }
0x310: {  	s20 =	simm.s32 $0x11000;
	v3 =	vadd.s32 v1, v3  }
0x311: {  	[tilespmem:s20], [sflag:$0x2] =	stream.indirect_vreg.gather [hbm4b:s9+s3], $0x80, v4, vm0, $0xb8;
	[tilespmem:$0x16800] =	vst v63  }
0x312: {  	s21 =	simm.s32 $0x11800  }
0x313: {  	[tilespmem:s21], [sflag:$0x2] =	stream.indirect_vreg.gather [hbm4b:s10+s3], $0x80, v4, vm0, $0xb8;
	[tilespmem:$0x16800] =	vst v63  }
0x314: {  	s22 =	simm.s32 $0x12000  }
0x315: {  	[tilespmem:s22], [sflag:$0x2] =	stream.indirect_vreg.gather [hbm4b:s1+s3], $0x80, v3, vm0, $0xb8;
	[tilespmem:$0x16800] =	vst v63  }
0x316: {  	s23 =	simm.s32 $0x12800  }
0x317: {  	[tilespmem:s23], [sflag:$0x2] =	stream.indirect_vreg.gather [hbm4b:s8+s3], $0x80, v3, vm0, $0xb8;
	[tilespmem:$0x16800] =	vst v63  }
0x318: {  	s24 =	simm.s32 $0x13000  }
0x319: {  	[tilespmem:s24], [sflag:$0x2] =	stream.indirect_vreg.gather [hbm4b:s9+s3], $0x80, v3, vm0, $0xb8;
	[tilespmem:$0x16800] =	vst v63  }
.Ltmp12:
0x31a: {  	s11 =	sadd.s32 s5, s11;
	(pc) =	sbr.rel .LBB2_2-.Ltmp12, $4  }
0x31b: {  	s11 =	sshll.u32 s11, $0x9;
	s25 =	simm.s32 $0x13800  }
0x31c: {  	[tilespmem:s25], [sflag:$0x2] =	stream.indirect_vreg.gather [hbm4b:s10+s3], $0x80, v3, vm0, $0xb8;
	[tilespmem:$0x16800] =	vst v63  }
0x31d: {  	s12 =	sadd.s32 $0x1, s12;
	s11 =	sadd.s32 s4, s11;
	s31 =	simm.s32 $0x15000  }
0x31e: {  	[tilespmem:s31], [sflag:$0x4] =	stream.linear.gather [hbm4b:s11+s3], $0x1000, $0x38;
	[tilespmem:$0x16800] =	vst v63  }
.LBB2_23:
0x31f: {  	_ =	sfence.sel $0x180000  }
0x320: {  	[bflag:$0x0] =	sbarrier.arrive $0xFFFF  }
0x321: {  	_ =	strace $0x90000047  }
0x322: {  	s0 =	stileid.u32;
	[bflag:$0x2] =	sbarrier.arrive $0xFFFF  }
0x323: {  	p0 =	sne.s32 s0, $0x0;
	s0 =	rddreg [dreg:$0x3]  }
0x324: {  	s0 =	sadd.s32 @!p0 $0x100000, s0  }
0x325: {  	[sflag:s0] =	ssyncadd.tile.s32 @!p0 $0x1;
	_ =	shalt  }
.Lfunc_end2:
_tile_overlayer_lowered:
.L_overlay_start_2:
0x326: {  	(tag) =	ssettag $0x2  }
0x327: {  	s0 =	rddreg [dreg:$0x0];
	s2 =	stileid.u32  }
0x328: {  	s1 =	rddreg [dreg:$0x1];
	p0 =	sne.s32 s2, $0x0  }
0x329: {  	s3 =	rddreg [dreg:$0x2];
	[bflag:$0x3] =	sbarrier.arrive $0xFFFF;
	s2 =	simm.s32 @!p0 $0x1C07  }
0x32a: {  	[timem:s3], [sflag:s2] =	dma.local @!p0 [hbm:s0], s1  }
0x32b: {  	s0 =	simm.s32 @!p0 $0x7  }
0x32c: {  	_ =	swait.ge @!p0 [sflag:s0], s1  }
0x32d: {  	s1 =	ssub.s32 @!p0 $0x0, s1;
	[sflag:s0] =	ssyncset.done @!p0 $0x0  }
0x32e: {  	[sflag:s0] =	ssyncadd.s32 @!p0 s1  }
0x32f: {  	[bflag:$0x3] =	sbarrier.arrive $0xFFFF  }
0x330: {  	_ =	shalt  }

</sc_bundles>
